<compile_context>
chip_gen: v7x
topology: tpu7x:2x2x1
jax: 0.10.2.dev20260603
libtpu: 0.0.44.dev20260713+nightly
codegen_flags: <defaults>
</compile_context>

<pallas_src>
import jax
import jax.numpy as jnp
from jax import lax
from jax.experimental import pallas as pl
from jax.experimental.pallas import tpu as pltpu
from jax.experimental.pallas import tpu_sc as plsc

N_SEL = 40
NC = 1000
NROWS = 16384
NW = 32
ROWS_PER_W = NROWS // NW
BATCH = 16
NB = ROWS_PER_W // BATCH
NCH_FULL = 62
TSTRIDE = 65
BIG = 4096
R_ILV = 8
SLOT = BATCH * NC + 16
OSLOT = BATCH * N_SEL


def _sc_body(lik_hbm, z_hbm, out_hbm,
             likbuf, zbuf, outstage, sem_in, sem_out, *bufs):
    tbufs = bufs[0:R_ILV]
    wvs = bufs[R_ILV:2 * R_ILV]
    wis = bufs[2 * R_ILV:3 * R_ILV]
    w = lax.axis_index("s") * 2 + lax.axis_index("c")
    iota = lax.broadcasted_iota(jnp.int32, (16,), 0)
    base65 = iota * TSTRIDE
    neg1 = jnp.full((16,), -1.0, jnp.float32)
    zeros_f = jnp.zeros((16,), jnp.float32)
    zeros_i = jnp.zeros((16,), jnp.int32)
    lane0 = iota == 0
    tmask = iota < 8

    for tb in tbufs:
        for off in range(0, 16 * TSTRIDE, 16):
            tb[pl.ds(off, 16)] = neg1
    for wv, wi in zip(wvs, wis):
        wv[pl.ds(32, 16)] = zeros_f
        wi[pl.ds(32, 16)] = zeros_i

    row0 = w * ROWS_PER_W

    def issue_in(bb):
        s = bb % 2
        r0 = row0 + bb * BATCH
        pltpu.async_copy(lik_hbm.at[pl.ds(r0 * NC, BATCH * NC)],
                         likbuf.at[pl.ds(s * SLOT, BATCH * NC)], sem_in)
        pltpu.async_copy(z_hbm.at[pl.ds(r0 * NC, BATCH * NC)],
                         zbuf.at[pl.ds(s * SLOT, BATCH * NC)], sem_in)

    def drain_in():
        pltpu.make_async_copy(lik_hbm.at[pl.ds(0, BATCH * NC)],
                              likbuf.at[pl.ds(0, BATCH * NC)], sem_in).wait()
        pltpu.make_async_copy(z_hbm.at[pl.ds(0, BATCH * NC)],
                              zbuf.at[pl.ds(0, BATCH * NC)], sem_in).wait()

    def drain_out():
        pltpu.make_async_copy(outstage.at[pl.ds(0, OSLOT)],
                              out_hbm.at[pl.ds(0, OSLOT)], sem_out).wait()

    issue_in(0)

    def batch_body(b, carry):
        drain_in()

        @pl.when(b + 1 < NB)
        def _issue_next():
            issue_in(b + 1)

        @pl.when(b >= 1)
        def _drain_prev_out():
            drain_out()

        s = b % 2
        inoff = s * SLOT
        ooff = s * OSLOT
        r0 = row0 + b * BATCH

        def group_body(p, carry2):
            offs = [(R_ILV * p + i) * NC for i in range(R_ILV)]

            def s1(ci, st):
                out = st
                for u in range(2):
                    c = 2 * ci + u
                    idxv = iota + c * 16
                    nxt = []
                    for i in range(R_ILV):
                        m, mi = out[i]
                        v = plsc.load_gather(likbuf,
                                             [idxv + (offs[i] + inoff)])
                        g = v > m
                        nxt.append((jnp.where(g, v, m),
                                    jnp.where(g, idxv, mi)))
                        plsc.store_scatter(tbufs[i], [base65 + c], v)
                    out = tuple(nxt)
                return out

            st0 = tuple((jnp.full((16,), -1.0, jnp.float32), zeros_i)
                        for _ in range(R_ILV))
            st = lax.fori_loop(0, NCH_FULL // 2, s1, st0)

            tidx = iota + NCH_FULL * 16
            st_l = []
            for i in range(R_ILV):
                m, mi = st[i]
                v = jnp.where(
                    tmask,
                    plsc.load_gather(likbuf, [tidx + (offs[i] + inoff)]),
                    -1.0)
                g = v > m
                st_l.append((jnp.where(g, v, m), jnp.where(g, tidx, mi)))
                plsc.store_scatter(tbufs[i], [base65 + NCH_FULL], v)
            st = tuple(st_l)

            def rescan(tbuf, I, m, mi):
                l = I & 15
                pos = I >> 4
                plsc.store_scatter(
                    tbuf, [jnp.full((16,), l * TSTRIDE + pos, jnp.int32)],
                    neg1, mask=lane0)
                gb = l * TSTRIDE
                v0 = plsc.load_gather(tbuf, [iota + gb])
                v1 = plsc.load_gather(tbuf, [iota + (gb + 16)])
                v2 = plsc.load_gather(tbuf, [iota + (gb + 32)])
                v3 = plsc.load_gather(tbuf, [iota + (gb + 48)])
                nm = jnp.maximum(jnp.maximum(v0, v1), jnp.maximum(v2, v3))
                NM = jnp.max(nm)
                f0 = plsc.all_reduce_ffs(v0 == NM)
                f1 = plsc.all_reduce_ffs(v1 == NM)
                f2 = plsc.all_reduce_ffs(v2 == NM)
                f3 = plsc.all_reduce_ffs(v3 == NM)
                P = jnp.where(f0 < 16, f0,
                              jnp.where(f1 < 16, f1 + 16,
                                        jnp.where(f2 < 16, f2 + 32,
                                                  f3 + 48)))
                lm = iota == l
                return jnp.where(lm, NM, m), jnp.where(lm, P * 16 + l, mi)

            def s2(t, st):
                tsplat = jnp.full((16,), t, jnp.int32)
                Ms = []
                Is = []
                for i in range(R_ILV):
                    m, mi = st[i]
                    M = jnp.max(m)
                    I = jnp.min(jnp.where(m == M, mi, BIG))
                    Ms.append(M)
                    Is.append(I)
                for i in range(R_ILV):
                    plsc.store_scatter(wvs[i], [tsplat],
                                       jnp.full((16,), Ms[i]), mask=lane0)
                    plsc.store_scatter(wis[i], [tsplat],
                                       jnp.full((16,), Is[i]), mask=lane0)
                return tuple(rescan(tbufs[i], Is[i], st[i][0], st[i][1])
                             for i in range(R_ILV))

            lax.fori_loop(0, N_SEL, s2, st)

            for i in range(R_ILV):
                ob = ooff + (R_ILV * p + i) * N_SEL
                for j in range(3):
                    v = wvs[i][pl.ds(16 * j, 16)]
                    ix = wis[i][pl.ds(16 * j, 16)]
                    zg = plsc.load_gather(zbuf, [ix + (offs[i] + inoff)])
                    oz = jnp.where(v == 0.0, 0.0, zg)
                    if j < 2:
                        plsc.store_scatter(outstage,
                                           [iota + (ob + 16 * j)], oz)
                    else:
                        plsc.store_scatter(outstage, [iota + (ob + 32)],
                                           oz, mask=tmask)
            return carry2

        lax.fori_loop(0, BATCH // R_ILV, group_body, 0)
        pltpu.async_copy(outstage.at[pl.ds(ooff, OSLOT)],
                         out_hbm.at[pl.ds(r0 * N_SEL, OSLOT)], sem_out)
        return carry

    lax.fori_loop(0, NB, batch_body, 0)
    drain_out()


def kernel(pt_likelihood, z_samples):
    sb, nr, nc = pt_likelihood.shape
    lik = pt_likelihood.reshape(sb * nr * nc)
    z = z_samples.reshape(sb * nr * nc)
    mesh = plsc.VectorSubcoreMesh(core_axis_name="c", subcore_axis_name="s")
    scratch = [
        pltpu.VMEM((2 * SLOT,), jnp.float32),
        pltpu.VMEM((2 * SLOT,), jnp.float32),
        pltpu.VMEM((2 * OSLOT,), jnp.float32),
        pltpu.SemaphoreType.DMA,
        pltpu.SemaphoreType.DMA,
    ]
    scratch += [pltpu.VMEM((16 * TSTRIDE,), jnp.float32)
                for _ in range(R_ILV)]
    scratch += [pltpu.VMEM((48,), jnp.float32) for _ in range(R_ILV)]
    scratch += [pltpu.VMEM((48,), jnp.int32) for _ in range(R_ILV)]
    out = pl.kernel(
        _sc_body,
        out_type=jax.ShapeDtypeStruct((NROWS * N_SEL,), jnp.float32),
        mesh=mesh,
        compiler_params=pltpu.CompilerParams(needs_layout_passes=False),
        scratch_types=scratch,
    )(lik, z)
    return out.reshape(sb, nr, N_SEL)

# --- scband reference (transcript-rebuilt; emitter-appended) ---
"""Pipeline reference for scband-ne-rfrenderer-dgs-67181878444949 (READ-ONLY COPY).

The authoritative reference and input builder live on the scoring server;
editing this copy changes nothing except your own understanding.
"""

import jax, jax.numpy as jnp
import numpy as np

N_SAMPLES = 40

def setup_inputs(seed: int = 0) -> dict:
    key = jax.random.key(seed)
    k1, k2 = jax.random.split(key)
    SB, NR, NC = 4, 4096, 1000
    # occlusion-aware surface likelihoods per candidate sample (many exact zeros, as produced by masking in sample_depthguided)
    pt_likelihood = jax.random.uniform(k1, (SB, NR, NC), dtype=jnp.float32)
    pt_likelihood = jnp.where(pt_likelihood < 0.5, 0.0, pt_likelihood)
    # stratified coarse z-values along each ray (monotone in candidate index)
    z_base = jnp.linspace(0.5, 5.0, NC, dtype=jnp.float32)
    z_jit = jax.random.uniform(k2, (SB, NR, NC), dtype=jnp.float32) * (4.5 / NC)
    z_samples = z_base[None, None, :] + z_jit
    return {"pt_likelihood": pt_likelihood, "z_samples": z_samples}

def reference(pt_likelihood, z_samples):
    # Core of NeRFRendererDGS.sample_depthguided (n_gaussian=0 branch):
    # shortlist the n_samples candidates with the highest surface likelihood
    # (argsort descending + gather), zero out selections with zero likelihood.
    idx = jnp.argsort(-pt_likelihood, axis=-1)[..., :N_SAMPLES]
    selected_pts_likelihood = jnp.take_along_axis(pt_likelihood, idx, axis=-1)
    z_samples_depth = jnp.take_along_axis(z_samples, idx, axis=-1)
    z_samples_depth = jnp.where(selected_pts_likelihood == 0.0, 0.0, z_samples_depth)
    return z_samples_depth

if __name__ == "__main__":
    import jax
    _d = setup_inputs()
    print(jax.jit(kernel)(*tuple(_d.values())))

</pallas_src>

<mosaic_0001>
#map = affine_map<(d0, d1) -> (0)>
module attributes {stable_mosaic.version = 14 : i64} {
  func.func @_sc_body(%arg0: i32, %arg1: i32, %arg2: memref<16384000xf32, #tpu.memory_space<hbm>>, %arg3: memref<16384000xf32, #tpu.memory_space<hbm>>, %arg4: memref<655360xf32, #tpu.memory_space<hbm>>, %arg5: memref<32032xf32, #tpu.memory_space<vmem>>, %arg6: memref<32032xf32, #tpu.memory_space<vmem>>, %arg7: memref<1280xf32, #tpu.memory_space<vmem>>, %arg8: memref<!tpu.dma_semaphore, #tpu.memory_space<semaphore_mem>>, %arg9: memref<!tpu.dma_semaphore, #tpu.memory_space<semaphore_mem>>, %arg10: memref<1040xf32, #tpu.memory_space<vmem>>, %arg11: memref<1040xf32, #tpu.memory_space<vmem>>, %arg12: memref<1040xf32, #tpu.memory_space<vmem>>, %arg13: memref<1040xf32, #tpu.memory_space<vmem>>, %arg14: memref<1040xf32, #tpu.memory_space<vmem>>, %arg15: memref<1040xf32, #tpu.memory_space<vmem>>, %arg16: memref<1040xf32, #tpu.memory_space<vmem>>, %arg17: memref<1040xf32, #tpu.memory_space<vmem>>, %arg18: memref<48xf32, #tpu.memory_space<vmem>>, %arg19: memref<48xf32, #tpu.memory_space<vmem>>, %arg20: memref<48xf32, #tpu.memory_space<vmem>>, %arg21: memref<48xf32, #tpu.memory_space<vmem>>, %arg22: memref<48xf32, #tpu.memory_space<vmem>>, %arg23: memref<48xf32, #tpu.memory_space<vmem>>, %arg24: memref<48xf32, #tpu.memory_space<vmem>>, %arg25: memref<48xf32, #tpu.memory_space<vmem>>, %arg26: memref<48xi32, #tpu.memory_space<vmem>>, %arg27: memref<48xi32, #tpu.memory_space<vmem>>, %arg28: memref<48xi32, #tpu.memory_space<vmem>>, %arg29: memref<48xi32, #tpu.memory_space<vmem>>, %arg30: memref<48xi32, #tpu.memory_space<vmem>>, %arg31: memref<48xi32, #tpu.memory_space<vmem>>, %arg32: memref<48xi32, #tpu.memory_space<vmem>>, %arg33: memref<48xi32, #tpu.memory_space<vmem>>) attributes {dimension_semantics = [#tpu.dimension_semantics<core_parallel>, #tpu.dimension_semantics<subcore_parallel>], iteration_bounds = array<i64: 2, 16>, scalar_prefetch = 0 : i64, scratch_operands = 29 : i64, tpu.core_type = #tpu.core_type<sc_vector_subcore>, window_params = [{transform_indices = #map}, {transform_indices = #map}, {transform_indices = #map}]} {
    %mul3A = arith.constant 2 : i32
    %mul3A_0 = arith.muli %arg1, %mul3A : i32
    %add3A = arith.addi %mul3A_0, %arg0 : i32
    %iota3A = tpu.iota {dimensions = array<i32: 0>} : vector<16xi32>
    %mul3A_1 = arith.constant 65 : i32
    %mul3A_2 = vector.broadcast %mul3A_1 : i32 to vector<16xi32>
    %mul3A_3 = arith.muli %iota3A, %mul3A_2 : vector<16xi32>
    %broadcast_in_dim3A = arith.constant -1.000000e+00 : f32
    %broadcast_in_dim3A_4 = vector.broadcast %broadcast_in_dim3A : f32 to vector<16xf32>
    %broadcast_in_dim3A_5 = arith.constant 0.000000e+00 : f32
    %broadcast_in_dim3A_6 = vector.broadcast %broadcast_in_dim3A_5 : f32 to vector<16xf32>
    %broadcast_in_dim3A_7 = arith.constant 0 : i32
    %broadcast_in_dim3A_8 = vector.broadcast %broadcast_in_dim3A_7 : i32 to vector<16xi32>
    %eq3A = arith.constant 0 : i32
    %eq3A_9 = vector.broadcast %eq3A : i32 to vector<16xi32>
    %eq3A_10 = arith.cmpi eq, %iota3A, %eq3A_9 : vector<16xi32>
    %lt3A = arith.constant 8 : i32
    %lt3A_11 = vector.broadcast %lt3A : i32 to vector<16xi32>
    %lt3A_12 = arith.cmpi slt, %iota3A, %lt3A_11 : vector<16xi32>
    %swap3A = arith.constant 0 : index
    %swap3A_13 = tpu.vector_load %arg10[%swap3A] {strides = array<i32>} : memref<1040xf32, #tpu.memory_space<vmem>>, vector<16xf32>,
    tpu.vector_store %arg10[%swap3A], %broadcast_in_dim3A_4 {strides = array<i32>} : memref<1040xf32, #tpu.memory_space<vmem>>, vector<16xf32>,
    %swap3A_14 = arith.constant 16 : index
    %swap3A_15 = tpu.vector_load %arg10[%swap3A_14] {strides = array<i32>} : memref<1040xf32, #tpu.memory_space<vmem>>, vector<16xf32>,
    tpu.vector_store %arg10[%swap3A_14], %broadcast_in_dim3A_4 {strides = array<i32>} : memref<1040xf32, #tpu.memory_space<vmem>>, vector<16xf32>,
    %swap3A_16 = arith.constant 32 : index
    %swap3A_17 = tpu.vector_load %arg10[%swap3A_16] {strides = array<i32>} : memref<1040xf32, #tpu.memory_space<vmem>>, vector<16xf32>,
    tpu.vector_store %arg10[%swap3A_16], %broadcast_in_dim3A_4 {strides = array<i32>} : memref<1040xf32, #tpu.memory_space<vmem>>, vector<16xf32>,
    %swap3A_18 = arith.constant 48 : index
    %swap3A_19 = tpu.vector_load %arg10[%swap3A_18] {strides = array<i32>} : memref<1040xf32, #tpu.memory_space<vmem>>, vector<16xf32>,
    tpu.vector_store %arg10[%swap3A_18], %broadcast_in_dim3A_4 {strides = array<i32>} : memref<1040xf32, #tpu.memory_space<vmem>>, vector<16xf32>,
    %swap3A_20 = arith.constant 64 : index
    %swap3A_21 = tpu.vector_load %arg10[%swap3A_20] {strides = array<i32>} : memref<1040xf32, #tpu.memory_space<vmem>>, vector<16xf32>,
    tpu.vector_store %arg10[%swap3A_20], %broadcast_in_dim3A_4 {strides = array<i32>} : memref<1040xf32, #tpu.memory_space<vmem>>, vector<16xf32>,
    %swap3A_22 = arith.constant 80 : index
    %swap3A_23 = tpu.vector_load %arg10[%swap3A_22] {strides = array<i32>} : memref<1040xf32, #tpu.memory_space<vmem>>, vector<16xf32>,
    tpu.vector_store %arg10[%swap3A_22], %broadcast_in_dim3A_4 {strides = array<i32>} : memref<1040xf32, #tpu.memory_space<vmem>>, vector<16xf32>,
    %swap3A_24 = arith.constant 96 : index
    %swap3A_25 = tpu.vector_load %arg10[%swap3A_24] {strides = array<i32>} : memref<1040xf32, #tpu.memory_space<vmem>>, vector<16xf32>,
    tpu.vector_store %arg10[%swap3A_24], %broadcast_in_dim3A_4 {strides = array<i32>} : memref<1040xf32, #tpu.memory_space<vmem>>, vector<16xf32>,
    %swap3A_26 = arith.constant 112 : index
    %swap3A_27 = tpu.vector_load %arg10[%swap3A_26] {strides = array<i32>} : memref<1040xf32, #tpu.memory_space<vmem>>, vector<16xf32>,
    tpu.vector_store %arg10[%swap3A_26], %broadcast_in_dim3A_4 {strides = array<i32>} : memref<1040xf32, #tpu.memory_space<vmem>>, vector<16xf32>,
    %swap3A_28 = arith.constant 128 : index
    %swap3A_29 = tpu.vector_load %arg10[%swap3A_28] {strides = array<i32>} : memref<1040xf32, #tpu.memory_space<vmem>>, vector<16xf32>,
    tpu.vector_store %arg10[%swap3A_28], %broadcast_in_dim3A_4 {strides = array<i32>} : memref<1040xf32, #tpu.memory_space<vmem>>, vector<16xf32>,
    %swap3A_30 = arith.constant 144 : index
    %swap3A_31 = tpu.vector_load %arg10[%swap3A_30] {strides = array<i32>} : memref<1040xf32, #tpu.memory_space<vmem>>, vector<16xf32>,
    tpu.vector_store %arg10[%swap3A_30], %broadcast_in_dim3A_4 {strides = array<i32>} : memref<1040xf32, #tpu.memory_space<vmem>>, vector<16xf32>,
    %swap3A_32 = arith.constant 160 : index
    %swap3A_33 = tpu.vector_load %arg10[%swap3A_32] {strides = array<i32>} : memref<1040xf32, #tpu.memory_space<vmem>>, vector<16xf32>,
    tpu.vector_store %arg10[%swap3A_32], %broadcast_in_dim3A_4 {strides = array<i32>} : memref<1040xf32, #tpu.memory_space<vmem>>, vector<16xf32>,
    %swap3A_34 = arith.constant 176 : index
    %swap3A_35 = tpu.vector_load %arg10[%swap3A_34] {strides = array<i32>} : memref<1040xf32, #tpu.memory_space<vmem>>, vector<16xf32>,
    tpu.vector_store %arg10[%swap3A_34], %broadcast_in_dim3A_4 {strides = array<i32>} : memref<1040xf32, #tpu.memory_space<vmem>>, vector<16xf32>,
    %swap3A_36 = arith.constant 192 : index
    %swap3A_37 = tpu.vector_load %arg10[%swap3A_36] {strides = array<i32>} : memref<1040xf32, #tpu.memory_space<vmem>>, vector<16xf32>,
    tpu.vector_store %arg10[%swap3A_36], %broadcast_in_dim3A_4 {strides = array<i32>} : memref<1040xf32, #tpu.memory_space<vmem>>, vector<16xf32>,
    %swap3A_38 = arith.constant 208 : index
    %swap3A_39 = tpu.vector_load %arg10[%swap3A_38] {strides = array<i32>} : memref<1040xf32, #tpu.memory_space<vmem>>, vector<16xf32>,
    tpu.vector_store %arg10[%swap3A_38], %broadcast_in_dim3A_4 {strides = array<i32>} : memref<1040xf32, #tpu.memory_space<vmem>>, vector<16xf32>,
    %swap3A_40 = arith.constant 224 : index
    %swap3A_41 = tpu.vector_load %arg10[%swap3A_40] {strides = array<i32>} : memref<1040xf32, #tpu.memory_space<vmem>>, vector<16xf32>,
    tpu.vector_store %arg10[%swap3A_40], %broadcast_in_dim3A_4 {strides = array<i32>} : memref<1040xf32, #tpu.memory_space<vmem>>, vector<16xf32>,
    %swap3A_42 = arith.constant 240 : index
    %swap3A_43 = tpu.vector_load %arg10[%swap3A_42] {strides = array<i32>} : memref<1040xf32, #tpu.memory_space<vmem>>, vector<16xf32>,
    tpu.vector_store %arg10[%swap3A_42], %broadcast_in_dim3A_4 {strides = array<i32>} : memref<1040xf32, #tpu.memory_space<vmem>>, vector<16xf32>,
    %swap3A_44 = arith.constant 256 : index
    %swap3A_45 = tpu.vector_load %arg10[%swap3A_44] {strides = array<i32>} : memref<1040xf32, #tpu.memory_space<vmem>>, vector<16xf32>,
    tpu.vector_store %arg10[%swap3A_44], %broadcast_in_dim3A_4 {strides = array<i32>} : memref<1040xf32, #tpu.memory_space<vmem>>, vector<16xf32>,
    %swap3A_46 = arith.constant 272 : index
    %swap3A_47 = tpu.vector_load %arg10[%swap3A_46] {strides = array<i32>} : memref<1040xf32, #tpu.memory_space<vmem>>, vector<16xf32>,
    tpu.vector_store %arg10[%swap3A_46], %broadcast_in_dim3A_4 {strides = array<i32>} : memref<1040xf32, #tpu.memory_space<vmem>>, vector<16xf32>,
    %swap3A_48 = arith.constant 288 : index
    %swap3A_49 = tpu.vector_load %arg10[%swap3A_48] {strides = array<i32>} : memref<1040xf32, #tpu.memory_space<vmem>>, vector<16xf32>,
    tpu.vector_store %arg10[%swap3A_48], %broadcast_in_dim3A_4 {strides = array<i32>} : memref<1040xf32, #tpu.memory_space<vmem>>, vector<16xf32>,
    %swap3A_50 = arith.constant 304 : index
    %swap3A_51 = tpu.vector_load %arg10[%swap3A_50] {strides = array<i32>} : memref<1040xf32, #tpu.memory_space<vmem>>, vector<16xf32>,
    tpu.vector_store %arg10[%swap3A_50], %broadcast_in_dim3A_4 {strides = array<i32>} : memref<1040xf32, #tpu.memory_space<vmem>>, vector<16xf32>,
    %swap3A_52 = arith.constant 320 : index
    %swap3A_53 = tpu.vector_load %arg10[%swap3A_52] {strides = array<i32>} : memref<1040xf32, #tpu.memory_space<vmem>>, vector<16xf32>,
    tpu.vector_store %arg10[%swap3A_52], %broadcast_in_dim3A_4 {strides = array<i32>} : memref<1040xf32, #tpu.memory_space<vmem>>, vector<16xf32>,
    %swap3A_54 = arith.constant 336 : index
    %swap3A_55 = tpu.vector_load %arg10[%swap3A_54] {strides = array<i32>} : memref<1040xf32, #tpu.memory_space<vmem>>, vector<16xf32>,
    tpu.vector_store %arg10[%swap3A_54], %broadcast_in_dim3A_4 {strides = array<i32>} : memref<1040xf32, #tpu.memory_space<vmem>>, vector<16xf32>,
    %swap3A_56 = arith.constant 352 : index
    %swap3A_57 = tpu.vector_load %arg10[%swap3A_56] {strides = array<i32>} : memref<1040xf32, #tpu.memory_space<vmem>>, vector<16xf32>,
    tpu.vector_store %arg10[%swap3A_56], %broadcast_in_dim3A_4 {strides = array<i32>} : memref<1040xf32, #tpu.memory_space<vmem>>, vector<16xf32>,
    %swap3A_58 = arith.constant 368 : index
    %swap3A_59 = tpu.vector_load %arg10[%swap3A_58] {strides = array<i32>} : memref<1040xf32, #tpu.memory_space<vmem>>, vector<16xf32>,
    tpu.vector_store %arg10[%swap3A_58], %broadcast_in_dim3A_4 {strides = array<i32>} : memref<1040xf32, #tpu.memory_space<vmem>>, vector<16xf32>,
    %swap3A_60 = arith.constant 384 : index
    %swap3A_61 = tpu.vector_load %arg10[%swap3A_60] {strides = array<i32>} : memref<1040xf32, #tpu.memory_space<vmem>>, vector<16xf32>,
    tpu.vector_store %arg10[%swap3A_60], %broadcast_in_dim3A_4 {strides = array<i32>} : memref<1040xf32, #tpu.memory_space<vmem>>, vector<16xf32>,
    %swap3A_62 = arith.constant 400 : index
    %swap3A_63 = tpu.vector_load %arg10[%swap3A_62] {strides = array<i32>} : memref<1040xf32, #tpu.memory_space<vmem>>, vector<16xf32>,
    tpu.vector_store %arg10[%swap3A_62], %broadcast_in_dim3A_4 {strides = array<i32>} : memref<1040xf32, #tpu.memory_space<vmem>>, vector<16xf32>,
    %swap3A_64 = arith.constant 416 : index
    %swap3A_65 = tpu.vector_load %arg10[%swap3A_64] {strides = array<i32>} : memref<1040xf32, #tpu.memory_space<vmem>>, vector<16xf32>,
    tpu.vector_store %arg10[%swap3A_64], %broadcast_in_dim3A_4 {strides = array<i32>} : memref<1040xf32, #tpu.memory_space<vmem>>, vector<16xf32>,
    %swap3A_66 = arith.constant 432 : index
    %swap3A_67 = tpu.vector_load %arg10[%swap3A_66] {strides = array<i32>} : memref<1040xf32, #tpu.memory_space<vmem>>, vector<16xf32>,
    tpu.vector_store %arg10[%swap3A_66], %broadcast_in_dim3A_4 {strides = array<i32>} : memref<1040xf32, #tpu.memory_space<vmem>>, vector<16xf32>,
    %swap3A_68 = arith.constant 448 : index
    %swap3A_69 = tpu.vector_load %arg10[%swap3A_68] {strides = array<i32>} : memref<1040xf32, #tpu.memory_space<vmem>>, vector<16xf32>,
    tpu.vector_store %arg10[%swap3A_68], %broadcast_in_dim3A_4 {strides = array<i32>} : memref<1040xf32, #tpu.memory_space<vmem>>, vector<16xf32>,
    %swap3A_70 = arith.constant 464 : index
    %swap3A_71 = tpu.vector_load %arg10[%swap3A_70] {strides = array<i32>} : memref<1040xf32, #tpu.memory_space<vmem>>, vector<16xf32>,
    tpu.vector_store %arg10[%swap3A_70], %broadcast_in_dim3A_4 {strides = array<i32>} : memref<1040xf32, #tpu.memory_space<vmem>>, vector<16xf32>,
    %swap3A_72 = arith.constant 480 : index
    %swap3A_73 = tpu.vector_load %arg10[%swap3A_72] {strides = array<i32>} : memref<1040xf32, #tpu.memory_space<vmem>>, vector<16xf32>,
    tpu.vector_store %arg10[%swap3A_72], %broadcast_in_dim3A_4 {strides = array<i32>} : memref<1040xf32, #tpu.memory_space<vmem>>, vector<16xf32>,
    %swap3A_74 = arith.constant 496 : index
    %swap3A_75 = tpu.vector_load %arg10[%swap3A_74] {strides = array<i32>} : memref<1040xf32, #tpu.memory_space<vmem>>, vector<16xf32>,
    tpu.vector_store %arg10[%swap3A_74], %broadcast_in_dim3A_4 {strides = array<i32>} : memref<1040xf32, #tpu.memory_space<vmem>>, vector<16xf32>,
    %swap3A_76 = arith.constant 512 : index
    %swap3A_77 = tpu.vector_load %arg10[%swap3A_76] {strides = array<i32>} : memref<1040xf32, #tpu.memory_space<vmem>>, vector<16xf32>,
    tpu.vector_store %arg10[%swap3A_76], %broadcast_in_dim3A_4 {strides = array<i32>} : memref<1040xf32, #tpu.memory_space<vmem>>, vector<16xf32>,
    %swap3A_78 = arith.constant 528 : index
    %swap3A_79 = tpu.vector_load %arg10[%swap3A_78] {strides = array<i32>} : memref<1040xf32, #tpu.memory_space<vmem>>, vector<16xf32>,
    tpu.vector_store %arg10[%swap3A_78], %broadcast_in_dim3A_4 {strides = array<i32>} : memref<1040xf32, #tpu.memory_space<vmem>>, vector<16xf32>,
    %swap3A_80 = arith.constant 544 : index
    %swap3A_81 = tpu.vector_load %arg10[%swap3A_80] {strides = array<i32>} : memref<1040xf32, #tpu.memory_space<vmem>>, vector<16xf32>,
    tpu.vector_store %arg10[%swap3A_80], %broadcast_in_dim3A_4 {strides = array<i32>} : memref<1040xf32, #tpu.memory_space<vmem>>, vector<16xf32>,
    %swap3A_82 = arith.constant 560 : index
    %swap3A_83 = tpu.vector_load %arg10[%swap3A_82] {strides = array<i32>} : memref<1040xf32, #tpu.memory_space<vmem>>, vector<16xf32>,
    tpu.vector_store %arg10[%swap3A_82], %broadcast_in_dim3A_4 {strides = array<i32>} : memref<1040xf32, #tpu.memory_space<vmem>>, vector<16xf32>,
    %swap3A_84 = arith.constant 576 : index
    %swap3A_85 = tpu.vector_load %arg10[%swap3A_84] {strides = array<i32>} : memref<1040xf32, #tpu.memory_space<vmem>>, vector<16xf32>,
    tpu.vector_store %arg10[%swap3A_84], %broadcast_in_dim3A_4 {strides = array<i32>} : memref<1040xf32, #tpu.memory_space<vmem>>, vector<16xf32>,
    %swap3A_86 = arith.constant 592 : index
    %swap3A_87 = tpu.vector_load %arg10[%swap3A_86] {strides = array<i32>} : memref<1040xf32, #tpu.memory_space<vmem>>, vector<16xf32>,
    tpu.vector_store %arg10[%swap3A_86], %broadcast_in_dim3A_4 {strides = array<i32>} : memref<1040xf32, #tpu.memory_space<vmem>>, vector<16xf32>,
    %swap3A_88 = arith.constant 608 : index
    %swap3A_89 = tpu.vector_load %arg10[%swap3A_88] {strides = array<i32>} : memref<1040xf32, #tpu.memory_space<vmem>>, vector<16xf32>,
    tpu.vector_store %arg10[%swap3A_88], %broadcast_in_dim3A_4 {strides = array<i32>} : memref<1040xf32, #tpu.memory_space<vmem>>, vector<16xf32>,
    %swap3A_90 = arith.constant 624 : index
    %swap3A_91 = tpu.vector_load %arg10[%swap3A_90] {strides = array<i32>} : memref<1040xf32, #tpu.memory_space<vmem>>, vector<16xf32>,
    tpu.vector_store %arg10[%swap3A_90], %broadcast_in_dim3A_4 {strides = array<i32>} : memref<1040xf32, #tpu.memory_space<vmem>>, vector<16xf32>,
    %swap3A_92 = arith.constant 640 : index
    %swap3A_93 = tpu.vector_load %arg10[%swap3A_92] {strides = array<i32>} : memref<1040xf32, #tpu.memory_space<vmem>>, vector<16xf32>,
    tpu.vector_store %arg10[%swap3A_92], %broadcast_in_dim3A_4 {strides = array<i32>} : memref<1040xf32, #tpu.memory_space<vmem>>, vector<16xf32>,
    %swap3A_94 = arith.constant 656 : index
    %swap3A_95 = tpu.vector_load %arg10[%swap3A_94] {strides = array<i32>} : memref<1040xf32, #tpu.memory_space<vmem>>, vector<16xf32>,
    tpu.vector_store %arg10[%swap3A_94], %broadcast_in_dim3A_4 {strides = array<i32>} : memref<1040xf32, #tpu.memory_space<vmem>>, vector<16xf32>,
    %swap3A_96 = arith.constant 672 : index
    %swap3A_97 = tpu.vector_load %arg10[%swap3A_96] {strides = array<i32>} : memref<1040xf32, #tpu.memory_space<vmem>>, vector<16xf32>,
    tpu.vector_store %arg10[%swap3A_96], %broadcast_in_dim3A_4 {strides = array<i32>} : memref<1040xf32, #tpu.memory_space<vmem>>, vector<16xf32>,
    %swap3A_98 = arith.constant 688 : index
    %swap3A_99 = tpu.vector_load %arg10[%swap3A_98] {strides = array<i32>} : memref<1040xf32, #tpu.memory_space<vmem>>, vector<16xf32>,
    tpu.vector_store %arg10[%swap3A_98], %broadcast_in_dim3A_4 {strides = array<i32>} : memref<1040xf32, #tpu.memory_space<vmem>>, vector<16xf32>,
    %swap3A_100 = arith.constant 704 : index
    %swap3A_101 = tpu.vector_load %arg10[%swap3A_100] {strides = array<i32>} : memref<1040xf32, #tpu.memory_space<vmem>>, vector<16xf32>,
    tpu.vector_store %arg10[%swap3A_100], %broadcast_in_dim3A_4 {strides = array<i32>} : memref<1040xf32, #tpu.memory_space<vmem>>, vector<16xf32>,
    %swap3A_102 = arith.constant 720 : index
    %swap3A_103 = tpu.vector_load %arg10[%swap3A_102] {strides = array<i32>} : memref<1040xf32, #tpu.memory_space<vmem>>, vector<16xf32>,
    tpu.vector_store %arg10[%swap3A_102], %broadcast_in_dim3A_4 {strides = array<i32>} : memref<1040xf32, #tpu.memory_space<vmem>>, vector<16xf32>,
    %swap3A_104 = arith.constant 736 : index
    %swap3A_105 = tpu.vector_load %arg10[%swap3A_104] {strides = array<i32>} : memref<1040xf32, #tpu.memory_space<vmem>>, vector<16xf32>,
    tpu.vector_store %arg10[%swap3A_104], %broadcast_in_dim3A_4 {strides = array<i32>} : memref<1040xf32, #tpu.memory_space<vmem>>, vector<16xf32>,
    %swap3A_106 = arith.constant 752 : index
    %swap3A_107 = tpu.vector_load %arg10[%swap3A_106] {strides = array<i32>} : memref<1040xf32, #tpu.memory_space<vmem>>, vector<16xf32>,
    tpu.vector_store %arg10[%swap3A_106], %broadcast_in_dim3A_4 {strides = array<i32>} : memref<1040xf32, #tpu.memory_space<vmem>>, vector<16xf32>,
    %swap3A_108 = arith.constant 768 : index
    %swap3A_109 = tpu.vector_load %arg10[%swap3A_108] {strides = array<i32>} : memref<1040xf32, #tpu.memory_space<vmem>>, vector<16xf32>,
    tpu.vector_store %arg10[%swap3A_108], %broadcast_in_dim3A_4 {strides = array<i32>} : memref<1040xf32, #tpu.memory_space<vmem>>, vector<16xf32>,
    %swap3A_110 = arith.constant 784 : index
    %swap3A_111 = tpu.vector_load %arg10[%swap3A_110] {strides = array<i32>} : memref<1040xf32, #tpu.memory_space<vmem>>, vector<16xf32>,
    tpu.vector_store %arg10[%swap3A_110], %broadcast_in_dim3A_4 {strides = array<i32>} : memref<1040xf32, #tpu.memory_space<vmem>>, vector<16xf32>,
    %swap3A_112 = arith.constant 800 : index
    %swap3A_113 = tpu.vector_load %arg10[%swap3A_112] {strides = array<i32>} : memref<1040xf32, #tpu.memory_space<vmem>>, vector<16xf32>,
    tpu.vector_store %arg10[%swap3A_112], %broadcast_in_dim3A_4 {strides = array<i32>} : memref<1040xf32, #tpu.memory_space<vmem>>, vector<16xf32>,
    %swap3A_114 = arith.constant 816 : index
    %swap3A_115 = tpu.vector_load %arg10[%swap3A_114] {strides = array<i32>} : memref<1040xf32, #tpu.memory_space<vmem>>, vector<16xf32>,
    tpu.vector_store %arg10[%swap3A_114], %broadcast_in_dim3A_4 {strides = array<i32>} : memref<1040xf32, #tpu.memory_space<vmem>>, vector<16xf32>,
    %swap3A_116 = arith.constant 832 : index
    %swap3A_117 = tpu.vector_load %arg10[%swap3A_116] {strides = array<i32>} : memref<1040xf32, #tpu.memory_space<vmem>>, vector<16xf32>,
    tpu.vector_store %arg10[%swap3A_116], %broadcast_in_dim3A_4 {strides = array<i32>} : memref<1040xf32, #tpu.memory_space<vmem>>, vector<16xf32>,
    %swap3A_118 = arith.constant 848 : index
    %swap3A_119 = tpu.vector_load %arg10[%swap3A_118] {strides = array<i32>} : memref<1040xf32, #tpu.memory_space<vmem>>, vector<16xf32>,
    tpu.vector_store %arg10[%swap3A_118], %broadcast_in_dim3A_4 {strides = array<i32>} : memref<1040xf32, #tpu.memory_space<vmem>>, vector<16xf32>,
    %swap3A_120 = arith.constant 864 : index
    %swap3A_121 = tpu.vector_load %arg10[%swap3A_120] {strides = array<i32>} : memref<1040xf32, #tpu.memory_space<vmem>>, vector<16xf32>,
    tpu.vector_store %arg10[%swap3A_120], %broadcast_in_dim3A_4 {strides = array<i32>} : memref<1040xf32, #tpu.memory_space<vmem>>, vector<16xf32>,
    %swap3A_122 = arith.constant 880 : index
    %swap3A_123 = tpu.vector_load %arg10[%swap3A_122] {strides = array<i32>} : memref<1040xf32, #tpu.memory_space<vmem>>, vector<16xf32>,
    tpu.vector_store %arg10[%swap3A_122], %broadcast_in_dim3A_4 {strides = array<i32>} : memref<1040xf32, #tpu.memory_space<vmem>>, vector<16xf32>,
    %swap3A_124 = arith.constant 896 : index
    %swap3A_125 = tpu.vector_load %arg10[%swap3A_124] {strides = array<i32>} : memref<1040xf32, #tpu.memory_space<vmem>>, vector<16xf32>,
    tpu.vector_store %arg10[%swap3A_124], %broadcast_in_dim3A_4 {strides = array<i32>} : memref<1040xf32, #tpu.memory_space<vmem>>, vector<16xf32>,
    %swap3A_126 = arith.constant 912 : index
    %swap3A_127 = tpu.vector_load %arg10[%swap3A_126] {strides = array<i32>} : memref<1040xf32, #tpu.memory_space<vmem>>, vector<16xf32>,
    tpu.vector_store %arg10[%swap3A_126], %broadcast_in_dim3A_4 {strides = array<i32>} : memref<1040xf32, #tpu.memory_space<vmem>>, vector<16xf32>,
    %swap3A_128 = arith.constant 928 : index
    %swap3A_129 = tpu.vector_load %arg10[%swap3A_128] {strides = array<i32>} : memref<1040xf32, #tpu.memory_space<vmem>>, vector<16xf32>,
    tpu.vector_store %arg10[%swap3A_128], %broadcast_in_dim3A_4 {strides = array<i32>} : memref<1040xf32, #tpu.memory_space<vmem>>, vector<16xf32>,
    %swap3A_130 = arith.constant 944 : index
    %swap3A_131 = tpu.vector_load %arg10[%swap3A_130] {strides = array<i32>} : memref<1040xf32, #tpu.memory_space<vmem>>, vector<16xf32>,
    tpu.vector_store %arg10[%swap3A_130], %broadcast_in_dim3A_4 {strides = array<i32>} : memref<1040xf32, #tpu.memory_space<vmem>>, vector<16xf32>,
    %swap3A_132 = arith.constant 960 : index
    %swap3A_133 = tpu.vector_load %arg10[%swap3A_132] {strides = array<i32>} : memref<1040xf32, #tpu.memory_space<vmem>>, vector<16xf32>,
    tpu.vector_store %arg10[%swap3A_132], %broadcast_in_dim3A_4 {strides = array<i32>} : memref<1040xf32, #tpu.memory_space<vmem>>, vector<16xf32>,
    %swap3A_134 = arith.constant 976 : index
    %swap3A_135 = tpu.vector_load %arg10[%swap3A_134] {strides = array<i32>} : memref<1040xf32, #tpu.memory_space<vmem>>, vector<16xf32>,
    tpu.vector_store %arg10[%swap3A_134], %broadcast_in_dim3A_4 {strides = array<i32>} : memref<1040xf32, #tpu.memory_space<vmem>>, vector<16xf32>,
    %swap3A_136 = arith.constant 992 : index
    %swap3A_137 = tpu.vector_load %arg10[%swap3A_136] {strides = array<i32>} : memref<1040xf32, #tpu.memory_space<vmem>>, vector<16xf32>,
    tpu.vector_store %arg10[%swap3A_136], %broadcast_in_dim3A_4 {strides = array<i32>} : memref<1040xf32, #tpu.memory_space<vmem>>, vector<16xf32>,
    %swap3A_138 = arith.constant 1008 : index
    %swap3A_139 = tpu.vector_load %arg10[%swap3A_138] {strides = array<i32>} : memref<1040xf32, #tpu.memory_space<vmem>>, vector<16xf32>,
    tpu.vector_store %arg10[%swap3A_138], %broadcast_in_dim3A_4 {strides = array<i32>} : memref<1040xf32, #tpu.memory_space<vmem>>, vector<16xf32>,
    %swap3A_140 = arith.constant 1024 : index
    %swap3A_141 = tpu.vector_load %arg10[%swap3A_140] {strides = array<i32>} : memref<1040xf32, #tpu.memory_space<vmem>>, vector<16xf32>,
    tpu.vector_store %arg10[%swap3A_140], %broadcast_in_dim3A_4 {strides = array<i32>} : memref<1040xf32, #tpu.memory_space<vmem>>, vector<16xf32>,
    %swap3A_142 = arith.constant 0 : index
    %swap3A_143 = tpu.vector_load %arg11[%swap3A_142] {strides = array<i32>} : memref<1040xf32, #tpu.memory_space<vmem>>, vector<16xf32>,
    tpu.vector_store %arg11[%swap3A_142], %broadcast_in_dim3A_4 {strides = array<i32>} : memref<1040xf32, #tpu.memory_space<vmem>>, vector<16xf32>,
    %swap3A_144 = arith.constant 16 : index
    %swap3A_145 = tpu.vector_load %arg11[%swap3A_144] {strides = array<i32>} : memref<1040xf32, #tpu.memory_space<vmem>>, vector<16xf32>,
    tpu.vector_store %arg11[%swap3A_144], %broadcast_in_dim3A_4 {strides = array<i32>} : memref<1040xf32, #tpu.memory_space<vmem>>, vector<16xf32>,
    %swap3A_146 = arith.constant 32 : index
    %swap3A_147 = tpu.vector_load %arg11[%swap3A_146] {strides = array<i32>} : memref<1040xf32, #tpu.memory_space<vmem>>, vector<16xf32>,
    tpu.vector_store %arg11[%swap3A_146], %broadcast_in_dim3A_4 {strides = array<i32>} : memref<1040xf32, #tpu.memory_space<vmem>>, vector<16xf32>,
    %swap3A_148 = arith.constant 48 : index
    %swap3A_149 = tpu.vector_load %arg11[%swap3A_148] {strides = array<i32>} : memref<1040xf32, #tpu.memory_space<vmem>>, vector<16xf32>,
    tpu.vector_store %arg11[%swap3A_148], %broadcast_in_dim3A_4 {strides = array<i32>} : memref<1040xf32, #tpu.memory_space<vmem>>, vector<16xf32>,
    %swap3A_150 = arith.constant 64 : index
    %swap3A_151 = tpu.vector_load %arg11[%swap3A_150] {strides = array<i32>} : memref<1040xf32, #tpu.memory_space<vmem>>, vector<16xf32>,
    tpu.vector_store %arg11[%swap3A_150], %broadcast_in_dim3A_4 {strides = array<i32>} : memref<1040xf32, #tpu.memory_space<vmem>>, vector<16xf32>,
    %swap3A_152 = arith.constant 80 : index
    %swap3A_153 = tpu.vector_load %arg11[%swap3A_152] {strides = array<i32>} : memref<1040xf32, #tpu.memory_space<vmem>>, vector<16xf32>,
    tpu.vector_store %arg11[%swap3A_152], %broadcast_in_dim3A_4 {strides = array<i32>} : memref<1040xf32, #tpu.memory_space<vmem>>, vector<16xf32>,
    %swap3A_154 = arith.constant 96 : index
    %swap3A_155 = tpu.vector_load %arg11[%swap3A_154] {strides = array<i32>} : memref<1040xf32, #tpu.memory_space<vmem>>, vector<16xf32>,
    tpu.vector_store %arg11[%swap3A_154], %broadcast_in_dim3A_4 {strides = array<i32>} : memref<1040xf32, #tpu.memory_space<vmem>>, vector<16xf32>,
    %swap3A_156 = arith.constant 112 : index
    %swap3A_157 = tpu.vector_load %arg11[%swap3A_156] {strides = array<i32>} : memref<1040xf32, #tpu.memory_space<vmem>>, vector<16xf32>,
    tpu.vector_store %arg11[%swap3A_156], %broadcast_in_dim3A_4 {strides = array<i32>} : memref<1040xf32, #tpu.memory_space<vmem>>, vector<16xf32>,
    %swap3A_158 = arith.constant 128 : index
    %swap3A_159 = tpu.vector_load %arg11[%swap3A_158] {strides = array<i32>} : memref<1040xf32, #tpu.memory_space<vmem>>, vector<16xf32>,
    tpu.vector_store %arg11[%swap3A_158], %broadcast_in_dim3A_4 {strides = array<i32>} : memref<1040xf32, #tpu.memory_space<vmem>>, vector<16xf32>,
    %swap3A_160 = arith.constant 144 : index
    %swap3A_161 = tpu.vector_load %arg11[%swap3A_160] {strides = array<i32>} : memref<1040xf32, #tpu.memory_space<vmem>>, vector<16xf32>,
    tpu.vector_store %arg11[%swap3A_160], %broadcast_in_dim3A_4 {strides = array<i32>} : memref<1040xf32, #tpu.memory_space<vmem>>, vector<16xf32>,
    %swap3A_162 = arith.constant 160 : index
    %swap3A_163 = tpu.vector_load %arg11[%swap3A_162] {strides = array<i32>} : memref<1040xf32, #tpu.memory_space<vmem>>, vector<16xf32>,
    tpu.vector_store %arg11[%swap3A_162], %broadcast_in_dim3A_4 {strides = array<i32>} : memref<1040xf32, #tpu.memory_space<vmem>>, vector<16xf32>,
    %swap3A_164 = arith.constant 176 : index
    %swap3A_165 = tpu.vector_load %arg11[%swap3A_164] {strides = array<i32>} : memref<1040xf32, #tpu.memory_space<vmem>>, vector<16xf32>,
    tpu.vector_store %arg11[%swap3A_164], %broadcast_in_dim3A_4 {strides = array<i32>} : memref<1040xf32, #tpu.memory_space<vmem>>, vector<16xf32>,
    %swap3A_166 = arith.constant 192 : index
    %swap3A_167 = tpu.vector_load %arg11[%swap3A_166] {strides = array<i32>} : memref<1040xf32, #tpu.memory_space<vmem>>, vector<16xf32>,
    tpu.vector_store %arg11[%swap3A_166], %broadcast_in_dim3A_4 {strides = array<i32>} : memref<1040xf32, #tpu.memory_space<vmem>>, vector<16xf32>,
    %swap3A_168 = arith.constant 208 : index
    %swap3A_169 = tpu.vector_load %arg11[%swap3A_168] {strides = array<i32>} : memref<1040xf32, #tpu.memory_space<vmem>>, vector<16xf32>,
    tpu.vector_store %arg11[%swap3A_168], %broadcast_in_dim3A_4 {strides = array<i32>} : memref<1040xf32, #tpu.memory_space<vmem>>, vector<16xf32>,
    %swap3A_170 = arith.constant 224 : index
    %swap3A_171 = tpu.vector_load %arg11[%swap3A_170] {strides = array<i32>} : memref<1040xf32, #tpu.memory_space<vmem>>, vector<16xf32>,
    tpu.vector_store %arg11[%swap3A_170], %broadcast_in_dim3A_4 {strides = array<i32>} : memref<1040xf32, #tpu.memory_space<vmem>>, vector<16xf32>,
    %swap3A_172 = arith.constant 240 : index
    %swap3A_173 = tpu.vector_load %arg11[%swap3A_172] {strides = array<i32>} : memref<1040xf32, #tpu.memory_space<vmem>>, vector<16xf32>,
    tpu.vector_store %arg11[%swap3A_172], %broadcast_in_dim3A_4 {strides = array<i32>} : memref<1040xf32, #tpu.memory_space<vmem>>, vector<16xf32>,
    %swap3A_174 = arith.constant 256 : index
    %swap3A_175 = tpu.vector_load %arg11[%swap3A_174] {strides = array<i32>} : memref<1040xf32, #tpu.memory_space<vmem>>, vector<16xf32>,
    tpu.vector_store %arg11[%swap3A_174], %broadcast_in_dim3A_4 {strides = array<i32>} : memref<1040xf32, #tpu.memory_space<vmem>>, vector<16xf32>,
    %swap3A_176 = arith.constant 272 : index
    %swap3A_177 = tpu.vector_load %arg11[%swap3A_176] {strides = array<i32>} : memref<1040xf32, #tpu.memory_space<vmem>>, vector<16xf32>,
    tpu.vector_store %arg11[%swap3A_176], %broadcast_in_dim3A_4 {strides = array<i32>} : memref<1040xf32, #tpu.memory_space<vmem>>, vector<16xf32>,
    %swap3A_178 = arith.constant 288 : index
    %swap3A_179 = tpu.vector_load %arg11[%swap3A_178] {strides = array<i32>} : memref<1040xf32, #tpu.memory_space<vmem>>, vector<16xf32>,
    tpu.vector_store %arg11[%swap3A_178], %broadcast_in_dim3A_4 {strides = array<i32>} : memref<1040xf32, #tpu.memory_space<vmem>>, vector<16xf32>,
    %swap3A_180 = arith.constant 304 : index
    %swap3A_181 = tpu.vector_load %arg11[%swap3A_180] {strides = array<i32>} : memref<1040xf32, #tpu.memory_space<vmem>>, vector<16xf32>,
    tpu.vector_store %arg11[%swap3A_180], %broadcast_in_dim3A_4 {strides = array<i32>} : memref<1040xf32, #tpu.memory_space<vmem>>, vector<16xf32>,
    %swap3A_182 = arith.constant 320 : index
    %swap3A_183 = tpu.vector_load %arg11[%swap3A_182] {strides = array<i32>} : memref<1040xf32, #tpu.memory_space<vmem>>, vector<16xf32>,
    tpu.vector_store %arg11[%swap3A_182], %broadcast_in_dim3A_4 {strides = array<i32>} : memref<1040xf32, #tpu.memory_space<vmem>>, vector<16xf32>,
    %swap3A_184 = arith.constant 336 : index
    %swap3A_185 = tpu.vector_load %arg11[%swap3A_184] {strides = array<i32>} : memref<1040xf32, #tpu.memory_space<vmem>>, vector<16xf32>,
    tpu.vector_store %arg11[%swap3A_184], %broadcast_in_dim3A_4 {strides = array<i32>} : memref<1040xf32, #tpu.memory_space<vmem>>, vector<16xf32>,
    %swap3A_186 = arith.constant 352 : index
    %swap3A_187 = tpu.vector_load %arg11[%swap3A_186] {strides = array<i32>} : memref<1040xf32, #tpu.memory_space<vmem>>, vector<16xf32>,
    tpu.vector_store %arg11[%swap3A_186], %broadcast_in_dim3A_4 {strides = array<i32>} : memref<1040xf32, #tpu.memory_space<vmem>>, vector<16xf32>,
    %swap3A_188 = arith.constant 368 : index
    %swap3A_189 = tpu.vector_load %arg11[%swap3A_188] {strides = array<i32>} : memref<1040xf32, #tpu.memory_space<vmem>>, vector<16xf32>,
    tpu.vector_store %arg11[%swap3A_188], %broadcast_in_dim3A_4 {strides = array<i32>} : memref<1040xf32, #tpu.memory_space<vmem>>, vector<16xf32>,
    %swap3A_190 = arith.constant 384 : index
    %swap3A_191 = tpu.vector_load %arg11[%swap3A_190] {strides = array<i32>} : memref<1040xf32, #tpu.memory_space<vmem>>, vector<16xf32>,
    tpu.vector_store %arg11[%swap3A_190], %broadcast_in_dim3A_4 {strides = array<i32>} : memref<1040xf32, #tpu.memory_space<vmem>>, vector<16xf32>,
    %swap3A_192 = arith.constant 400 : index
    %swap3A_193 = tpu.vector_load %arg11[%swap3A_192] {strides = array<i32>} : memref<1040xf32, #tpu.memory_space<vmem>>, vector<16xf32>,
    tpu.vector_store %arg11[%swap3A_192], %broadcast_in_dim3A_4 {strides = array<i32>} : memref<1040xf32, #tpu.memory_space<vmem>>, vector<16xf32>,
    %swap3A_194 = arith.constant 416 : index
    %swap3A_195 = tpu.vector_load %arg11[%swap3A_194] {strides = array<i32>} : memref<1040xf32, #tpu.memory_space<vmem>>, vector<16xf32>,
    tpu.vector_store %arg11[%swap3A_194], %broadcast_in_dim3A_4 {strides = array<i32>} : memref<1040xf32, #tpu.memory_space<vmem>>, vector<16xf32>,
    %swap3A_196 = arith.constant 432 : index
    %swap3A_197 = tpu.vector_load %arg11[%swap3A_196] {strides = array<i32>} : memref<1040xf32, #tpu.memory_space<vmem>>, vector<16xf32>,
    tpu.vector_store %arg11[%swap3A_196], %broadcast_in_dim3A_4 {strides = array<i32>} : memref<1040xf32, #tpu.memory_space<vmem>>, vector<16xf32>,
    %swap3A_198 = arith.constant 448 : index
    %swap3A_199 = tpu.vector_load %arg11[%swap3A_198] {strides = array<i32>} : memref<1040xf32, #tpu.memory_space<vmem>>, vector<16xf32>,
    tpu.vector_store %arg11[%swap3A_198], %broadcast_in_dim3A_4 {strides = array<i32>} : memref<1040xf32, #tpu.memory_space<vmem>>, vector<16xf32>,
    %swap3A_200 = arith.constant 464 : index
    %swap3A_201 = tpu.vector_load %arg11[%swap3A_200] {strides = array<i32>} : memref<1040xf32, #tpu.memory_space<vmem>>, vector<16xf32>,
    tpu.vector_store %arg11[%swap3A_200], %broadcast_in_dim3A_4 {strides = array<i32>} : memref<1040xf32, #tpu.memory_space<vmem>>, vector<16xf32>,
    %swap3A_202 = arith.constant 480 : index
    %swap3A_203 = tpu.vector_load %arg11[%swap3A_202] {strides = array<i32>} : memref<1040xf32, #tpu.memory_space<vmem>>, vector<16xf32>,
    tpu.vector_store %arg11[%swap3A_202], %broadcast_in_dim3A_4 {strides = array<i32>} : memref<1040xf32, #tpu.memory_space<vmem>>, vector<16xf32>,
    %swap3A_204 = arith.constant 496 : index
    %swap3A_205 = tpu.vector_load %arg11[%swap3A_204] {strides = array<i32>} : memref<1040xf32, #tpu.memory_space<vmem>>, vector<16xf32>,
    tpu.vector_store %arg11[%swap3A_204], %broadcast_in_dim3A_4 {strides = array<i32>} : memref<1040xf32, #tpu.memory_space<vmem>>, vector<16xf32>,
    %swap3A_206 = arith.constant 512 : index
    %swap3A_207 = tpu.vector_load %arg11[%swap3A_206] {strides = array<i32>} : memref<1040xf32, #tpu.memory_space<vmem>>, vector<16xf32>,
    tpu.vector_store %arg11[%swap3A_206], %broadcast_in_dim3A_4 {strides = array<i32>} : memref<1040xf32, #tpu.memory_space<vmem>>, vector<16xf32>,
    %swap3A_208 = arith.constant 528 : index
    %swap3A_209 = tpu.vector_load %arg11[%swap3A_208] {strides = array<i32>} : memref<1040xf32, #tpu.memory_space<vmem>>, vector<16xf32>,
    tpu.vector_store %arg11[%swap3A_208], %broadcast_in_dim3A_4 {strides = array<i32>} : memref<1040xf32, #tpu.memory_space<vmem>>, vector<16xf32>,
    %swap3A_210 = arith.constant 544 : index
    %swap3A_211 = tpu.vector_load %arg11[%swap3A_210] {strides = array<i32>} : memref<1040xf32, #tpu.memory_space<vmem>>, vector<16xf32>,
    tpu.vector_store %arg11[%swap3A_210], %broadcast_in_dim3A_4 {strides = array<i32>} : memref<1040xf32, #tpu.memory_space<vmem>>, vector<16xf32>,
    %swap3A_212 = arith.constant 560 : index
    %swap3A_213 = tpu.vector_load %arg11[%swap3A_212] {strides = array<i32>} : memref<1040xf32, #tpu.memory_space<vmem>>, vector<16xf32>,
    tpu.vector_store %arg11[%swap3A_212], %broadcast_in_dim3A_4 {strides = array<i32>} : memref<1040xf32, #tpu.memory_space<vmem>>, vector<16xf32>,
    %swap3A_214 = arith.constant 576 : index
    %swap3A_215 = tpu.vector_load %arg11[%swap3A_214] {strides = array<i32>} : memref<1040xf32, #tpu.memory_space<vmem>>, vector<16xf32>,
    tpu.vector_store %arg11[%swap3A_214], %broadcast_in_dim3A_4 {strides = array<i32>} : memref<1040xf32, #tpu.memory_space<vmem>>, vector<16xf32>,
    %swap3A_216 = arith.constant 592 : index
    %swap3A_217 = tpu.vector_load %arg11[%swap3A_216] {strides = array<i32>} : memref<1040xf32, #tpu.memory_space<vmem>>, vector<16xf32>,
    tpu.vector_store %arg11[%swap3A_216], %broadcast_in_dim3A_4 {strides = array<i32>} : memref<1040xf32, #tpu.memory_space<vmem>>, vector<16xf32>,
    %swap3A_218 = arith.constant 608 : index
    %swap3A_219 = tpu.vector_load %arg11[%swap3A_218] {strides = array<i32>} : memref<1040xf32, #tpu.memory_space<vmem>>, vector<16xf32>,
    tpu.vector_store %arg11[%swap3A_218], %broadcast_in_dim3A_4 {strides = array<i32>} : memref<1040xf32, #tpu.memory_space<vmem>>, vector<16xf32>,
    %swap3A_220 = arith.constant 624 : index
    %swap3A_221 = tpu.vector_load %arg11[%swap3A_220] {strides = array<i32>} : memref<1040xf32, #tpu.memory_space<vmem>>, vector<16xf32>,
    tpu.vector_store %arg11[%swap3A_220], %broadcast_in_dim3A_4 {strides = array<i32>} : memref<1040xf32, #tpu.memory_space<vmem>>, vector<16xf32>,
    %swap3A_222 = arith.constant 640 : index
    %swap3A_223 = tpu.vector_load %arg11[%swap3A_222] {strides = array<i32>} : memref<1040xf32, #tpu.memory_space<vmem>>, vector<16xf32>,
    tpu.vector_store %arg11[%swap3A_222], %broadcast_in_dim3A_4 {strides = array<i32>} : memref<1040xf32, #tpu.memory_space<vmem>>, vector<16xf32>,
    %swap3A_224 = arith.constant 656 : index
    %swap3A_225 = tpu.vector_load %arg11[%swap3A_224] {strides = array<i32>} : memref<1040xf32, #tpu.memory_space<vmem>>, vector<16xf32>,
    tpu.vector_store %arg11[%swap3A_224], %broadcast_in_dim3A_4 {strides = array<i32>} : memref<1040xf32, #tpu.memory_space<vmem>>, vector<16xf32>,
    %swap3A_226 = arith.constant 672 : index
    %swap3A_227 = tpu.vector_load %arg11[%swap3A_226] {strides = array<i32>} : memref<1040xf32, #tpu.memory_space<vmem>>, vector<16xf32>,
    tpu.vector_store %arg11[%swap3A_226], %broadcast_in_dim3A_4 {strides = array<i32>} : memref<1040xf32, #tpu.memory_space<vmem>>, vector<16xf32>,
    %swap3A_228 = arith.constant 688 : index
    %swap3A_229 = tpu.vector_load %arg11[%swap3A_228] {strides = array<i32>} : memref<1040xf32, #tpu.memory_space<vmem>>, vector<16xf32>,
    tpu.vector_store %arg11[%swap3A_228], %broadcast_in_dim3A_4 {strides = array<i32>} : memref<1040xf32, #tpu.memory_space<vmem>>, vector<16xf32>,
    %swap3A_230 = arith.constant 704 : index
    %swap3A_231 = tpu.vector_load %arg11[%swap3A_230] {strides = array<i32>} : memref<1040xf32, #tpu.memory_space<vmem>>, vector<16xf32>,
    tpu.vector_store %arg11[%swap3A_230], %broadcast_in_dim3A_4 {strides = array<i32>} : memref<1040xf32, #tpu.memory_space<vmem>>, vector<16xf32>,
    %swap3A_232 = arith.constant 720 : index
    %swap3A_233 = tpu.vector_load %arg11[%swap3A_232] {strides = array<i32>} : memref<1040xf32, #tpu.memory_space<vmem>>, vector<16xf32>,
    tpu.vector_store %arg11[%swap3A_232], %broadcast_in_dim3A_4 {strides = array<i32>} : memref<1040xf32, #tpu.memory_space<vmem>>, vector<16xf32>,
    %swap3A_234 = arith.constant 736 : index
    %swap3A_235 = tpu.vector_load %arg11[%swap3A_234] {strides = array<i32>} : memref<1040xf32, #tpu.memory_space<vmem>>, vector<16xf32>,
    tpu.vector_store %arg11[%swap3A_234], %broadcast_in_dim3A_4 {strides = array<i32>} : memref<1040xf32, #tpu.memory_space<vmem>>, vector<16xf32>,
    %swap3A_236 = arith.constant 752 : index
    %swap3A_237 = tpu.vector_load %arg11[%swap3A_236] {strides = array<i32>} : memref<1040xf32, #tpu.memory_space<vmem>>, vector<16xf32>,
    tpu.vector_store %arg11[%swap3A_236], %broadcast_in_dim3A_4 {strides = array<i32>} : memref<1040xf32, #tpu.memory_space<vmem>>, vector<16xf32>,
    %swap3A_238 = arith.constant 768 : index
    %swap3A_239 = tpu.vector_load %arg11[%swap3A_238] {strides = array<i32>} : memref<1040xf32, #tpu.memory_space<vmem>>, vector<16xf32>,
    tpu.vector_store %arg11[%swap3A_238], %broadcast_in_dim3A_4 {strides = array<i32>} : memref<1040xf32, #tpu.memory_space<vmem>>, vector<16xf32>,
    %swap3A_240 = arith.constant 784 : index
    %swap3A_241 = tpu.vector_load %arg11[%swap3A_240] {strides = array<i32>} : memref<1040xf32, #tpu.memory_space<vmem>>, vector<16xf32>,
    tpu.vector_store %arg11[%swap3A_240], %broadcast_in_dim3A_4 {strides = array<i32>} : memref<1040xf32, #tpu.memory_space<vmem>>, vector<16xf32>,
    %swap3A_242 = arith.constant 800 : index
    %swap3A_243 = tpu.vector_load %arg11[%swap3A_242] {strides = array<i32>} : memref<1040xf32, #tpu.memory_space<vmem>>, vector<16xf32>,
    tpu.vector_store %arg11[%swap3A_242], %broadcast_in_dim3A_4 {strides = array<i32>} : memref<1040xf32, #tpu.memory_space<vmem>>, vector<16xf32>,
    %swap3A_244 = arith.constant 816 : index
    %swap3A_245 = tpu.vector_load %arg11[%swap3A_244] {strides = array<i32>} : memref<1040xf32, #tpu.memory_space<vmem>>, vector<16xf32>,
    tpu.vector_store %arg11[%swap3A_244], %broadcast_in_dim3A_4 {strides = array<i32>} : memref<1040xf32, #tpu.memory_space<vmem>>, vector<16xf32>,
    %swap3A_246 = arith.constant 832 : index
    %swap3A_247 = tpu.vector_load %arg11[%swap3A_246] {strides = array<i32>} : memref<1040xf32, #tpu.memory_space<vmem>>, vector<16xf32>,
    tpu.vector_store %arg11[%swap3A_246], %broadcast_in_dim3A_4 {strides = array<i32>} : memref<1040xf32, #tpu.memory_space<vmem>>, vector<16xf32>,
    %swap3A_248 = arith.constant 848 : index
    %swap3A_249 = tpu.vector_load %arg11[%swap3A_248] {strides = array<i32>} : memref<1040xf32, #tpu.memory_space<vmem>>, vector<16xf32>,
    tpu.vector_store %arg11[%swap3A_248], %broadcast_in_dim3A_4 {strides = array<i32>} : memref<1040xf32, #tpu.memory_space<vmem>>, vector<16xf32>,
    %swap3A_250 = arith.constant 864 : index
    %swap3A_251 = tpu.vector_load %arg11[%swap3A_250] {strides = array<i32>} : memref<1040xf32, #tpu.memory_space<vmem>>, vector<16xf32>,
    tpu.vector_store %arg11[%swap3A_250], %broadcast_in_dim3A_4 {strides = array<i32>} : memref<1040xf32, #tpu.memory_space<vmem>>, vector<16xf32>,
    %swap3A_252 = arith.constant 880 : index
    %swap3A_253 = tpu.vector_load %arg11[%swap3A_252] {strides = array<i32>} : memref<1040xf32, #tpu.memory_space<vmem>>, vector<16xf32>,
    tpu.vector_store %arg11[%swap3A_252], %broadcast_in_dim3A_4 {strides = array<i32>} : memref<1040xf32, #tpu.memory_space<vmem>>, vector<16xf32>,
    %swap3A_254 = arith.constant 896 : index
    %swap3A_255 = tpu.vector_load %arg11[%swap3A_254] {strides = array<i32>} : memref<1040xf32, #tpu.memory_space<vmem>>, vector<16xf32>,
    tpu.vector_store %arg11[%swap3A_254], %broadcast_in_dim3A_4 {strides = array<i32>} : memref<1040xf32, #tpu.memory_space<vmem>>, vector<16xf32>,
    %swap3A_256 = arith.constant 912 : index
    %swap3A_257 = tpu.vector_load %arg11[%swap3A_256] {strides = array<i32>} : memref<1040xf32, #tpu.memory_space<vmem>>, vector<16xf32>,
    tpu.vector_store %arg11[%swap3A_256], %broadcast_in_dim3A_4 {strides = array<i32>} : memref<1040xf32, #tpu.memory_space<vmem>>, vector<16xf32>,
    %swap3A_258 = arith.constant 928 : index
    %swap3A_259 = tpu.vector_load %arg11[%swap3A_258] {strides = array<i32>} : memref<1040xf32, #tpu.memory_space<vmem>>, vector<16xf32>,
    tpu.vector_store %arg11[%swap3A_258], %broadcast_in_dim3A_4 {strides = array<i32>} : memref<1040xf32, #tpu.memory_space<vmem>>, vector<16xf32>,
    %swap3A_260 = arith.constant 944 : index
    %swap3A_261 = tpu.vector_load %arg11[%swap3A_260] {strides = array<i32>} : memref<1040xf32, #tpu.memory_space<vmem>>, vector<16xf32>,
    tpu.vector_store %arg11[%swap3A_260], %broadcast_in_dim3A_4 {strides = array<i32>} : memref<1040xf32, #tpu.memory_space<vmem>>, vector<16xf32>,
    %swap3A_262 = arith.constant 960 : index
    %swap3A_263 = tpu.vector_load %arg11[%swap3A_262] {strides = array<i32>} : memref<1040xf32, #tpu.memory_space<vmem>>, vector<16xf32>,
    tpu.vector_store %arg11[%swap3A_262], %broadcast_in_dim3A_4 {strides = array<i32>} : memref<1040xf32, #tpu.memory_space<vmem>>, vector<16xf32>,
    %swap3A_264 = arith.constant 976 : index
    %swap3A_265 = tpu.vector_load %arg11[%swap3A_264] {strides = array<i32>} : memref<1040xf32, #tpu.memory_space<vmem>>, vector<16xf32>,
    tpu.vector_store %arg11[%swap3A_264], %broadcast_in_dim3A_4 {strides = array<i32>} : memref<1040xf32, #tpu.memory_space<vmem>>, vector<16xf32>,
    %swap3A_266 = arith.constant 992 : index
    %swap3A_267 = tpu.vector_load %arg11[%swap3A_266] {strides = array<i32>} : memref<1040xf32, #tpu.memory_space<vmem>>, vector<16xf32>,
    tpu.vector_store %arg11[%swap3A_266], %broadcast_in_dim3A_4 {strides = array<i32>} : memref<1040xf32, #tpu.memory_space<vmem>>, vector<16xf32>,
    %swap3A_268 = arith.constant 1008 : index
    %swap3A_269 = tpu.vector_load %arg11[%swap3A_268] {strides = array<i32>} : memref<1040xf32, #tpu.memory_space<vmem>>, vector<16xf32>,
    tpu.vector_store %arg11[%swap3A_268], %broadcast_in_dim3A_4 {strides = array<i32>} : memref<1040xf32, #tpu.memory_space<vmem>>, vector<16xf32>,
    %swap3A_270 = arith.constant 1024 : index
    %swap3A_271 = tpu.vector_load %arg11[%swap3A_270] {strides = array<i32>} : memref<1040xf32, #tpu.memory_space<vmem>>, vector<16xf32>,
    tpu.vector_store %arg11[%swap3A_270], %broadcast_in_dim3A_4 {strides = array<i32>} : memref<1040xf32, #tpu.memory_space<vmem>>, vector<16xf32>,
    %swap3A_272 = arith.constant 0 : index
    %swap3A_273 = tpu.vector_load %arg12[%swap3A_272] {strides = array<i32>} : memref<1040xf32, #tpu.memory_space<vmem>>, vector<16xf32>,
    tpu.vector_store %arg12[%swap3A_272], %broadcast_in_dim3A_4 {strides = array<i32>} : memref<1040xf32, #tpu.memory_space<vmem>>, vector<16xf32>,
    %swap3A_274 = arith.constant 16 : index
    %swap3A_275 = tpu.vector_load %arg12[%swap3A_274] {strides = array<i32>} : memref<1040xf32, #tpu.memory_space<vmem>>, vector<16xf32>,
    tpu.vector_store %arg12[%swap3A_274], %broadcast_in_dim3A_4 {strides = array<i32>} : memref<1040xf32, #tpu.memory_space<vmem>>, vector<16xf32>,
    %swap3A_276 = arith.constant 32 : index
    %swap3A_277 = tpu.vector_load %arg12[%swap3A_276] {strides = array<i32>} : memref<1040xf32, #tpu.memory_space<vmem>>, vector<16xf32>,
    tpu.vector_store %arg12[%swap3A_276], %broadcast_in_dim3A_4 {strides = array<i32>} : memref<1040xf32, #tpu.memory_space<vmem>>, vector<16xf32>,
    %swap3A_278 = arith.constant 48 : index
    %swap3A_279 = tpu.vector_load %arg12[%swap3A_278] {strides = array<i32>} : memref<1040xf32, #tpu.memory_space<vmem>>, vector<16xf32>,
    tpu.vector_store %arg12[%swap3A_278], %broadcast_in_dim3A_4 {strides = array<i32>} : memref<1040xf32, #tpu.memory_space<vmem>>, vector<16xf32>,
    %swap3A_280 = arith.constant 64 : index
    %swap3A_281 = tpu.vector_load %arg12[%swap3A_280] {strides = array<i32>} : memref<1040xf32, #tpu.memory_space<vmem>>, vector<16xf32>,
    tpu.vector_store %arg12[%swap3A_280], %broadcast_in_dim3A_4 {strides = array<i32>} : memref<1040xf32, #tpu.memory_space<vmem>>, vector<16xf32>,
    %swap3A_282 = arith.constant 80 : index
    %swap3A_283 = tpu.vector_load %arg12[%swap3A_282] {strides = array<i32>} : memref<1040xf32, #tpu.memory_space<vmem>>, vector<16xf32>,
    tpu.vector_store %arg12[%swap3A_282], %broadcast_in_dim3A_4 {strides = array<i32>} : memref<1040xf32, #tpu.memory_space<vmem>>, vector<16xf32>,
    %swap3A_284 = arith.constant 96 : index
    %swap3A_285 = tpu.vector_load %arg12[%swap3A_284] {strides = array<i32>} : memref<1040xf32, #tpu.memory_space<vmem>>, vector<16xf32>,
    tpu.vector_store %arg12[%swap3A_284], %broadcast_in_dim3A_4 {strides = array<i32>} : memref<1040xf32, #tpu.memory_space<vmem>>, vector<16xf32>,
    %swap3A_286 = arith.constant 112 : index
    %swap3A_287 = tpu.vector_load %arg12[%swap3A_286] {strides = array<i32>} : memref<1040xf32, #tpu.memory_space<vmem>>, vector<16xf32>,
    tpu.vector_store %arg12[%swap3A_286], %broadcast_in_dim3A_4 {strides = array<i32>} : memref<1040xf32, #tpu.memory_space<vmem>>, vector<16xf32>,
    %swap3A_288 = arith.constant 128 : index
    %swap3A_289 = tpu.vector_load %arg12[%swap3A_288] {strides = array<i32>} : memref<1040xf32, #tpu.memory_space<vmem>>, vector<16xf32>,
    tpu.vector_store %arg12[%swap3A_288], %broadcast_in_dim3A_4 {strides = array<i32>} : memref<1040xf32, #tpu.memory_space<vmem>>, vector<16xf32>,
    %swap3A_290 = arith.constant 144 : index
    %swap3A_291 = tpu.vector_load %arg12[%swap3A_290] {strides = array<i32>} : memref<1040xf32, #tpu.memory_space<vmem>>, vector<16xf32>,
    tpu.vector_store %arg12[%swap3A_290], %broadcast_in_dim3A_4 {strides = array<i32>} : memref<1040xf32, #tpu.memory_space<vmem>>, vector<16xf32>,
    %swap3A_292 = arith.constant 160 : index
    %swap3A_293 = tpu.vector_load %arg12[%swap3A_292] {strides = array<i32>} : memref<1040xf32, #tpu.memory_space<vmem>>, vector<16xf32>,
    tpu.vector_store %arg12[%swap3A_292], %broadcast_in_dim3A_4 {strides = array<i32>} : memref<1040xf32, #tpu.memory_space<vmem>>, vector<16xf32>,
    %swap3A_294 = arith.constant 176 : index
    %swap3A_295 = tpu.vector_load %arg12[%swap3A_294] {strides = array<i32>} : memref<1040xf32, #tpu.memory_space<vmem>>, vector<16xf32>,
    tpu.vector_store %arg12[%swap3A_294], %broadcast_in_dim3A_4 {strides = array<i32>} : memref<1040xf32, #tpu.memory_space<vmem>>, vector<16xf32>,
    %swap3A_296 = arith.constant 192 : index
    %swap3A_297 = tpu.vector_load %arg12[%swap3A_296] {strides = array<i32>} : memref<1040xf32, #tpu.memory_space<vmem>>, vector<16xf32>,
    tpu.vector_store %arg12[%swap3A_296], %broadcast_in_dim3A_4 {strides = array<i32>} : memref<1040xf32, #tpu.memory_space<vmem>>, vector<16xf32>,
    %swap3A_298 = arith.constant 208 : index
    %swap3A_299 = tpu.vector_load %arg12[%swap3A_298] {strides = array<i32>} : memref<1040xf32, #tpu.memory_space<vmem>>, vector<16xf32>,
    tpu.vector_store %arg12[%swap3A_298], %broadcast_in_dim3A_4 {strides = array<i32>} : memref<1040xf32, #tpu.memory_space<vmem>>, vector<16xf32>,
    %swap3A_300 = arith.constant 224 : index
    %swap3A_301 = tpu.vector_load %arg12[%swap3A_300] {strides = array<i32>} : memref<1040xf32, #tpu.memory_space<vmem>>, vector<16xf32>,
    tpu.vector_store %arg12[%swap3A_300], %broadcast_in_dim3A_4 {strides = array<i32>} : memref<1040xf32, #tpu.memory_space<vmem>>, vector<16xf32>,
    %swap3A_302 = arith.constant 240 : index
    %swap3A_303 = tpu.vector_load %arg12[%swap3A_302] {strides = array<i32>} : memref<1040xf32, #tpu.memory_space<vmem>>, vector<16xf32>,
    tpu.vector_store %arg12[%swap3A_302], %broadcast_in_dim3A_4 {strides = array<i32>} : memref<1040xf32, #tpu.memory_space<vmem>>, vector<16xf32>,
    %swap3A_304 = arith.constant 256 : index
    %swap3A_305 = tpu.vector_load %arg12[%swap3A_304] {strides = array<i32>} : memref<1040xf32, #tpu.memory_space<vmem>>, vector<16xf32>,
    tpu.vector_store %arg12[%swap3A_304], %broadcast_in_dim3A_4 {strides = array<i32>} : memref<1040xf32, #tpu.memory_space<vmem>>, vector<16xf32>,
    %swap3A_306 = arith.constant 272 : index
    %swap3A_307 = tpu.vector_load %arg12[%swap3A_306] {strides = array<i32>} : memref<1040xf32, #tpu.memory_space<vmem>>, vector<16xf32>,
    tpu.vector_store %arg12[%swap3A_306], %broadcast_in_dim3A_4 {strides = array<i32>} : memref<1040xf32, #tpu.memory_space<vmem>>, vector<16xf32>,
    %swap3A_308 = arith.constant 288 : index
    %swap3A_309 = tpu.vector_load %arg12[%swap3A_308] {strides = array<i32>} : memref<1040xf32, #tpu.memory_space<vmem>>, vector<16xf32>,
    tpu.vector_store %arg12[%swap3A_308], %broadcast_in_dim3A_4 {strides = array<i32>} : memref<1040xf32, #tpu.memory_space<vmem>>, vector<16xf32>,
    %swap3A_310 = arith.constant 304 : index
    %swap3A_311 = tpu.vector_load %arg12[%swap3A_310] {strides = array<i32>} : memref<1040xf32, #tpu.memory_space<vmem>>, vector<16xf32>,
    tpu.vector_store %arg12[%swap3A_310], %broadcast_in_dim3A_4 {strides = array<i32>} : memref<1040xf32, #tpu.memory_space<vmem>>, vector<16xf32>,
    %swap3A_312 = arith.constant 320 : index
    %swap3A_313 = tpu.vector_load %arg12[%swap3A_312] {strides = array<i32>} : memref<1040xf32, #tpu.memory_space<vmem>>, vector<16xf32>,
    tpu.vector_store %arg12[%swap3A_312], %broadcast_in_dim3A_4 {strides = array<i32>} : memref<1040xf32, #tpu.memory_space<vmem>>, vector<16xf32>,
    %swap3A_314 = arith.constant 336 : index
    %swap3A_315 = tpu.vector_load %arg12[%swap3A_314] {strides = array<i32>} : memref<1040xf32, #tpu.memory_space<vmem>>, vector<16xf32>,
    tpu.vector_store %arg12[%swap3A_314], %broadcast_in_dim3A_4 {strides = array<i32>} : memref<1040xf32, #tpu.memory_space<vmem>>, vector<16xf32>,
    %swap3A_316 = arith.constant 352 : index
    %swap3A_317 = tpu.vector_load %arg12[%swap3A_316] {strides = array<i32>} : memref<1040xf32, #tpu.memory_space<vmem>>, vector<16xf32>,
    tpu.vector_store %arg12[%swap3A_316], %broadcast_in_dim3A_4 {strides = array<i32>} : memref<1040xf32, #tpu.memory_space<vmem>>, vector<16xf32>,
    %swap3A_318 = arith.constant 368 : index
    %swap3A_319 = tpu.vector_load %arg12[%swap3A_318] {strides = array<i32>} : memref<1040xf32, #tpu.memory_space<vmem>>, vector<16xf32>,
    tpu.vector_store %arg12[%swap3A_318], %broadcast_in_dim3A_4 {strides = array<i32>} : memref<1040xf32, #tpu.memory_space<vmem>>, vector<16xf32>,
    %swap3A_320 = arith.constant 384 : index
    %swap3A_321 = tpu.vector_load %arg12[%swap3A_320] {strides = array<i32>} : memref<1040xf32, #tpu.memory_space<vmem>>, vector<16xf32>,
    tpu.vector_store %arg12[%swap3A_320], %broadcast_in_dim3A_4 {strides = array<i32>} : memref<1040xf32, #tpu.memory_space<vmem>>, vector<16xf32>,
    %swap3A_322 = arith.constant 400 : index
    %swap3A_323 = tpu.vector_load %arg12[%swap3A_322] {strides = array<i32>} : memref<1040xf32, #tpu.memory_space<vmem>>, vector<16xf32>,
    tpu.vector_store %arg12[%swap3A_322], %broadcast_in_dim3A_4 {strides = array<i32>} : memref<1040xf32, #tpu.memory_space<vmem>>, vector<16xf32>,
    %swap3A_324 = arith.constant 416 : index
    %swap3A_325 = tpu.vector_load %arg12[%swap3A_324] {strides = array<i32>} : memref<1040xf32, #tpu.memory_space<vmem>>, vector<16xf32>,
    tpu.vector_store %arg12[%swap3A_324], %broadcast_in_dim3A_4 {strides = array<i32>} : memref<1040xf32, #tpu.memory_space<vmem>>, vector<16xf32>,
    %swap3A_326 = arith.constant 432 : index
    %swap3A_327 = tpu.vector_load %arg12[%swap3A_326] {strides = array<i32>} : memref<1040xf32, #tpu.memory_space<vmem>>, vector<16xf32>,
    tpu.vector_store %arg12[%swap3A_326], %broadcast_in_dim3A_4 {strides = array<i32>} : memref<1040xf32, #tpu.memory_space<vmem>>, vector<16xf32>,
    %swap3A_328 = arith.constant 448 : index
    %swap3A_329 = tpu.vector_load %arg12[%swap3A_328] {strides = array<i32>} : memref<1040xf32, #tpu.memory_space<vmem>>, vector<16xf32>,
    tpu.vector_store %arg12[%swap3A_328], %broadcast_in_dim3A_4 {strides = array<i32>} : memref<1040xf32, #tpu.memory_space<vmem>>, vector<16xf32>,
    %swap3A_330 = arith.constant 464 : index
    %swap3A_331 = tpu.vector_load %arg12[%swap3A_330] {strides = array<i32>} : memref<1040xf32, #tpu.memory_space<vmem>>, vector<16xf32>,
    tpu.vector_store %arg12[%swap3A_330], %broadcast_in_dim3A_4 {strides = array<i32>} : memref<1040xf32, #tpu.memory_space<vmem>>, vector<16xf32>,
    %swap3A_332 = arith.constant 480 : index
    %swap3A_333 = tpu.vector_load %arg12[%swap3A_332] {strides = array<i32>} : memref<1040xf32, #tpu.memory_space<vmem>>, vector<16xf32>,
    tpu.vector_store %arg12[%swap3A_332], %broadcast_in_dim3A_4 {strides = array<i32>} : memref<1040xf32, #tpu.memory_space<vmem>>, vector<16xf32>,
    %swap3A_334 = arith.constant 496 : index
    %swap3A_335 = tpu.vector_load %arg12[%swap3A_334] {strides = array<i32>} : memref<1040xf32, #tpu.memory_space<vmem>>, vector<16xf32>,
    tpu.vector_store %arg12[%swap3A_334], %broadcast_in_dim3A_4 {strides = array<i32>} : memref<1040xf32, #tpu.memory_space<vmem>>, vector<16xf32>,
    %swap3A_336 = arith.constant 512 : index
    %swap3A_337 = tpu.vector_load %arg12[%swap3A_336] {strides = array<i32>} : memref<1040xf32, #tpu.memory_space<vmem>>, vector<16xf32>,
    tpu.vector_store %arg12[%swap3A_336], %broadcast_in_dim3A_4 {strides = array<i32>} : memref<1040xf32, #tpu.memory_space<vmem>>, vector<16xf32>,
    %swap3A_338 = arith.constant 528 : index
    %swap3A_339 = tpu.vector_load %arg12[%swap3A_338] {strides = array<i32>} : memref<1040xf32, #tpu.memory_space<vmem>>, vector<16xf32>,
    tpu.vector_store %arg12[%swap3A_338], %broadcast_in_dim3A_4 {strides = array<i32>} : memref<1040xf32, #tpu.memory_space<vmem>>, vector<16xf32>,
    %swap3A_340 = arith.constant 544 : index
    %swap3A_341 = tpu.vector_load %arg12[%swap3A_340] {strides = array<i32>} : memref<1040xf32, #tpu.memory_space<vmem>>, vector<16xf32>,
    tpu.vector_store %arg12[%swap3A_340], %broadcast_in_dim3A_4 {strides = array<i32>} : memref<1040xf32, #tpu.memory_space<vmem>>, vector<16xf32>,
    %swap3A_342 = arith.constant 560 : index
    %swap3A_343 = tpu.vector_load %arg12[%swap3A_342] {strides = array<i32>} : memref<1040xf32, #tpu.memory_space<vmem>>, vector<16xf32>,
    tpu.vector_store %arg12[%swap3A_342], %broadcast_in_dim3A_4 {strides = array<i32>} : memref<1040xf32, #tpu.memory_space<vmem>>, vector<16xf32>,
    %swap3A_344 = arith.constant 576 : index
    %swap3A_345 = tpu.vector_load %arg12[%swap3A_344] {strides = array<i32>} : memref<1040xf32, #tpu.memory_space<vmem>>, vector<16xf32>,
    tpu.vector_store %arg12[%swap3A_344], %broadcast_in_dim3A_4 {strides = array<i32>} : memref<1040xf32, #tpu.memory_space<vmem>>, vector<16xf32>,
    %swap3A_346 = arith.constant 592 : index
    %swap3A_347 = tpu.vector_load %arg12[%swap3A_346] {strides = array<i32>} : memref<1040xf32, #tpu.memory_space<vmem>>, vector<16xf32>,
    tpu.vector_store %arg12[%swap3A_346], %broadcast_in_dim3A_4 {strides = array<i32>} : memref<1040xf32, #tpu.memory_space<vmem>>, vector<16xf32>,
    %swap3A_348 = arith.constant 608 : index
    %swap3A_349 = tpu.vector_load %arg12[%swap3A_348] {strides = array<i32>} : memref<1040xf32, #tpu.memory_space<vmem>>, vector<16xf32>,
    tpu.vector_store %arg12[%swap3A_348], %broadcast_in_dim3A_4 {strides = array<i32>} : memref<1040xf32, #tpu.memory_space<vmem>>, vector<16xf32>,
    %swap3A_350 = arith.constant 624 : index
    %swap3A_351 = tpu.vector_load %arg12[%swap3A_350] {strides = array<i32>} : memref<1040xf32, #tpu.memory_space<vmem>>, vector<16xf32>,
    tpu.vector_store %arg12[%swap3A_350], %broadcast_in_dim3A_4 {strides = array<i32>} : memref<1040xf32, #tpu.memory_space<vmem>>, vector<16xf32>,
    %swap3A_352 = arith.constant 640 : index
    %swap3A_353 = tpu.vector_load %arg12[%swap3A_352] {strides = array<i32>} : memref<1040xf32, #tpu.memory_space<vmem>>, vector<16xf32>,
    tpu.vector_store %arg12[%swap3A_352], %broadcast_in_dim3A_4 {strides = array<i32>} : memref<1040xf32, #tpu.memory_space<vmem>>, vector<16xf32>,
    %swap3A_354 = arith.constant 656 : index
    %swap3A_355 = tpu.vector_load %arg12[%swap3A_354] {strides = array<i32>} : memref<1040xf32, #tpu.memory_space<vmem>>, vector<16xf32>,
    tpu.vector_store %arg12[%swap3A_354], %broadcast_in_dim3A_4 {strides = array<i32>} : memref<1040xf32, #tpu.memory_space<vmem>>, vector<16xf32>,
    %swap3A_356 = arith.constant 672 : index
    %swap3A_357 = tpu.vector_load %arg12[%swap3A_356] {strides = array<i32>} : memref<1040xf32, #tpu.memory_space<vmem>>, vector<16xf32>,
    tpu.vector_store %arg12[%swap3A_356], %broadcast_in_dim3A_4 {strides = array<i32>} : memref<1040xf32, #tpu.memory_space<vmem>>, vector<16xf32>,
    %swap3A_358 = arith.constant 688 : index
    %swap3A_359 = tpu.vector_load %arg12[%swap3A_358] {strides = array<i32>} : memref<1040xf32, #tpu.memory_space<vmem>>, vector<16xf32>,
    tpu.vector_store %arg12[%swap3A_358], %broadcast_in_dim3A_4 {strides = array<i32>} : memref<1040xf32, #tpu.memory_space<vmem>>, vector<16xf32>,
    %swap3A_360 = arith.constant 704 : index
    %swap3A_361 = tpu.vector_load %arg12[%swap3A_360] {strides = array<i32>} : memref<1040xf32, #tpu.memory_space<vmem>>, vector<16xf32>,
    tpu.vector_store %arg12[%swap3A_360], %broadcast_in_dim3A_4 {strides = array<i32>} : memref<1040xf32, #tpu.memory_space<vmem>>, vector<16xf32>,
    %swap3A_362 = arith.constant 720 : index
    %swap3A_363 = tpu.vector_load %arg12[%swap3A_362] {strides = array<i32>} : memref<1040xf32, #tpu.memory_space<vmem>>, vector<16xf32>,
    tpu.vector_store %arg12[%swap3A_362], %broadcast_in_dim3A_4 {strides = array<i32>} : memref<1040xf32, #tpu.memory_space<vmem>>, vector<16xf32>,
    %swap3A_364 = arith.constant 736 : index
    %swap3A_365 = tpu.vector_load %arg12[%swap3A_364] {strides = array<i32>} : memref<1040xf32, #tpu.memory_space<vmem>>, vector<16xf32>,
    tpu.vector_store %arg12[%swap3A_364], %broadcast_in_dim3A_4 {strides = array<i32>} : memref<1040xf32, #tpu.memory_space<vmem>>, vector<16xf32>,
    %swap3A_366 = arith.constant 752 : index
    %swap3A_367 = tpu.vector_load %arg12[%swap3A_366] {strides = array<i32>} : memref<1040xf32, #tpu.memory_space<vmem>>, vector<16xf32>,
    tpu.vector_store %arg12[%swap3A_366], %broadcast_in_dim3A_4 {strides = array<i32>} : memref<1040xf32, #tpu.memory_space<vmem>>, vector<16xf32>,
    %swap3A_368 = arith.constant 768 : index
    %swap3A_369 = tpu.vector_load %arg12[%swap3A_368] {strides = array<i32>} : memref<1040xf32, #tpu.memory_space<vmem>>, vector<16xf32>,
    tpu.vector_store %arg12[%swap3A_368], %broadcast_in_dim3A_4 {strides = array<i32>} : memref<1040xf32, #tpu.memory_space<vmem>>, vector<16xf32>,
    %swap3A_370 = arith.constant 784 : index
    %swap3A_371 = tpu.vector_load %arg12[%swap3A_370] {strides = array<i32>} : memref<1040xf32, #tpu.memory_space<vmem>>, vector<16xf32>,
    tpu.vector_store %arg12[%swap3A_370], %broadcast_in_dim3A_4 {strides = array<i32>} : memref<1040xf32, #tpu.memory_space<vmem>>, vector<16xf32>,
    %swap3A_372 = arith.constant 800 : index
    %swap3A_373 = tpu.vector_load %arg12[%swap3A_372] {strides = array<i32>} : memref<1040xf32, #tpu.memory_space<vmem>>, vector<16xf32>,
    tpu.vector_store %arg12[%swap3A_372], %broadcast_in_dim3A_4 {strides = array<i32>} : memref<1040xf32, #tpu.memory_space<vmem>>, vector<16xf32>,
    %swap3A_374 = arith.constant 816 : index
    %swap3A_375 = tpu.vector_load %arg12[%swap3A_374] {strides = array<i32>} : memref<1040xf32, #tpu.memory_space<vmem>>, vector<16xf32>,
    tpu.vector_store %arg12[%swap3A_374], %broadcast_in_dim3A_4 {strides = array<i32>} : memref<1040xf32, #tpu.memory_space<vmem>>, vector<16xf32>,
    %swap3A_376 = arith.constant 832 : index
    %swap3A_377 = tpu.vector_load %arg12[%swap3A_376] {strides = array<i32>} : memref<1040xf32, #tpu.memory_space<vmem>>, vector<16xf32>,
    tpu.vector_store %arg12[%swap3A_376], %broadcast_in_dim3A_4 {strides = array<i32>} : memref<1040xf32, #tpu.memory_space<vmem>>, vector<16xf32>,
    %swap3A_378 = arith.constant 848 : index
    %swap3A_379 = tpu.vector_load %arg12[%swap3A_378] {strides = array<i32>} : memref<1040xf32, #tpu.memory_space<vmem>>, vector<16xf32>,
    tpu.vector_store %arg12[%swap3A_378], %broadcast_in_dim3A_4 {strides = array<i32>} : memref<1040xf32, #tpu.memory_space<vmem>>, vector<16xf32>,
    %swap3A_380 = arith.constant 864 : index
    %swap3A_381 = tpu.vector_load %arg12[%swap3A_380] {strides = array<i32>} : memref<1040xf32, #tpu.memory_space<vmem>>, vector<16xf32>,
    tpu.vector_store %arg12[%swap3A_380], %broadcast_in_dim3A_4 {strides = array<i32>} : memref<1040xf32, #tpu.memory_space<vmem>>, vector<16xf32>,
    %swap3A_382 = arith.constant 880 : index
    %swap3A_383 = tpu.vector_load %arg12[%swap3A_382] {strides = array<i32>} : memref<1040xf32, #tpu.memory_space<vmem>>, vector<16xf32>,
    tpu.vector_store %arg12[%swap3A_382], %broadcast_in_dim3A_4 {strides = array<i32>} : memref<1040xf32, #tpu.memory_space<vmem>>, vector<16xf32>,
    %swap3A_384 = arith.constant 896 : index
    %swap3A_385 = tpu.vector_load %arg12[%swap3A_384] {strides = array<i32>} : memref<1040xf32, #tpu.memory_space<vmem>>, vector<16xf32>,
    tpu.vector_store %arg12[%swap3A_384], %broadcast_in_dim3A_4 {strides = array<i32>} : memref<1040xf32, #tpu.memory_space<vmem>>, vector<16xf32>,
    %swap3A_386 = arith.constant 912 : index
    %swap3A_387 = tpu.vector_load %arg12[%swap3A_386] {strides = array<i32>} : memref<1040xf32, #tpu.memory_space<vmem>>, vector<16xf32>,
    tpu.vector_store %arg12[%swap3A_386], %broadcast_in_dim3A_4 {strides = array<i32>} : memref<1040xf32, #tpu.memory_space<vmem>>, vector<16xf32>,
    %swap3A_388 = arith.constant 928 : index
    %swap3A_389 = tpu.vector_load %arg12[%swap3A_388] {strides = array<i32>} : memref<1040xf32, #tpu.memory_space<vmem>>, vector<16xf32>,
    tpu.vector_store %arg12[%swap3A_388], %broadcast_in_dim3A_4 {strides = array<i32>} : memref<1040xf32, #tpu.memory_space<vmem>>, vector<16xf32>,
    %swap3A_390 = arith.constant 944 : index
    %swap3A_391 = tpu.vector_load %arg12[%swap3A_390] {strides = array<i32>} : memref<1040xf32, #tpu.memory_space<vmem>>, vector<16xf32>,
    tpu.vector_store %arg12[%swap3A_390], %broadcast_in_dim3A_4 {strides = array<i32>} : memref<1040xf32, #tpu.memory_space<vmem>>, vector<16xf32>,
    %swap3A_392 = arith.constant 960 : index
    %swap3A_393 = tpu.vector_load %arg12[%swap3A_392] {strides = array<i32>} : memref<1040xf32, #tpu.memory_space<vmem>>, vector<16xf32>,
    tpu.vector_store %arg12[%swap3A_392], %broadcast_in_dim3A_4 {strides = array<i32>} : memref<1040xf32, #tpu.memory_space<vmem>>, vector<16xf32>,
    %swap3A_394 = arith.constant 976 : index
    %swap3A_395 = tpu.vector_load %arg12[%swap3A_394] {strides = array<i32>} : memref<1040xf32, #tpu.memory_space<vmem>>, vector<16xf32>,
    tpu.vector_store %arg12[%swap3A_394], %broadcast_in_dim3A_4 {strides = array<i32>} : memref<1040xf32, #tpu.memory_space<vmem>>, vector<16xf32>,
    %swap3A_396 = arith.constant 992 : index
    %swap3A_397 = tpu.vector_load %arg12[%swap3A_396] {strides = array<i32>} : memref<1040xf32, #tpu.memory_space<vmem>>, vector<16xf32>,
    tpu.vector_store %arg12[%swap3A_396], %broadcast_in_dim3A_4 {strides = array<i32>} : memref<1040xf32, #tpu.memory_space<vmem>>, vector<16xf32>,
    %swap3A_398 = arith.constant 1008 : index
    %swap3A_399 = tpu.vector_load %arg12[%swap3A_398] {strides = array<i32>} : memref<1040xf32, #tpu.memory_space<vmem>>, vector<16xf32>,
    tpu.vector_store %arg12[%swap3A_398], %broadcast_in_dim3A_4 {strides = array<i32>} : memref<1040xf32, #tpu.memory_space<vmem>>, vector<16xf32>,
    %swap3A_400 = arith.constant 1024 : index
    %swap3A_401 = tpu.vector_load %arg12[%swap3A_400] {strides = array<i32>} : memref<1040xf32, #tpu.memory_space<vmem>>, vector<16xf32>,
    tpu.vector_store %arg12[%swap3A_400], %broadcast_in_dim3A_4 {strides = array<i32>} : memref<1040xf32, #tpu.memory_space<vmem>>, vector<16xf32>,
    %swap3A_402 = arith.constant 0 : index
    %swap3A_403 = tpu.vector_load %arg13[%swap3A_402] {strides = array<i32>} : memref<1040xf32, #tpu.memory_space<vmem>>, vector<16xf32>,
    tpu.vector_store %arg13[%swap3A_402], %broadcast_in_dim3A_4 {strides = array<i32>} : memref<1040xf32, #tpu.memory_space<vmem>>, vector<16xf32>,
    %swap3A_404 = arith.constant 16 : index
    %swap3A_405 = tpu.vector_load %arg13[%swap3A_404] {strides = array<i32>} : memref<1040xf32, #tpu.memory_space<vmem>>, vector<16xf32>,
    tpu.vector_store %arg13[%swap3A_404], %broadcast_in_dim3A_4 {strides = array<i32>} : memref<1040xf32, #tpu.memory_space<vmem>>, vector<16xf32>,
    %swap3A_406 = arith.constant 32 : index
    %swap3A_407 = tpu.vector_load %arg13[%swap3A_406] {strides = array<i32>} : memref<1040xf32, #tpu.memory_space<vmem>>, vector<16xf32>,
    tpu.vector_store %arg13[%swap3A_406], %broadcast_in_dim3A_4 {strides = array<i32>} : memref<1040xf32, #tpu.memory_space<vmem>>, vector<16xf32>,
    %swap3A_408 = arith.constant 48 : index
    %swap3A_409 = tpu.vector_load %arg13[%swap3A_408] {strides = array<i32>} : memref<1040xf32, #tpu.memory_space<vmem>>, vector<16xf32>,
    tpu.vector_store %arg13[%swap3A_408], %broadcast_in_dim3A_4 {strides = array<i32>} : memref<1040xf32, #tpu.memory_space<vmem>>, vector<16xf32>,
    %swap3A_410 = arith.constant 64 : index
    %swap3A_411 = tpu.vector_load %arg13[%swap3A_410] {strides = array<i32>} : memref<1040xf32, #tpu.memory_space<vmem>>, vector<16xf32>,
    tpu.vector_store %arg13[%swap3A_410], %broadcast_in_dim3A_4 {strides = array<i32>} : memref<1040xf32, #tpu.memory_space<vmem>>, vector<16xf32>,
    %swap3A_412 = arith.constant 80 : index
    %swap3A_413 = tpu.vector_load %arg13[%swap3A_412] {strides = array<i32>} : memref<1040xf32, #tpu.memory_space<vmem>>, vector<16xf32>,
    tpu.vector_store %arg13[%swap3A_412], %broadcast_in_dim3A_4 {strides = array<i32>} : memref<1040xf32, #tpu.memory_space<vmem>>, vector<16xf32>,
    %swap3A_414 = arith.constant 96 : index
    %swap3A_415 = tpu.vector_load %arg13[%swap3A_414] {strides = array<i32>} : memref<1040xf32, #tpu.memory_space<vmem>>, vector<16xf32>,
    tpu.vector_store %arg13[%swap3A_414], %broadcast_in_dim3A_4 {strides = array<i32>} : memref<1040xf32, #tpu.memory_space<vmem>>, vector<16xf32>,
    %swap3A_416 = arith.constant 112 : index
    %swap3A_417 = tpu.vector_load %arg13[%swap3A_416] {strides = array<i32>} : memref<1040xf32, #tpu.memory_space<vmem>>, vector<16xf32>,
    tpu.vector_store %arg13[%swap3A_416], %broadcast_in_dim3A_4 {strides = array<i32>} : memref<1040xf32, #tpu.memory_space<vmem>>, vector<16xf32>,
    %swap3A_418 = arith.constant 128 : index
    %swap3A_419 = tpu.vector_load %arg13[%swap3A_418] {strides = array<i32>} : memref<1040xf32, #tpu.memory_space<vmem>>, vector<16xf32>,
    tpu.vector_store %arg13[%swap3A_418], %broadcast_in_dim3A_4 {strides = array<i32>} : memref<1040xf32, #tpu.memory_space<vmem>>, vector<16xf32>,
    %swap3A_420 = arith.constant 144 : index
    %swap3A_421 = tpu.vector_load %arg13[%swap3A_420] {strides = array<i32>} : memref<1040xf32, #tpu.memory_space<vmem>>, vector<16xf32>,
    tpu.vector_store %arg13[%swap3A_420], %broadcast_in_dim3A_4 {strides = array<i32>} : memref<1040xf32, #tpu.memory_space<vmem>>, vector<16xf32>,
    %swap3A_422 = arith.constant 160 : index
    %swap3A_423 = tpu.vector_load %arg13[%swap3A_422] {strides = array<i32>} : memref<1040xf32, #tpu.memory_space<vmem>>, vector<16xf32>,
    tpu.vector_store %arg13[%swap3A_422], %broadcast_in_dim3A_4 {strides = array<i32>} : memref<1040xf32, #tpu.memory_space<vmem>>, vector<16xf32>,
    %swap3A_424 = arith.constant 176 : index
    %swap3A_425 = tpu.vector_load %arg13[%swap3A_424] {strides = array<i32>} : memref<1040xf32, #tpu.memory_space<vmem>>, vector<16xf32>,
    tpu.vector_store %arg13[%swap3A_424], %broadcast_in_dim3A_4 {strides = array<i32>} : memref<1040xf32, #tpu.memory_space<vmem>>, vector<16xf32>,
    %swap3A_426 = arith.constant 192 : index
    %swap3A_427 = tpu.vector_load %arg13[%swap3A_426] {strides = array<i32>} : memref<1040xf32, #tpu.memory_space<vmem>>, vector<16xf32>,
    tpu.vector_store %arg13[%swap3A_426], %broadcast_in_dim3A_4 {strides = array<i32>} : memref<1040xf32, #tpu.memory_space<vmem>>, vector<16xf32>,
    %swap3A_428 = arith.constant 208 : index
    %swap3A_429 = tpu.vector_load %arg13[%swap3A_428] {strides = array<i32>} : memref<1040xf32, #tpu.memory_space<vmem>>, vector<16xf32>,
    tpu.vector_store %arg13[%swap3A_428], %broadcast_in_dim3A_4 {strides = array<i32>} : memref<1040xf32, #tpu.memory_space<vmem>>, vector<16xf32>,
    %swap3A_430 = arith.constant 224 : index
    %swap3A_431 = tpu.vector_load %arg13[%swap3A_430] {strides = array<i32>} : memref<1040xf32, #tpu.memory_space<vmem>>, vector<16xf32>,
    tpu.vector_store %arg13[%swap3A_430], %broadcast_in_dim3A_4 {strides = array<i32>} : memref<1040xf32, #tpu.memory_space<vmem>>, vector<16xf32>,
    %swap3A_432 = arith.constant 240 : index
    %swap3A_433 = tpu.vector_load %arg13[%swap3A_432] {strides = array<i32>} : memref<1040xf32, #tpu.memory_space<vmem>>, vector<16xf32>,
    tpu.vector_store %arg13[%swap3A_432], %broadcast_in_dim3A_4 {strides = array<i32>} : memref<1040xf32, #tpu.memory_space<vmem>>, vector<16xf32>,
    %swap3A_434 = arith.constant 256 : index
    %swap3A_435 = tpu.vector_load %arg13[%swap3A_434] {strides = array<i32>} : memref<1040xf32, #tpu.memory_space<vmem>>, vector<16xf32>,
    tpu.vector_store %arg13[%swap3A_434], %broadcast_in_dim3A_4 {strides = array<i32>} : memref<1040xf32, #tpu.memory_space<vmem>>, vector<16xf32>,
    %swap3A_436 = arith.constant 272 : index
    %swap3A_437 = tpu.vector_load %arg13[%swap3A_436] {strides = array<i32>} : memref<1040xf32, #tpu.memory_space<vmem>>, vector<16xf32>,
    tpu.vector_store %arg13[%swap3A_436], %broadcast_in_dim3A_4 {strides = array<i32>} : memref<1040xf32, #tpu.memory_space<vmem>>, vector<16xf32>,
    %swap3A_438 = arith.constant 288 : index
    %swap3A_439 = tpu.vector_load %arg13[%swap3A_438] {strides = array<i32>} : memref<1040xf32, #tpu.memory_space<vmem>>, vector<16xf32>,
    tpu.vector_store %arg13[%swap3A_438], %broadcast_in_dim3A_4 {strides = array<i32>} : memref<1040xf32, #tpu.memory_space<vmem>>, vector<16xf32>,
    %swap3A_440 = arith.constant 304 : index
    %swap3A_441 = tpu.vector_load %arg13[%swap3A_440] {strides = array<i32>} : memref<1040xf32, #tpu.memory_space<vmem>>, vector<16xf32>,
    tpu.vector_store %arg13[%swap3A_440], %broadcast_in_dim3A_4 {strides = array<i32>} : memref<1040xf32, #tpu.memory_space<vmem>>, vector<16xf32>,
    %swap3A_442 = arith.constant 320 : index
    %swap3A_443 = tpu.vector_load %arg13[%swap3A_442] {strides = array<i32>} : memref<1040xf32, #tpu.memory_space<vmem>>, vector<16xf32>,
    tpu.vector_store %arg13[%swap3A_442], %broadcast_in_dim3A_4 {strides = array<i32>} : memref<1040xf32, #tpu.memory_space<vmem>>, vector<16xf32>,
    %swap3A_444 = arith.constant 336 : index
    %swap3A_445 = tpu.vector_load %arg13[%swap3A_444] {strides = array<i32>} : memref<1040xf32, #tpu.memory_space<vmem>>, vector<16xf32>,
    tpu.vector_store %arg13[%swap3A_444], %broadcast_in_dim3A_4 {strides = array<i32>} : memref<1040xf32, #tpu.memory_space<vmem>>, vector<16xf32>,
    %swap3A_446 = arith.constant 352 : index
    %swap3A_447 = tpu.vector_load %arg13[%swap3A_446] {strides = array<i32>} : memref<1040xf32, #tpu.memory_space<vmem>>, vector<16xf32>,
    tpu.vector_store %arg13[%swap3A_446], %broadcast_in_dim3A_4 {strides = array<i32>} : memref<1040xf32, #tpu.memory_space<vmem>>, vector<16xf32>,
    %swap3A_448 = arith.constant 368 : index
    %swap3A_449 = tpu.vector_load %arg13[%swap3A_448] {strides = array<i32>} : memref<1040xf32, #tpu.memory_space<vmem>>, vector<16xf32>,
    tpu.vector_store %arg13[%swap3A_448], %broadcast_in_dim3A_4 {strides = array<i32>} : memref<1040xf32, #tpu.memory_space<vmem>>, vector<16xf32>,
    %swap3A_450 = arith.constant 384 : index
    %swap3A_451 = tpu.vector_load %arg13[%swap3A_450] {strides = array<i32>} : memref<1040xf32, #tpu.memory_space<vmem>>, vector<16xf32>,
    tpu.vector_store %arg13[%swap3A_450], %broadcast_in_dim3A_4 {strides = array<i32>} : memref<1040xf32, #tpu.memory_space<vmem>>, vector<16xf32>,
    %swap3A_452 = arith.constant 400 : index
    %swap3A_453 = tpu.vector_load %arg13[%swap3A_452] {strides = array<i32>} : memref<1040xf32, #tpu.memory_space<vmem>>, vector<16xf32>,
    tpu.vector_store %arg13[%swap3A_452], %broadcast_in_dim3A_4 {strides = array<i32>} : memref<1040xf32, #tpu.memory_space<vmem>>, vector<16xf32>,
    %swap3A_454 = arith.constant 416 : index
    %swap3A_455 = tpu.vector_load %arg13[%swap3A_454] {strides = array<i32>} : memref<1040xf32, #tpu.memory_space<vmem>>, vector<16xf32>,
    tpu.vector_store %arg13[%swap3A_454], %broadcast_in_dim3A_4 {strides = array<i32>} : memref<1040xf32, #tpu.memory_space<vmem>>, vector<16xf32>,
    %swap3A_456 = arith.constant 432 : index
    %swap3A_457 = tpu.vector_load %arg13[%swap3A_456] {strides = array<i32>} : memref<1040xf32, #tpu.memory_space<vmem>>, vector<16xf32>,
    tpu.vector_store %arg13[%swap3A_456], %broadcast_in_dim3A_4 {strides = array<i32>} : memref<1040xf32, #tpu.memory_space<vmem>>, vector<16xf32>,
    %swap3A_458 = arith.constant 448 : index
    %swap3A_459 = tpu.vector_load %arg13[%swap3A_458] {strides = array<i32>} : memref<1040xf32, #tpu.memory_space<vmem>>, vector<16xf32>,
    tpu.vector_store %arg13[%swap3A_458], %broadcast_in_dim3A_4 {strides = array<i32>} : memref<1040xf32, #tpu.memory_space<vmem>>, vector<16xf32>,
    %swap3A_460 = arith.constant 464 : index
    %swap3A_461 = tpu.vector_load %arg13[%swap3A_460] {strides = array<i32>} : memref<1040xf32, #tpu.memory_space<vmem>>, vector<16xf32>,
    tpu.vector_store %arg13[%swap3A_460], %broadcast_in_dim3A_4 {strides = array<i32>} : memref<1040xf32, #tpu.memory_space<vmem>>, vector<16xf32>,
    %swap3A_462 = arith.constant 480 : index
    %swap3A_463 = tpu.vector_load %arg13[%swap3A_462] {strides = array<i32>} : memref<1040xf32, #tpu.memory_space<vmem>>, vector<16xf32>,
    tpu.vector_store %arg13[%swap3A_462], %broadcast_in_dim3A_4 {strides = array<i32>} : memref<1040xf32, #tpu.memory_space<vmem>>, vector<16xf32>,
    %swap3A_464 = arith.constant 496 : index
    %swap3A_465 = tpu.vector_load %arg13[%swap3A_464] {strides = array<i32>} : memref<1040xf32, #tpu.memory_space<vmem>>, vector<16xf32>,
    tpu.vector_store %arg13[%swap3A_464], %broadcast_in_dim3A_4 {strides = array<i32>} : memref<1040xf32, #tpu.memory_space<vmem>>, vector<16xf32>,
    %swap3A_466 = arith.constant 512 : index
    %swap3A_467 = tpu.vector_load %arg13[%swap3A_466] {strides = array<i32>} : memref<1040xf32, #tpu.memory_space<vmem>>, vector<16xf32>,
    tpu.vector_store %arg13[%swap3A_466], %broadcast_in_dim3A_4 {strides = array<i32>} : memref<1040xf32, #tpu.memory_space<vmem>>, vector<16xf32>,
    %swap3A_468 = arith.constant 528 : index
    %swap3A_469 = tpu.vector_load %arg13[%swap3A_468] {strides = array<i32>} : memref<1040xf32, #tpu.memory_space<vmem>>, vector<16xf32>,
    tpu.vector_store %arg13[%swap3A_468], %broadcast_in_dim3A_4 {strides = array<i32>} : memref<1040xf32, #tpu.memory_space<vmem>>, vector<16xf32>,
    %swap3A_470 = arith.constant 544 : index
    %swap3A_471 = tpu.vector_load %arg13[%swap3A_470] {strides = array<i32>} : memref<1040xf32, #tpu.memory_space<vmem>>, vector<16xf32>,
    tpu.vector_store %arg13[%swap3A_470], %broadcast_in_dim3A_4 {strides = array<i32>} : memref<1040xf32, #tpu.memory_space<vmem>>, vector<16xf32>,
    %swap3A_472 = arith.constant 560 : index
    %swap3A_473 = tpu.vector_load %arg13[%swap3A_472] {strides = array<i32>} : memref<1040xf32, #tpu.memory_space<vmem>>, vector<16xf32>,
    tpu.vector_store %arg13[%swap3A_472], %broadcast_in_dim3A_4 {strides = array<i32>} : memref<1040xf32, #tpu.memory_space<vmem>>, vector<16xf32>,
    %swap3A_474 = arith.constant 576 : index
    %swap3A_475 = tpu.vector_load %arg13[%swap3A_474] {strides = array<i32>} : memref<1040xf32, #tpu.memory_space<vmem>>, vector<16xf32>,
    tpu.vector_store %arg13[%swap3A_474], %broadcast_in_dim3A_4 {strides = array<i32>} : memref<1040xf32, #tpu.memory_space<vmem>>, vector<16xf32>,
    %swap3A_476 = arith.constant 592 : index
    %swap3A_477 = tpu.vector_load %arg13[%swap3A_476] {strides = array<i32>} : memref<1040xf32, #tpu.memory_space<vmem>>, vector<16xf32>,
    tpu.vector_store %arg13[%swap3A_476], %broadcast_in_dim3A_4 {strides = array<i32>} : memref<1040xf32, #tpu.memory_space<vmem>>, vector<16xf32>,
    %swap3A_478 = arith.constant 608 : index
    %swap3A_479 = tpu.vector_load %arg13[%swap3A_478] {strides = array<i32>} : memref<1040xf32, #tpu.memory_space<vmem>>, vector<16xf32>,
    tpu.vector_store %arg13[%swap3A_478], %broadcast_in_dim3A_4 {strides = array<i32>} : memref<1040xf32, #tpu.memory_space<vmem>>, vector<16xf32>,
    %swap3A_480 = arith.constant 624 : index
    %swap3A_481 = tpu.vector_load %arg13[%swap3A_480] {strides = array<i32>} : memref<1040xf32, #tpu.memory_space<vmem>>, vector<16xf32>,
    tpu.vector_store %arg13[%swap3A_480], %broadcast_in_dim3A_4 {strides = array<i32>} : memref<1040xf32, #tpu.memory_space<vmem>>, vector<16xf32>,
    %swap3A_482 = arith.constant 640 : index
    %swap3A_483 = tpu.vector_load %arg13[%swap3A_482] {strides = array<i32>} : memref<1040xf32, #tpu.memory_space<vmem>>, vector<16xf32>,
    tpu.vector_store %arg13[%swap3A_482], %broadcast_in_dim3A_4 {strides = array<i32>} : memref<1040xf32, #tpu.memory_space<vmem>>, vector<16xf32>,
    %swap3A_484 = arith.constant 656 : index
    %swap3A_485 = tpu.vector_load %arg13[%swap3A_484] {strides = array<i32>} : memref<1040xf32, #tpu.memory_space<vmem>>, vector<16xf32>,
    tpu.vector_store %arg13[%swap3A_484], %broadcast_in_dim3A_4 {strides = array<i32>} : memref<1040xf32, #tpu.memory_space<vmem>>, vector<16xf32>,
    %swap3A_486 = arith.constant 672 : index
    %swap3A_487 = tpu.vector_load %arg13[%swap3A_486] {strides = array<i32>} : memref<1040xf32, #tpu.memory_space<vmem>>, vector<16xf32>,
    tpu.vector_store %arg13[%swap3A_486], %broadcast_in_dim3A_4 {strides = array<i32>} : memref<1040xf32, #tpu.memory_space<vmem>>, vector<16xf32>,
    %swap3A_488 = arith.constant 688 : index
    %swap3A_489 = tpu.vector_load %arg13[%swap3A_488] {strides = array<i32>} : memref<1040xf32, #tpu.memory_space<vmem>>, vector<16xf32>,
    tpu.vector_store %arg13[%swap3A_488], %broadcast_in_dim3A_4 {strides = array<i32>} : memref<1040xf32, #tpu.memory_space<vmem>>, vector<16xf32>,
    %swap3A_490 = arith.constant 704 : index
    %swap3A_491 = tpu.vector_load %arg13[%swap3A_490] {strides = array<i32>} : memref<1040xf32, #tpu.memory_space<vmem>>, vector<16xf32>,
    tpu.vector_store %arg13[%swap3A_490], %broadcast_in_dim3A_4 {strides = array<i32>} : memref<1040xf32, #tpu.memory_space<vmem>>, vector<16xf32>,
    %swap3A_492 = arith.constant 720 : index
    %swap3A_493 = tpu.vector_load %arg13[%swap3A_492] {strides = array<i32>} : memref<1040xf32, #tpu.memory_space<vmem>>, vector<16xf32>,
    tpu.vector_store %arg13[%swap3A_492], %broadcast_in_dim3A_4 {strides = array<i32>} : memref<1040xf32, #tpu.memory_space<vmem>>, vector<16xf32>,
    %swap3A_494 = arith.constant 736 : index
    %swap3A_495 = tpu.vector_load %arg13[%swap3A_494] {strides = array<i32>} : memref<1040xf32, #tpu.memory_space<vmem>>, vector<16xf32>,
    tpu.vector_store %arg13[%swap3A_494], %broadcast_in_dim3A_4 {strides = array<i32>} : memref<1040xf32, #tpu.memory_space<vmem>>, vector<16xf32>,
    %swap3A_496 = arith.constant 752 : index
    %swap3A_497 = tpu.vector_load %arg13[%swap3A_496] {strides = array<i32>} : memref<1040xf32, #tpu.memory_space<vmem>>, vector<16xf32>,
    tpu.vector_store %arg13[%swap3A_496], %broadcast_in_dim3A_4 {strides = array<i32>} : memref<1040xf32, #tpu.memory_space<vmem>>, vector<16xf32>,
    %swap3A_498 = arith.constant 768 : index
    %swap3A_499 = tpu.vector_load %arg13[%swap3A_498] {strides = array<i32>} : memref<1040xf32, #tpu.memory_space<vmem>>, vector<16xf32>,
    tpu.vector_store %arg13[%swap3A_498], %broadcast_in_dim3A_4 {strides = array<i32>} : memref<1040xf32, #tpu.memory_space<vmem>>, vector<16xf32>,
    %swap3A_500 = arith.constant 784 : index
    %swap3A_501 = tpu.vector_load %arg13[%swap3A_500] {strides = array<i32>} : memref<1040xf32, #tpu.memory_space<vmem>>, vector<16xf32>,
    tpu.vector_store %arg13[%swap3A_500], %broadcast_in_dim3A_4 {strides = array<i32>} : memref<1040xf32, #tpu.memory_space<vmem>>, vector<16xf32>,
    %swap3A_502 = arith.constant 800 : index
    %swap3A_503 = tpu.vector_load %arg13[%swap3A_502] {strides = array<i32>} : memref<1040xf32, #tpu.memory_space<vmem>>, vector<16xf32>,
    tpu.vector_store %arg13[%swap3A_502], %broadcast_in_dim3A_4 {strides = array<i32>} : memref<1040xf32, #tpu.memory_space<vmem>>, vector<16xf32>,
    %swap3A_504 = arith.constant 816 : index
    %swap3A_505 = tpu.vector_load %arg13[%swap3A_504] {strides = array<i32>} : memref<1040xf32, #tpu.memory_space<vmem>>, vector<16xf32>,
    tpu.vector_store %arg13[%swap3A_504], %broadcast_in_dim3A_4 {strides = array<i32>} : memref<1040xf32, #tpu.memory_space<vmem>>, vector<16xf32>,
    %swap3A_506 = arith.constant 832 : index
    %swap3A_507 = tpu.vector_load %arg13[%swap3A_506] {strides = array<i32>} : memref<1040xf32, #tpu.memory_space<vmem>>, vector<16xf32>,
    tpu.vector_store %arg13[%swap3A_506], %broadcast_in_dim3A_4 {strides = array<i32>} : memref<1040xf32, #tpu.memory_space<vmem>>, vector<16xf32>,
    %swap3A_508 = arith.constant 848 : index
    %swap3A_509 = tpu.vector_load %arg13[%swap3A_508] {strides = array<i32>} : memref<1040xf32, #tpu.memory_space<vmem>>, vector<16xf32>,
    tpu.vector_store %arg13[%swap3A_508], %broadcast_in_dim3A_4 {strides = array<i32>} : memref<1040xf32, #tpu.memory_space<vmem>>, vector<16xf32>,
    %swap3A_510 = arith.constant 864 : index
    %swap3A_511 = tpu.vector_load %arg13[%swap3A_510] {strides = array<i32>} : memref<1040xf32, #tpu.memory_space<vmem>>, vector<16xf32>,
    tpu.vector_store %arg13[%swap3A_510], %broadcast_in_dim3A_4 {strides = array<i32>} : memref<1040xf32, #tpu.memory_space<vmem>>, vector<16xf32>,
    %swap3A_512 = arith.constant 880 : index
    %swap3A_513 = tpu.vector_load %arg13[%swap3A_512] {strides = array<i32>} : memref<1040xf32, #tpu.memory_space<vmem>>, vector<16xf32>,
    tpu.vector_store %arg13[%swap3A_512], %broadcast_in_dim3A_4 {strides = array<i32>} : memref<1040xf32, #tpu.memory_space<vmem>>, vector<16xf32>,
    %swap3A_514 = arith.constant 896 : index
    %swap3A_515 = tpu.vector_load %arg13[%swap3A_514] {strides = array<i32>} : memref<1040xf32, #tpu.memory_space<vmem>>, vector<16xf32>,
    tpu.vector_store %arg13[%swap3A_514], %broadcast_in_dim3A_4 {strides = array<i32>} : memref<1040xf32, #tpu.memory_space<vmem>>, vector<16xf32>,
    %swap3A_516 = arith.constant 912 : index
    %swap3A_517 = tpu.vector_load %arg13[%swap3A_516] {strides = array<i32>} : memref<1040xf32, #tpu.memory_space<vmem>>, vector<16xf32>,
    tpu.vector_store %arg13[%swap3A_516], %broadcast_in_dim3A_4 {strides = array<i32>} : memref<1040xf32, #tpu.memory_space<vmem>>, vector<16xf32>,
    %swap3A_518 = arith.constant 928 : index
    %swap3A_519 = tpu.vector_load %arg13[%swap3A_518] {strides = array<i32>} : memref<1040xf32, #tpu.memory_space<vmem>>, vector<16xf32>,
    tpu.vector_store %arg13[%swap3A_518], %broadcast_in_dim3A_4 {strides = array<i32>} : memref<1040xf32, #tpu.memory_space<vmem>>, vector<16xf32>,
    %swap3A_520 = arith.constant 944 : index
    %swap3A_521 = tpu.vector_load %arg13[%swap3A_520] {strides = array<i32>} : memref<1040xf32, #tpu.memory_space<vmem>>, vector<16xf32>,
    tpu.vector_store %arg13[%swap3A_520], %broadcast_in_dim3A_4 {strides = array<i32>} : memref<1040xf32, #tpu.memory_space<vmem>>, vector<16xf32>,
    %swap3A_522 = arith.constant 960 : index
    %swap3A_523 = tpu.vector_load %arg13[%swap3A_522] {strides = array<i32>} : memref<1040xf32, #tpu.memory_space<vmem>>, vector<16xf32>,
    tpu.vector_store %arg13[%swap3A_522], %broadcast_in_dim3A_4 {strides = array<i32>} : memref<1040xf32, #tpu.memory_space<vmem>>, vector<16xf32>,
    %swap3A_524 = arith.constant 976 : index
    %swap3A_525 = tpu.vector_load %arg13[%swap3A_524] {strides = array<i32>} : memref<1040xf32, #tpu.memory_space<vmem>>, vector<16xf32>,
    tpu.vector_store %arg13[%swap3A_524], %broadcast_in_dim3A_4 {strides = array<i32>} : memref<1040xf32, #tpu.memory_space<vmem>>, vector<16xf32>,
    %swap3A_526 = arith.constant 992 : index
    %swap3A_527 = tpu.vector_load %arg13[%swap3A_526] {strides = array<i32>} : memref<1040xf32, #tpu.memory_space<vmem>>, vector<16xf32>,
    tpu.vector_store %arg13[%swap3A_526], %broadcast_in_dim3A_4 {strides = array<i32>} : memref<1040xf32, #tpu.memory_space<vmem>>, vector<16xf32>,
    %swap3A_528 = arith.constant 1008 : index
    %swap3A_529 = tpu.vector_load %arg13[%swap3A_528] {strides = array<i32>} : memref<1040xf32, #tpu.memory_space<vmem>>, vector<16xf32>,
    tpu.vector_store %arg13[%swap3A_528], %broadcast_in_dim3A_4 {strides = array<i32>} : memref<1040xf32, #tpu.memory_space<vmem>>, vector<16xf32>,
    %swap3A_530 = arith.constant 1024 : index
    %swap3A_531 = tpu.vector_load %arg13[%swap3A_530] {strides = array<i32>} : memref<1040xf32, #tpu.memory_space<vmem>>, vector<16xf32>,
    tpu.vector_store %arg13[%swap3A_530], %broadcast_in_dim3A_4 {strides = array<i32>} : memref<1040xf32, #tpu.memory_space<vmem>>, vector<16xf32>,
    %swap3A_532 = arith.constant 0 : index
    %swap3A_533 = tpu.vector_load %arg14[%swap3A_532] {strides = array<i32>} : memref<1040xf32, #tpu.memory_space<vmem>>, vector<16xf32>,
    tpu.vector_store %arg14[%swap3A_532], %broadcast_in_dim3A_4 {strides = array<i32>} : memref<1040xf32, #tpu.memory_space<vmem>>, vector<16xf32>,
    %swap3A_534 = arith.constant 16 : index
    %swap3A_535 = tpu.vector_load %arg14[%swap3A_534] {strides = array<i32>} : memref<1040xf32, #tpu.memory_space<vmem>>, vector<16xf32>,
    tpu.vector_store %arg14[%swap3A_534], %broadcast_in_dim3A_4 {strides = array<i32>} : memref<1040xf32, #tpu.memory_space<vmem>>, vector<16xf32>,
    %swap3A_536 = arith.constant 32 : index
    %swap3A_537 = tpu.vector_load %arg14[%swap3A_536] {strides = array<i32>} : memref<1040xf32, #tpu.memory_space<vmem>>, vector<16xf32>,
    tpu.vector_store %arg14[%swap3A_536], %broadcast_in_dim3A_4 {strides = array<i32>} : memref<1040xf32, #tpu.memory_space<vmem>>, vector<16xf32>,
    %swap3A_538 = arith.constant 48 : index
    %swap3A_539 = tpu.vector_load %arg14[%swap3A_538] {strides = array<i32>} : memref<1040xf32, #tpu.memory_space<vmem>>, vector<16xf32>,
    tpu.vector_store %arg14[%swap3A_538], %broadcast_in_dim3A_4 {strides = array<i32>} : memref<1040xf32, #tpu.memory_space<vmem>>, vector<16xf32>,
    %swap3A_540 = arith.constant 64 : index
    %swap3A_541 = tpu.vector_load %arg14[%swap3A_540] {strides = array<i32>} : memref<1040xf32, #tpu.memory_space<vmem>>, vector<16xf32>,
    tpu.vector_store %arg14[%swap3A_540], %broadcast_in_dim3A_4 {strides = array<i32>} : memref<1040xf32, #tpu.memory_space<vmem>>, vector<16xf32>,
    %swap3A_542 = arith.constant 80 : index
    %swap3A_543 = tpu.vector_load %arg14[%swap3A_542] {strides = array<i32>} : memref<1040xf32, #tpu.memory_space<vmem>>, vector<16xf32>,
    tpu.vector_store %arg14[%swap3A_542], %broadcast_in_dim3A_4 {strides = array<i32>} : memref<1040xf32, #tpu.memory_space<vmem>>, vector<16xf32>,
    %swap3A_544 = arith.constant 96 : index
    %swap3A_545 = tpu.vector_load %arg14[%swap3A_544] {strides = array<i32>} : memref<1040xf32, #tpu.memory_space<vmem>>, vector<16xf32>,
    tpu.vector_store %arg14[%swap3A_544], %broadcast_in_dim3A_4 {strides = array<i32>} : memref<1040xf32, #tpu.memory_space<vmem>>, vector<16xf32>,
    %swap3A_546 = arith.constant 112 : index
    %swap3A_547 = tpu.vector_load %arg14[%swap3A_546] {strides = array<i32>} : memref<1040xf32, #tpu.memory_space<vmem>>, vector<16xf32>,
    tpu.vector_store %arg14[%swap3A_546], %broadcast_in_dim3A_4 {strides = array<i32>} : memref<1040xf32, #tpu.memory_space<vmem>>, vector<16xf32>,
    %swap3A_548 = arith.constant 128 : index
    %swap3A_549 = tpu.vector_load %arg14[%swap3A_548] {strides = array<i32>} : memref<1040xf32, #tpu.memory_space<vmem>>, vector<16xf32>,
    tpu.vector_store %arg14[%swap3A_548], %broadcast_in_dim3A_4 {strides = array<i32>} : memref<1040xf32, #tpu.memory_space<vmem>>, vector<16xf32>,
    %swap3A_550 = arith.constant 144 : index
    %swap3A_551 = tpu.vector_load %arg14[%swap3A_550] {strides = array<i32>} : memref<1040xf32, #tpu.memory_space<vmem>>, vector<16xf32>,
    tpu.vector_store %arg14[%swap3A_550], %broadcast_in_dim3A_4 {strides = array<i32>} : memref<1040xf32, #tpu.memory_space<vmem>>, vector<16xf32>,
    %swap3A_552 = arith.constant 160 : index
    %swap3A_553 = tpu.vector_load %arg14[%swap3A_552] {strides = array<i32>} : memref<1040xf32, #tpu.memory_space<vmem>>, vector<16xf32>,
    tpu.vector_store %arg14[%swap3A_552], %broadcast_in_dim3A_4 {strides = array<i32>} : memref<1040xf32, #tpu.memory_space<vmem>>, vector<16xf32>,
    %swap3A_554 = arith.constant 176 : index
    %swap3A_555 = tpu.vector_load %arg14[%swap3A_554] {strides = array<i32>} : memref<1040xf32, #tpu.memory_space<vmem>>, vector<16xf32>,
    tpu.vector_store %arg14[%swap3A_554], %broadcast_in_dim3A_4 {strides = array<i32>} : memref<1040xf32, #tpu.memory_space<vmem>>, vector<16xf32>,
    %swap3A_556 = arith.constant 192 : index
    %swap3A_557 = tpu.vector_load %arg14[%swap3A_556] {strides = array<i32>} : memref<1040xf32, #tpu.memory_space<vmem>>, vector<16xf32>,
    tpu.vector_store %arg14[%swap3A_556], %broadcast_in_dim3A_4 {strides = array<i32>} : memref<1040xf32, #tpu.memory_space<vmem>>, vector<16xf32>,
    %swap3A_558 = arith.constant 208 : index
    %swap3A_559 = tpu.vector_load %arg14[%swap3A_558] {strides = array<i32>} : memref<1040xf32, #tpu.memory_space<vmem>>, vector<16xf32>,
    tpu.vector_store %arg14[%swap3A_558], %broadcast_in_dim3A_4 {strides = array<i32>} : memref<1040xf32, #tpu.memory_space<vmem>>, vector<16xf32>,
    %swap3A_560 = arith.constant 224 : index
    %swap3A_561 = tpu.vector_load %arg14[%swap3A_560] {strides = array<i32>} : memref<1040xf32, #tpu.memory_space<vmem>>, vector<16xf32>,
    tpu.vector_store %arg14[%swap3A_560], %broadcast_in_dim3A_4 {strides = array<i32>} : memref<1040xf32, #tpu.memory_space<vmem>>, vector<16xf32>,
    %swap3A_562 = arith.constant 240 : index
    %swap3A_563 = tpu.vector_load %arg14[%swap3A_562] {strides = array<i32>} : memref<1040xf32, #tpu.memory_space<vmem>>, vector<16xf32>,
    tpu.vector_store %arg14[%swap3A_562], %broadcast_in_dim3A_4 {strides = array<i32>} : memref<1040xf32, #tpu.memory_space<vmem>>, vector<16xf32>,
    %swap3A_564 = arith.constant 256 : index
    %swap3A_565 = tpu.vector_load %arg14[%swap3A_564] {strides = array<i32>} : memref<1040xf32, #tpu.memory_space<vmem>>, vector<16xf32>,
    tpu.vector_store %arg14[%swap3A_564], %broadcast_in_dim3A_4 {strides = array<i32>} : memref<1040xf32, #tpu.memory_space<vmem>>, vector<16xf32>,
    %swap3A_566 = arith.constant 272 : index
    %swap3A_567 = tpu.vector_load %arg14[%swap3A_566] {strides = array<i32>} : memref<1040xf32, #tpu.memory_space<vmem>>, vector<16xf32>,
    tpu.vector_store %arg14[%swap3A_566], %broadcast_in_dim3A_4 {strides = array<i32>} : memref<1040xf32, #tpu.memory_space<vmem>>, vector<16xf32>,
    %swap3A_568 = arith.constant 288 : index
    %swap3A_569 = tpu.vector_load %arg14[%swap3A_568] {strides = array<i32>} : memref<1040xf32, #tpu.memory_space<vmem>>, vector<16xf32>,
    tpu.vector_store %arg14[%swap3A_568], %broadcast_in_dim3A_4 {strides = array<i32>} : memref<1040xf32, #tpu.memory_space<vmem>>, vector<16xf32>,
    %swap3A_570 = arith.constant 304 : index
    %swap3A_571 = tpu.vector_load %arg14[%swap3A_570] {strides = array<i32>} : memref<1040xf32, #tpu.memory_space<vmem>>, vector<16xf32>,
    tpu.vector_store %arg14[%swap3A_570], %broadcast_in_dim3A_4 {strides = array<i32>} : memref<1040xf32, #tpu.memory_space<vmem>>, vector<16xf32>,
    %swap3A_572 = arith.constant 320 : index
    %swap3A_573 = tpu.vector_load %arg14[%swap3A_572] {strides = array<i32>} : memref<1040xf32, #tpu.memory_space<vmem>>, vector<16xf32>,
    tpu.vector_store %arg14[%swap3A_572], %broadcast_in_dim3A_4 {strides = array<i32>} : memref<1040xf32, #tpu.memory_space<vmem>>, vector<16xf32>,
    %swap3A_574 = arith.constant 336 : index
    %swap3A_575 = tpu.vector_load %arg14[%swap3A_574] {strides = array<i32>} : memref<1040xf32, #tpu.memory_space<vmem>>, vector<16xf32>,
    tpu.vector_store %arg14[%swap3A_574], %broadcast_in_dim3A_4 {strides = array<i32>} : memref<1040xf32, #tpu.memory_space<vmem>>, vector<16xf32>,
    %swap3A_576 = arith.constant 352 : index
    %swap3A_577 = tpu.vector_load %arg14[%swap3A_576] {strides = array<i32>} : memref<1040xf32, #tpu.memory_space<vmem>>, vector<16xf32>,
    tpu.vector_store %arg14[%swap3A_576], %broadcast_in_dim3A_4 {strides = array<i32>} : memref<1040xf32, #tpu.memory_space<vmem>>, vector<16xf32>,
    %swap3A_578 = arith.constant 368 : index
    %swap3A_579 = tpu.vector_load %arg14[%swap3A_578] {strides = array<i32>} : memref<1040xf32, #tpu.memory_space<vmem>>, vector<16xf32>,
    tpu.vector_store %arg14[%swap3A_578], %broadcast_in_dim3A_4 {strides = array<i32>} : memref<1040xf32, #tpu.memory_space<vmem>>, vector<16xf32>,
    %swap3A_580 = arith.constant 384 : index
    %swap3A_581 = tpu.vector_load %arg14[%swap3A_580] {strides = array<i32>} : memref<1040xf32, #tpu.memory_space<vmem>>, vector<16xf32>,
    tpu.vector_store %arg14[%swap3A_580], %broadcast_in_dim3A_4 {strides = array<i32>} : memref<1040xf32, #tpu.memory_space<vmem>>, vector<16xf32>,
    %swap3A_582 = arith.constant 400 : index
    %swap3A_583 = tpu.vector_load %arg14[%swap3A_582] {strides = array<i32>} : memref<1040xf32, #tpu.memory_space<vmem>>, vector<16xf32>,
    tpu.vector_store %arg14[%swap3A_582], %broadcast_in_dim3A_4 {strides = array<i32>} : memref<1040xf32, #tpu.memory_space<vmem>>, vector<16xf32>,
    %swap3A_584 = arith.constant 416 : index
    %swap3A_585 = tpu.vector_load %arg14[%swap3A_584] {strides = array<i32>} : memref<1040xf32, #tpu.memory_space<vmem>>, vector<16xf32>,
    tpu.vector_store %arg14[%swap3A_584], %broadcast_in_dim3A_4 {strides = array<i32>} : memref<1040xf32, #tpu.memory_space<vmem>>, vector<16xf32>,
    %swap3A_586 = arith.constant 432 : index
    %swap3A_587 = tpu.vector_load %arg14[%swap3A_586] {strides = array<i32>} : memref<1040xf32, #tpu.memory_space<vmem>>, vector<16xf32>,
    tpu.vector_store %arg14[%swap3A_586], %broadcast_in_dim3A_4 {strides = array<i32>} : memref<1040xf32, #tpu.memory_space<vmem>>, vector<16xf32>,
    %swap3A_588 = arith.constant 448 : index
    %swap3A_589 = tpu.vector_load %arg14[%swap3A_588] {strides = array<i32>} : memref<1040xf32, #tpu.memory_space<vmem>>, vector<16xf32>,
    tpu.vector_store %arg14[%swap3A_588], %broadcast_in_dim3A_4 {strides = array<i32>} : memref<1040xf32, #tpu.memory_space<vmem>>, vector<16xf32>,
    %swap3A_590 = arith.constant 464 : index
    %swap3A_591 = tpu.vector_load %arg14[%swap3A_590] {strides = array<i32>} : memref<1040xf32, #tpu.memory_space<vmem>>, vector<16xf32>,
    tpu.vector_store %arg14[%swap3A_590], %broadcast_in_dim3A_4 {strides = array<i32>} : memref<1040xf32, #tpu.memory_space<vmem>>, vector<16xf32>,
    %swap3A_592 = arith.constant 480 : index
    %swap3A_593 = tpu.vector_load %arg14[%swap3A_592] {strides = array<i32>} : memref<1040xf32, #tpu.memory_space<vmem>>, vector<16xf32>,
    tpu.vector_store %arg14[%swap3A_592], %broadcast_in_dim3A_4 {strides = array<i32>} : memref<1040xf32, #tpu.memory_space<vmem>>, vector<16xf32>,
    %swap3A_594 = arith.constant 496 : index
    %swap3A_595 = tpu.vector_load %arg14[%swap3A_594] {strides = array<i32>} : memref<1040xf32, #tpu.memory_space<vmem>>, vector<16xf32>,
    tpu.vector_store %arg14[%swap3A_594], %broadcast_in_dim3A_4 {strides = array<i32>} : memref<1040xf32, #tpu.memory_space<vmem>>, vector<16xf32>,
    %swap3A_596 = arith.constant 512 : index
    %swap3A_597 = tpu.vector_load %arg14[%swap3A_596] {strides = array<i32>} : memref<1040xf32, #tpu.memory_space<vmem>>, vector<16xf32>,
    tpu.vector_store %arg14[%swap3A_596], %broadcast_in_dim3A_4 {strides = array<i32>} : memref<1040xf32, #tpu.memory_space<vmem>>, vector<16xf32>,
    %swap3A_598 = arith.constant 528 : index
    %swap3A_599 = tpu.vector_load %arg14[%swap3A_598] {strides = array<i32>} : memref<1040xf32, #tpu.memory_space<vmem>>, vector<16xf32>,
    tpu.vector_store %arg14[%swap3A_598], %broadcast_in_dim3A_4 {strides = array<i32>} : memref<1040xf32, #tpu.memory_space<vmem>>, vector<16xf32>,
    %swap3A_600 = arith.constant 544 : index
    %swap3A_601 = tpu.vector_load %arg14[%swap3A_600] {strides = array<i32>} : memref<1040xf32, #tpu.memory_space<vmem>>, vector<16xf32>,
    tpu.vector_store %arg14[%swap3A_600], %broadcast_in_dim3A_4 {strides = array<i32>} : memref<1040xf32, #tpu.memory_space<vmem>>, vector<16xf32>,
    %swap3A_602 = arith.constant 560 : index
    %swap3A_603 = tpu.vector_load %arg14[%swap3A_602] {strides = array<i32>} : memref<1040xf32, #tpu.memory_space<vmem>>, vector<16xf32>,
    tpu.vector_store %arg14[%swap3A_602], %broadcast_in_dim3A_4 {strides = array<i32>} : memref<1040xf32, #tpu.memory_space<vmem>>, vector<16xf32>,
    %swap3A_604 = arith.constant 576 : index
    %swap3A_605 = tpu.vector_load %arg14[%swap3A_604] {strides = array<i32>} : memref<1040xf32, #tpu.memory_space<vmem>>, vector<16xf32>,
    tpu.vector_store %arg14[%swap3A_604], %broadcast_in_dim3A_4 {strides = array<i32>} : memref<1040xf32, #tpu.memory_space<vmem>>, vector<16xf32>,
    %swap3A_606 = arith.constant 592 : index
    %swap3A_607 = tpu.vector_load %arg14[%swap3A_606] {strides = array<i32>} : memref<1040xf32, #tpu.memory_space<vmem>>, vector<16xf32>,
    tpu.vector_store %arg14[%swap3A_606], %broadcast_in_dim3A_4 {strides = array<i32>} : memref<1040xf32, #tpu.memory_space<vmem>>, vector<16xf32>,
    %swap3A_608 = arith.constant 608 : index
    %swap3A_609 = tpu.vector_load %arg14[%swap3A_608] {strides = array<i32>} : memref<1040xf32, #tpu.memory_space<vmem>>, vector<16xf32>,
    tpu.vector_store %arg14[%swap3A_608], %broadcast_in_dim3A_4 {strides = array<i32>} : memref<1040xf32, #tpu.memory_space<vmem>>, vector<16xf32>,
    %swap3A_610 = arith.constant 624 : index
    %swap3A_611 = tpu.vector_load %arg14[%swap3A_610] {strides = array<i32>} : memref<1040xf32, #tpu.memory_space<vmem>>, vector<16xf32>,
    tpu.vector_store %arg14[%swap3A_610], %broadcast_in_dim3A_4 {strides = array<i32>} : memref<1040xf32, #tpu.memory_space<vmem>>, vector<16xf32>,
    %swap3A_612 = arith.constant 640 : index
    %swap3A_613 = tpu.vector_load %arg14[%swap3A_612] {strides = array<i32>} : memref<1040xf32, #tpu.memory_space<vmem>>, vector<16xf32>,
    tpu.vector_store %arg14[%swap3A_612], %broadcast_in_dim3A_4 {strides = array<i32>} : memref<1040xf32, #tpu.memory_space<vmem>>, vector<16xf32>,
    %swap3A_614 = arith.constant 656 : index
    %swap3A_615 = tpu.vector_load %arg14[%swap3A_614] {strides = array<i32>} : memref<1040xf32, #tpu.memory_space<vmem>>, vector<16xf32>,
    tpu.vector_store %arg14[%swap3A_614], %broadcast_in_dim3A_4 {strides = array<i32>} : memref<1040xf32, #tpu.memory_space<vmem>>, vector<16xf32>,
    %swap3A_616 = arith.constant 672 : index
    %swap3A_617 = tpu.vector_load %arg14[%swap3A_616] {strides = array<i32>} : memref<1040xf32, #tpu.memory_space<vmem>>, vector<16xf32>,
    tpu.vector_store %arg14[%swap3A_616], %broadcast_in_dim3A_4 {strides = array<i32>} : memref<1040xf32, #tpu.memory_space<vmem>>, vector<16xf32>,
    %swap3A_618 = arith.constant 688 : index
    %swap3A_619 = tpu.vector_load %arg14[%swap3A_618] {strides = array<i32>} : memref<1040xf32, #tpu.memory_space<vmem>>, vector<16xf32>,
    tpu.vector_store %arg14[%swap3A_618], %broadcast_in_dim3A_4 {strides = array<i32>} : memref<1040xf32, #tpu.memory_space<vmem>>, vector<16xf32>,
    %swap3A_620 = arith.constant 704 : index
    %swap3A_621 = tpu.vector_load %arg14[%swap3A_620] {strides = array<i32>} : memref<1040xf32, #tpu.memory_space<vmem>>, vector<16xf32>,
    tpu.vector_store %arg14[%swap3A_620], %broadcast_in_dim3A_4 {strides = array<i32>} : memref<1040xf32, #tpu.memory_space<vmem>>, vector<16xf32>,
    %swap3A_622 = arith.constant 720 : index
    %swap3A_623 = tpu.vector_load %arg14[%swap3A_622] {strides = array<i32>} : memref<1040xf32, #tpu.memory_space<vmem>>, vector<16xf32>,
    tpu.vector_store %arg14[%swap3A_622], %broadcast_in_dim3A_4 {strides = array<i32>} : memref<1040xf32, #tpu.memory_space<vmem>>, vector<16xf32>,
    %swap3A_624 = arith.constant 736 : index
    %swap3A_625 = tpu.vector_load %arg14[%swap3A_624] {strides = array<i32>} : memref<1040xf32, #tpu.memory_space<vmem>>, vector<16xf32>,
    tpu.vector_store %arg14[%swap3A_624], %broadcast_in_dim3A_4 {strides = array<i32>} : memref<1040xf32, #tpu.memory_space<vmem>>, vector<16xf32>,
    %swap3A_626 = arith.constant 752 : index
    %swap3A_627 = tpu.vector_load %arg14[%swap3A_626] {strides = array<i32>} : memref<1040xf32, #tpu.memory_space<vmem>>, vector<16xf32>,
    tpu.vector_store %arg14[%swap3A_626], %broadcast_in_dim3A_4 {strides = array<i32>} : memref<1040xf32, #tpu.memory_space<vmem>>, vector<16xf32>,
    %swap3A_628 = arith.constant 768 : index
    %swap3A_629 = tpu.vector_load %arg14[%swap3A_628] {strides = array<i32>} : memref<1040xf32, #tpu.memory_space<vmem>>, vector<16xf32>,
    tpu.vector_store %arg14[%swap3A_628], %broadcast_in_dim3A_4 {strides = array<i32>} : memref<1040xf32, #tpu.memory_space<vmem>>, vector<16xf32>,
    %swap3A_630 = arith.constant 784 : index
    %swap3A_631 = tpu.vector_load %arg14[%swap3A_630] {strides = array<i32>} : memref<1040xf32, #tpu.memory_space<vmem>>, vector<16xf32>,
    tpu.vector_store %arg14[%swap3A_630], %broadcast_in_dim3A_4 {strides = array<i32>} : memref<1040xf32, #tpu.memory_space<vmem>>, vector<16xf32>,
    %swap3A_632 = arith.constant 800 : index
    %swap3A_633 = tpu.vector_load %arg14[%swap3A_632] {strides = array<i32>} : memref<1040xf32, #tpu.memory_space<vmem>>, vector<16xf32>,
    tpu.vector_store %arg14[%swap3A_632], %broadcast_in_dim3A_4 {strides = array<i32>} : memref<1040xf32, #tpu.memory_space<vmem>>, vector<16xf32>,
    %swap3A_634 = arith.constant 816 : index
    %swap3A_635 = tpu.vector_load %arg14[%swap3A_634] {strides = array<i32>} : memref<1040xf32, #tpu.memory_space<vmem>>, vector<16xf32>,
    tpu.vector_store %arg14[%swap3A_634], %broadcast_in_dim3A_4 {strides = array<i32>} : memref<1040xf32, #tpu.memory_space<vmem>>, vector<16xf32>,
    %swap3A_636 = arith.constant 832 : index
    %swap3A_637 = tpu.vector_load %arg14[%swap3A_636] {strides = array<i32>} : memref<1040xf32, #tpu.memory_space<vmem>>, vector<16xf32>,
    tpu.vector_store %arg14[%swap3A_636], %broadcast_in_dim3A_4 {strides = array<i32>} : memref<1040xf32, #tpu.memory_space<vmem>>, vector<16xf32>,
    %swap3A_638 = arith.constant 848 : index
    %swap3A_639 = tpu.vector_load %arg14[%swap3A_638] {strides = array<i32>} : memref<1040xf32, #tpu.memory_space<vmem>>, vector<16xf32>,
    tpu.vector_store %arg14[%swap3A_638], %broadcast_in_dim3A_4 {strides = array<i32>} : memref<1040xf32, #tpu.memory_space<vmem>>, vector<16xf32>,
    %swap3A_640 = arith.constant 864 : index
    %swap3A_641 = tpu.vector_load %arg14[%swap3A_640] {strides = array<i32>} : memref<1040xf32, #tpu.memory_space<vmem>>, vector<16xf32>,
    tpu.vector_store %arg14[%swap3A_640], %broadcast_in_dim3A_4 {strides = array<i32>} : memref<1040xf32, #tpu.memory_space<vmem>>, vector<16xf32>,
    %swap3A_642 = arith.constant 880 : index
    %swap3A_643 = tpu.vector_load %arg14[%swap3A_642] {strides = array<i32>} : memref<1040xf32, #tpu.memory_space<vmem>>, vector<16xf32>,
    tpu.vector_store %arg14[%swap3A_642], %broadcast_in_dim3A_4 {strides = array<i32>} : memref<1040xf32, #tpu.memory_space<vmem>>, vector<16xf32>,
    %swap3A_644 = arith.constant 896 : index
    %swap3A_645 = tpu.vector_load %arg14[%swap3A_644] {strides = array<i32>} : memref<1040xf32, #tpu.memory_space<vmem>>, vector<16xf32>,
    tpu.vector_store %arg14[%swap3A_644], %broadcast_in_dim3A_4 {strides = array<i32>} : memref<1040xf32, #tpu.memory_space<vmem>>, vector<16xf32>,
    %swap3A_646 = arith.constant 912 : index
    %swap3A_647 = tpu.vector_load %arg14[%swap3A_646] {strides = array<i32>} : memref<1040xf32, #tpu.memory_space<vmem>>, vector<16xf32>,
    tpu.vector_store %arg14[%swap3A_646], %broadcast_in_dim3A_4 {strides = array<i32>} : memref<1040xf32, #tpu.memory_space<vmem>>, vector<16xf32>,
    %swap3A_648 = arith.constant 928 : index
    %swap3A_649 = tpu.vector_load %arg14[%swap3A_648] {strides = array<i32>} : memref<1040xf32, #tpu.memory_space<vmem>>, vector<16xf32>,
    tpu.vector_store %arg14[%swap3A_648], %broadcast_in_dim3A_4 {strides = array<i32>} : memref<1040xf32, #tpu.memory_space<vmem>>, vector<16xf32>,
    %swap3A_650 = arith.constant 944 : index
    %swap3A_651 = tpu.vector_load %arg14[%swap3A_650] {strides = array<i32>} : memref<1040xf32, #tpu.memory_space<vmem>>, vector<16xf32>,
    tpu.vector_store %arg14[%swap3A_650], %broadcast_in_dim3A_4 {strides = array<i32>} : memref<1040xf32, #tpu.memory_space<vmem>>, vector<16xf32>,
    %swap3A_652 = arith.constant 960 : index
    %swap3A_653 = tpu.vector_load %arg14[%swap3A_652] {strides = array<i32>} : memref<1040xf32, #tpu.memory_space<vmem>>, vector<16xf32>,
    tpu.vector_store %arg14[%swap3A_652], %broadcast_in_dim3A_4 {strides = array<i32>} : memref<1040xf32, #tpu.memory_space<vmem>>, vector<16xf32>,
    %swap3A_654 = arith.constant 976 : index
    %swap3A_655 = tpu.vector_load %arg14[%swap3A_654] {strides = array<i32>} : memref<1040xf32, #tpu.memory_space<vmem>>, vector<16xf32>,
    tpu.vector_store %arg14[%swap3A_654], %broadcast_in_dim3A_4 {strides = array<i32>} : memref<1040xf32, #tpu.memory_space<vmem>>, vector<16xf32>,
    %swap3A_656 = arith.constant 992 : index
    %swap3A_657 = tpu.vector_load %arg14[%swap3A_656] {strides = array<i32>} : memref<1040xf32, #tpu.memory_space<vmem>>, vector<16xf32>,
    tpu.vector_store %arg14[%swap3A_656], %broadcast_in_dim3A_4 {strides = array<i32>} : memref<1040xf32, #tpu.memory_space<vmem>>, vector<16xf32>,
    %swap3A_658 = arith.constant 1008 : index
    %swap3A_659 = tpu.vector_load %arg14[%swap3A_658] {strides = array<i32>} : memref<1040xf32, #tpu.memory_space<vmem>>, vector<16xf32>,
    tpu.vector_store %arg14[%swap3A_658], %broadcast_in_dim3A_4 {strides = array<i32>} : memref<1040xf32, #tpu.memory_space<vmem>>, vector<16xf32>,
    %swap3A_660 = arith.constant 1024 : index
    %swap3A_661 = tpu.vector_load %arg14[%swap3A_660] {strides = array<i32>} : memref<1040xf32, #tpu.memory_space<vmem>>, vector<16xf32>,
    tpu.vector_store %arg14[%swap3A_660], %broadcast_in_dim3A_4 {strides = array<i32>} : memref<1040xf32, #tpu.memory_space<vmem>>, vector<16xf32>,
    %swap3A_662 = arith.constant 0 : index
    %swap3A_663 = tpu.vector_load %arg15[%swap3A_662] {strides = array<i32>} : memref<1040xf32, #tpu.memory_space<vmem>>, vector<16xf32>,
    tpu.vector_store %arg15[%swap3A_662], %broadcast_in_dim3A_4 {strides = array<i32>} : memref<1040xf32, #tpu.memory_space<vmem>>, vector<16xf32>,
    %swap3A_664 = arith.constant 16 : index
    %swap3A_665 = tpu.vector_load %arg15[%swap3A_664] {strides = array<i32>} : memref<1040xf32, #tpu.memory_space<vmem>>, vector<16xf32>,
    tpu.vector_store %arg15[%swap3A_664], %broadcast_in_dim3A_4 {strides = array<i32>} : memref<1040xf32, #tpu.memory_space<vmem>>, vector<16xf32>,
    %swap3A_666 = arith.constant 32 : index
    %swap3A_667 = tpu.vector_load %arg15[%swap3A_666] {strides = array<i32>} : memref<1040xf32, #tpu.memory_space<vmem>>, vector<16xf32>,
    tpu.vector_store %arg15[%swap3A_666], %broadcast_in_dim3A_4 {strides = array<i32>} : memref<1040xf32, #tpu.memory_space<vmem>>, vector<16xf32>,
    %swap3A_668 = arith.constant 48 : index
    %swap3A_669 = tpu.vector_load %arg15[%swap3A_668] {strides = array<i32>} : memref<1040xf32, #tpu.memory_space<vmem>>, vector<16xf32>,
    tpu.vector_store %arg15[%swap3A_668], %broadcast_in_dim3A_4 {strides = array<i32>} : memref<1040xf32, #tpu.memory_space<vmem>>, vector<16xf32>,
    %swap3A_670 = arith.constant 64 : index
    %swap3A_671 = tpu.vector_load %arg15[%swap3A_670] {strides = array<i32>} : memref<1040xf32, #tpu.memory_space<vmem>>, vector<16xf32>,
    tpu.vector_store %arg15[%swap3A_670], %broadcast_in_dim3A_4 {strides = array<i32>} : memref<1040xf32, #tpu.memory_space<vmem>>, vector<16xf32>,
    %swap3A_672 = arith.constant 80 : index
    %swap3A_673 = tpu.vector_load %arg15[%swap3A_672] {strides = array<i32>} : memref<1040xf32, #tpu.memory_space<vmem>>, vector<16xf32>,
    tpu.vector_store %arg15[%swap3A_672], %broadcast_in_dim3A_4 {strides = array<i32>} : memref<1040xf32, #tpu.memory_space<vmem>>, vector<16xf32>,
    %swap3A_674 = arith.constant 96 : index
    %swap3A_675 = tpu.vector_load %arg15[%swap3A_674] {strides = array<i32>} : memref<1040xf32, #tpu.memory_space<vmem>>, vector<16xf32>,
    tpu.vector_store %arg15[%swap3A_674], %broadcast_in_dim3A_4 {strides = array<i32>} : memref<1040xf32, #tpu.memory_space<vmem>>, vector<16xf32>,
    %swap3A_676 = arith.constant 112 : index
    %swap3A_677 = tpu.vector_load %arg15[%swap3A_676] {strides = array<i32>} : memref<1040xf32, #tpu.memory_space<vmem>>, vector<16xf32>,
    tpu.vector_store %arg15[%swap3A_676], %broadcast_in_dim3A_4 {strides = array<i32>} : memref<1040xf32, #tpu.memory_space<vmem>>, vector<16xf32>,
    %swap3A_678 = arith.constant 128 : index
    %swap3A_679 = tpu.vector_load %arg15[%swap3A_678] {strides = array<i32>} : memref<1040xf32, #tpu.memory_space<vmem>>, vector<16xf32>,
    tpu.vector_store %arg15[%swap3A_678], %broadcast_in_dim3A_4 {strides = array<i32>} : memref<1040xf32, #tpu.memory_space<vmem>>, vector<16xf32>,
    %swap3A_680 = arith.constant 144 : index
    %swap3A_681 = tpu.vector_load %arg15[%swap3A_680] {strides = array<i32>} : memref<1040xf32, #tpu.memory_space<vmem>>, vector<16xf32>,
    tpu.vector_store %arg15[%swap3A_680], %broadcast_in_dim3A_4 {strides = array<i32>} : memref<1040xf32, #tpu.memory_space<vmem>>, vector<16xf32>,
    %swap3A_682 = arith.constant 160 : index
    %swap3A_683 = tpu.vector_load %arg15[%swap3A_682] {strides = array<i32>} : memref<1040xf32, #tpu.memory_space<vmem>>, vector<16xf32>,
    tpu.vector_store %arg15[%swap3A_682], %broadcast_in_dim3A_4 {strides = array<i32>} : memref<1040xf32, #tpu.memory_space<vmem>>, vector<16xf32>,
    %swap3A_684 = arith.constant 176 : index
    %swap3A_685 = tpu.vector_load %arg15[%swap3A_684] {strides = array<i32>} : memref<1040xf32, #tpu.memory_space<vmem>>, vector<16xf32>,
    tpu.vector_store %arg15[%swap3A_684], %broadcast_in_dim3A_4 {strides = array<i32>} : memref<1040xf32, #tpu.memory_space<vmem>>, vector<16xf32>,
    %swap3A_686 = arith.constant 192 : index
    %swap3A_687 = tpu.vector_load %arg15[%swap3A_686] {strides = array<i32>} : memref<1040xf32, #tpu.memory_space<vmem>>, vector<16xf32>,
    tpu.vector_store %arg15[%swap3A_686], %broadcast_in_dim3A_4 {strides = array<i32>} : memref<1040xf32, #tpu.memory_space<vmem>>, vector<16xf32>,
    %swap3A_688 = arith.constant 208 : index
    %swap3A_689 = tpu.vector_load %arg15[%swap3A_688] {strides = array<i32>} : memref<1040xf32, #tpu.memory_space<vmem>>, vector<16xf32>,
    tpu.vector_store %arg15[%swap3A_688], %broadcast_in_dim3A_4 {strides = array<i32>} : memref<1040xf32, #tpu.memory_space<vmem>>, vector<16xf32>,
    %swap3A_690 = arith.constant 224 : index
    %swap3A_691 = tpu.vector_load %arg15[%swap3A_690] {strides = array<i32>} : memref<1040xf32, #tpu.memory_space<vmem>>, vector<16xf32>,
    tpu.vector_store %arg15[%swap3A_690], %broadcast_in_dim3A_4 {strides = array<i32>} : memref<1040xf32, #tpu.memory_space<vmem>>, vector<16xf32>,
    %swap3A_692 = arith.constant 240 : index
    %swap3A_693 = tpu.vector_load %arg15[%swap3A_692] {strides = array<i32>} : memref<1040xf32, #tpu.memory_space<vmem>>, vector<16xf32>,
    tpu.vector_store %arg15[%swap3A_692], %broadcast_in_dim3A_4 {strides = array<i32>} : memref<1040xf32, #tpu.memory_space<vmem>>, vector<16xf32>,
    %swap3A_694 = arith.constant 256 : index
    %swap3A_695 = tpu.vector_load %arg15[%swap3A_694] {strides = array<i32>} : memref<1040xf32, #tpu.memory_space<vmem>>, vector<16xf32>,
    tpu.vector_store %arg15[%swap3A_694], %broadcast_in_dim3A_4 {strides = array<i32>} : memref<1040xf32, #tpu.memory_space<vmem>>, vector<16xf32>,
    %swap3A_696 = arith.constant 272 : index
    %swap3A_697 = tpu.vector_load %arg15[%swap3A_696] {strides = array<i32>} : memref<1040xf32, #tpu.memory_space<vmem>>, vector<16xf32>,
    tpu.vector_store %arg15[%swap3A_696], %broadcast_in_dim3A_4 {strides = array<i32>} : memref<1040xf32, #tpu.memory_space<vmem>>, vector<16xf32>,
    %swap3A_698 = arith.constant 288 : index
    %swap3A_699 = tpu.vector_load %arg15[%swap3A_698] {strides = array<i32>} : memref<1040xf32, #tpu.memory_space<vmem>>, vector<16xf32>,
    tpu.vector_store %arg15[%swap3A_698], %broadcast_in_dim3A_4 {strides = array<i32>} : memref<1040xf32, #tpu.memory_space<vmem>>, vector<16xf32>,
    %swap3A_700 = arith.constant 304 : index
    %swap3A_701 = tpu.vector_load %arg15[%swap3A_700] {strides = array<i32>} : memref<1040xf32, #tpu.memory_space<vmem>>, vector<16xf32>,
    tpu.vector_store %arg15[%swap3A_700], %broadcast_in_dim3A_4 {strides = array<i32>} : memref<1040xf32, #tpu.memory_space<vmem>>, vector<16xf32>,
    %swap3A_702 = arith.constant 320 : index
    %swap3A_703 = tpu.vector_load %arg15[%swap3A_702] {strides = array<i32>} : memref<1040xf32, #tpu.memory_space<vmem>>, vector<16xf32>,
    tpu.vector_store %arg15[%swap3A_702], %broadcast_in_dim3A_4 {strides = array<i32>} : memref<1040xf32, #tpu.memory_space<vmem>>, vector<16xf32>,
    %swap3A_704 = arith.constant 336 : index
    %swap3A_705 = tpu.vector_load %arg15[%swap3A_704] {strides = array<i32>} : memref<1040xf32, #tpu.memory_space<vmem>>, vector<16xf32>,
    tpu.vector_store %arg15[%swap3A_704], %broadcast_in_dim3A_4 {strides = array<i32>} : memref<1040xf32, #tpu.memory_space<vmem>>, vector<16xf32>,
    %swap3A_706 = arith.constant 352 : index
    %swap3A_707 = tpu.vector_load %arg15[%swap3A_706] {strides = array<i32>} : memref<1040xf32, #tpu.memory_space<vmem>>, vector<16xf32>,
    tpu.vector_store %arg15[%swap3A_706], %broadcast_in_dim3A_4 {strides = array<i32>} : memref<1040xf32, #tpu.memory_space<vmem>>, vector<16xf32>,
    %swap3A_708 = arith.constant 368 : index
    %swap3A_709 = tpu.vector_load %arg15[%swap3A_708] {strides = array<i32>} : memref<1040xf32, #tpu.memory_space<vmem>>, vector<16xf32>,
    tpu.vector_store %arg15[%swap3A_708], %broadcast_in_dim3A_4 {strides = array<i32>} : memref<1040xf32, #tpu.memory_space<vmem>>, vector<16xf32>,
    %swap3A_710 = arith.constant 384 : index
    %swap3A_711 = tpu.vector_load %arg15[%swap3A_710] {strides = array<i32>} : memref<1040xf32, #tpu.memory_space<vmem>>, vector<16xf32>,
    tpu.vector_store %arg15[%swap3A_710], %broadcast_in_dim3A_4 {strides = array<i32>} : memref<1040xf32, #tpu.memory_space<vmem>>, vector<16xf32>,
    %swap3A_712 = arith.constant 400 : index
    %swap3A_713 = tpu.vector_load %arg15[%swap3A_712] {strides = array<i32>} : memref<1040xf32, #tpu.memory_space<vmem>>, vector<16xf32>,
    tpu.vector_store %arg15[%swap3A_712], %broadcast_in_dim3A_4 {strides = array<i32>} : memref<1040xf32, #tpu.memory_space<vmem>>, vector<16xf32>,
    %swap3A_714 = arith.constant 416 : index
    %swap3A_715 = tpu.vector_load %arg15[%swap3A_714] {strides = array<i32>} : memref<1040xf32, #tpu.memory_space<vmem>>, vector<16xf32>,
    tpu.vector_store %arg15[%swap3A_714], %broadcast_in_dim3A_4 {strides = array<i32>} : memref<1040xf32, #tpu.memory_space<vmem>>, vector<16xf32>,
    %swap3A_716 = arith.constant 432 : index
    %swap3A_717 = tpu.vector_load %arg15[%swap3A_716] {strides = array<i32>} : memref<1040xf32, #tpu.memory_space<vmem>>, vector<16xf32>,
    tpu.vector_store %arg15[%swap3A_716], %broadcast_in_dim3A_4 {strides = array<i32>} : memref<1040xf32, #tpu.memory_space<vmem>>, vector<16xf32>,
    %swap3A_718 = arith.constant 448 : index
    %swap3A_719 = tpu.vector_load %arg15[%swap3A_718] {strides = array<i32>} : memref<1040xf32, #tpu.memory_space<vmem>>, vector<16xf32>,
    tpu.vector_store %arg15[%swap3A_718], %broadcast_in_dim3A_4 {strides = array<i32>} : memref<1040xf32, #tpu.memory_space<vmem>>, vector<16xf32>,
    %swap3A_720 = arith.constant 464 : index
    %swap3A_721 = tpu.vector_load %arg15[%swap3A_720] {strides = array<i32>} : memref<1040xf32, #tpu.memory_space<vmem>>, vector<16xf32>,
    tpu.vector_store %arg15[%swap3A_720], %broadcast_in_dim3A_4 {strides = array<i32>} : memref<1040xf32, #tpu.memory_space<vmem>>, vector<16xf32>,
    %swap3A_722 = arith.constant 480 : index
    %swap3A_723 = tpu.vector_load %arg15[%swap3A_722] {strides = array<i32>} : memref<1040xf32, #tpu.memory_space<vmem>>, vector<16xf32>,
    tpu.vector_store %arg15[%swap3A_722], %broadcast_in_dim3A_4 {strides = array<i32>} : memref<1040xf32, #tpu.memory_space<vmem>>, vector<16xf32>,
    %swap3A_724 = arith.constant 496 : index
    %swap3A_725 = tpu.vector_load %arg15[%swap3A_724] {strides = array<i32>} : memref<1040xf32, #tpu.memory_space<vmem>>, vector<16xf32>,
    tpu.vector_store %arg15[%swap3A_724], %broadcast_in_dim3A_4 {strides = array<i32>} : memref<1040xf32, #tpu.memory_space<vmem>>, vector<16xf32>,
    %swap3A_726 = arith.constant 512 : index
    %swap3A_727 = tpu.vector_load %arg15[%swap3A_726] {strides = array<i32>} : memref<1040xf32, #tpu.memory_space<vmem>>, vector<16xf32>,
    tpu.vector_store %arg15[%swap3A_726], %broadcast_in_dim3A_4 {strides = array<i32>} : memref<1040xf32, #tpu.memory_space<vmem>>, vector<16xf32>,
    %swap3A_728 = arith.constant 528 : index
    %swap3A_729 = tpu.vector_load %arg15[%swap3A_728] {strides = array<i32>} : memref<1040xf32, #tpu.memory_space<vmem>>, vector<16xf32>,
    tpu.vector_store %arg15[%swap3A_728], %broadcast_in_dim3A_4 {strides = array<i32>} : memref<1040xf32, #tpu.memory_space<vmem>>, vector<16xf32>,
    %swap3A_730 = arith.constant 544 : index
    %swap3A_731 = tpu.vector_load %arg15[%swap3A_730] {strides = array<i32>} : memref<1040xf32, #tpu.memory_space<vmem>>, vector<16xf32>,
    tpu.vector_store %arg15[%swap3A_730], %broadcast_in_dim3A_4 {strides = array<i32>} : memref<1040xf32, #tpu.memory_space<vmem>>, vector<16xf32>,
    %swap3A_732 = arith.constant 560 : index
    %swap3A_733 = tpu.vector_load %arg15[%swap3A_732] {strides = array<i32>} : memref<1040xf32, #tpu.memory_space<vmem>>, vector<16xf32>,
    tpu.vector_store %arg15[%swap3A_732], %broadcast_in_dim3A_4 {strides = array<i32>} : memref<1040xf32, #tpu.memory_space<vmem>>, vector<16xf32>,
    %swap3A_734 = arith.constant 576 : index
    %swap3A_735 = tpu.vector_load %arg15[%swap3A_734] {strides = array<i32>} : memref<1040xf32, #tpu.memory_space<vmem>>, vector<16xf32>,
    tpu.vector_store %arg15[%swap3A_734], %broadcast_in_dim3A_4 {strides = array<i32>} : memref<1040xf32, #tpu.memory_space<vmem>>, vector<16xf32>,
    %swap3A_736 = arith.constant 592 : index
    %swap3A_737 = tpu.vector_load %arg15[%swap3A_736] {strides = array<i32>} : memref<1040xf32, #tpu.memory_space<vmem>>, vector<16xf32>,
    tpu.vector_store %arg15[%swap3A_736], %broadcast_in_dim3A_4 {strides = array<i32>} : memref<1040xf32, #tpu.memory_space<vmem>>, vector<16xf32>,
    %swap3A_738 = arith.constant 608 : index
    %swap3A_739 = tpu.vector_load %arg15[%swap3A_738] {strides = array<i32>} : memref<1040xf32, #tpu.memory_space<vmem>>, vector<16xf32>,
    tpu.vector_store %arg15[%swap3A_738], %broadcast_in_dim3A_4 {strides = array<i32>} : memref<1040xf32, #tpu.memory_space<vmem>>, vector<16xf32>,
    %swap3A_740 = arith.constant 624 : index
    %swap3A_741 = tpu.vector_load %arg15[%swap3A_740] {strides = array<i32>} : memref<1040xf32, #tpu.memory_space<vmem>>, vector<16xf32>,
    tpu.vector_store %arg15[%swap3A_740], %broadcast_in_dim3A_4 {strides = array<i32>} : memref<1040xf32, #tpu.memory_space<vmem>>, vector<16xf32>,
    %swap3A_742 = arith.constant 640 : index
    %swap3A_743 = tpu.vector_load %arg15[%swap3A_742] {strides = array<i32>} : memref<1040xf32, #tpu.memory_space<vmem>>, vector<16xf32>,
    tpu.vector_store %arg15[%swap3A_742], %broadcast_in_dim3A_4 {strides = array<i32>} : memref<1040xf32, #tpu.memory_space<vmem>>, vector<16xf32>,
    %swap3A_744 = arith.constant 656 : index
    %swap3A_745 = tpu.vector_load %arg15[%swap3A_744] {strides = array<i32>} : memref<1040xf32, #tpu.memory_space<vmem>>, vector<16xf32>,
    tpu.vector_store %arg15[%swap3A_744], %broadcast_in_dim3A_4 {strides = array<i32>} : memref<1040xf32, #tpu.memory_space<vmem>>, vector<16xf32>,
    %swap3A_746 = arith.constant 672 : index
    %swap3A_747 = tpu.vector_load %arg15[%swap3A_746] {strides = array<i32>} : memref<1040xf32, #tpu.memory_space<vmem>>, vector<16xf32>,
    tpu.vector_store %arg15[%swap3A_746], %broadcast_in_dim3A_4 {strides = array<i32>} : memref<1040xf32, #tpu.memory_space<vmem>>, vector<16xf32>,
    %swap3A_748 = arith.constant 688 : index
    %swap3A_749 = tpu.vector_load %arg15[%swap3A_748] {strides = array<i32>} : memref<1040xf32, #tpu.memory_space<vmem>>, vector<16xf32>,
    tpu.vector_store %arg15[%swap3A_748], %broadcast_in_dim3A_4 {strides = array<i32>} : memref<1040xf32, #tpu.memory_space<vmem>>, vector<16xf32>,
    %swap3A_750 = arith.constant 704 : index
    %swap3A_751 = tpu.vector_load %arg15[%swap3A_750] {strides = array<i32>} : memref<1040xf32, #tpu.memory_space<vmem>>, vector<16xf32>,
    tpu.vector_store %arg15[%swap3A_750], %broadcast_in_dim3A_4 {strides = array<i32>} : memref<1040xf32, #tpu.memory_space<vmem>>, vector<16xf32>,
    %swap3A_752 = arith.constant 720 : index
    %swap3A_753 = tpu.vector_load %arg15[%swap3A_752] {strides = array<i32>} : memref<1040xf32, #tpu.memory_space<vmem>>, vector<16xf32>,
    tpu.vector_store %arg15[%swap3A_752], %broadcast_in_dim3A_4 {strides = array<i32>} : memref<1040xf32, #tpu.memory_space<vmem>>, vector<16xf32>,
    %swap3A_754 = arith.constant 736 : index
    %swap3A_755 = tpu.vector_load %arg15[%swap3A_754] {strides = array<i32>} : memref<1040xf32, #tpu.memory_space<vmem>>, vector<16xf32>,
    tpu.vector_store %arg15[%swap3A_754], %broadcast_in_dim3A_4 {strides = array<i32>} : memref<1040xf32, #tpu.memory_space<vmem>>, vector<16xf32>,
    %swap3A_756 = arith.constant 752 : index
    %swap3A_757 = tpu.vector_load %arg15[%swap3A_756] {strides = array<i32>} : memref<1040xf32, #tpu.memory_space<vmem>>, vector<16xf32>,
    tpu.vector_store %arg15[%swap3A_756], %broadcast_in_dim3A_4 {strides = array<i32>} : memref<1040xf32, #tpu.memory_space<vmem>>, vector<16xf32>,
    %swap3A_758 = arith.constant 768 : index
    %swap3A_759 = tpu.vector_load %arg15[%swap3A_758] {strides = array<i32>} : memref<1040xf32, #tpu.memory_space<vmem>>, vector<16xf32>,
    tpu.vector_store %arg15[%swap3A_758], %broadcast_in_dim3A_4 {strides = array<i32>} : memref<1040xf32, #tpu.memory_space<vmem>>, vector<16xf32>,
    %swap3A_760 = arith.constant 784 : index
    %swap3A_761 = tpu.vector_load %arg15[%swap3A_760] {strides = array<i32>} : memref<1040xf32, #tpu.memory_space<vmem>>, vector<16xf32>,
    tpu.vector_store %arg15[%swap3A_760], %broadcast_in_dim3A_4 {strides = array<i32>} : memref<1040xf32, #tpu.memory_space<vmem>>, vector<16xf32>,
    %swap3A_762 = arith.constant 800 : index
    %swap3A_763 = tpu.vector_load %arg15[%swap3A_762] {strides = array<i32>} : memref<1040xf32, #tpu.memory_space<vmem>>, vector<16xf32>,
    tpu.vector_store %arg15[%swap3A_762], %broadcast_in_dim3A_4 {strides = array<i32>} : memref<1040xf32, #tpu.memory_space<vmem>>, vector<16xf32>,
    %swap3A_764 = arith.constant 816 : index
    %swap3A_765 = tpu.vector_load %arg15[%swap3A_764] {strides = array<i32>} : memref<1040xf32, #tpu.memory_space<vmem>>, vector<16xf32>,
    tpu.vector_store %arg15[%swap3A_764], %broadcast_in_dim3A_4 {strides = array<i32>} : memref<1040xf32, #tpu.memory_space<vmem>>, vector<16xf32>,
    %swap3A_766 = arith.constant 832 : index
    %swap3A_767 = tpu.vector_load %arg15[%swap3A_766] {strides = array<i32>} : memref<1040xf32, #tpu.memory_space<vmem>>, vector<16xf32>,
    tpu.vector_store %arg15[%swap3A_766], %broadcast_in_dim3A_4 {strides = array<i32>} : memref<1040xf32, #tpu.memory_space<vmem>>, vector<16xf32>,
    %swap3A_768 = arith.constant 848 : index
    %swap3A_769 = tpu.vector_load %arg15[%swap3A_768] {strides = array<i32>} : memref<1040xf32, #tpu.memory_space<vmem>>, vector<16xf32>,
    tpu.vector_store %arg15[%swap3A_768], %broadcast_in_dim3A_4 {strides = array<i32>} : memref<1040xf32, #tpu.memory_space<vmem>>, vector<16xf32>,
    %swap3A_770 = arith.constant 864 : index
    %swap3A_771 = tpu.vector_load %arg15[%swap3A_770] {strides = array<i32>} : memref<1040xf32, #tpu.memory_space<vmem>>, vector<16xf32>,
    tpu.vector_store %arg15[%swap3A_770], %broadcast_in_dim3A_4 {strides = array<i32>} : memref<1040xf32, #tpu.memory_space<vmem>>, vector<16xf32>,
    %swap3A_772 = arith.constant 880 : index
    %swap3A_773 = tpu.vector_load %arg15[%swap3A_772] {strides = array<i32>} : memref<1040xf32, #tpu.memory_space<vmem>>, vector<16xf32>,
    tpu.vector_store %arg15[%swap3A_772], %broadcast_in_dim3A_4 {strides = array<i32>} : memref<1040xf32, #tpu.memory_space<vmem>>, vector<16xf32>,
    %swap3A_774 = arith.constant 896 : index
    %swap3A_775 = tpu.vector_load %arg15[%swap3A_774] {strides = array<i32>} : memref<1040xf32, #tpu.memory_space<vmem>>, vector<16xf32>,
    tpu.vector_store %arg15[%swap3A_774], %broadcast_in_dim3A_4 {strides = array<i32>} : memref<1040xf32, #tpu.memory_space<vmem>>, vector<16xf32>,
    %swap3A_776 = arith.constant 912 : index
    %swap3A_777 = tpu.vector_load %arg15[%swap3A_776] {strides = array<i32>} : memref<1040xf32, #tpu.memory_space<vmem>>, vector<16xf32>,
    tpu.vector_store %arg15[%swap3A_776], %broadcast_in_dim3A_4 {strides = array<i32>} : memref<1040xf32, #tpu.memory_space<vmem>>, vector<16xf32>,
    %swap3A_778 = arith.constant 928 : index
    %swap3A_779 = tpu.vector_load %arg15[%swap3A_778] {strides = array<i32>} : memref<1040xf32, #tpu.memory_space<vmem>>, vector<16xf32>,
    tpu.vector_store %arg15[%swap3A_778], %broadcast_in_dim3A_4 {strides = array<i32>} : memref<1040xf32, #tpu.memory_space<vmem>>, vector<16xf32>,
    %swap3A_780 = arith.constant 944 : index
    %swap3A_781 = tpu.vector_load %arg15[%swap3A_780] {strides = array<i32>} : memref<1040xf32, #tpu.memory_space<vmem>>, vector<16xf32>,
    tpu.vector_store %arg15[%swap3A_780], %broadcast_in_dim3A_4 {strides = array<i32>} : memref<1040xf32, #tpu.memory_space<vmem>>, vector<16xf32>,
    %swap3A_782 = arith.constant 960 : index
    %swap3A_783 = tpu.vector_load %arg15[%swap3A_782] {strides = array<i32>} : memref<1040xf32, #tpu.memory_space<vmem>>, vector<16xf32>,
    tpu.vector_store %arg15[%swap3A_782], %broadcast_in_dim3A_4 {strides = array<i32>} : memref<1040xf32, #tpu.memory_space<vmem>>, vector<16xf32>,
    %swap3A_784 = arith.constant 976 : index
    %swap3A_785 = tpu.vector_load %arg15[%swap3A_784] {strides = array<i32>} : memref<1040xf32, #tpu.memory_space<vmem>>, vector<16xf32>,
    tpu.vector_store %arg15[%swap3A_784], %broadcast_in_dim3A_4 {strides = array<i32>} : memref<1040xf32, #tpu.memory_space<vmem>>, vector<16xf32>,
    %swap3A_786 = arith.constant 992 : index
    %swap3A_787 = tpu.vector_load %arg15[%swap3A_786] {strides = array<i32>} : memref<1040xf32, #tpu.memory_space<vmem>>, vector<16xf32>,
    tpu.vector_store %arg15[%swap3A_786], %broadcast_in_dim3A_4 {strides = array<i32>} : memref<1040xf32, #tpu.memory_space<vmem>>, vector<16xf32>,
    %swap3A_788 = arith.constant 1008 : index
    %swap3A_789 = tpu.vector_load %arg15[%swap3A_788] {strides = array<i32>} : memref<1040xf32, #tpu.memory_space<vmem>>, vector<16xf32>,
    tpu.vector_store %arg15[%swap3A_788], %broadcast_in_dim3A_4 {strides = array<i32>} : memref<1040xf32, #tpu.memory_space<vmem>>, vector<16xf32>,
    %swap3A_790 = arith.constant 1024 : index
    %swap3A_791 = tpu.vector_load %arg15[%swap3A_790] {strides = array<i32>} : memref<1040xf32, #tpu.memory_space<vmem>>, vector<16xf32>,
    tpu.vector_store %arg15[%swap3A_790], %broadcast_in_dim3A_4 {strides = array<i32>} : memref<1040xf32, #tpu.memory_space<vmem>>, vector<16xf32>,
    %swap3A_792 = arith.constant 0 : index
    %swap3A_793 = tpu.vector_load %arg16[%swap3A_792] {strides = array<i32>} : memref<1040xf32, #tpu.memory_space<vmem>>, vector<16xf32>,
    tpu.vector_store %arg16[%swap3A_792], %broadcast_in_dim3A_4 {strides = array<i32>} : memref<1040xf32, #tpu.memory_space<vmem>>, vector<16xf32>,
    %swap3A_794 = arith.constant 16 : index
    %swap3A_795 = tpu.vector_load %arg16[%swap3A_794] {strides = array<i32>} : memref<1040xf32, #tpu.memory_space<vmem>>, vector<16xf32>,
    tpu.vector_store %arg16[%swap3A_794], %broadcast_in_dim3A_4 {strides = array<i32>} : memref<1040xf32, #tpu.memory_space<vmem>>, vector<16xf32>,
    %swap3A_796 = arith.constant 32 : index
    %swap3A_797 = tpu.vector_load %arg16[%swap3A_796] {strides = array<i32>} : memref<1040xf32, #tpu.memory_space<vmem>>, vector<16xf32>,
    tpu.vector_store %arg16[%swap3A_796], %broadcast_in_dim3A_4 {strides = array<i32>} : memref<1040xf32, #tpu.memory_space<vmem>>, vector<16xf32>,
    %swap3A_798 = arith.constant 48 : index
    %swap3A_799 = tpu.vector_load %arg16[%swap3A_798] {strides = array<i32>} : memref<1040xf32, #tpu.memory_space<vmem>>, vector<16xf32>,
    tpu.vector_store %arg16[%swap3A_798], %broadcast_in_dim3A_4 {strides = array<i32>} : memref<1040xf32, #tpu.memory_space<vmem>>, vector<16xf32>,
    %swap3A_800 = arith.constant 64 : index
    %swap3A_801 = tpu.vector_load %arg16[%swap3A_800] {strides = array<i32>} : memref<1040xf32, #tpu.memory_space<vmem>>, vector<16xf32>,
    tpu.vector_store %arg16[%swap3A_800], %broadcast_in_dim3A_4 {strides = array<i32>} : memref<1040xf32, #tpu.memory_space<vmem>>, vector<16xf32>,
    %swap3A_802 = arith.constant 80 : index
    %swap3A_803 = tpu.vector_load %arg16[%swap3A_802] {strides = array<i32>} : memref<1040xf32, #tpu.memory_space<vmem>>, vector<16xf32>,
    tpu.vector_store %arg16[%swap3A_802], %broadcast_in_dim3A_4 {strides = array<i32>} : memref<1040xf32, #tpu.memory_space<vmem>>, vector<16xf32>,
    %swap3A_804 = arith.constant 96 : index
    %swap3A_805 = tpu.vector_load %arg16[%swap3A_804] {strides = array<i32>} : memref<1040xf32, #tpu.memory_space<vmem>>, vector<16xf32>,
    tpu.vector_store %arg16[%swap3A_804], %broadcast_in_dim3A_4 {strides = array<i32>} : memref<1040xf32, #tpu.memory_space<vmem>>, vector<16xf32>,
    %swap3A_806 = arith.constant 112 : index
    %swap3A_807 = tpu.vector_load %arg16[%swap3A_806] {strides = array<i32>} : memref<1040xf32, #tpu.memory_space<vmem>>, vector<16xf32>,
    tpu.vector_store %arg16[%swap3A_806], %broadcast_in_dim3A_4 {strides = array<i32>} : memref<1040xf32, #tpu.memory_space<vmem>>, vector<16xf32>,
    %swap3A_808 = arith.constant 128 : index
    %swap3A_809 = tpu.vector_load %arg16[%swap3A_808] {strides = array<i32>} : memref<1040xf32, #tpu.memory_space<vmem>>, vector<16xf32>,
    tpu.vector_store %arg16[%swap3A_808], %broadcast_in_dim3A_4 {strides = array<i32>} : memref<1040xf32, #tpu.memory_space<vmem>>, vector<16xf32>,
    %swap3A_810 = arith.constant 144 : index
    %swap3A_811 = tpu.vector_load %arg16[%swap3A_810] {strides = array<i32>} : memref<1040xf32, #tpu.memory_space<vmem>>, vector<16xf32>,
    tpu.vector_store %arg16[%swap3A_810], %broadcast_in_dim3A_4 {strides = array<i32>} : memref<1040xf32, #tpu.memory_space<vmem>>, vector<16xf32>,
    %swap3A_812 = arith.constant 160 : index
    %swap3A_813 = tpu.vector_load %arg16[%swap3A_812] {strides = array<i32>} : memref<1040xf32, #tpu.memory_space<vmem>>, vector<16xf32>,
    tpu.vector_store %arg16[%swap3A_812], %broadcast_in_dim3A_4 {strides = array<i32>} : memref<1040xf32, #tpu.memory_space<vmem>>, vector<16xf32>,
    %swap3A_814 = arith.constant 176 : index
    %swap3A_815 = tpu.vector_load %arg16[%swap3A_814] {strides = array<i32>} : memref<1040xf32, #tpu.memory_space<vmem>>, vector<16xf32>,
    tpu.vector_store %arg16[%swap3A_814], %broadcast_in_dim3A_4 {strides = array<i32>} : memref<1040xf32, #tpu.memory_space<vmem>>, vector<16xf32>,
    %swap3A_816 = arith.constant 192 : index
    %swap3A_817 = tpu.vector_load %arg16[%swap3A_816] {strides = array<i32>} : memref<1040xf32, #tpu.memory_space<vmem>>, vector<16xf32>,
    tpu.vector_store %arg16[%swap3A_816], %broadcast_in_dim3A_4 {strides = array<i32>} : memref<1040xf32, #tpu.memory_space<vmem>>, vector<16xf32>,
    %swap3A_818 = arith.constant 208 : index
    %swap3A_819 = tpu.vector_load %arg16[%swap3A_818] {strides = array<i32>} : memref<1040xf32, #tpu.memory_space<vmem>>, vector<16xf32>,
    tpu.vector_store %arg16[%swap3A_818], %broadcast_in_dim3A_4 {strides = array<i32>} : memref<1040xf32, #tpu.memory_space<vmem>>, vector<16xf32>,
    %swap3A_820 = arith.constant 224 : index
    %swap3A_821 = tpu.vector_load %arg16[%swap3A_820] {strides = array<i32>} : memref<1040xf32, #tpu.memory_space<vmem>>, vector<16xf32>,
    tpu.vector_store %arg16[%swap3A_820], %broadcast_in_dim3A_4 {strides = array<i32>} : memref<1040xf32, #tpu.memory_space<vmem>>, vector<16xf32>,
    %swap3A_822 = arith.constant 240 : index
    %swap3A_823 = tpu.vector_load %arg16[%swap3A_822] {strides = array<i32>} : memref<1040xf32, #tpu.memory_space<vmem>>, vector<16xf32>,
    tpu.vector_store %arg16[%swap3A_822], %broadcast_in_dim3A_4 {strides = array<i32>} : memref<1040xf32, #tpu.memory_space<vmem>>, vector<16xf32>,
    %swap3A_824 = arith.constant 256 : index
    %swap3A_825 = tpu.vector_load %arg16[%swap3A_824] {strides = array<i32>} : memref<1040xf32, #tpu.memory_space<vmem>>, vector<16xf32>,
    tpu.vector_store %arg16[%swap3A_824], %broadcast_in_dim3A_4 {strides = array<i32>} : memref<1040xf32, #tpu.memory_space<vmem>>, vector<16xf32>,
    %swap3A_826 = arith.constant 272 : index
    %swap3A_827 = tpu.vector_load %arg16[%swap3A_826] {strides = array<i32>} : memref<1040xf32, #tpu.memory_space<vmem>>, vector<16xf32>,
    tpu.vector_store %arg16[%swap3A_826], %broadcast_in_dim3A_4 {strides = array<i32>} : memref<1040xf32, #tpu.memory_space<vmem>>, vector<16xf32>,
    %swap3A_828 = arith.constant 288 : index
    %swap3A_829 = tpu.vector_load %arg16[%swap3A_828] {strides = array<i32>} : memref<1040xf32, #tpu.memory_space<vmem>>, vector<16xf32>,
    tpu.vector_store %arg16[%swap3A_828], %broadcast_in_dim3A_4 {strides = array<i32>} : memref<1040xf32, #tpu.memory_space<vmem>>, vector<16xf32>,
    %swap3A_830 = arith.constant 304 : index
    %swap3A_831 = tpu.vector_load %arg16[%swap3A_830] {strides = array<i32>} : memref<1040xf32, #tpu.memory_space<vmem>>, vector<16xf32>,
    tpu.vector_store %arg16[%swap3A_830], %broadcast_in_dim3A_4 {strides = array<i32>} : memref<1040xf32, #tpu.memory_space<vmem>>, vector<16xf32>,
    %swap3A_832 = arith.constant 320 : index
    %swap3A_833 = tpu.vector_load %arg16[%swap3A_832] {strides = array<i32>} : memref<1040xf32, #tpu.memory_space<vmem>>, vector<16xf32>,
    tpu.vector_store %arg16[%swap3A_832], %broadcast_in_dim3A_4 {strides = array<i32>} : memref<1040xf32, #tpu.memory_space<vmem>>, vector<16xf32>,
    %swap3A_834 = arith.constant 336 : index
    %swap3A_835 = tpu.vector_load %arg16[%swap3A_834] {strides = array<i32>} : memref<1040xf32, #tpu.memory_space<vmem>>, vector<16xf32>,
    tpu.vector_store %arg16[%swap3A_834], %broadcast_in_dim3A_4 {strides = array<i32>} : memref<1040xf32, #tpu.memory_space<vmem>>, vector<16xf32>,
    %swap3A_836 = arith.constant 352 : index
    %swap3A_837 = tpu.vector_load %arg16[%swap3A_836] {strides = array<i32>} : memref<1040xf32, #tpu.memory_space<vmem>>, vector<16xf32>,
    tpu.vector_store %arg16[%swap3A_836], %broadcast_in_dim3A_4 {strides = array<i32>} : memref<1040xf32, #tpu.memory_space<vmem>>, vector<16xf32>,
    %swap3A_838 = arith.constant 368 : index
    %swap3A_839 = tpu.vector_load %arg16[%swap3A_838] {strides = array<i32>} : memref<1040xf32, #tpu.memory_space<vmem>>, vector<16xf32>,
    tpu.vector_store %arg16[%swap3A_838], %broadcast_in_dim3A_4 {strides = array<i32>} : memref<1040xf32, #tpu.memory_space<vmem>>, vector<16xf32>,
    %swap3A_840 = arith.constant 384 : index
    %swap3A_841 = tpu.vector_load %arg16[%swap3A_840] {strides = array<i32>} : memref<1040xf32, #tpu.memory_space<vmem>>, vector<16xf32>,
    tpu.vector_store %arg16[%swap3A_840], %broadcast_in_dim3A_4 {strides = array<i32>} : memref<1040xf32, #tpu.memory_space<vmem>>, vector<16xf32>,
    %swap3A_842 = arith.constant 400 : index
    %swap3A_843 = tpu.vector_load %arg16[%swap3A_842] {strides = array<i32>} : memref<1040xf32, #tpu.memory_space<vmem>>, vector<16xf32>,
    tpu.vector_store %arg16[%swap3A_842], %broadcast_in_dim3A_4 {strides = array<i32>} : memref<1040xf32, #tpu.memory_space<vmem>>, vector<16xf32>,
    %swap3A_844 = arith.constant 416 : index
    %swap3A_845 = tpu.vector_load %arg16[%swap3A_844] {strides = array<i32>} : memref<1040xf32, #tpu.memory_space<vmem>>, vector<16xf32>,
    tpu.vector_store %arg16[%swap3A_844], %broadcast_in_dim3A_4 {strides = array<i32>} : memref<1040xf32, #tpu.memory_space<vmem>>, vector<16xf32>,
    %swap3A_846 = arith.constant 432 : index
    %swap3A_847 = tpu.vector_load %arg16[%swap3A_846] {strides = array<i32>} : memref<1040xf32, #tpu.memory_space<vmem>>, vector<16xf32>,
    tpu.vector_store %arg16[%swap3A_846], %broadcast_in_dim3A_4 {strides = array<i32>} : memref<1040xf32, #tpu.memory_space<vmem>>, vector<16xf32>,
    %swap3A_848 = arith.constant 448 : index
    %swap3A_849 = tpu.vector_load %arg16[%swap3A_848] {strides = array<i32>} : memref<1040xf32, #tpu.memory_space<vmem>>, vector<16xf32>,
    tpu.vector_store %arg16[%swap3A_848], %broadcast_in_dim3A_4 {strides = array<i32>} : memref<1040xf32, #tpu.memory_space<vmem>>, vector<16xf32>,
    %swap3A_850 = arith.constant 464 : index
    %swap3A_851 = tpu.vector_load %arg16[%swap3A_850] {strides = array<i32>} : memref<1040xf32, #tpu.memory_space<vmem>>, vector<16xf32>,
    tpu.vector_store %arg16[%swap3A_850], %broadcast_in_dim3A_4 {strides = array<i32>} : memref<1040xf32, #tpu.memory_space<vmem>>, vector<16xf32>,
    %swap3A_852 = arith.constant 480 : index
    %swap3A_853 = tpu.vector_load %arg16[%swap3A_852] {strides = array<i32>} : memref<1040xf32, #tpu.memory_space<vmem>>, vector<16xf32>,
    tpu.vector_store %arg16[%swap3A_852], %broadcast_in_dim3A_4 {strides = array<i32>} : memref<1040xf32, #tpu.memory_space<vmem>>, vector<16xf32>,
    %swap3A_854 = arith.constant 496 : index
    %swap3A_855 = tpu.vector_load %arg16[%swap3A_854] {strides = array<i32>} : memref<1040xf32, #tpu.memory_space<vmem>>, vector<16xf32>,
    tpu.vector_store %arg16[%swap3A_854], %broadcast_in_dim3A_4 {strides = array<i32>} : memref<1040xf32, #tpu.memory_space<vmem>>, vector<16xf32>,
    %swap3A_856 = arith.constant 512 : index
    %swap3A_857 = tpu.vector_load %arg16[%swap3A_856] {strides = array<i32>} : memref<1040xf32, #tpu.memory_space<vmem>>, vector<16xf32>,
    tpu.vector_store %arg16[%swap3A_856], %broadcast_in_dim3A_4 {strides = array<i32>} : memref<1040xf32, #tpu.memory_space<vmem>>, vector<16xf32>,
    %swap3A_858 = arith.constant 528 : index
    %swap3A_859 = tpu.vector_load %arg16[%swap3A_858] {strides = array<i32>} : memref<1040xf32, #tpu.memory_space<vmem>>, vector<16xf32>,
    tpu.vector_store %arg16[%swap3A_858], %broadcast_in_dim3A_4 {strides = array<i32>} : memref<1040xf32, #tpu.memory_space<vmem>>, vector<16xf32>,
    %swap3A_860 = arith.constant 544 : index
    %swap3A_861 = tpu.vector_load %arg16[%swap3A_860] {strides = array<i32>} : memref<1040xf32, #tpu.memory_space<vmem>>, vector<16xf32>,
    tpu.vector_store %arg16[%swap3A_860], %broadcast_in_dim3A_4 {strides = array<i32>} : memref<1040xf32, #tpu.memory_space<vmem>>, vector<16xf32>,
    %swap3A_862 = arith.constant 560 : index
    %swap3A_863 = tpu.vector_load %arg16[%swap3A_862] {strides = array<i32>} : memref<1040xf32, #tpu.memory_space<vmem>>, vector<16xf32>,
    tpu.vector_store %arg16[%swap3A_862], %broadcast_in_dim3A_4 {strides = array<i32>} : memref<1040xf32, #tpu.memory_space<vmem>>, vector<16xf32>,
    %swap3A_864 = arith.constant 576 : index
    %swap3A_865 = tpu.vector_load %arg16[%swap3A_864] {strides = array<i32>} : memref<1040xf32, #tpu.memory_space<vmem>>, vector<16xf32>,
    tpu.vector_store %arg16[%swap3A_864], %broadcast_in_dim3A_4 {strides = array<i32>} : memref<1040xf32, #tpu.memory_space<vmem>>, vector<16xf32>,
    %swap3A_866 = arith.constant 592 : index
    %swap3A_867 = tpu.vector_load %arg16[%swap3A_866] {strides = array<i32>} : memref<1040xf32, #tpu.memory_space<vmem>>, vector<16xf32>,
    tpu.vector_store %arg16[%swap3A_866], %broadcast_in_dim3A_4 {strides = array<i32>} : memref<1040xf32, #tpu.memory_space<vmem>>, vector<16xf32>,
    %swap3A_868 = arith.constant 608 : index
    %swap3A_869 = tpu.vector_load %arg16[%swap3A_868] {strides = array<i32>} : memref<1040xf32, #tpu.memory_space<vmem>>, vector<16xf32>,
    tpu.vector_store %arg16[%swap3A_868], %broadcast_in_dim3A_4 {strides = array<i32>} : memref<1040xf32, #tpu.memory_space<vmem>>, vector<16xf32>,
    %swap3A_870 = arith.constant 624 : index
    %swap3A_871 = tpu.vector_load %arg16[%swap3A_870] {strides = array<i32>} : memref<1040xf32, #tpu.memory_space<vmem>>, vector<16xf32>,
    tpu.vector_store %arg16[%swap3A_870], %broadcast_in_dim3A_4 {strides = array<i32>} : memref<1040xf32, #tpu.memory_space<vmem>>, vector<16xf32>,
    %swap3A_872 = arith.constant 640 : index
    %swap3A_873 = tpu.vector_load %arg16[%swap3A_872] {strides = array<i32>} : memref<1040xf32, #tpu.memory_space<vmem>>, vector<16xf32>,
    tpu.vector_store %arg16[%swap3A_872], %broadcast_in_dim3A_4 {strides = array<i32>} : memref<1040xf32, #tpu.memory_space<vmem>>, vector<16xf32>,
    %swap3A_874 = arith.constant 656 : index
    %swap3A_875 = tpu.vector_load %arg16[%swap3A_874] {strides = array<i32>} : memref<1040xf32, #tpu.memory_space<vmem>>, vector<16xf32>,
    tpu.vector_store %arg16[%swap3A_874], %broadcast_in_dim3A_4 {strides = array<i32>} : memref<1040xf32, #tpu.memory_space<vmem>>, vector<16xf32>,
    %swap3A_876 = arith.constant 672 : index
    %swap3A_877 = tpu.vector_load %arg16[%swap3A_876] {strides = array<i32>} : memref<1040xf32, #tpu.memory_space<vmem>>, vector<16xf32>,
    tpu.vector_store %arg16[%swap3A_876], %broadcast_in_dim3A_4 {strides = array<i32>} : memref<1040xf32, #tpu.memory_space<vmem>>, vector<16xf32>,
    %swap3A_878 = arith.constant 688 : index
    %swap3A_879 = tpu.vector_load %arg16[%swap3A_878] {strides = array<i32>} : memref<1040xf32, #tpu.memory_space<vmem>>, vector<16xf32>,
    tpu.vector_store %arg16[%swap3A_878], %broadcast_in_dim3A_4 {strides = array<i32>} : memref<1040xf32, #tpu.memory_space<vmem>>, vector<16xf32>,
    %swap3A_880 = arith.constant 704 : index
    %swap3A_881 = tpu.vector_load %arg16[%swap3A_880] {strides = array<i32>} : memref<1040xf32, #tpu.memory_space<vmem>>, vector<16xf32>,
    tpu.vector_store %arg16[%swap3A_880], %broadcast_in_dim3A_4 {strides = array<i32>} : memref<1040xf32, #tpu.memory_space<vmem>>, vector<16xf32>,
    %swap3A_882 = arith.constant 720 : index
    %swap3A_883 = tpu.vector_load %arg16[%swap3A_882] {strides = array<i32>} : memref<1040xf32, #tpu.memory_space<vmem>>, vector<16xf32>,
    tpu.vector_store %arg16[%swap3A_882], %broadcast_in_dim3A_4 {strides = array<i32>} : memref<1040xf32, #tpu.memory_space<vmem>>, vector<16xf32>,
    %swap3A_884 = arith.constant 736 : index
    %swap3A_885 = tpu.vector_load %arg16[%swap3A_884] {strides = array<i32>} : memref<1040xf32, #tpu.memory_space<vmem>>, vector<16xf32>,
    tpu.vector_store %arg16[%swap3A_884], %broadcast_in_dim3A_4 {strides = array<i32>} : memref<1040xf32, #tpu.memory_space<vmem>>, vector<16xf32>,
    %swap3A_886 = arith.constant 752 : index
    %swap3A_887 = tpu.vector_load %arg16[%swap3A_886] {strides = array<i32>} : memref<1040xf32, #tpu.memory_space<vmem>>, vector<16xf32>,
    tpu.vector_store %arg16[%swap3A_886], %broadcast_in_dim3A_4 {strides = array<i32>} : memref<1040xf32, #tpu.memory_space<vmem>>, vector<16xf32>,
    %swap3A_888 = arith.constant 768 : index
    %swap3A_889 = tpu.vector_load %arg16[%swap3A_888] {strides = array<i32>} : memref<1040xf32, #tpu.memory_space<vmem>>, vector<16xf32>,
    tpu.vector_store %arg16[%swap3A_888], %broadcast_in_dim3A_4 {strides = array<i32>} : memref<1040xf32, #tpu.memory_space<vmem>>, vector<16xf32>,
    %swap3A_890 = arith.constant 784 : index
    %swap3A_891 = tpu.vector_load %arg16[%swap3A_890] {strides = array<i32>} : memref<1040xf32, #tpu.memory_space<vmem>>, vector<16xf32>,
    tpu.vector_store %arg16[%swap3A_890], %broadcast_in_dim3A_4 {strides = array<i32>} : memref<1040xf32, #tpu.memory_space<vmem>>, vector<16xf32>,
    %swap3A_892 = arith.constant 800 : index
    %swap3A_893 = tpu.vector_load %arg16[%swap3A_892] {strides = array<i32>} : memref<1040xf32, #tpu.memory_space<vmem>>, vector<16xf32>,
    tpu.vector_store %arg16[%swap3A_892], %broadcast_in_dim3A_4 {strides = array<i32>} : memref<1040xf32, #tpu.memory_space<vmem>>, vector<16xf32>,
    %swap3A_894 = arith.constant 816 : index
    %swap3A_895 = tpu.vector_load %arg16[%swap3A_894] {strides = array<i32>} : memref<1040xf32, #tpu.memory_space<vmem>>, vector<16xf32>,
    tpu.vector_store %arg16[%swap3A_894], %broadcast_in_dim3A_4 {strides = array<i32>} : memref<1040xf32, #tpu.memory_space<vmem>>, vector<16xf32>,
    %swap3A_896 = arith.constant 832 : index
    %swap3A_897 = tpu.vector_load %arg16[%swap3A_896] {strides = array<i32>} : memref<1040xf32, #tpu.memory_space<vmem>>, vector<16xf32>,
    tpu.vector_store %arg16[%swap3A_896], %broadcast_in_dim3A_4 {strides = array<i32>} : memref<1040xf32, #tpu.memory_space<vmem>>, vector<16xf32>,
    %swap3A_898 = arith.constant 848 : index
    %swap3A_899 = tpu.vector_load %arg16[%swap3A_898] {strides = array<i32>} : memref<1040xf32, #tpu.memory_space<vmem>>, vector<16xf32>,
    tpu.vector_store %arg16[%swap3A_898], %broadcast_in_dim3A_4 {strides = array<i32>} : memref<1040xf32, #tpu.memory_space<vmem>>, vector<16xf32>,
    %swap3A_900 = arith.constant 864 : index
    %swap3A_901 = tpu.vector_load %arg16[%swap3A_900] {strides = array<i32>} : memref<1040xf32, #tpu.memory_space<vmem>>, vector<16xf32>,
    tpu.vector_store %arg16[%swap3A_900], %broadcast_in_dim3A_4 {strides = array<i32>} : memref<1040xf32, #tpu.memory_space<vmem>>, vector<16xf32>,
    %swap3A_902 = arith.constant 880 : index
    %swap3A_903 = tpu.vector_load %arg16[%swap3A_902] {strides = array<i32>} : memref<1040xf32, #tpu.memory_space<vmem>>, vector<16xf32>,
    tpu.vector_store %arg16[%swap3A_902], %broadcast_in_dim3A_4 {strides = array<i32>} : memref<1040xf32, #tpu.memory_space<vmem>>, vector<16xf32>,
    %swap3A_904 = arith.constant 896 : index
    %swap3A_905 = tpu.vector_load %arg16[%swap3A_904] {strides = array<i32>} : memref<1040xf32, #tpu.memory_space<vmem>>, vector<16xf32>,
    tpu.vector_store %arg16[%swap3A_904], %broadcast_in_dim3A_4 {strides = array<i32>} : memref<1040xf32, #tpu.memory_space<vmem>>, vector<16xf32>,
    %swap3A_906 = arith.constant 912 : index
    %swap3A_907 = tpu.vector_load %arg16[%swap3A_906] {strides = array<i32>} : memref<1040xf32, #tpu.memory_space<vmem>>, vector<16xf32>,
    tpu.vector_store %arg16[%swap3A_906], %broadcast_in_dim3A_4 {strides = array<i32>} : memref<1040xf32, #tpu.memory_space<vmem>>, vector<16xf32>,
    %swap3A_908 = arith.constant 928 : index
    %swap3A_909 = tpu.vector_load %arg16[%swap3A_908] {strides = array<i32>} : memref<1040xf32, #tpu.memory_space<vmem>>, vector<16xf32>,
    tpu.vector_store %arg16[%swap3A_908], %broadcast_in_dim3A_4 {strides = array<i32>} : memref<1040xf32, #tpu.memory_space<vmem>>, vector<16xf32>,
    %swap3A_910 = arith.constant 944 : index
    %swap3A_911 = tpu.vector_load %arg16[%swap3A_910] {strides = array<i32>} : memref<1040xf32, #tpu.memory_space<vmem>>, vector<16xf32>,
    tpu.vector_store %arg16[%swap3A_910], %broadcast_in_dim3A_4 {strides = array<i32>} : memref<1040xf32, #tpu.memory_space<vmem>>, vector<16xf32>,
    %swap3A_912 = arith.constant 960 : index
    %swap3A_913 = tpu.vector_load %arg16[%swap3A_912] {strides = array<i32>} : memref<1040xf32, #tpu.memory_space<vmem>>, vector<16xf32>,
    tpu.vector_store %arg16[%swap3A_912], %broadcast_in_dim3A_4 {strides = array<i32>} : memref<1040xf32, #tpu.memory_space<vmem>>, vector<16xf32>,
    %swap3A_914 = arith.constant 976 : index
    %swap3A_915 = tpu.vector_load %arg16[%swap3A_914] {strides = array<i32>} : memref<1040xf32, #tpu.memory_space<vmem>>, vector<16xf32>,
    tpu.vector_store %arg16[%swap3A_914], %broadcast_in_dim3A_4 {strides = array<i32>} : memref<1040xf32, #tpu.memory_space<vmem>>, vector<16xf32>,
    %swap3A_916 = arith.constant 992 : index
    %swap3A_917 = tpu.vector_load %arg16[%swap3A_916] {strides = array<i32>} : memref<1040xf32, #tpu.memory_space<vmem>>, vector<16xf32>,
    tpu.vector_store %arg16[%swap3A_916], %broadcast_in_dim3A_4 {strides = array<i32>} : memref<1040xf32, #tpu.memory_space<vmem>>, vector<16xf32>,
    %swap3A_918 = arith.constant 1008 : index
    %swap3A_919 = tpu.vector_load %arg16[%swap3A_918] {strides = array<i32>} : memref<1040xf32, #tpu.memory_space<vmem>>, vector<16xf32>,
    tpu.vector_store %arg16[%swap3A_918], %broadcast_in_dim3A_4 {strides = array<i32>} : memref<1040xf32, #tpu.memory_space<vmem>>, vector<16xf32>,
    %swap3A_920 = arith.constant 1024 : index
    %swap3A_921 = tpu.vector_load %arg16[%swap3A_920] {strides = array<i32>} : memref<1040xf32, #tpu.memory_space<vmem>>, vector<16xf32>,
    tpu.vector_store %arg16[%swap3A_920], %broadcast_in_dim3A_4 {strides = array<i32>} : memref<1040xf32, #tpu.memory_space<vmem>>, vector<16xf32>,
    %swap3A_922 = arith.constant 0 : index
    %swap3A_923 = tpu.vector_load %arg17[%swap3A_922] {strides = array<i32>} : memref<1040xf32, #tpu.memory_space<vmem>>, vector<16xf32>,
    tpu.vector_store %arg17[%swap3A_922], %broadcast_in_dim3A_4 {strides = array<i32>} : memref<1040xf32, #tpu.memory_space<vmem>>, vector<16xf32>,
    %swap3A_924 = arith.constant 16 : index
    %swap3A_925 = tpu.vector_load %arg17[%swap3A_924] {strides = array<i32>} : memref<1040xf32, #tpu.memory_space<vmem>>, vector<16xf32>,
    tpu.vector_store %arg17[%swap3A_924], %broadcast_in_dim3A_4 {strides = array<i32>} : memref<1040xf32, #tpu.memory_space<vmem>>, vector<16xf32>,
    %swap3A_926 = arith.constant 32 : index
    %swap3A_927 = tpu.vector_load %arg17[%swap3A_926] {strides = array<i32>} : memref<1040xf32, #tpu.memory_space<vmem>>, vector<16xf32>,
    tpu.vector_store %arg17[%swap3A_926], %broadcast_in_dim3A_4 {strides = array<i32>} : memref<1040xf32, #tpu.memory_space<vmem>>, vector<16xf32>,
    %swap3A_928 = arith.constant 48 : index
    %swap3A_929 = tpu.vector_load %arg17[%swap3A_928] {strides = array<i32>} : memref<1040xf32, #tpu.memory_space<vmem>>, vector<16xf32>,
    tpu.vector_store %arg17[%swap3A_928], %broadcast_in_dim3A_4 {strides = array<i32>} : memref<1040xf32, #tpu.memory_space<vmem>>, vector<16xf32>,
    %swap3A_930 = arith.constant 64 : index
    %swap3A_931 = tpu.vector_load %arg17[%swap3A_930] {strides = array<i32>} : memref<1040xf32, #tpu.memory_space<vmem>>, vector<16xf32>,
    tpu.vector_store %arg17[%swap3A_930], %broadcast_in_dim3A_4 {strides = array<i32>} : memref<1040xf32, #tpu.memory_space<vmem>>, vector<16xf32>,
    %swap3A_932 = arith.constant 80 : index
    %swap3A_933 = tpu.vector_load %arg17[%swap3A_932] {strides = array<i32>} : memref<1040xf32, #tpu.memory_space<vmem>>, vector<16xf32>,
    tpu.vector_store %arg17[%swap3A_932], %broadcast_in_dim3A_4 {strides = array<i32>} : memref<1040xf32, #tpu.memory_space<vmem>>, vector<16xf32>,
    %swap3A_934 = arith.constant 96 : index
    %swap3A_935 = tpu.vector_load %arg17[%swap3A_934] {strides = array<i32>} : memref<1040xf32, #tpu.memory_space<vmem>>, vector<16xf32>,
    tpu.vector_store %arg17[%swap3A_934], %broadcast_in_dim3A_4 {strides = array<i32>} : memref<1040xf32, #tpu.memory_space<vmem>>, vector<16xf32>,
    %swap3A_936 = arith.constant 112 : index
    %swap3A_937 = tpu.vector_load %arg17[%swap3A_936] {strides = array<i32>} : memref<1040xf32, #tpu.memory_space<vmem>>, vector<16xf32>,
    tpu.vector_store %arg17[%swap3A_936], %broadcast_in_dim3A_4 {strides = array<i32>} : memref<1040xf32, #tpu.memory_space<vmem>>, vector<16xf32>,
    %swap3A_938 = arith.constant 128 : index
    %swap3A_939 = tpu.vector_load %arg17[%swap3A_938] {strides = array<i32>} : memref<1040xf32, #tpu.memory_space<vmem>>, vector<16xf32>,
    tpu.vector_store %arg17[%swap3A_938], %broadcast_in_dim3A_4 {strides = array<i32>} : memref<1040xf32, #tpu.memory_space<vmem>>, vector<16xf32>,
    %swap3A_940 = arith.constant 144 : index
    %swap3A_941 = tpu.vector_load %arg17[%swap3A_940] {strides = array<i32>} : memref<1040xf32, #tpu.memory_space<vmem>>, vector<16xf32>,
    tpu.vector_store %arg17[%swap3A_940], %broadcast_in_dim3A_4 {strides = array<i32>} : memref<1040xf32, #tpu.memory_space<vmem>>, vector<16xf32>,
    %swap3A_942 = arith.constant 160 : index
    %swap3A_943 = tpu.vector_load %arg17[%swap3A_942] {strides = array<i32>} : memref<1040xf32, #tpu.memory_space<vmem>>, vector<16xf32>,
    tpu.vector_store %arg17[%swap3A_942], %broadcast_in_dim3A_4 {strides = array<i32>} : memref<1040xf32, #tpu.memory_space<vmem>>, vector<16xf32>,
    %swap3A_944 = arith.constant 176 : index
    %swap3A_945 = tpu.vector_load %arg17[%swap3A_944] {strides = array<i32>} : memref<1040xf32, #tpu.memory_space<vmem>>, vector<16xf32>,
    tpu.vector_store %arg17[%swap3A_944], %broadcast_in_dim3A_4 {strides = array<i32>} : memref<1040xf32, #tpu.memory_space<vmem>>, vector<16xf32>,
    %swap3A_946 = arith.constant 192 : index
    %swap3A_947 = tpu.vector_load %arg17[%swap3A_946] {strides = array<i32>} : memref<1040xf32, #tpu.memory_space<vmem>>, vector<16xf32>,
    tpu.vector_store %arg17[%swap3A_946], %broadcast_in_dim3A_4 {strides = array<i32>} : memref<1040xf32, #tpu.memory_space<vmem>>, vector<16xf32>,
    %swap3A_948 = arith.constant 208 : index
    %swap3A_949 = tpu.vector_load %arg17[%swap3A_948] {strides = array<i32>} : memref<1040xf32, #tpu.memory_space<vmem>>, vector<16xf32>,
    tpu.vector_store %arg17[%swap3A_948], %broadcast_in_dim3A_4 {strides = array<i32>} : memref<1040xf32, #tpu.memory_space<vmem>>, vector<16xf32>,
    %swap3A_950 = arith.constant 224 : index
    %swap3A_951 = tpu.vector_load %arg17[%swap3A_950] {strides = array<i32>} : memref<1040xf32, #tpu.memory_space<vmem>>, vector<16xf32>,
    tpu.vector_store %arg17[%swap3A_950], %broadcast_in_dim3A_4 {strides = array<i32>} : memref<1040xf32, #tpu.memory_space<vmem>>, vector<16xf32>,
    %swap3A_952 = arith.constant 240 : index
    %swap3A_953 = tpu.vector_load %arg17[%swap3A_952] {strides = array<i32>} : memref<1040xf32, #tpu.memory_space<vmem>>, vector<16xf32>,
    tpu.vector_store %arg17[%swap3A_952], %broadcast_in_dim3A_4 {strides = array<i32>} : memref<1040xf32, #tpu.memory_space<vmem>>, vector<16xf32>,
    %swap3A_954 = arith.constant 256 : index
    %swap3A_955 = tpu.vector_load %arg17[%swap3A_954] {strides = array<i32>} : memref<1040xf32, #tpu.memory_space<vmem>>, vector<16xf32>,
    tpu.vector_store %arg17[%swap3A_954], %broadcast_in_dim3A_4 {strides = array<i32>} : memref<1040xf32, #tpu.memory_space<vmem>>, vector<16xf32>,
    %swap3A_956 = arith.constant 272 : index
    %swap3A_957 = tpu.vector_load %arg17[%swap3A_956] {strides = array<i32>} : memref<1040xf32, #tpu.memory_space<vmem>>, vector<16xf32>,
    tpu.vector_store %arg17[%swap3A_956], %broadcast_in_dim3A_4 {strides = array<i32>} : memref<1040xf32, #tpu.memory_space<vmem>>, vector<16xf32>,
    %swap3A_958 = arith.constant 288 : index
    %swap3A_959 = tpu.vector_load %arg17[%swap3A_958] {strides = array<i32>} : memref<1040xf32, #tpu.memory_space<vmem>>, vector<16xf32>,
    tpu.vector_store %arg17[%swap3A_958], %broadcast_in_dim3A_4 {strides = array<i32>} : memref<1040xf32, #tpu.memory_space<vmem>>, vector<16xf32>,
    %swap3A_960 = arith.constant 304 : index
    %swap3A_961 = tpu.vector_load %arg17[%swap3A_960] {strides = array<i32>} : memref<1040xf32, #tpu.memory_space<vmem>>, vector<16xf32>,
    tpu.vector_store %arg17[%swap3A_960], %broadcast_in_dim3A_4 {strides = array<i32>} : memref<1040xf32, #tpu.memory_space<vmem>>, vector<16xf32>,
    %swap3A_962 = arith.constant 320 : index
    %swap3A_963 = tpu.vector_load %arg17[%swap3A_962] {strides = array<i32>} : memref<1040xf32, #tpu.memory_space<vmem>>, vector<16xf32>,
    tpu.vector_store %arg17[%swap3A_962], %broadcast_in_dim3A_4 {strides = array<i32>} : memref<1040xf32, #tpu.memory_space<vmem>>, vector<16xf32>,
    %swap3A_964 = arith.constant 336 : index
    %swap3A_965 = tpu.vector_load %arg17[%swap3A_964] {strides = array<i32>} : memref<1040xf32, #tpu.memory_space<vmem>>, vector<16xf32>,
    tpu.vector_store %arg17[%swap3A_964], %broadcast_in_dim3A_4 {strides = array<i32>} : memref<1040xf32, #tpu.memory_space<vmem>>, vector<16xf32>,
    %swap3A_966 = arith.constant 352 : index
    %swap3A_967 = tpu.vector_load %arg17[%swap3A_966] {strides = array<i32>} : memref<1040xf32, #tpu.memory_space<vmem>>, vector<16xf32>,
    tpu.vector_store %arg17[%swap3A_966], %broadcast_in_dim3A_4 {strides = array<i32>} : memref<1040xf32, #tpu.memory_space<vmem>>, vector<16xf32>,
    %swap3A_968 = arith.constant 368 : index
    %swap3A_969 = tpu.vector_load %arg17[%swap3A_968] {strides = array<i32>} : memref<1040xf32, #tpu.memory_space<vmem>>, vector<16xf32>,
    tpu.vector_store %arg17[%swap3A_968], %broadcast_in_dim3A_4 {strides = array<i32>} : memref<1040xf32, #tpu.memory_space<vmem>>, vector<16xf32>,
    %swap3A_970 = arith.constant 384 : index
    %swap3A_971 = tpu.vector_load %arg17[%swap3A_970] {strides = array<i32>} : memref<1040xf32, #tpu.memory_space<vmem>>, vector<16xf32>,
    tpu.vector_store %arg17[%swap3A_970], %broadcast_in_dim3A_4 {strides = array<i32>} : memref<1040xf32, #tpu.memory_space<vmem>>, vector<16xf32>,
    %swap3A_972 = arith.constant 400 : index
    %swap3A_973 = tpu.vector_load %arg17[%swap3A_972] {strides = array<i32>} : memref<1040xf32, #tpu.memory_space<vmem>>, vector<16xf32>,
    tpu.vector_store %arg17[%swap3A_972], %broadcast_in_dim3A_4 {strides = array<i32>} : memref<1040xf32, #tpu.memory_space<vmem>>, vector<16xf32>,
    %swap3A_974 = arith.constant 416 : index
    %swap3A_975 = tpu.vector_load %arg17[%swap3A_974] {strides = array<i32>} : memref<1040xf32, #tpu.memory_space<vmem>>, vector<16xf32>,
    tpu.vector_store %arg17[%swap3A_974], %broadcast_in_dim3A_4 {strides = array<i32>} : memref<1040xf32, #tpu.memory_space<vmem>>, vector<16xf32>,
    %swap3A_976 = arith.constant 432 : index
    %swap3A_977 = tpu.vector_load %arg17[%swap3A_976] {strides = array<i32>} : memref<1040xf32, #tpu.memory_space<vmem>>, vector<16xf32>,
    tpu.vector_store %arg17[%swap3A_976], %broadcast_in_dim3A_4 {strides = array<i32>} : memref<1040xf32, #tpu.memory_space<vmem>>, vector<16xf32>,
    %swap3A_978 = arith.constant 448 : index
    %swap3A_979 = tpu.vector_load %arg17[%swap3A_978] {strides = array<i32>} : memref<1040xf32, #tpu.memory_space<vmem>>, vector<16xf32>,
    tpu.vector_store %arg17[%swap3A_978], %broadcast_in_dim3A_4 {strides = array<i32>} : memref<1040xf32, #tpu.memory_space<vmem>>, vector<16xf32>,
    %swap3A_980 = arith.constant 464 : index
    %swap3A_981 = tpu.vector_load %arg17[%swap3A_980] {strides = array<i32>} : memref<1040xf32, #tpu.memory_space<vmem>>, vector<16xf32>,
    tpu.vector_store %arg17[%swap3A_980], %broadcast_in_dim3A_4 {strides = array<i32>} : memref<1040xf32, #tpu.memory_space<vmem>>, vector<16xf32>,
    %swap3A_982 = arith.constant 480 : index
    %swap3A_983 = tpu.vector_load %arg17[%swap3A_982] {strides = array<i32>} : memref<1040xf32, #tpu.memory_space<vmem>>, vector<16xf32>,
    tpu.vector_store %arg17[%swap3A_982], %broadcast_in_dim3A_4 {strides = array<i32>} : memref<1040xf32, #tpu.memory_space<vmem>>, vector<16xf32>,
    %swap3A_984 = arith.constant 496 : index
    %swap3A_985 = tpu.vector_load %arg17[%swap3A_984] {strides = array<i32>} : memref<1040xf32, #tpu.memory_space<vmem>>, vector<16xf32>,
    tpu.vector_store %arg17[%swap3A_984], %broadcast_in_dim3A_4 {strides = array<i32>} : memref<1040xf32, #tpu.memory_space<vmem>>, vector<16xf32>,
    %swap3A_986 = arith.constant 512 : index
    %swap3A_987 = tpu.vector_load %arg17[%swap3A_986] {strides = array<i32>} : memref<1040xf32, #tpu.memory_space<vmem>>, vector<16xf32>,
    tpu.vector_store %arg17[%swap3A_986], %broadcast_in_dim3A_4 {strides = array<i32>} : memref<1040xf32, #tpu.memory_space<vmem>>, vector<16xf32>,
    %swap3A_988 = arith.constant 528 : index
    %swap3A_989 = tpu.vector_load %arg17[%swap3A_988] {strides = array<i32>} : memref<1040xf32, #tpu.memory_space<vmem>>, vector<16xf32>,
    tpu.vector_store %arg17[%swap3A_988], %broadcast_in_dim3A_4 {strides = array<i32>} : memref<1040xf32, #tpu.memory_space<vmem>>, vector<16xf32>,
    %swap3A_990 = arith.constant 544 : index
    %swap3A_991 = tpu.vector_load %arg17[%swap3A_990] {strides = array<i32>} : memref<1040xf32, #tpu.memory_space<vmem>>, vector<16xf32>,
    tpu.vector_store %arg17[%swap3A_990], %broadcast_in_dim3A_4 {strides = array<i32>} : memref<1040xf32, #tpu.memory_space<vmem>>, vector<16xf32>,
    %swap3A_992 = arith.constant 560 : index
    %swap3A_993 = tpu.vector_load %arg17[%swap3A_992] {strides = array<i32>} : memref<1040xf32, #tpu.memory_space<vmem>>, vector<16xf32>,
    tpu.vector_store %arg17[%swap3A_992], %broadcast_in_dim3A_4 {strides = array<i32>} : memref<1040xf32, #tpu.memory_space<vmem>>, vector<16xf32>,
    %swap3A_994 = arith.constant 576 : index
    %swap3A_995 = tpu.vector_load %arg17[%swap3A_994] {strides = array<i32>} : memref<1040xf32, #tpu.memory_space<vmem>>, vector<16xf32>,
    tpu.vector_store %arg17[%swap3A_994], %broadcast_in_dim3A_4 {strides = array<i32>} : memref<1040xf32, #tpu.memory_space<vmem>>, vector<16xf32>,
    %swap3A_996 = arith.constant 592 : index
    %swap3A_997 = tpu.vector_load %arg17[%swap3A_996] {strides = array<i32>} : memref<1040xf32, #tpu.memory_space<vmem>>, vector<16xf32>,
    tpu.vector_store %arg17[%swap3A_996], %broadcast_in_dim3A_4 {strides = array<i32>} : memref<1040xf32, #tpu.memory_space<vmem>>, vector<16xf32>,
    %swap3A_998 = arith.constant 608 : index
    %swap3A_999 = tpu.vector_load %arg17[%swap3A_998] {strides = array<i32>} : memref<1040xf32, #tpu.memory_space<vmem>>, vector<16xf32>,
    tpu.vector_store %arg17[%swap3A_998], %broadcast_in_dim3A_4 {strides = array<i32>} : memref<1040xf32, #tpu.memory_space<vmem>>, vector<16xf32>,
    %swap3A_1000 = arith.constant 624 : index
    %swap3A_1001 = tpu.vector_load %arg17[%swap3A_1000] {strides = array<i32>} : memref<1040xf32, #tpu.memory_space<vmem>>, vector<16xf32>,
    tpu.vector_store %arg17[%swap3A_1000], %broadcast_in_dim3A_4 {strides = array<i32>} : memref<1040xf32, #tpu.memory_space<vmem>>, vector<16xf32>,
    %swap3A_1002 = arith.constant 640 : index
    %swap3A_1003 = tpu.vector_load %arg17[%swap3A_1002] {strides = array<i32>} : memref<1040xf32, #tpu.memory_space<vmem>>, vector<16xf32>,
    tpu.vector_store %arg17[%swap3A_1002], %broadcast_in_dim3A_4 {strides = array<i32>} : memref<1040xf32, #tpu.memory_space<vmem>>, vector<16xf32>,
    %swap3A_1004 = arith.constant 656 : index
    %swap3A_1005 = tpu.vector_load %arg17[%swap3A_1004] {strides = array<i32>} : memref<1040xf32, #tpu.memory_space<vmem>>, vector<16xf32>,
    tpu.vector_store %arg17[%swap3A_1004], %broadcast_in_dim3A_4 {strides = array<i32>} : memref<1040xf32, #tpu.memory_space<vmem>>, vector<16xf32>,
    %swap3A_1006 = arith.constant 672 : index
    %swap3A_1007 = tpu.vector_load %arg17[%swap3A_1006] {strides = array<i32>} : memref<1040xf32, #tpu.memory_space<vmem>>, vector<16xf32>,
    tpu.vector_store %arg17[%swap3A_1006], %broadcast_in_dim3A_4 {strides = array<i32>} : memref<1040xf32, #tpu.memory_space<vmem>>, vector<16xf32>,
    %swap3A_1008 = arith.constant 688 : index
    %swap3A_1009 = tpu.vector_load %arg17[%swap3A_1008] {strides = array<i32>} : memref<1040xf32, #tpu.memory_space<vmem>>, vector<16xf32>,
    tpu.vector_store %arg17[%swap3A_1008], %broadcast_in_dim3A_4 {strides = array<i32>} : memref<1040xf32, #tpu.memory_space<vmem>>, vector<16xf32>,
    %swap3A_1010 = arith.constant 704 : index
    %swap3A_1011 = tpu.vector_load %arg17[%swap3A_1010] {strides = array<i32>} : memref<1040xf32, #tpu.memory_space<vmem>>, vector<16xf32>,
    tpu.vector_store %arg17[%swap3A_1010], %broadcast_in_dim3A_4 {strides = array<i32>} : memref<1040xf32, #tpu.memory_space<vmem>>, vector<16xf32>,
    %swap3A_1012 = arith.constant 720 : index
    %swap3A_1013 = tpu.vector_load %arg17[%swap3A_1012] {strides = array<i32>} : memref<1040xf32, #tpu.memory_space<vmem>>, vector<16xf32>,
    tpu.vector_store %arg17[%swap3A_1012], %broadcast_in_dim3A_4 {strides = array<i32>} : memref<1040xf32, #tpu.memory_space<vmem>>, vector<16xf32>,
    %swap3A_1014 = arith.constant 736 : index
    %swap3A_1015 = tpu.vector_load %arg17[%swap3A_1014] {strides = array<i32>} : memref<1040xf32, #tpu.memory_space<vmem>>, vector<16xf32>,
    tpu.vector_store %arg17[%swap3A_1014], %broadcast_in_dim3A_4 {strides = array<i32>} : memref<1040xf32, #tpu.memory_space<vmem>>, vector<16xf32>,
    %swap3A_1016 = arith.constant 752 : index
    %swap3A_1017 = tpu.vector_load %arg17[%swap3A_1016] {strides = array<i32>} : memref<1040xf32, #tpu.memory_space<vmem>>, vector<16xf32>,
    tpu.vector_store %arg17[%swap3A_1016], %broadcast_in_dim3A_4 {strides = array<i32>} : memref<1040xf32, #tpu.memory_space<vmem>>, vector<16xf32>,
    %swap3A_1018 = arith.constant 768 : index
    %swap3A_1019 = tpu.vector_load %arg17[%swap3A_1018] {strides = array<i32>} : memref<1040xf32, #tpu.memory_space<vmem>>, vector<16xf32>,
    tpu.vector_store %arg17[%swap3A_1018], %broadcast_in_dim3A_4 {strides = array<i32>} : memref<1040xf32, #tpu.memory_space<vmem>>, vector<16xf32>,
    %swap3A_1020 = arith.constant 784 : index
    %swap3A_1021 = tpu.vector_load %arg17[%swap3A_1020] {strides = array<i32>} : memref<1040xf32, #tpu.memory_space<vmem>>, vector<16xf32>,
    tpu.vector_store %arg17[%swap3A_1020], %broadcast_in_dim3A_4 {strides = array<i32>} : memref<1040xf32, #tpu.memory_space<vmem>>, vector<16xf32>,
    %swap3A_1022 = arith.constant 800 : index
    %swap3A_1023 = tpu.vector_load %arg17[%swap3A_1022] {strides = array<i32>} : memref<1040xf32, #tpu.memory_space<vmem>>, vector<16xf32>,
    tpu.vector_store %arg17[%swap3A_1022], %broadcast_in_dim3A_4 {strides = array<i32>} : memref<1040xf32, #tpu.memory_space<vmem>>, vector<16xf32>,
    %swap3A_1024 = arith.constant 816 : index
    %swap3A_1025 = tpu.vector_load %arg17[%swap3A_1024] {strides = array<i32>} : memref<1040xf32, #tpu.memory_space<vmem>>, vector<16xf32>,
    tpu.vector_store %arg17[%swap3A_1024], %broadcast_in_dim3A_4 {strides = array<i32>} : memref<1040xf32, #tpu.memory_space<vmem>>, vector<16xf32>,
    %swap3A_1026 = arith.constant 832 : index
    %swap3A_1027 = tpu.vector_load %arg17[%swap3A_1026] {strides = array<i32>} : memref<1040xf32, #tpu.memory_space<vmem>>, vector<16xf32>,
    tpu.vector_store %arg17[%swap3A_1026], %broadcast_in_dim3A_4 {strides = array<i32>} : memref<1040xf32, #tpu.memory_space<vmem>>, vector<16xf32>,
    %swap3A_1028 = arith.constant 848 : index
    %swap3A_1029 = tpu.vector_load %arg17[%swap3A_1028] {strides = array<i32>} : memref<1040xf32, #tpu.memory_space<vmem>>, vector<16xf32>,
    tpu.vector_store %arg17[%swap3A_1028], %broadcast_in_dim3A_4 {strides = array<i32>} : memref<1040xf32, #tpu.memory_space<vmem>>, vector<16xf32>,
    %swap3A_1030 = arith.constant 864 : index
    %swap3A_1031 = tpu.vector_load %arg17[%swap3A_1030] {strides = array<i32>} : memref<1040xf32, #tpu.memory_space<vmem>>, vector<16xf32>,
    tpu.vector_store %arg17[%swap3A_1030], %broadcast_in_dim3A_4 {strides = array<i32>} : memref<1040xf32, #tpu.memory_space<vmem>>, vector<16xf32>,
    %swap3A_1032 = arith.constant 880 : index
    %swap3A_1033 = tpu.vector_load %arg17[%swap3A_1032] {strides = array<i32>} : memref<1040xf32, #tpu.memory_space<vmem>>, vector<16xf32>,
    tpu.vector_store %arg17[%swap3A_1032], %broadcast_in_dim3A_4 {strides = array<i32>} : memref<1040xf32, #tpu.memory_space<vmem>>, vector<16xf32>,
    %swap3A_1034 = arith.constant 896 : index
    %swap3A_1035 = tpu.vector_load %arg17[%swap3A_1034] {strides = array<i32>} : memref<1040xf32, #tpu.memory_space<vmem>>, vector<16xf32>,
    tpu.vector_store %arg17[%swap3A_1034], %broadcast_in_dim3A_4 {strides = array<i32>} : memref<1040xf32, #tpu.memory_space<vmem>>, vector<16xf32>,
    %swap3A_1036 = arith.constant 912 : index
    %swap3A_1037 = tpu.vector_load %arg17[%swap3A_1036] {strides = array<i32>} : memref<1040xf32, #tpu.memory_space<vmem>>, vector<16xf32>,
    tpu.vector_store %arg17[%swap3A_1036], %broadcast_in_dim3A_4 {strides = array<i32>} : memref<1040xf32, #tpu.memory_space<vmem>>, vector<16xf32>,
    %swap3A_1038 = arith.constant 928 : index
    %swap3A_1039 = tpu.vector_load %arg17[%swap3A_1038] {strides = array<i32>} : memref<1040xf32, #tpu.memory_space<vmem>>, vector<16xf32>,
    tpu.vector_store %arg17[%swap3A_1038], %broadcast_in_dim3A_4 {strides = array<i32>} : memref<1040xf32, #tpu.memory_space<vmem>>, vector<16xf32>,
    %swap3A_1040 = arith.constant 944 : index
    %swap3A_1041 = tpu.vector_load %arg17[%swap3A_1040] {strides = array<i32>} : memref<1040xf32, #tpu.memory_space<vmem>>, vector<16xf32>,
    tpu.vector_store %arg17[%swap3A_1040], %broadcast_in_dim3A_4 {strides = array<i32>} : memref<1040xf32, #tpu.memory_space<vmem>>, vector<16xf32>,
    %swap3A_1042 = arith.constant 960 : index
    %swap3A_1043 = tpu.vector_load %arg17[%swap3A_1042] {strides = array<i32>} : memref<1040xf32, #tpu.memory_space<vmem>>, vector<16xf32>,
    tpu.vector_store %arg17[%swap3A_1042], %broadcast_in_dim3A_4 {strides = array<i32>} : memref<1040xf32, #tpu.memory_space<vmem>>, vector<16xf32>,
    %swap3A_1044 = arith.constant 976 : index
    %swap3A_1045 = tpu.vector_load %arg17[%swap3A_1044] {strides = array<i32>} : memref<1040xf32, #tpu.memory_space<vmem>>, vector<16xf32>,
    tpu.vector_store %arg17[%swap3A_1044], %broadcast_in_dim3A_4 {strides = array<i32>} : memref<1040xf32, #tpu.memory_space<vmem>>, vector<16xf32>,
    %swap3A_1046 = arith.constant 992 : index
    %swap3A_1047 = tpu.vector_load %arg17[%swap3A_1046] {strides = array<i32>} : memref<1040xf32, #tpu.memory_space<vmem>>, vector<16xf32>,
    tpu.vector_store %arg17[%swap3A_1046], %broadcast_in_dim3A_4 {strides = array<i32>} : memref<1040xf32, #tpu.memory_space<vmem>>, vector<16xf32>,
    %swap3A_1048 = arith.constant 1008 : index
    %swap3A_1049 = tpu.vector_load %arg17[%swap3A_1048] {strides = array<i32>} : memref<1040xf32, #tpu.memory_space<vmem>>, vector<16xf32>,
    tpu.vector_store %arg17[%swap3A_1048], %broadcast_in_dim3A_4 {strides = array<i32>} : memref<1040xf32, #tpu.memory_space<vmem>>, vector<16xf32>,
    %swap3A_1050 = arith.constant 1024 : index
    %swap3A_1051 = tpu.vector_load %arg17[%swap3A_1050] {strides = array<i32>} : memref<1040xf32, #tpu.memory_space<vmem>>, vector<16xf32>,
    tpu.vector_store %arg17[%swap3A_1050], %broadcast_in_dim3A_4 {strides = array<i32>} : memref<1040xf32, #tpu.memory_space<vmem>>, vector<16xf32>,
    %swap3A_1052 = arith.constant 32 : index
    %swap3A_1053 = tpu.vector_load %arg18[%swap3A_1052] {strides = array<i32>} : memref<48xf32, #tpu.memory_space<vmem>>, vector<16xf32>,
    tpu.vector_store %arg18[%swap3A_1052], %broadcast_in_dim3A_6 {strides = array<i32>} : memref<48xf32, #tpu.memory_space<vmem>>, vector<16xf32>,
    %swap3A_1054 = arith.constant 32 : index
    %swap3A_1055 = tpu.vector_load %arg26[%swap3A_1054] {strides = array<i32>} : memref<48xi32, #tpu.memory_space<vmem>>, vector<16xi32>,
    tpu.vector_store %arg26[%swap3A_1054], %broadcast_in_dim3A_8 {strides = array<i32>} : memref<48xi32, #tpu.memory_space<vmem>>, vector<16xi32>,
    %swap3A_1056 = arith.constant 32 : index
    %swap3A_1057 = tpu.vector_load %arg19[%swap3A_1056] {strides = array<i32>} : memref<48xf32, #tpu.memory_space<vmem>>, vector<16xf32>,
    tpu.vector_store %arg19[%swap3A_1056], %broadcast_in_dim3A_6 {strides = array<i32>} : memref<48xf32, #tpu.memory_space<vmem>>, vector<16xf32>,
    %swap3A_1058 = arith.constant 32 : index
    %swap3A_1059 = tpu.vector_load %arg27[%swap3A_1058] {strides = array<i32>} : memref<48xi32, #tpu.memory_space<vmem>>, vector<16xi32>,
    tpu.vector_store %arg27[%swap3A_1058], %broadcast_in_dim3A_8 {strides = array<i32>} : memref<48xi32, #tpu.memory_space<vmem>>, vector<16xi32>,
    %swap3A_1060 = arith.constant 32 : index
    %swap3A_1061 = tpu.vector_load %arg20[%swap3A_1060] {strides = array<i32>} : memref<48xf32, #tpu.memory_space<vmem>>, vector<16xf32>,
    tpu.vector_store %arg20[%swap3A_1060], %broadcast_in_dim3A_6 {strides = array<i32>} : memref<48xf32, #tpu.memory_space<vmem>>, vector<16xf32>,
    %swap3A_1062 = arith.constant 32 : index
    %swap3A_1063 = tpu.vector_load %arg28[%swap3A_1062] {strides = array<i32>} : memref<48xi32, #tpu.memory_space<vmem>>, vector<16xi32>,
    tpu.vector_store %arg28[%swap3A_1062], %broadcast_in_dim3A_8 {strides = array<i32>} : memref<48xi32, #tpu.memory_space<vmem>>, vector<16xi32>,
    %swap3A_1064 = arith.constant 32 : index
    %swap3A_1065 = tpu.vector_load %arg21[%swap3A_1064] {strides = array<i32>} : memref<48xf32, #tpu.memory_space<vmem>>, vector<16xf32>,
    tpu.vector_store %arg21[%swap3A_1064], %broadcast_in_dim3A_6 {strides = array<i32>} : memref<48xf32, #tpu.memory_space<vmem>>, vector<16xf32>,
    %swap3A_1066 = arith.constant 32 : index
    %swap3A_1067 = tpu.vector_load %arg29[%swap3A_1066] {strides = array<i32>} : memref<48xi32, #tpu.memory_space<vmem>>, vector<16xi32>,
    tpu.vector_store %arg29[%swap3A_1066], %broadcast_in_dim3A_8 {strides = array<i32>} : memref<48xi32, #tpu.memory_space<vmem>>, vector<16xi32>,
    %swap3A_1068 = arith.constant 32 : index
    %swap3A_1069 = tpu.vector_load %arg22[%swap3A_1068] {strides = array<i32>} : memref<48xf32, #tpu.memory_space<vmem>>, vector<16xf32>,
    tpu.vector_store %arg22[%swap3A_1068], %broadcast_in_dim3A_6 {strides = array<i32>} : memref<48xf32, #tpu.memory_space<vmem>>, vector<16xf32>,
    %swap3A_1070 = arith.constant 32 : index
    %swap3A_1071 = tpu.vector_load %arg30[%swap3A_1070] {strides = array<i32>} : memref<48xi32, #tpu.memory_space<vmem>>, vector<16xi32>,
    tpu.vector_store %arg30[%swap3A_1070], %broadcast_in_dim3A_8 {strides = array<i32>} : memref<48xi32, #tpu.memory_space<vmem>>, vector<16xi32>,
    %swap3A_1072 = arith.constant 32 : index
    %swap3A_1073 = tpu.vector_load %arg23[%swap3A_1072] {strides = array<i32>} : memref<48xf32, #tpu.memory_space<vmem>>, vector<16xf32>,
    tpu.vector_store %arg23[%swap3A_1072], %broadcast_in_dim3A_6 {strides = array<i32>} : memref<48xf32, #tpu.memory_space<vmem>>, vector<16xf32>,
    %swap3A_1074 = arith.constant 32 : index
    %swap3A_1075 = tpu.vector_load %arg31[%swap3A_1074] {strides = array<i32>} : memref<48xi32, #tpu.memory_space<vmem>>, vector<16xi32>,
    tpu.vector_store %arg31[%swap3A_1074], %broadcast_in_dim3A_8 {strides = array<i32>} : memref<48xi32, #tpu.memory_space<vmem>>, vector<16xi32>,
    %swap3A_1076 = arith.constant 32 : index
    %swap3A_1077 = tpu.vector_load %arg24[%swap3A_1076] {strides = array<i32>} : memref<48xf32, #tpu.memory_space<vmem>>, vector<16xf32>,
    tpu.vector_store %arg24[%swap3A_1076], %broadcast_in_dim3A_6 {strides = array<i32>} : memref<48xf32, #tpu.memory_space<vmem>>, vector<16xf32>,
    %swap3A_1078 = arith.constant 32 : index
    %swap3A_1079 = tpu.vector_load %arg32[%swap3A_1078] {strides = array<i32>} : memref<48xi32, #tpu.memory_space<vmem>>, vector<16xi32>,
    tpu.vector_store %arg32[%swap3A_1078], %broadcast_in_dim3A_8 {strides = array<i32>} : memref<48xi32, #tpu.memory_space<vmem>>, vector<16xi32>,
    %swap3A_1080 = arith.constant 32 : index
    %swap3A_1081 = tpu.vector_load %arg25[%swap3A_1080] {strides = array<i32>} : memref<48xf32, #tpu.memory_space<vmem>>, vector<16xf32>,
    tpu.vector_store %arg25[%swap3A_1080], %broadcast_in_dim3A_6 {strides = array<i32>} : memref<48xf32, #tpu.memory_space<vmem>>, vector<16xf32>,
    %swap3A_1082 = arith.constant 32 : index
    %swap3A_1083 = tpu.vector_load %arg33[%swap3A_1082] {strides = array<i32>} : memref<48xi32, #tpu.memory_space<vmem>>, vector<16xi32>,
    tpu.vector_store %arg33[%swap3A_1082], %broadcast_in_dim3A_8 {strides = array<i32>} : memref<48xi32, #tpu.memory_space<vmem>>, vector<16xi32>,
    %mul3A_1084 = arith.constant 512 : i32
    %mul3A_1085 = arith.muli %add3A, %mul3A_1084 : i32
    %add3A_1086 = arith.constant 0 : i32
    %add3A_1087 = arith.addi %mul3A_1085, %add3A_1086 : i32
    %mul3A_1088 = arith.constant 1000 : i32
    %mul3A_1089 = arith.muli %add3A_1087, %mul3A_1088 : i32
    %dma_start3A = arith.constant 0 : i32
    %dma_start3A_1090 = tpu.memref_slice %arg5[%dma_start3A] : memref<32032xf32, #tpu.memory_space<vmem>> -> memref<16000xf32, #tpu.memory_space<vmem>>
    %dma_start3A_1091 = tpu.memref_slice %arg2[%mul3A_1089] : memref<16384000xf32, #tpu.memory_space<hbm>> -> memref<16000xf32, #tpu.memory_space<hbm>>
    %dma_start3A_1092 = arith.constant 0 : i32
    %dma_start3A_1093 = tpu.memref_slice %arg5[%dma_start3A_1092] : memref<32032xf32, #tpu.memory_space<vmem>> -> memref<16000xf32, #tpu.memory_space<vmem>>
    %dma_start3A_1094 = tpu.memref_slice %arg2[%mul3A_1089] : memref<16384000xf32, #tpu.memory_space<hbm>> -> memref<16000xf32, #tpu.memory_space<hbm>>
    tpu.enqueue_dma source(%dma_start3A_1094 : memref<16000xf32, #tpu.memory_space<hbm>>) target(%dma_start3A_1093 : memref<16000xf32, #tpu.memory_space<vmem>>) target_semaphore(%arg8 : memref<!tpu.dma_semaphore, #tpu.memory_space<semaphore_mem>>)
    %mul3A_1095 = arith.constant 1000 : i32
    %mul3A_1096 = arith.muli %add3A_1087, %mul3A_1095 : i32
    %dma_start3A_1097 = arith.constant 0 : i32
    %dma_start3A_1098 = tpu.memref_slice %arg6[%dma_start3A_1097] : memref<32032xf32, #tpu.memory_space<vmem>> -> memref<16000xf32, #tpu.memory_space<vmem>>
    %dma_start3A_1099 = tpu.memref_slice %arg3[%mul3A_1096] : memref<16384000xf32, #tpu.memory_space<hbm>> -> memref<16000xf32, #tpu.memory_space<hbm>>
    %dma_start3A_1100 = arith.constant 0 : i32
    %dma_start3A_1101 = tpu.memref_slice %arg6[%dma_start3A_1100] : memref<32032xf32, #tpu.memory_space<vmem>> -> memref<16000xf32, #tpu.memory_space<vmem>>
    %dma_start3A_1102 = tpu.memref_slice %arg3[%mul3A_1096] : memref<16384000xf32, #tpu.memory_space<hbm>> -> memref<16000xf32, #tpu.memory_space<hbm>>
    tpu.enqueue_dma source(%dma_start3A_1102 : memref<16000xf32, #tpu.memory_space<hbm>>) target(%dma_start3A_1101 : memref<16000xf32, #tpu.memory_space<vmem>>) target_semaphore(%arg8 : memref<!tpu.dma_semaphore, #tpu.memory_space<semaphore_mem>>)
    %scan3A = arith.constant 0 : i32
    %scan3A_1103 = arith.constant 0 : i32
    %scan3A_1104 = arith.constant 32 : i32
    %scan3A_1105 = arith.addi %scan3A_1103, %scan3A_1104 : i32
    %scan3A_1106 = arith.constant 1 : i32
    scf.for %scan3A_1115 = %scan3A_1103 to %scan3A_1105 step %scan3A_1106  : i32 {
      %dma_wait3A_1116 = arith.constant 0 : i32
      %dma_wait3A_1117 = tpu.memref_slice %arg5[%dma_wait3A_1116] : memref<32032xf32, #tpu.memory_space<vmem>> -> memref<16000xf32, #tpu.memory_space<vmem>>
      %dma_wait3A_1118 = arith.constant 0 : i32
      %dma_wait3A_1119 = tpu.memref_slice %arg2[%dma_wait3A_1118] : memref<16384000xf32, #tpu.memory_space<hbm>> -> memref<16000xf32, #tpu.memory_space<hbm>>
      %dma_wait3A_1120 = arith.constant 0 : i32
      %dma_wait3A_1121 = tpu.memref_slice %arg5[%dma_wait3A_1120] : memref<32032xf32, #tpu.memory_space<vmem>> -> memref<16000xf32, #tpu.memory_space<vmem>>
      %dma_wait3A_1122 = arith.constant 0 : i32
      %dma_wait3A_1123 = tpu.memref_slice %arg2[%dma_wait3A_1122] : memref<16384000xf32, #tpu.memory_space<hbm>> -> memref<16000xf32, #tpu.memory_space<hbm>>
      tpu.wait_dma2 semaphore(%arg8 : memref<!tpu.dma_semaphore, #tpu.memory_space<semaphore_mem>>) src(%dma_wait3A_1123 : memref<16000xf32, #tpu.memory_space<hbm>>) dst(%dma_wait3A_1121 : memref<16000xf32, #tpu.memory_space<vmem>>)
      %dma_wait3A_1124 = arith.constant 0 : i32
      %dma_wait3A_1125 = tpu.memref_slice %arg6[%dma_wait3A_1124] : memref<32032xf32, #tpu.memory_space<vmem>> -> memref<16000xf32, #tpu.memory_space<vmem>>
      %dma_wait3A_1126 = arith.constant 0 : i32
      %dma_wait3A_1127 = tpu.memref_slice %arg3[%dma_wait3A_1126] : memref<16384000xf32, #tpu.memory_space<hbm>> -> memref<16000xf32, #tpu.memory_space<hbm>>
      %dma_wait3A_1128 = arith.constant 0 : i32
      %dma_wait3A_1129 = tpu.memref_slice %arg6[%dma_wait3A_1128] : memref<32032xf32, #tpu.memory_space<vmem>> -> memref<16000xf32, #tpu.memory_space<vmem>>
      %dma_wait3A_1130 = arith.constant 0 : i32
      %dma_wait3A_1131 = tpu.memref_slice %arg3[%dma_wait3A_1130] : memref<16384000xf32, #tpu.memory_space<hbm>> -> memref<16000xf32, #tpu.memory_space<hbm>>
      tpu.wait_dma2 semaphore(%arg8 : memref<!tpu.dma_semaphore, #tpu.memory_space<semaphore_mem>>) src(%dma_wait3A_1131 : memref<16000xf32, #tpu.memory_space<hbm>>) dst(%dma_wait3A_1129 : memref<16000xf32, #tpu.memory_space<vmem>>)
      %add3A_1132 = arith.constant 1 : i32
      %add3A_1133 = arith.addi %scan3A_1115, %add3A_1132 : i32
      %lt3A_1134 = arith.constant 32 : i32
      %lt3A_1135 = arith.cmpi slt, %add3A_1133, %lt3A_1134 : i32
      %convert_element_type3A = arith.extui %lt3A_1135 : i1 to i32
      %cond3A = arith.constant 0 : i32
      %cond3A_1136 = arith.cmpi ne, %convert_element_type3A, %cond3A : i32
      scf.if %cond3A_1136 {
        %add3A_1171 = arith.constant 1 : i32
        %add3A_1172 = arith.addi %scan3A_1115, %add3A_1171 : i32
        %jit3A_1173 = arith.constant 2 : i32
        %eq3A_1174 = arith.constant 0 : i32
        %eq3A_1175 = arith.cmpi eq, %jit3A_1173, %eq3A_1174 : i32
        %jit3A_1176 = arith.constant 1 : i32
        %select_n3A_1177 = arith.select %eq3A_1175, %jit3A_1176, %jit3A_1173 : i32
        %rem3A_1178 = arith.remsi %add3A_1172, %select_n3A_1177 : i32
        %ne3A_1179 = arith.constant 0 : i32
        %ne3A_1180 = arith.cmpi ne, %rem3A_1178, %ne3A_1179 : i32
        %lt3A_1181 = arith.constant 0 : i32
        %lt3A_1182 = arith.cmpi slt, %rem3A_1178, %lt3A_1181 : i32
        %lt3A_1183 = arith.constant 0 : i32
        %lt3A_1184 = arith.cmpi slt, %select_n3A_1177, %lt3A_1183 : i32
        %ne3A_1185 = arith.xori %lt3A_1182, %lt3A_1184 : i1
        %and3A_1186 = arith.andi %ne3A_1185, %ne3A_1180 : i1
        %add3A_1187 = arith.addi %rem3A_1178, %select_n3A_1177 : i32
        %select_n3A_1188 = arith.select %and3A_1186, %add3A_1187, %rem3A_1178 : i32
        %mul3A_1189 = arith.constant 16 : i32
        %mul3A_1190 = arith.muli %add3A_1172, %mul3A_1189 : i32
        %add3A_1191 = arith.addi %mul3A_1085, %mul3A_1190 : i32
        %mul3A_1192 = arith.constant 1000 : i32
        %mul3A_1193 = arith.muli %add3A_1191, %mul3A_1192 : i32
        %mul3A_1194 = arith.constant 16016 : i32
        %mul3A_1195 = arith.muli %select_n3A_1188, %mul3A_1194 : i32
        %dma_start3A_1196 = tpu.memref_slice %arg5[%mul3A_1195] : memref<32032xf32, #tpu.memory_space<vmem>> -> memref<16000xf32, #tpu.memory_space<vmem>>
        %dma_start3A_1197 = tpu.memref_slice %arg2[%mul3A_1193] : memref<16384000xf32, #tpu.memory_space<hbm>> -> memref<16000xf32, #tpu.memory_space<hbm>>
        %dma_start3A_1198 = tpu.memref_slice %arg5[%mul3A_1195] : memref<32032xf32, #tpu.memory_space<vmem>> -> memref<16000xf32, #tpu.memory_space<vmem>>
        %dma_start3A_1199 = tpu.memref_slice %arg2[%mul3A_1193] : memref<16384000xf32, #tpu.memory_space<hbm>> -> memref<16000xf32, #tpu.memory_space<hbm>>
        tpu.enqueue_dma source(%dma_start3A_1199 : memref<16000xf32, #tpu.memory_space<hbm>>) target(%dma_start3A_1198 : memref<16000xf32, #tpu.memory_space<vmem>>) target_semaphore(%arg8 : memref<!tpu.dma_semaphore, #tpu.memory_space<semaphore_mem>>)
        %mul3A_1200 = arith.constant 1000 : i32
        %mul3A_1201 = arith.muli %add3A_1191, %mul3A_1200 : i32
        %mul3A_1202 = arith.constant 16016 : i32
        %mul3A_1203 = arith.muli %select_n3A_1188, %mul3A_1202 : i32
        %dma_start3A_1204 = tpu.memref_slice %arg6[%mul3A_1203] : memref<32032xf32, #tpu.memory_space<vmem>> -> memref<16000xf32, #tpu.memory_space<vmem>>
        %dma_start3A_1205 = tpu.memref_slice %arg3[%mul3A_1201] : memref<16384000xf32, #tpu.memory_space<hbm>> -> memref<16000xf32, #tpu.memory_space<hbm>>
        %dma_start3A_1206 = tpu.memref_slice %arg6[%mul3A_1203] : memref<32032xf32, #tpu.memory_space<vmem>> -> memref<16000xf32, #tpu.memory_space<vmem>>
        %dma_start3A_1207 = tpu.memref_slice %arg3[%mul3A_1201] : memref<16384000xf32, #tpu.memory_space<hbm>> -> memref<16000xf32, #tpu.memory_space<hbm>>
        tpu.enqueue_dma source(%dma_start3A_1207 : memref<16000xf32, #tpu.memory_space<hbm>>) target(%dma_start3A_1206 : memref<16000xf32, #tpu.memory_space<vmem>>) target_semaphore(%arg8 : memref<!tpu.dma_semaphore, #tpu.memory_space<semaphore_mem>>)
      } else {
      }
      %ge3A = arith.constant 1 : i32
      %ge3A_1137 = arith.cmpi sge, %scan3A_1115, %ge3A : i32
      %convert_element_type3A_1138 = arith.extui %ge3A_1137 : i1 to i32
      %cond3A_1139 = arith.constant 0 : i32
      %cond3A_1140 = arith.cmpi ne, %convert_element_type3A_1138, %cond3A_1139 : i32
      scf.if %cond3A_1140 {
        %dma_wait3A_1171 = arith.constant 0 : i32
        %dma_wait3A_1172 = tpu.memref_slice %arg7[%dma_wait3A_1171] : memref<1280xf32, #tpu.memory_space<vmem>> -> memref<640xf32, #tpu.memory_space<vmem>>
        %dma_wait3A_1173 = arith.constant 0 : i32
        %dma_wait3A_1174 = tpu.memref_slice %arg4[%dma_wait3A_1173] : memref<655360xf32, #tpu.memory_space<hbm>> -> memref<640xf32, #tpu.memory_space<hbm>>
        %dma_wait3A_1175 = arith.constant 0 : i32
        %dma_wait3A_1176 = tpu.memref_slice %arg4[%dma_wait3A_1175] : memref<655360xf32, #tpu.memory_space<hbm>> -> memref<640xf32, #tpu.memory_space<hbm>>
        %dma_wait3A_1177 = arith.constant 0 : i32
        %dma_wait3A_1178 = tpu.memref_slice %arg7[%dma_wait3A_1177] : memref<1280xf32, #tpu.memory_space<vmem>> -> memref<640xf32, #tpu.memory_space<vmem>>
        tpu.wait_dma2 semaphore(%arg9 : memref<!tpu.dma_semaphore, #tpu.memory_space<semaphore_mem>>) src(%dma_wait3A_1178 : memref<640xf32, #tpu.memory_space<vmem>>) dst(%dma_wait3A_1176 : memref<640xf32, #tpu.memory_space<hbm>>)
      } else {
      }
      %jit3A = arith.constant 2 : i32
      %eq3A_1141 = arith.constant 0 : i32
      %eq3A_1142 = arith.cmpi eq, %jit3A, %eq3A_1141 : i32
      %jit3A_1143 = arith.constant 1 : i32
      %select_n3A = arith.select %eq3A_1142, %jit3A_1143, %jit3A : i32
      %rem3A = arith.remsi %scan3A_1115, %select_n3A : i32
      %ne3A = arith.constant 0 : i32
      %ne3A_1144 = arith.cmpi ne, %rem3A, %ne3A : i32
      %lt3A_1145 = arith.constant 0 : i32
      %lt3A_1146 = arith.cmpi slt, %rem3A, %lt3A_1145 : i32
      %lt3A_1147 = arith.constant 0 : i32
      %lt3A_1148 = arith.cmpi slt, %select_n3A, %lt3A_1147 : i32
      %ne3A_1149 = arith.xori %lt3A_1146, %lt3A_1148 : i1
      %and3A = arith.andi %ne3A_1149, %ne3A_1144 : i1
      %add3A_1150 = arith.addi %rem3A, %select_n3A : i32
      %select_n3A_1151 = arith.select %and3A, %add3A_1150, %rem3A : i32
      %mul3A_1152 = arith.constant 16016 : i32
      %mul3A_1153 = arith.muli %select_n3A_1151, %mul3A_1152 : i32
      %mul3A_1154 = arith.constant 640 : i32
      %mul3A_1155 = arith.muli %select_n3A_1151, %mul3A_1154 : i32
      %mul3A_1156 = arith.constant 16 : i32
      %mul3A_1157 = arith.muli %scan3A_1115, %mul3A_1156 : i32
      %add3A_1158 = arith.addi %mul3A_1085, %mul3A_1157 : i32
      %scan3A_1159 = arith.constant 0 : i32
      %scan3A_1160 = arith.constant 0 : i32
      %scan3A_1161 = arith.constant 2 : i32
      %scan3A_1162 = arith.addi %scan3A_1160, %scan3A_1161 : i32
      %scan3A_1163 = arith.constant 1 : i32
      scf.for %scan3A_1171 = %scan3A_1160 to %scan3A_1162 step %scan3A_1163  : i32 {
        %mul3A_1172 = arith.constant 8 : i32
        %mul3A_1173 = arith.muli %mul3A_1172, %scan3A_1171 : i32
        %add3A_1174 = arith.constant 0 : i32
        %add3A_1175 = arith.addi %mul3A_1173, %add3A_1174 : i32
        %mul3A_1176 = arith.constant 1000 : i32
        %mul3A_1177 = arith.muli %add3A_1175, %mul3A_1176 : i32
        %mul3A_1178 = arith.constant 8 : i32
        %mul3A_1179 = arith.muli %mul3A_1178, %scan3A_1171 : i32
        %add3A_1180 = arith.constant 1 : i32
        %add3A_1181 = arith.addi %mul3A_1179, %add3A_1180 : i32
        %mul3A_1182 = arith.constant 1000 : i32
        %mul3A_1183 = arith.muli %add3A_1181, %mul3A_1182 : i32
        %mul3A_1184 = arith.constant 8 : i32
        %mul3A_1185 = arith.muli %mul3A_1184, %scan3A_1171 : i32
        %add3A_1186 = arith.constant 2 : i32
        %add3A_1187 = arith.addi %mul3A_1185, %add3A_1186 : i32
        %mul3A_1188 = arith.constant 1000 : i32
        %mul3A_1189 = arith.muli %add3A_1187, %mul3A_1188 : i32
        %mul3A_1190 = arith.constant 8 : i32
        %mul3A_1191 = arith.muli %mul3A_1190, %scan3A_1171 : i32
        %add3A_1192 = arith.constant 3 : i32
        %add3A_1193 = arith.addi %mul3A_1191, %add3A_1192 : i32
        %mul3A_1194 = arith.constant 1000 : i32
        %mul3A_1195 = arith.muli %add3A_1193, %mul3A_1194 : i32
        %mul3A_1196 = arith.constant 8 : i32
        %mul3A_1197 = arith.muli %mul3A_1196, %scan3A_1171 : i32
        %add3A_1198 = arith.constant 4 : i32
        %add3A_1199 = arith.addi %mul3A_1197, %add3A_1198 : i32
        %mul3A_1200 = arith.constant 1000 : i32
        %mul3A_1201 = arith.muli %add3A_1199, %mul3A_1200 : i32
        %mul3A_1202 = arith.constant 8 : i32
        %mul3A_1203 = arith.muli %mul3A_1202, %scan3A_1171 : i32
        %add3A_1204 = arith.constant 5 : i32
        %add3A_1205 = arith.addi %mul3A_1203, %add3A_1204 : i32
        %mul3A_1206 = arith.constant 1000 : i32
        %mul3A_1207 = arith.muli %add3A_1205, %mul3A_1206 : i32
        %mul3A_1208 = arith.constant 8 : i32
        %mul3A_1209 = arith.muli %mul3A_1208, %scan3A_1171 : i32
        %add3A_1210 = arith.constant 6 : i32
        %add3A_1211 = arith.addi %mul3A_1209, %add3A_1210 : i32
        %mul3A_1212 = arith.constant 1000 : i32
        %mul3A_1213 = arith.muli %add3A_1211, %mul3A_1212 : i32
        %mul3A_1214 = arith.constant 8 : i32
        %mul3A_1215 = arith.muli %mul3A_1214, %scan3A_1171 : i32
        %add3A_1216 = arith.constant 7 : i32
        %add3A_1217 = arith.addi %mul3A_1215, %add3A_1216 : i32
        %mul3A_1218 = arith.constant 1000 : i32
        %mul3A_1219 = arith.muli %add3A_1217, %mul3A_1218 : i32
        %broadcast_in_dim3A_1220 = arith.constant -1.000000e+00 : f32
        %broadcast_in_dim3A_1221 = vector.broadcast %broadcast_in_dim3A_1220 : f32 to vector<16xf32>
        %broadcast_in_dim3A_1222 = arith.constant -1.000000e+00 : f32
        %broadcast_in_dim3A_1223 = vector.broadcast %broadcast_in_dim3A_1222 : f32 to vector<16xf32>
        %broadcast_in_dim3A_1224 = arith.constant -1.000000e+00 : f32
        %broadcast_in_dim3A_1225 = vector.broadcast %broadcast_in_dim3A_1224 : f32 to vector<16xf32>
        %broadcast_in_dim3A_1226 = arith.constant -1.000000e+00 : f32
        %broadcast_in_dim3A_1227 = vector.broadcast %broadcast_in_dim3A_1226 : f32 to vector<16xf32>
        %broadcast_in_dim3A_1228 = arith.constant -1.000000e+00 : f32
        %broadcast_in_dim3A_1229 = vector.broadcast %broadcast_in_dim3A_1228 : f32 to vector<16xf32>
        %broadcast_in_dim3A_1230 = arith.constant -1.000000e+00 : f32
        %broadcast_in_dim3A_1231 = vector.broadcast %broadcast_in_dim3A_1230 : f32 to vector<16xf32>
        %broadcast_in_dim3A_1232 = arith.constant -1.000000e+00 : f32
        %broadcast_in_dim3A_1233 = vector.broadcast %broadcast_in_dim3A_1232 : f32 to vector<16xf32>
        %broadcast_in_dim3A_1234 = arith.constant -1.000000e+00 : f32
        %broadcast_in_dim3A_1235 = vector.broadcast %broadcast_in_dim3A_1234 : f32 to vector<16xf32>
        %scan3A_1236 = arith.constant 0 : i32
        %scan3A_1237 = arith.constant 31 : i32
        %scan3A_1238 = arith.addi %scan3A_1236, %scan3A_1237 : i32
        %scan3A_1239 = arith.constant 1 : i32
        %scan3A_1240:16 = scf.for %scan3A_1840 = %scan3A_1236 to %scan3A_1238 step %scan3A_1239 iter_args(%scan3A_1841 = %broadcast_in_dim3A_1221, %scan3A_1842 = %broadcast_in_dim3A_8, %scan3A_1843 = %broadcast_in_dim3A_1223, %scan3A_1844 = %broadcast_in_dim3A_8, %scan3A_1845 = %broadcast_in_dim3A_1225, %scan3A_1846 = %broadcast_in_dim3A_8, %scan3A_1847 = %broadcast_in_dim3A_1227, %scan3A_1848 = %broadcast_in_dim3A_8, %scan3A_1849 = %broadcast_in_dim3A_1229, %scan3A_1850 = %broadcast_in_dim3A_8, %scan3A_1851 = %broadcast_in_dim3A_1231, %scan3A_1852 = %broadcast_in_dim3A_8, %scan3A_1853 = %broadcast_in_dim3A_1233, %scan3A_1854 = %broadcast_in_dim3A_8, %scan3A_1855 = %broadcast_in_dim3A_1235, %scan3A_1856 = %broadcast_in_dim3A_8) -> (vector<16xf32>, vector<16xi32>, vector<16xf32>, vector<16xi32>, vector<16xf32>, vector<16xi32>, vector<16xf32>, vector<16xi32>, vector<16xf32>, vector<16xi32>, vector<16xf32>, vector<16xi32>, vector<16xf32>, vector<16xi32>, vector<16xf32>, vector<16xi32>)  : i32 {
          %mul3A_1857 = arith.constant 2 : i32
          %mul3A_1858 = arith.muli %mul3A_1857, %scan3A_1840 : i32
          %add3A_1859 = arith.constant 0 : i32
          %add3A_1860 = arith.addi %mul3A_1858, %add3A_1859 : i32
          %mul3A_1861 = arith.constant 16 : i32
          %mul3A_1862 = arith.muli %add3A_1860, %mul3A_1861 : i32
          %add3A_1863 = vector.broadcast %mul3A_1862 : i32 to vector<16xi32>
          %add3A_1864 = arith.addi %iota3A, %add3A_1863 : vector<16xi32>
          %add3A_1865 = arith.addi %mul3A_1177, %mul3A_1153 : i32
          %add3A_1866 = vector.broadcast %add3A_1865 : i32 to vector<16xi32>
          %add3A_1867 = arith.addi %add3A_1864, %add3A_1866 : vector<16xi32>
          %gather3A_1868 = tpu.vector_load_idx %arg5[%add3A_1867] : memref<32032xf32, #tpu.memory_space<vmem>>[vector<16xi32>], vector<16xf32>,
          %gt3A_1869 = arith.cmpf ogt, %gather3A_1868, %scan3A_1841 : vector<16xf32>
          %select_n3A_1870 = arith.select %gt3A_1869, %gather3A_1868, %scan3A_1841 : vector<16xi1>, vector<16xf32>
          %select_n3A_1871 = arith.select %gt3A_1869, %add3A_1864, %scan3A_1842 : vector<16xi1>, vector<16xi32>
          %add3A_1872 = vector.broadcast %add3A_1860 : i32 to vector<16xi32>
          %add3A_1873 = arith.addi %mul3A_3, %add3A_1872 : vector<16xi32>
          tpu.vector_store_idx %arg10[%add3A_1873], %gather3A_1868 : memref<1040xf32, #tpu.memory_space<vmem>>[vector<16xi32>], vector<16xf32>,
          %add3A_1874 = arith.addi %mul3A_1183, %mul3A_1153 : i32
          %add3A_1875 = vector.broadcast %add3A_1874 : i32 to vector<16xi32>
          %add3A_1876 = arith.addi %add3A_1864, %add3A_1875 : vector<16xi32>
          %gather3A_1877 = tpu.vector_load_idx %arg5[%add3A_1876] : memref<32032xf32, #tpu.memory_space<vmem>>[vector<16xi32>], vector<16xf32>,
          %gt3A_1878 = arith.cmpf ogt, %gather3A_1877, %scan3A_1843 : vector<16xf32>
          %select_n3A_1879 = arith.select %gt3A_1878, %gather3A_1877, %scan3A_1843 : vector<16xi1>, vector<16xf32>
          %select_n3A_1880 = arith.select %gt3A_1878, %add3A_1864, %scan3A_1844 : vector<16xi1>, vector<16xi32>
          %add3A_1881 = vector.broadcast %add3A_1860 : i32 to vector<16xi32>
          %add3A_1882 = arith.addi %mul3A_3, %add3A_1881 : vector<16xi32>
          tpu.vector_store_idx %arg11[%add3A_1882], %gather3A_1877 : memref<1040xf32, #tpu.memory_space<vmem>>[vector<16xi32>], vector<16xf32>,
          %add3A_1883 = arith.addi %mul3A_1189, %mul3A_1153 : i32
          %add3A_1884 = vector.broadcast %add3A_1883 : i32 to vector<16xi32>
          %add3A_1885 = arith.addi %add3A_1864, %add3A_1884 : vector<16xi32>
          %gather3A_1886 = tpu.vector_load_idx %arg5[%add3A_1885] : memref<32032xf32, #tpu.memory_space<vmem>>[vector<16xi32>], vector<16xf32>,
          %gt3A_1887 = arith.cmpf ogt, %gather3A_1886, %scan3A_1845 : vector<16xf32>
          %select_n3A_1888 = arith.select %gt3A_1887, %gather3A_1886, %scan3A_1845 : vector<16xi1>, vector<16xf32>
          %select_n3A_1889 = arith.select %gt3A_1887, %add3A_1864, %scan3A_1846 : vector<16xi1>, vector<16xi32>
          %add3A_1890 = vector.broadcast %add3A_1860 : i32 to vector<16xi32>
          %add3A_1891 = arith.addi %mul3A_3, %add3A_1890 : vector<16xi32>
          tpu.vector_store_idx %arg12[%add3A_1891], %gather3A_1886 : memref<1040xf32, #tpu.memory_space<vmem>>[vector<16xi32>], vector<16xf32>,
          %add3A_1892 = arith.addi %mul3A_1195, %mul3A_1153 : i32
          %add3A_1893 = vector.broadcast %add3A_1892 : i32 to vector<16xi32>
          %add3A_1894 = arith.addi %add3A_1864, %add3A_1893 : vector<16xi32>
          %gather3A_1895 = tpu.vector_load_idx %arg5[%add3A_1894] : memref<32032xf32, #tpu.memory_space<vmem>>[vector<16xi32>], vector<16xf32>,
          %gt3A_1896 = arith.cmpf ogt, %gather3A_1895, %scan3A_1847 : vector<16xf32>
          %select_n3A_1897 = arith.select %gt3A_1896, %gather3A_1895, %scan3A_1847 : vector<16xi1>, vector<16xf32>
          %select_n3A_1898 = arith.select %gt3A_1896, %add3A_1864, %scan3A_1848 : vector<16xi1>, vector<16xi32>
          %add3A_1899 = vector.broadcast %add3A_1860 : i32 to vector<16xi32>
          %add3A_1900 = arith.addi %mul3A_3, %add3A_1899 : vector<16xi32>
          tpu.vector_store_idx %arg13[%add3A_1900], %gather3A_1895 : memref<1040xf32, #tpu.memory_space<vmem>>[vector<16xi32>], vector<16xf32>,
          %add3A_1901 = arith.addi %mul3A_1201, %mul3A_1153 : i32
          %add3A_1902 = vector.broadcast %add3A_1901 : i32 to vector<16xi32>
          %add3A_1903 = arith.addi %add3A_1864, %add3A_1902 : vector<16xi32>
          %gather3A_1904 = tpu.vector_load_idx %arg5[%add3A_1903] : memref<32032xf32, #tpu.memory_space<vmem>>[vector<16xi32>], vector<16xf32>,
          %gt3A_1905 = arith.cmpf ogt, %gather3A_1904, %scan3A_1849 : vector<16xf32>
          %select_n3A_1906 = arith.select %gt3A_1905, %gather3A_1904, %scan3A_1849 : vector<16xi1>, vector<16xf32>
          %select_n3A_1907 = arith.select %gt3A_1905, %add3A_1864, %scan3A_1850 : vector<16xi1>, vector<16xi32>
          %add3A_1908 = vector.broadcast %add3A_1860 : i32 to vector<16xi32>
          %add3A_1909 = arith.addi %mul3A_3, %add3A_1908 : vector<16xi32>
          tpu.vector_store_idx %arg14[%add3A_1909], %gather3A_1904 : memref<1040xf32, #tpu.memory_space<vmem>>[vector<16xi32>], vector<16xf32>,
          %add3A_1910 = arith.addi %mul3A_1207, %mul3A_1153 : i32
          %add3A_1911 = vector.broadcast %add3A_1910 : i32 to vector<16xi32>
          %add3A_1912 = arith.addi %add3A_1864, %add3A_1911 : vector<16xi32>
          %gather3A_1913 = tpu.vector_load_idx %arg5[%add3A_1912] : memref<32032xf32, #tpu.memory_space<vmem>>[vector<16xi32>], vector<16xf32>,
          %gt3A_1914 = arith.cmpf ogt, %gather3A_1913, %scan3A_1851 : vector<16xf32>
          %select_n3A_1915 = arith.select %gt3A_1914, %gather3A_1913, %scan3A_1851 : vector<16xi1>, vector<16xf32>
          %select_n3A_1916 = arith.select %gt3A_1914, %add3A_1864, %scan3A_1852 : vector<16xi1>, vector<16xi32>
          %add3A_1917 = vector.broadcast %add3A_1860 : i32 to vector<16xi32>
          %add3A_1918 = arith.addi %mul3A_3, %add3A_1917 : vector<16xi32>
          tpu.vector_store_idx %arg15[%add3A_1918], %gather3A_1913 : memref<1040xf32, #tpu.memory_space<vmem>>[vector<16xi32>], vector<16xf32>,
          %add3A_1919 = arith.addi %mul3A_1213, %mul3A_1153 : i32
          %add3A_1920 = vector.broadcast %add3A_1919 : i32 to vector<16xi32>
          %add3A_1921 = arith.addi %add3A_1864, %add3A_1920 : vector<16xi32>
          %gather3A_1922 = tpu.vector_load_idx %arg5[%add3A_1921] : memref<32032xf32, #tpu.memory_space<vmem>>[vector<16xi32>], vector<16xf32>,
          %gt3A_1923 = arith.cmpf ogt, %gather3A_1922, %scan3A_1853 : vector<16xf32>
          %select_n3A_1924 = arith.select %gt3A_1923, %gather3A_1922, %scan3A_1853 : vector<16xi1>, vector<16xf32>
          %select_n3A_1925 = arith.select %gt3A_1923, %add3A_1864, %scan3A_1854 : vector<16xi1>, vector<16xi32>
          %add3A_1926 = vector.broadcast %add3A_1860 : i32 to vector<16xi32>
          %add3A_1927 = arith.addi %mul3A_3, %add3A_1926 : vector<16xi32>
          tpu.vector_store_idx %arg16[%add3A_1927], %gather3A_1922 : memref<1040xf32, #tpu.memory_space<vmem>>[vector<16xi32>], vector<16xf32>,
          %add3A_1928 = arith.addi %mul3A_1219, %mul3A_1153 : i32
          %add3A_1929 = vector.broadcast %add3A_1928 : i32 to vector<16xi32>
          %add3A_1930 = arith.addi %add3A_1864, %add3A_1929 : vector<16xi32>
          %gather3A_1931 = tpu.vector_load_idx %arg5[%add3A_1930] : memref<32032xf32, #tpu.memory_space<vmem>>[vector<16xi32>], vector<16xf32>,
          %gt3A_1932 = arith.cmpf ogt, %gather3A_1931, %scan3A_1855 : vector<16xf32>
          %select_n3A_1933 = arith.select %gt3A_1932, %gather3A_1931, %scan3A_1855 : vector<16xi1>, vector<16xf32>
          %select_n3A_1934 = arith.select %gt3A_1932, %add3A_1864, %scan3A_1856 : vector<16xi1>, vector<16xi32>
          %add3A_1935 = vector.broadcast %add3A_1860 : i32 to vector<16xi32>
          %add3A_1936 = arith.addi %mul3A_3, %add3A_1935 : vector<16xi32>
          tpu.vector_store_idx %arg17[%add3A_1936], %gather3A_1931 : memref<1040xf32, #tpu.memory_space<vmem>>[vector<16xi32>], vector<16xf32>,
          %mul3A_1937 = arith.constant 2 : i32
          %mul3A_1938 = arith.muli %mul3A_1937, %scan3A_1840 : i32
          %add3A_1939 = arith.constant 1 : i32
          %add3A_1940 = arith.addi %mul3A_1938, %add3A_1939 : i32
          %mul3A_1941 = arith.constant 16 : i32
          %mul3A_1942 = arith.muli %add3A_1940, %mul3A_1941 : i32
          %add3A_1943 = vector.broadcast %mul3A_1942 : i32 to vector<16xi32>
          %add3A_1944 = arith.addi %iota3A, %add3A_1943 : vector<16xi32>
          %add3A_1945 = arith.addi %mul3A_1177, %mul3A_1153 : i32
          %add3A_1946 = vector.broadcast %add3A_1945 : i32 to vector<16xi32>
          %add3A_1947 = arith.addi %add3A_1944, %add3A_1946 : vector<16xi32>
          %gather3A_1948 = tpu.vector_load_idx %arg5[%add3A_1947] : memref<32032xf32, #tpu.memory_space<vmem>>[vector<16xi32>], vector<16xf32>,
          %gt3A_1949 = arith.cmpf ogt, %gather3A_1948, %select_n3A_1870 : vector<16xf32>
          %select_n3A_1950 = arith.select %gt3A_1949, %gather3A_1948, %select_n3A_1870 : vector<16xi1>, vector<16xf32>
          %select_n3A_1951 = arith.select %gt3A_1949, %add3A_1944, %select_n3A_1871 : vector<16xi1>, vector<16xi32>
          %add3A_1952 = vector.broadcast %add3A_1940 : i32 to vector<16xi32>
          %add3A_1953 = arith.addi %mul3A_3, %add3A_1952 : vector<16xi32>
          tpu.vector_store_idx %arg10[%add3A_1953], %gather3A_1948 : memref<1040xf32, #tpu.memory_space<vmem>>[vector<16xi32>], vector<16xf32>,
          %add3A_1954 = arith.addi %mul3A_1183, %mul3A_1153 : i32
          %add3A_1955 = vector.broadcast %add3A_1954 : i32 to vector<16xi32>
          %add3A_1956 = arith.addi %add3A_1944, %add3A_1955 : vector<16xi32>
          %gather3A_1957 = tpu.vector_load_idx %arg5[%add3A_1956] : memref<32032xf32, #tpu.memory_space<vmem>>[vector<16xi32>], vector<16xf32>,
          %gt3A_1958 = arith.cmpf ogt, %gather3A_1957, %select_n3A_1879 : vector<16xf32>
          %select_n3A_1959 = arith.select %gt3A_1958, %gather3A_1957, %select_n3A_1879 : vector<16xi1>, vector<16xf32>
          %select_n3A_1960 = arith.select %gt3A_1958, %add3A_1944, %select_n3A_1880 : vector<16xi1>, vector<16xi32>
          %add3A_1961 = vector.broadcast %add3A_1940 : i32 to vector<16xi32>
          %add3A_1962 = arith.addi %mul3A_3, %add3A_1961 : vector<16xi32>
          tpu.vector_store_idx %arg11[%add3A_1962], %gather3A_1957 : memref<1040xf32, #tpu.memory_space<vmem>>[vector<16xi32>], vector<16xf32>,
          %add3A_1963 = arith.addi %mul3A_1189, %mul3A_1153 : i32
          %add3A_1964 = vector.broadcast %add3A_1963 : i32 to vector<16xi32>
          %add3A_1965 = arith.addi %add3A_1944, %add3A_1964 : vector<16xi32>
          %gather3A_1966 = tpu.vector_load_idx %arg5[%add3A_1965] : memref<32032xf32, #tpu.memory_space<vmem>>[vector<16xi32>], vector<16xf32>,
          %gt3A_1967 = arith.cmpf ogt, %gather3A_1966, %select_n3A_1888 : vector<16xf32>
          %select_n3A_1968 = arith.select %gt3A_1967, %gather3A_1966, %select_n3A_1888 : vector<16xi1>, vector<16xf32>
          %select_n3A_1969 = arith.select %gt3A_1967, %add3A_1944, %select_n3A_1889 : vector<16xi1>, vector<16xi32>
          %add3A_1970 = vector.broadcast %add3A_1940 : i32 to vector<16xi32>
          %add3A_1971 = arith.addi %mul3A_3, %add3A_1970 : vector<16xi32>
          tpu.vector_store_idx %arg12[%add3A_1971], %gather3A_1966 : memref<1040xf32, #tpu.memory_space<vmem>>[vector<16xi32>], vector<16xf32>,
          %add3A_1972 = arith.addi %mul3A_1195, %mul3A_1153 : i32
          %add3A_1973 = vector.broadcast %add3A_1972 : i32 to vector<16xi32>
          %add3A_1974 = arith.addi %add3A_1944, %add3A_1973 : vector<16xi32>
          %gather3A_1975 = tpu.vector_load_idx %arg5[%add3A_1974] : memref<32032xf32, #tpu.memory_space<vmem>>[vector<16xi32>], vector<16xf32>,
          %gt3A_1976 = arith.cmpf ogt, %gather3A_1975, %select_n3A_1897 : vector<16xf32>
          %select_n3A_1977 = arith.select %gt3A_1976, %gather3A_1975, %select_n3A_1897 : vector<16xi1>, vector<16xf32>
          %select_n3A_1978 = arith.select %gt3A_1976, %add3A_1944, %select_n3A_1898 : vector<16xi1>, vector<16xi32>
          %add3A_1979 = vector.broadcast %add3A_1940 : i32 to vector<16xi32>
          %add3A_1980 = arith.addi %mul3A_3, %add3A_1979 : vector<16xi32>
          tpu.vector_store_idx %arg13[%add3A_1980], %gather3A_1975 : memref<1040xf32, #tpu.memory_space<vmem>>[vector<16xi32>], vector<16xf32>,
          %add3A_1981 = arith.addi %mul3A_1201, %mul3A_1153 : i32
          %add3A_1982 = vector.broadcast %add3A_1981 : i32 to vector<16xi32>
          %add3A_1983 = arith.addi %add3A_1944, %add3A_1982 : vector<16xi32>
          %gather3A_1984 = tpu.vector_load_idx %arg5[%add3A_1983] : memref<32032xf32, #tpu.memory_space<vmem>>[vector<16xi32>], vector<16xf32>,
          %gt3A_1985 = arith.cmpf ogt, %gather3A_1984, %select_n3A_1906 : vector<16xf32>
          %select_n3A_1986 = arith.select %gt3A_1985, %gather3A_1984, %select_n3A_1906 : vector<16xi1>, vector<16xf32>
          %select_n3A_1987 = arith.select %gt3A_1985, %add3A_1944, %select_n3A_1907 : vector<16xi1>, vector<16xi32>
          %add3A_1988 = vector.broadcast %add3A_1940 : i32 to vector<16xi32>
          %add3A_1989 = arith.addi %mul3A_3, %add3A_1988 : vector<16xi32>
          tpu.vector_store_idx %arg14[%add3A_1989], %gather3A_1984 : memref<1040xf32, #tpu.memory_space<vmem>>[vector<16xi32>], vector<16xf32>,
          %add3A_1990 = arith.addi %mul3A_1207, %mul3A_1153 : i32
          %add3A_1991 = vector.broadcast %add3A_1990 : i32 to vector<16xi32>
          %add3A_1992 = arith.addi %add3A_1944, %add3A_1991 : vector<16xi32>
          %gather3A_1993 = tpu.vector_load_idx %arg5[%add3A_1992] : memref<32032xf32, #tpu.memory_space<vmem>>[vector<16xi32>], vector<16xf32>,
          %gt3A_1994 = arith.cmpf ogt, %gather3A_1993, %select_n3A_1915 : vector<16xf32>
          %select_n3A_1995 = arith.select %gt3A_1994, %gather3A_1993, %select_n3A_1915 : vector<16xi1>, vector<16xf32>
          %select_n3A_1996 = arith.select %gt3A_1994, %add3A_1944, %select_n3A_1916 : vector<16xi1>, vector<16xi32>
          %add3A_1997 = vector.broadcast %add3A_1940 : i32 to vector<16xi32>
          %add3A_1998 = arith.addi %mul3A_3, %add3A_1997 : vector<16xi32>
          tpu.vector_store_idx %arg15[%add3A_1998], %gather3A_1993 : memref<1040xf32, #tpu.memory_space<vmem>>[vector<16xi32>], vector<16xf32>,
          %add3A_1999 = arith.addi %mul3A_1213, %mul3A_1153 : i32
          %add3A_2000 = vector.broadcast %add3A_1999 : i32 to vector<16xi32>
          %add3A_2001 = arith.addi %add3A_1944, %add3A_2000 : vector<16xi32>
          %gather3A_2002 = tpu.vector_load_idx %arg5[%add3A_2001] : memref<32032xf32, #tpu.memory_space<vmem>>[vector<16xi32>], vector<16xf32>,
          %gt3A_2003 = arith.cmpf ogt, %gather3A_2002, %select_n3A_1924 : vector<16xf32>
          %select_n3A_2004 = arith.select %gt3A_2003, %gather3A_2002, %select_n3A_1924 : vector<16xi1>, vector<16xf32>
          %select_n3A_2005 = arith.select %gt3A_2003, %add3A_1944, %select_n3A_1925 : vector<16xi1>, vector<16xi32>
          %add3A_2006 = vector.broadcast %add3A_1940 : i32 to vector<16xi32>
          %add3A_2007 = arith.addi %mul3A_3, %add3A_2006 : vector<16xi32>
          tpu.vector_store_idx %arg16[%add3A_2007], %gather3A_2002 : memref<1040xf32, #tpu.memory_space<vmem>>[vector<16xi32>], vector<16xf32>,
          %add3A_2008 = arith.addi %mul3A_1219, %mul3A_1153 : i32
          %add3A_2009 = vector.broadcast %add3A_2008 : i32 to vector<16xi32>
          %add3A_2010 = arith.addi %add3A_1944, %add3A_2009 : vector<16xi32>
          %gather3A_2011 = tpu.vector_load_idx %arg5[%add3A_2010] : memref<32032xf32, #tpu.memory_space<vmem>>[vector<16xi32>], vector<16xf32>,
          %gt3A_2012 = arith.cmpf ogt, %gather3A_2011, %select_n3A_1933 : vector<16xf32>
          %select_n3A_2013 = arith.select %gt3A_2012, %gather3A_2011, %select_n3A_1933 : vector<16xi1>, vector<16xf32>
          %select_n3A_2014 = arith.select %gt3A_2012, %add3A_1944, %select_n3A_1934 : vector<16xi1>, vector<16xi32>
          %add3A_2015 = vector.broadcast %add3A_1940 : i32 to vector<16xi32>
          %add3A_2016 = arith.addi %mul3A_3, %add3A_2015 : vector<16xi32>
          tpu.vector_store_idx %arg17[%add3A_2016], %gather3A_2011 : memref<1040xf32, #tpu.memory_space<vmem>>[vector<16xi32>], vector<16xf32>,
          scf.yield %select_n3A_1950, %select_n3A_1951, %select_n3A_1959, %select_n3A_1960, %select_n3A_1968, %select_n3A_1969, %select_n3A_1977, %select_n3A_1978, %select_n3A_1986, %select_n3A_1987, %select_n3A_1995, %select_n3A_1996, %select_n3A_2004, %select_n3A_2005, %select_n3A_2013, %select_n3A_2014 : vector<16xf32>, vector<16xi32>, vector<16xf32>, vector<16xi32>, vector<16xf32>, vector<16xi32>, vector<16xf32>, vector<16xi32>, vector<16xf32>, vector<16xi32>, vector<16xf32>, vector<16xi32>, vector<16xf32>, vector<16xi32>, vector<16xf32>, vector<16xi32>
        }
        %scan3A_1241 = arith.constant 31 : i32
        %add3A_1242 = arith.constant 992 : i32
        %add3A_1243 = vector.broadcast %add3A_1242 : i32 to vector<16xi32>
        %add3A_1244 = arith.addi %iota3A, %add3A_1243 : vector<16xi32>
        %add3A_1245 = arith.addi %mul3A_1177, %mul3A_1153 : i32
        %add3A_1246 = vector.broadcast %add3A_1245 : i32 to vector<16xi32>
        %add3A_1247 = arith.addi %add3A_1244, %add3A_1246 : vector<16xi32>
        %gather3A = tpu.vector_load_idx %arg5[%add3A_1247] : memref<32032xf32, #tpu.memory_space<vmem>>[vector<16xi32>], vector<16xf32>,
        %jit3A_1248 = arith.constant -1.000000e+00 : f32
        %broadcast_in_dim3A_1249 = vector.broadcast %jit3A_1248 : f32 to vector<16xf32>
        %select_n3A_1250 = arith.select %lt3A_12, %gather3A, %broadcast_in_dim3A_1249 : vector<16xi1>, vector<16xf32>
        %gt3A = arith.cmpf ogt, %select_n3A_1250, %scan3A_1240#0 : vector<16xf32>
        %select_n3A_1251 = arith.select %gt3A, %select_n3A_1250, %scan3A_1240#0 : vector<16xi1>, vector<16xf32>
        %select_n3A_1252 = arith.select %gt3A, %add3A_1244, %scan3A_1240#1 : vector<16xi1>, vector<16xi32>
        %add3A_1253 = arith.constant 62 : i32
        %add3A_1254 = vector.broadcast %add3A_1253 : i32 to vector<16xi32>
        %add3A_1255 = arith.addi %mul3A_3, %add3A_1254 : vector<16xi32>
        tpu.vector_store_idx %arg10[%add3A_1255], %select_n3A_1250 : memref<1040xf32, #tpu.memory_space<vmem>>[vector<16xi32>], vector<16xf32>,
        %add3A_1256 = arith.addi %mul3A_1183, %mul3A_1153 : i32
        %add3A_1257 = vector.broadcast %add3A_1256 : i32 to vector<16xi32>
        %add3A_1258 = arith.addi %add3A_1244, %add3A_1257 : vector<16xi32>
        %gather3A_1259 = tpu.vector_load_idx %arg5[%add3A_1258] : memref<32032xf32, #tpu.memory_space<vmem>>[vector<16xi32>], vector<16xf32>,
        %jit3A_1260 = arith.constant -1.000000e+00 : f32
        %broadcast_in_dim3A_1261 = vector.broadcast %jit3A_1260 : f32 to vector<16xf32>
        %select_n3A_1262 = arith.select %lt3A_12, %gather3A_1259, %broadcast_in_dim3A_1261 : vector<16xi1>, vector<16xf32>
        %gt3A_1263 = arith.cmpf ogt, %select_n3A_1262, %scan3A_1240#2 : vector<16xf32>
        %select_n3A_1264 = arith.select %gt3A_1263, %select_n3A_1262, %scan3A_1240#2 : vector<16xi1>, vector<16xf32>
        %select_n3A_1265 = arith.select %gt3A_1263, %add3A_1244, %scan3A_1240#3 : vector<16xi1>, vector<16xi32>
        %add3A_1266 = arith.constant 62 : i32
        %add3A_1267 = vector.broadcast %add3A_1266 : i32 to vector<16xi32>
        %add3A_1268 = arith.addi %mul3A_3, %add3A_1267 : vector<16xi32>
        tpu.vector_store_idx %arg11[%add3A_1268], %select_n3A_1262 : memref<1040xf32, #tpu.memory_space<vmem>>[vector<16xi32>], vector<16xf32>,
        %add3A_1269 = arith.addi %mul3A_1189, %mul3A_1153 : i32
        %add3A_1270 = vector.broadcast %add3A_1269 : i32 to vector<16xi32>
        %add3A_1271 = arith.addi %add3A_1244, %add3A_1270 : vector<16xi32>
        %gather3A_1272 = tpu.vector_load_idx %arg5[%add3A_1271] : memref<32032xf32, #tpu.memory_space<vmem>>[vector<16xi32>], vector<16xf32>,
        %jit3A_1273 = arith.constant -1.000000e+00 : f32
        %broadcast_in_dim3A_1274 = vector.broadcast %jit3A_1273 : f32 to vector<16xf32>
        %select_n3A_1275 = arith.select %lt3A_12, %gather3A_1272, %broadcast_in_dim3A_1274 : vector<16xi1>, vector<16xf32>
        %gt3A_1276 = arith.cmpf ogt, %select_n3A_1275, %scan3A_1240#4 : vector<16xf32>
        %select_n3A_1277 = arith.select %gt3A_1276, %select_n3A_1275, %scan3A_1240#4 : vector<16xi1>, vector<16xf32>
        %select_n3A_1278 = arith.select %gt3A_1276, %add3A_1244, %scan3A_1240#5 : vector<16xi1>, vector<16xi32>
        %add3A_1279 = arith.constant 62 : i32
        %add3A_1280 = vector.broadcast %add3A_1279 : i32 to vector<16xi32>
        %add3A_1281 = arith.addi %mul3A_3, %add3A_1280 : vector<16xi32>
        tpu.vector_store_idx %arg12[%add3A_1281], %select_n3A_1275 : memref<1040xf32, #tpu.memory_space<vmem>>[vector<16xi32>], vector<16xf32>,
        %add3A_1282 = arith.addi %mul3A_1195, %mul3A_1153 : i32
        %add3A_1283 = vector.broadcast %add3A_1282 : i32 to vector<16xi32>
        %add3A_1284 = arith.addi %add3A_1244, %add3A_1283 : vector<16xi32>
        %gather3A_1285 = tpu.vector_load_idx %arg5[%add3A_1284] : memref<32032xf32, #tpu.memory_space<vmem>>[vector<16xi32>], vector<16xf32>,
        %jit3A_1286 = arith.constant -1.000000e+00 : f32
        %broadcast_in_dim3A_1287 = vector.broadcast %jit3A_1286 : f32 to vector<16xf32>
        %select_n3A_1288 = arith.select %lt3A_12, %gather3A_1285, %broadcast_in_dim3A_1287 : vector<16xi1>, vector<16xf32>
        %gt3A_1289 = arith.cmpf ogt, %select_n3A_1288, %scan3A_1240#6 : vector<16xf32>
        %select_n3A_1290 = arith.select %gt3A_1289, %select_n3A_1288, %scan3A_1240#6 : vector<16xi1>, vector<16xf32>
        %select_n3A_1291 = arith.select %gt3A_1289, %add3A_1244, %scan3A_1240#7 : vector<16xi1>, vector<16xi32>
        %add3A_1292 = arith.constant 62 : i32
        %add3A_1293 = vector.broadcast %add3A_1292 : i32 to vector<16xi32>
        %add3A_1294 = arith.addi %mul3A_3, %add3A_1293 : vector<16xi32>
        tpu.vector_store_idx %arg13[%add3A_1294], %select_n3A_1288 : memref<1040xf32, #tpu.memory_space<vmem>>[vector<16xi32>], vector<16xf32>,
        %add3A_1295 = arith.addi %mul3A_1201, %mul3A_1153 : i32
        %add3A_1296 = vector.broadcast %add3A_1295 : i32 to vector<16xi32>
        %add3A_1297 = arith.addi %add3A_1244, %add3A_1296 : vector<16xi32>
        %gather3A_1298 = tpu.vector_load_idx %arg5[%add3A_1297] : memref<32032xf32, #tpu.memory_space<vmem>>[vector<16xi32>], vector<16xf32>,
        %jit3A_1299 = arith.constant -1.000000e+00 : f32
        %broadcast_in_dim3A_1300 = vector.broadcast %jit3A_1299 : f32 to vector<16xf32>
        %select_n3A_1301 = arith.select %lt3A_12, %gather3A_1298, %broadcast_in_dim3A_1300 : vector<16xi1>, vector<16xf32>
        %gt3A_1302 = arith.cmpf ogt, %select_n3A_1301, %scan3A_1240#8 : vector<16xf32>
        %select_n3A_1303 = arith.select %gt3A_1302, %select_n3A_1301, %scan3A_1240#8 : vector<16xi1>, vector<16xf32>
        %select_n3A_1304 = arith.select %gt3A_1302, %add3A_1244, %scan3A_1240#9 : vector<16xi1>, vector<16xi32>
        %add3A_1305 = arith.constant 62 : i32
        %add3A_1306 = vector.broadcast %add3A_1305 : i32 to vector<16xi32>
        %add3A_1307 = arith.addi %mul3A_3, %add3A_1306 : vector<16xi32>
        tpu.vector_store_idx %arg14[%add3A_1307], %select_n3A_1301 : memref<1040xf32, #tpu.memory_space<vmem>>[vector<16xi32>], vector<16xf32>,
        %add3A_1308 = arith.addi %mul3A_1207, %mul3A_1153 : i32
        %add3A_1309 = vector.broadcast %add3A_1308 : i32 to vector<16xi32>
        %add3A_1310 = arith.addi %add3A_1244, %add3A_1309 : vector<16xi32>
        %gather3A_1311 = tpu.vector_load_idx %arg5[%add3A_1310] : memref<32032xf32, #tpu.memory_space<vmem>>[vector<16xi32>], vector<16xf32>,
        %jit3A_1312 = arith.constant -1.000000e+00 : f32
        %broadcast_in_dim3A_1313 = vector.broadcast %jit3A_1312 : f32 to vector<16xf32>
        %select_n3A_1314 = arith.select %lt3A_12, %gather3A_1311, %broadcast_in_dim3A_1313 : vector<16xi1>, vector<16xf32>
        %gt3A_1315 = arith.cmpf ogt, %select_n3A_1314, %scan3A_1240#10 : vector<16xf32>
        %select_n3A_1316 = arith.select %gt3A_1315, %select_n3A_1314, %scan3A_1240#10 : vector<16xi1>, vector<16xf32>
        %select_n3A_1317 = arith.select %gt3A_1315, %add3A_1244, %scan3A_1240#11 : vector<16xi1>, vector<16xi32>
        %add3A_1318 = arith.constant 62 : i32
        %add3A_1319 = vector.broadcast %add3A_1318 : i32 to vector<16xi32>
        %add3A_1320 = arith.addi %mul3A_3, %add3A_1319 : vector<16xi32>
        tpu.vector_store_idx %arg15[%add3A_1320], %select_n3A_1314 : memref<1040xf32, #tpu.memory_space<vmem>>[vector<16xi32>], vector<16xf32>,
        %add3A_1321 = arith.addi %mul3A_1213, %mul3A_1153 : i32
        %add3A_1322 = vector.broadcast %add3A_1321 : i32 to vector<16xi32>
        %add3A_1323 = arith.addi %add3A_1244, %add3A_1322 : vector<16xi32>
        %gather3A_1324 = tpu.vector_load_idx %arg5[%add3A_1323] : memref<32032xf32, #tpu.memory_space<vmem>>[vector<16xi32>], vector<16xf32>,
        %jit3A_1325 = arith.constant -1.000000e+00 : f32
        %broadcast_in_dim3A_1326 = vector.broadcast %jit3A_1325 : f32 to vector<16xf32>
        %select_n3A_1327 = arith.select %lt3A_12, %gather3A_1324, %broadcast_in_dim3A_1326 : vector<16xi1>, vector<16xf32>
        %gt3A_1328 = arith.cmpf ogt, %select_n3A_1327, %scan3A_1240#12 : vector<16xf32>
        %select_n3A_1329 = arith.select %gt3A_1328, %select_n3A_1327, %scan3A_1240#12 : vector<16xi1>, vector<16xf32>
        %select_n3A_1330 = arith.select %gt3A_1328, %add3A_1244, %scan3A_1240#13 : vector<16xi1>, vector<16xi32>
        %add3A_1331 = arith.constant 62 : i32
        %add3A_1332 = vector.broadcast %add3A_1331 : i32 to vector<16xi32>
        %add3A_1333 = arith.addi %mul3A_3, %add3A_1332 : vector<16xi32>
        tpu.vector_store_idx %arg16[%add3A_1333], %select_n3A_1327 : memref<1040xf32, #tpu.memory_space<vmem>>[vector<16xi32>], vector<16xf32>,
        %add3A_1334 = arith.addi %mul3A_1219, %mul3A_1153 : i32
        %add3A_1335 = vector.broadcast %add3A_1334 : i32 to vector<16xi32>
        %add3A_1336 = arith.addi %add3A_1244, %add3A_1335 : vector<16xi32>
        %gather3A_1337 = tpu.vector_load_idx %arg5[%add3A_1336] : memref<32032xf32, #tpu.memory_space<vmem>>[vector<16xi32>], vector<16xf32>,
        %jit3A_1338 = arith.constant -1.000000e+00 : f32
        %broadcast_in_dim3A_1339 = vector.broadcast %jit3A_1338 : f32 to vector<16xf32>
        %select_n3A_1340 = arith.select %lt3A_12, %gather3A_1337, %broadcast_in_dim3A_1339 : vector<16xi1>, vector<16xf32>
        %gt3A_1341 = arith.cmpf ogt, %select_n3A_1340, %scan3A_1240#14 : vector<16xf32>
        %select_n3A_1342 = arith.select %gt3A_1341, %select_n3A_1340, %scan3A_1240#14 : vector<16xi1>, vector<16xf32>
        %select_n3A_1343 = arith.select %gt3A_1341, %add3A_1244, %scan3A_1240#15 : vector<16xi1>, vector<16xi32>
        %add3A_1344 = arith.constant 62 : i32
        %add3A_1345 = vector.broadcast %add3A_1344 : i32 to vector<16xi32>
        %add3A_1346 = arith.addi %mul3A_3, %add3A_1345 : vector<16xi32>
        tpu.vector_store_idx %arg17[%add3A_1346], %select_n3A_1340 : memref<1040xf32, #tpu.memory_space<vmem>>[vector<16xi32>], vector<16xf32>,
        %scan3A_1347 = arith.constant 0 : i32
        %scan3A_1348 = arith.constant 40 : i32
        %scan3A_1349 = arith.addi %scan3A_1347, %scan3A_1348 : i32
        %scan3A_1350 = arith.constant 1 : i32
        %scan3A_1351:16 = scf.for %scan3A_1840 = %scan3A_1347 to %scan3A_1349 step %scan3A_1350 iter_args(%scan3A_1841 = %select_n3A_1251, %scan3A_1842 = %select_n3A_1252, %scan3A_1843 = %select_n3A_1264, %scan3A_1844 = %select_n3A_1265, %scan3A_1845 = %select_n3A_1277, %scan3A_1846 = %select_n3A_1278, %scan3A_1847 = %select_n3A_1290, %scan3A_1848 = %select_n3A_1291, %scan3A_1849 = %select_n3A_1303, %scan3A_1850 = %select_n3A_1304, %scan3A_1851 = %select_n3A_1316, %scan3A_1852 = %select_n3A_1317, %scan3A_1853 = %select_n3A_1329, %scan3A_1854 = %select_n3A_1330, %scan3A_1855 = %select_n3A_1342, %scan3A_1856 = %select_n3A_1343) -> (vector<16xf32>, vector<16xi32>, vector<16xf32>, vector<16xi32>, vector<16xf32>, vector<16xi32>, vector<16xf32>, vector<16xi32>, vector<16xf32>, vector<16xi32>, vector<16xf32>, vector<16xi32>, vector<16xf32>, vector<16xi32>, vector<16xf32>, vector<16xi32>)  : i32 {
          %broadcast_in_dim3A_1857 = vector.broadcast %scan3A_1840 : i32 to vector<16xi32>
          %reduce_max3A = arith.constant true
          %reduce_max3A_1858 = vector.broadcast %reduce_max3A : i1 to vector<16xi1>
          %reduce_max3A_1859 = tpu.scan <max>, %scan3A_1841 masked %reduce_max3A_1858 : vector<16xf32>, vector<16xi1> -> vector<16xf32>
          %reduce_max3A_1860 = vector.extract %reduce_max3A_1859[15] : f32 from vector<16xf32>
          %eq3A_1861 = vector.broadcast %reduce_max3A_1860 : f32 to vector<16xf32>
          %eq3A_1862 = arith.cmpf oeq, %scan3A_1841, %eq3A_1861 : vector<16xf32>
          %jit3A_1863 = arith.constant 4096 : i32
          %broadcast_in_dim3A_1864 = vector.broadcast %jit3A_1863 : i32 to vector<16xi32>
          %select_n3A_1865 = arith.select %eq3A_1862, %scan3A_1842, %broadcast_in_dim3A_1864 : vector<16xi1>, vector<16xi32>
          %reduce_min3A = arith.constant true
          %reduce_min3A_1866 = vector.broadcast %reduce_min3A : i1 to vector<16xi1>
          %reduce_min3A_1867 = arith.constant -2147483648 : i32
          %reduce_min3A_1868 = vector.broadcast %reduce_min3A_1867 : i32 to vector<16xi32>
          %reduce_min3A_1869 = arith.xori %select_n3A_1865, %reduce_min3A_1868 : vector<16xi32>
          %reduce_min3A_1870 = tpu.scan <min>, %reduce_min3A_1869 masked %reduce_min3A_1866 : vector<16xi32>, vector<16xi1> -> vector<16xi32>
          %reduce_min3A_1871 = arith.xori %reduce_min3A_1870, %reduce_min3A_1868 : vector<16xi32>
          %reduce_min3A_1872 = vector.extract %reduce_min3A_1871[15] : i32 from vector<16xi32>
          %reduce_max3A_1873 = arith.constant true
          %reduce_max3A_1874 = vector.broadcast %reduce_max3A_1873 : i1 to vector<16xi1>
          %reduce_max3A_1875 = tpu.scan <max>, %scan3A_1843 masked %reduce_max3A_1874 : vector<16xf32>, vector<16xi1> -> vector<16xf32>
          %reduce_max3A_1876 = vector.extract %reduce_max3A_1875[15] : f32 from vector<16xf32>
          %eq3A_1877 = vector.broadcast %reduce_max3A_1876 : f32 to vector<16xf32>
          %eq3A_1878 = arith.cmpf oeq, %scan3A_1843, %eq3A_1877 : vector<16xf32>
          %jit3A_1879 = arith.constant 4096 : i32
          %broadcast_in_dim3A_1880 = vector.broadcast %jit3A_1879 : i32 to vector<16xi32>
          %select_n3A_1881 = arith.select %eq3A_1878, %scan3A_1844, %broadcast_in_dim3A_1880 : vector<16xi1>, vector<16xi32>
          %reduce_min3A_1882 = arith.constant true
          %reduce_min3A_1883 = vector.broadcast %reduce_min3A_1882 : i1 to vector<16xi1>
          %reduce_min3A_1884 = arith.constant -2147483648 : i32
          %reduce_min3A_1885 = vector.broadcast %reduce_min3A_1884 : i32 to vector<16xi32>
          %reduce_min3A_1886 = arith.xori %select_n3A_1881, %reduce_min3A_1885 : vector<16xi32>
          %reduce_min3A_1887 = tpu.scan <min>, %reduce_min3A_1886 masked %reduce_min3A_1883 : vector<16xi32>, vector<16xi1> -> vector<16xi32>
          %reduce_min3A_1888 = arith.xori %reduce_min3A_1887, %reduce_min3A_1885 : vector<16xi32>
          %reduce_min3A_1889 = vector.extract %reduce_min3A_1888[15] : i32 from vector<16xi32>
          %reduce_max3A_1890 = arith.constant true
          %reduce_max3A_1891 = vector.broadcast %reduce_max3A_1890 : i1 to vector<16xi1>
          %reduce_max3A_1892 = tpu.scan <max>, %scan3A_1845 masked %reduce_max3A_1891 : vector<16xf32>, vector<16xi1> -> vector<16xf32>
          %reduce_max3A_1893 = vector.extract %reduce_max3A_1892[15] : f32 from vector<16xf32>
          %eq3A_1894 = vector.broadcast %reduce_max3A_1893 : f32 to vector<16xf32>
          %eq3A_1895 = arith.cmpf oeq, %scan3A_1845, %eq3A_1894 : vector<16xf32>
          %jit3A_1896 = arith.constant 4096 : i32
          %broadcast_in_dim3A_1897 = vector.broadcast %jit3A_1896 : i32 to vector<16xi32>
          %select_n3A_1898 = arith.select %eq3A_1895, %scan3A_1846, %broadcast_in_dim3A_1897 : vector<16xi1>, vector<16xi32>
          %reduce_min3A_1899 = arith.constant true
          %reduce_min3A_1900 = vector.broadcast %reduce_min3A_1899 : i1 to vector<16xi1>
          %reduce_min3A_1901 = arith.constant -2147483648 : i32
          %reduce_min3A_1902 = vector.broadcast %reduce_min3A_1901 : i32 to vector<16xi32>
          %reduce_min3A_1903 = arith.xori %select_n3A_1898, %reduce_min3A_1902 : vector<16xi32>
          %reduce_min3A_1904 = tpu.scan <min>, %reduce_min3A_1903 masked %reduce_min3A_1900 : vector<16xi32>, vector<16xi1> -> vector<16xi32>
          %reduce_min3A_1905 = arith.xori %reduce_min3A_1904, %reduce_min3A_1902 : vector<16xi32>
          %reduce_min3A_1906 = vector.extract %reduce_min3A_1905[15] : i32 from vector<16xi32>
          %reduce_max3A_1907 = arith.constant true
          %reduce_max3A_1908 = vector.broadcast %reduce_max3A_1907 : i1 to vector<16xi1>
          %reduce_max3A_1909 = tpu.scan <max>, %scan3A_1847 masked %reduce_max3A_1908 : vector<16xf32>, vector<16xi1> -> vector<16xf32>
          %reduce_max3A_1910 = vector.extract %reduce_max3A_1909[15] : f32 from vector<16xf32>
          %eq3A_1911 = vector.broadcast %reduce_max3A_1910 : f32 to vector<16xf32>
          %eq3A_1912 = arith.cmpf oeq, %scan3A_1847, %eq3A_1911 : vector<16xf32>
          %jit3A_1913 = arith.constant 4096 : i32
          %broadcast_in_dim3A_1914 = vector.broadcast %jit3A_1913 : i32 to vector<16xi32>
          %select_n3A_1915 = arith.select %eq3A_1912, %scan3A_1848, %broadcast_in_dim3A_1914 : vector<16xi1>, vector<16xi32>
          %reduce_min3A_1916 = arith.constant true
          %reduce_min3A_1917 = vector.broadcast %reduce_min3A_1916 : i1 to vector<16xi1>
          %reduce_min3A_1918 = arith.constant -2147483648 : i32
          %reduce_min3A_1919 = vector.broadcast %reduce_min3A_1918 : i32 to vector<16xi32>
          %reduce_min3A_1920 = arith.xori %select_n3A_1915, %reduce_min3A_1919 : vector<16xi32>
          %reduce_min3A_1921 = tpu.scan <min>, %reduce_min3A_1920 masked %reduce_min3A_1917 : vector<16xi32>, vector<16xi1> -> vector<16xi32>
          %reduce_min3A_1922 = arith.xori %reduce_min3A_1921, %reduce_min3A_1919 : vector<16xi32>
          %reduce_min3A_1923 = vector.extract %reduce_min3A_1922[15] : i32 from vector<16xi32>
          %reduce_max3A_1924 = arith.constant true
          %reduce_max3A_1925 = vector.broadcast %reduce_max3A_1924 : i1 to vector<16xi1>
          %reduce_max3A_1926 = tpu.scan <max>, %scan3A_1849 masked %reduce_max3A_1925 : vector<16xf32>, vector<16xi1> -> vector<16xf32>
          %reduce_max3A_1927 = vector.extract %reduce_max3A_1926[15] : f32 from vector<16xf32>
          %eq3A_1928 = vector.broadcast %reduce_max3A_1927 : f32 to vector<16xf32>
          %eq3A_1929 = arith.cmpf oeq, %scan3A_1849, %eq3A_1928 : vector<16xf32>
          %jit3A_1930 = arith.constant 4096 : i32
          %broadcast_in_dim3A_1931 = vector.broadcast %jit3A_1930 : i32 to vector<16xi32>
          %select_n3A_1932 = arith.select %eq3A_1929, %scan3A_1850, %broadcast_in_dim3A_1931 : vector<16xi1>, vector<16xi32>
          %reduce_min3A_1933 = arith.constant true
          %reduce_min3A_1934 = vector.broadcast %reduce_min3A_1933 : i1 to vector<16xi1>
          %reduce_min3A_1935 = arith.constant -2147483648 : i32
          %reduce_min3A_1936 = vector.broadcast %reduce_min3A_1935 : i32 to vector<16xi32>
          %reduce_min3A_1937 = arith.xori %select_n3A_1932, %reduce_min3A_1936 : vector<16xi32>
          %reduce_min3A_1938 = tpu.scan <min>, %reduce_min3A_1937 masked %reduce_min3A_1934 : vector<16xi32>, vector<16xi1> -> vector<16xi32>
          %reduce_min3A_1939 = arith.xori %reduce_min3A_1938, %reduce_min3A_1936 : vector<16xi32>
          %reduce_min3A_1940 = vector.extract %reduce_min3A_1939[15] : i32 from vector<16xi32>
          %reduce_max3A_1941 = arith.constant true
          %reduce_max3A_1942 = vector.broadcast %reduce_max3A_1941 : i1 to vector<16xi1>
          %reduce_max3A_1943 = tpu.scan <max>, %scan3A_1851 masked %reduce_max3A_1942 : vector<16xf32>, vector<16xi1> -> vector<16xf32>
          %reduce_max3A_1944 = vector.extract %reduce_max3A_1943[15] : f32 from vector<16xf32>
          %eq3A_1945 = vector.broadcast %reduce_max3A_1944 : f32 to vector<16xf32>
          %eq3A_1946 = arith.cmpf oeq, %scan3A_1851, %eq3A_1945 : vector<16xf32>
          %jit3A_1947 = arith.constant 4096 : i32
          %broadcast_in_dim3A_1948 = vector.broadcast %jit3A_1947 : i32 to vector<16xi32>
          %select_n3A_1949 = arith.select %eq3A_1946, %scan3A_1852, %broadcast_in_dim3A_1948 : vector<16xi1>, vector<16xi32>
          %reduce_min3A_1950 = arith.constant true
          %reduce_min3A_1951 = vector.broadcast %reduce_min3A_1950 : i1 to vector<16xi1>
          %reduce_min3A_1952 = arith.constant -2147483648 : i32
          %reduce_min3A_1953 = vector.broadcast %reduce_min3A_1952 : i32 to vector<16xi32>
          %reduce_min3A_1954 = arith.xori %select_n3A_1949, %reduce_min3A_1953 : vector<16xi32>
          %reduce_min3A_1955 = tpu.scan <min>, %reduce_min3A_1954 masked %reduce_min3A_1951 : vector<16xi32>, vector<16xi1> -> vector<16xi32>
          %reduce_min3A_1956 = arith.xori %reduce_min3A_1955, %reduce_min3A_1953 : vector<16xi32>
          %reduce_min3A_1957 = vector.extract %reduce_min3A_1956[15] : i32 from vector<16xi32>
          %reduce_max3A_1958 = arith.constant true
          %reduce_max3A_1959 = vector.broadcast %reduce_max3A_1958 : i1 to vector<16xi1>
          %reduce_max3A_1960 = tpu.scan <max>, %scan3A_1853 masked %reduce_max3A_1959 : vector<16xf32>, vector<16xi1> -> vector<16xf32>
          %reduce_max3A_1961 = vector.extract %reduce_max3A_1960[15] : f32 from vector<16xf32>
          %eq3A_1962 = vector.broadcast %reduce_max3A_1961 : f32 to vector<16xf32>
          %eq3A_1963 = arith.cmpf oeq, %scan3A_1853, %eq3A_1962 : vector<16xf32>
          %jit3A_1964 = arith.constant 4096 : i32
          %broadcast_in_dim3A_1965 = vector.broadcast %jit3A_1964 : i32 to vector<16xi32>
          %select_n3A_1966 = arith.select %eq3A_1963, %scan3A_1854, %broadcast_in_dim3A_1965 : vector<16xi1>, vector<16xi32>
          %reduce_min3A_1967 = arith.constant true
          %reduce_min3A_1968 = vector.broadcast %reduce_min3A_1967 : i1 to vector<16xi1>
          %reduce_min3A_1969 = arith.constant -2147483648 : i32
          %reduce_min3A_1970 = vector.broadcast %reduce_min3A_1969 : i32 to vector<16xi32>
          %reduce_min3A_1971 = arith.xori %select_n3A_1966, %reduce_min3A_1970 : vector<16xi32>
          %reduce_min3A_1972 = tpu.scan <min>, %reduce_min3A_1971 masked %reduce_min3A_1968 : vector<16xi32>, vector<16xi1> -> vector<16xi32>
          %reduce_min3A_1973 = arith.xori %reduce_min3A_1972, %reduce_min3A_1970 : vector<16xi32>
          %reduce_min3A_1974 = vector.extract %reduce_min3A_1973[15] : i32 from vector<16xi32>
          %reduce_max3A_1975 = arith.constant true
          %reduce_max3A_1976 = vector.broadcast %reduce_max3A_1975 : i1 to vector<16xi1>
          %reduce_max3A_1977 = tpu.scan <max>, %scan3A_1855 masked %reduce_max3A_1976 : vector<16xf32>, vector<16xi1> -> vector<16xf32>
          %reduce_max3A_1978 = vector.extract %reduce_max3A_1977[15] : f32 from vector<16xf32>
          %eq3A_1979 = vector.broadcast %reduce_max3A_1978 : f32 to vector<16xf32>
          %eq3A_1980 = arith.cmpf oeq, %scan3A_1855, %eq3A_1979 : vector<16xf32>
          %jit3A_1981 = arith.constant 4096 : i32
          %broadcast_in_dim3A_1982 = vector.broadcast %jit3A_1981 : i32 to vector<16xi32>
          %select_n3A_1983 = arith.select %eq3A_1980, %scan3A_1856, %broadcast_in_dim3A_1982 : vector<16xi1>, vector<16xi32>
          %reduce_min3A_1984 = arith.constant true
          %reduce_min3A_1985 = vector.broadcast %reduce_min3A_1984 : i1 to vector<16xi1>
          %reduce_min3A_1986 = arith.constant -2147483648 : i32
          %reduce_min3A_1987 = vector.broadcast %reduce_min3A_1986 : i32 to vector<16xi32>
          %reduce_min3A_1988 = arith.xori %select_n3A_1983, %reduce_min3A_1987 : vector<16xi32>
          %reduce_min3A_1989 = tpu.scan <min>, %reduce_min3A_1988 masked %reduce_min3A_1985 : vector<16xi32>, vector<16xi1> -> vector<16xi32>
          %reduce_min3A_1990 = arith.xori %reduce_min3A_1989, %reduce_min3A_1987 : vector<16xi32>
          %reduce_min3A_1991 = vector.extract %reduce_min3A_1990[15] : i32 from vector<16xi32>
          %broadcast_in_dim3A_1992 = vector.broadcast %reduce_max3A_1860 : f32 to vector<16xf32>
          tpu.vector_store_idx %arg18[%broadcast_in_dim3A_1857], %broadcast_in_dim3A_1992 masked %eq3A_10 : memref<48xf32, #tpu.memory_space<vmem>>[vector<16xi32>], vector<16xf32>, vector<16xi1>
          %broadcast_in_dim3A_1993 = vector.broadcast %reduce_min3A_1872 : i32 to vector<16xi32>
          tpu.vector_store_idx %arg26[%broadcast_in_dim3A_1857], %broadcast_in_dim3A_1993 masked %eq3A_10 : memref<48xi32, #tpu.memory_space<vmem>>[vector<16xi32>], vector<16xi32>, vector<16xi1>
          %broadcast_in_dim3A_1994 = vector.broadcast %reduce_max3A_1876 : f32 to vector<16xf32>
          tpu.vector_store_idx %arg19[%broadcast_in_dim3A_1857], %broadcast_in_dim3A_1994 masked %eq3A_10 : memref<48xf32, #tpu.memory_space<vmem>>[vector<16xi32>], vector<16xf32>, vector<16xi1>
          %broadcast_in_dim3A_1995 = vector.broadcast %reduce_min3A_1889 : i32 to vector<16xi32>
          tpu.vector_store_idx %arg27[%broadcast_in_dim3A_1857], %broadcast_in_dim3A_1995 masked %eq3A_10 : memref<48xi32, #tpu.memory_space<vmem>>[vector<16xi32>], vector<16xi32>, vector<16xi1>
          %broadcast_in_dim3A_1996 = vector.broadcast %reduce_max3A_1893 : f32 to vector<16xf32>
          tpu.vector_store_idx %arg20[%broadcast_in_dim3A_1857], %broadcast_in_dim3A_1996 masked %eq3A_10 : memref<48xf32, #tpu.memory_space<vmem>>[vector<16xi32>], vector<16xf32>, vector<16xi1>
          %broadcast_in_dim3A_1997 = vector.broadcast %reduce_min3A_1906 : i32 to vector<16xi32>
          tpu.vector_store_idx %arg28[%broadcast_in_dim3A_1857], %broadcast_in_dim3A_1997 masked %eq3A_10 : memref<48xi32, #tpu.memory_space<vmem>>[vector<16xi32>], vector<16xi32>, vector<16xi1>
          %broadcast_in_dim3A_1998 = vector.broadcast %reduce_max3A_1910 : f32 to vector<16xf32>
          tpu.vector_store_idx %arg21[%broadcast_in_dim3A_1857], %broadcast_in_dim3A_1998 masked %eq3A_10 : memref<48xf32, #tpu.memory_space<vmem>>[vector<16xi32>], vector<16xf32>, vector<16xi1>
          %broadcast_in_dim3A_1999 = vector.broadcast %reduce_min3A_1923 : i32 to vector<16xi32>
          tpu.vector_store_idx %arg29[%broadcast_in_dim3A_1857], %broadcast_in_dim3A_1999 masked %eq3A_10 : memref<48xi32, #tpu.memory_space<vmem>>[vector<16xi32>], vector<16xi32>, vector<16xi1>
          %broadcast_in_dim3A_2000 = vector.broadcast %reduce_max3A_1927 : f32 to vector<16xf32>
          tpu.vector_store_idx %arg22[%broadcast_in_dim3A_1857], %broadcast_in_dim3A_2000 masked %eq3A_10 : memref<48xf32, #tpu.memory_space<vmem>>[vector<16xi32>], vector<16xf32>, vector<16xi1>
          %broadcast_in_dim3A_2001 = vector.broadcast %reduce_min3A_1940 : i32 to vector<16xi32>
          tpu.vector_store_idx %arg30[%broadcast_in_dim3A_1857], %broadcast_in_dim3A_2001 masked %eq3A_10 : memref<48xi32, #tpu.memory_space<vmem>>[vector<16xi32>], vector<16xi32>, vector<16xi1>
          %broadcast_in_dim3A_2002 = vector.broadcast %reduce_max3A_1944 : f32 to vector<16xf32>
          tpu.vector_store_idx %arg23[%broadcast_in_dim3A_1857], %broadcast_in_dim3A_2002 masked %eq3A_10 : memref<48xf32, #tpu.memory_space<vmem>>[vector<16xi32>], vector<16xf32>, vector<16xi1>
          %broadcast_in_dim3A_2003 = vector.broadcast %reduce_min3A_1957 : i32 to vector<16xi32>
          tpu.vector_store_idx %arg31[%broadcast_in_dim3A_1857], %broadcast_in_dim3A_2003 masked %eq3A_10 : memref<48xi32, #tpu.memory_space<vmem>>[vector<16xi32>], vector<16xi32>, vector<16xi1>
          %broadcast_in_dim3A_2004 = vector.broadcast %reduce_max3A_1961 : f32 to vector<16xf32>
          tpu.vector_store_idx %arg24[%broadcast_in_dim3A_1857], %broadcast_in_dim3A_2004 masked %eq3A_10 : memref<48xf32, #tpu.memory_space<vmem>>[vector<16xi32>], vector<16xf32>, vector<16xi1>
          %broadcast_in_dim3A_2005 = vector.broadcast %reduce_min3A_1974 : i32 to vector<16xi32>
          tpu.vector_store_idx %arg32[%broadcast_in_dim3A_1857], %broadcast_in_dim3A_2005 masked %eq3A_10 : memref<48xi32, #tpu.memory_space<vmem>>[vector<16xi32>], vector<16xi32>, vector<16xi1>
          %broadcast_in_dim3A_2006 = vector.broadcast %reduce_max3A_1978 : f32 to vector<16xf32>
          tpu.vector_store_idx %arg25[%broadcast_in_dim3A_1857], %broadcast_in_dim3A_2006 masked %eq3A_10 : memref<48xf32, #tpu.memory_space<vmem>>[vector<16xi32>], vector<16xf32>, vector<16xi1>
          %broadcast_in_dim3A_2007 = vector.broadcast %reduce_min3A_1991 : i32 to vector<16xi32>
          tpu.vector_store_idx %arg33[%broadcast_in_dim3A_1857], %broadcast_in_dim3A_2007 masked %eq3A_10 : memref<48xi32, #tpu.memory_space<vmem>>[vector<16xi32>], vector<16xi32>, vector<16xi1>
          %and3A_2008 = arith.constant 15 : i32
          %and3A_2009 = arith.andi %reduce_min3A_1872, %and3A_2008 : i32
          %shift_right_arithmetic3A = arith.constant 4 : i32
          %shift_right_arithmetic3A_2010 = arith.shrsi %reduce_min3A_1872, %shift_right_arithmetic3A : i32
          %mul3A_2011 = arith.constant 65 : i32
          %mul3A_2012 = arith.muli %and3A_2009, %mul3A_2011 : i32
          %add3A_2013 = arith.addi %mul3A_2012, %shift_right_arithmetic3A_2010 : i32
          %broadcast_in_dim3A_2014 = vector.broadcast %add3A_2013 : i32 to vector<16xi32>
          tpu.vector_store_idx %arg10[%broadcast_in_dim3A_2014], %broadcast_in_dim3A_4 masked %eq3A_10 : memref<1040xf32, #tpu.memory_space<vmem>>[vector<16xi32>], vector<16xf32>, vector<16xi1>
          %mul3A_2015 = arith.constant 65 : i32
          %mul3A_2016 = arith.muli %and3A_2009, %mul3A_2015 : i32
          %add3A_2017 = vector.broadcast %mul3A_2016 : i32 to vector<16xi32>
          %add3A_2018 = arith.addi %iota3A, %add3A_2017 : vector<16xi32>
          %gather3A_2019 = tpu.vector_load_idx %arg10[%add3A_2018] : memref<1040xf32, #tpu.memory_space<vmem>>[vector<16xi32>], vector<16xf32>,
          %add3A_2020 = arith.constant 16 : i32
          %add3A_2021 = arith.addi %mul3A_2016, %add3A_2020 : i32
          %add3A_2022 = vector.broadcast %add3A_2021 : i32 to vector<16xi32>
          %add3A_2023 = arith.addi %iota3A, %add3A_2022 : vector<16xi32>
          %gather3A_2024 = tpu.vector_load_idx %arg10[%add3A_2023] : memref<1040xf32, #tpu.memory_space<vmem>>[vector<16xi32>], vector<16xf32>,
          %add3A_2025 = arith.constant 32 : i32
          %add3A_2026 = arith.addi %mul3A_2016, %add3A_2025 : i32
          %add3A_2027 = vector.broadcast %add3A_2026 : i32 to vector<16xi32>
          %add3A_2028 = arith.addi %iota3A, %add3A_2027 : vector<16xi32>
          %gather3A_2029 = tpu.vector_load_idx %arg10[%add3A_2028] : memref<1040xf32, #tpu.memory_space<vmem>>[vector<16xi32>], vector<16xf32>,
          %add3A_2030 = arith.constant 48 : i32
          %add3A_2031 = arith.addi %mul3A_2016, %add3A_2030 : i32
          %add3A_2032 = vector.broadcast %add3A_2031 : i32 to vector<16xi32>
          %add3A_2033 = arith.addi %iota3A, %add3A_2032 : vector<16xi32>
          %gather3A_2034 = tpu.vector_load_idx %arg10[%add3A_2033] : memref<1040xf32, #tpu.memory_space<vmem>>[vector<16xi32>], vector<16xf32>,
          %max3A = arith.maximumf %gather3A_2019, %gather3A_2024 : vector<16xf32>
          %max3A_2035 = arith.maximumf %gather3A_2029, %gather3A_2034 : vector<16xf32>
          %max3A_2036 = arith.maximumf %max3A, %max3A_2035 : vector<16xf32>
          %reduce_max3A_2037 = arith.constant true
          %reduce_max3A_2038 = vector.broadcast %reduce_max3A_2037 : i1 to vector<16xi1>
          %reduce_max3A_2039 = tpu.scan <max>, %max3A_2036 masked %reduce_max3A_2038 : vector<16xf32>, vector<16xi1> -> vector<16xf32>
          %reduce_max3A_2040 = vector.extract %reduce_max3A_2039[15] : f32 from vector<16xf32>
          %eq3A_2041 = vector.broadcast %reduce_max3A_2040 : f32 to vector<16xf32>
          %eq3A_2042 = arith.cmpf oeq, %gather3A_2019, %eq3A_2041 : vector<16xf32>
          %all_reduce_ffs3A = tpu.all_reduce %eq3A_2042 {dim = 0 : i64, kind = #tpu.reduction_kind<find_first_set>} : vector<16xi1> -> vector<16xi32>
          %eq3A_2043 = vector.broadcast %reduce_max3A_2040 : f32 to vector<16xf32>
          %eq3A_2044 = arith.cmpf oeq, %gather3A_2024, %eq3A_2043 : vector<16xf32>
          %all_reduce_ffs3A_2045 = tpu.all_reduce %eq3A_2044 {dim = 0 : i64, kind = #tpu.reduction_kind<find_first_set>} : vector<16xi1> -> vector<16xi32>
          %eq3A_2046 = vector.broadcast %reduce_max3A_2040 : f32 to vector<16xf32>
          %eq3A_2047 = arith.cmpf oeq, %gather3A_2029, %eq3A_2046 : vector<16xf32>
          %all_reduce_ffs3A_2048 = tpu.all_reduce %eq3A_2047 {dim = 0 : i64, kind = #tpu.reduction_kind<find_first_set>} : vector<16xi1> -> vector<16xi32>
          %eq3A_2049 = vector.broadcast %reduce_max3A_2040 : f32 to vector<16xf32>
          %eq3A_2050 = arith.cmpf oeq, %gather3A_2034, %eq3A_2049 : vector<16xf32>
          %all_reduce_ffs3A_2051 = tpu.all_reduce %eq3A_2050 {dim = 0 : i64, kind = #tpu.reduction_kind<find_first_set>} : vector<16xi1> -> vector<16xi32>
          %lt3A_2052 = arith.constant 16 : i32
          %lt3A_2053 = vector.broadcast %lt3A_2052 : i32 to vector<16xi32>
          %lt3A_2054 = arith.cmpi slt, %all_reduce_ffs3A, %lt3A_2053 : vector<16xi32>
          %lt3A_2055 = arith.constant 16 : i32
          %lt3A_2056 = vector.broadcast %lt3A_2055 : i32 to vector<16xi32>
          %lt3A_2057 = arith.cmpi slt, %all_reduce_ffs3A_2045, %lt3A_2056 : vector<16xi32>
          %add3A_2058 = arith.constant 16 : i32
          %add3A_2059 = vector.broadcast %add3A_2058 : i32 to vector<16xi32>
          %add3A_2060 = arith.addi %all_reduce_ffs3A_2045, %add3A_2059 : vector<16xi32>
          %lt3A_2061 = arith.constant 16 : i32
          %lt3A_2062 = vector.broadcast %lt3A_2061 : i32 to vector<16xi32>
          %lt3A_2063 = arith.cmpi slt, %all_reduce_ffs3A_2048, %lt3A_2062 : vector<16xi32>
          %add3A_2064 = arith.constant 32 : i32
          %add3A_2065 = vector.broadcast %add3A_2064 : i32 to vector<16xi32>
          %add3A_2066 = arith.addi %all_reduce_ffs3A_2048, %add3A_2065 : vector<16xi32>
          %add3A_2067 = arith.constant 48 : i32
          %add3A_2068 = vector.broadcast %add3A_2067 : i32 to vector<16xi32>
          %add3A_2069 = arith.addi %all_reduce_ffs3A_2051, %add3A_2068 : vector<16xi32>
          %select_n3A_2070 = arith.select %lt3A_2063, %add3A_2066, %add3A_2069 : vector<16xi1>, vector<16xi32>
          %select_n3A_2071 = arith.select %lt3A_2057, %add3A_2060, %select_n3A_2070 : vector<16xi1>, vector<16xi32>
          %select_n3A_2072 = arith.select %lt3A_2054, %all_reduce_ffs3A, %select_n3A_2071 : vector<16xi1>, vector<16xi32>
          %eq3A_2073 = vector.broadcast %and3A_2009 : i32 to vector<16xi32>
          %eq3A_2074 = arith.cmpi eq, %iota3A, %eq3A_2073 : vector<16xi32>
          %broadcast_in_dim3A_2075 = vector.broadcast %reduce_max3A_2040 : f32 to vector<16xf32>
          %select_n3A_2076 = arith.select %eq3A_2074, %broadcast_in_dim3A_2075, %scan3A_1841 : vector<16xi1>, vector<16xf32>
          %mul3A_2077 = arith.constant 16 : i32
          %mul3A_2078 = vector.broadcast %mul3A_2077 : i32 to vector<16xi32>
          %mul3A_2079 = arith.muli %select_n3A_2072, %mul3A_2078 : vector<16xi32>
          %add3A_2080 = vector.broadcast %and3A_2009 : i32 to vector<16xi32>
          %add3A_2081 = arith.addi %mul3A_2079, %add3A_2080 : vector<16xi32>
          %select_n3A_2082 = arith.select %eq3A_2074, %add3A_2081, %scan3A_1842 : vector<16xi1>, vector<16xi32>
          %and3A_2083 = arith.constant 15 : i32
          %and3A_2084 = arith.andi %reduce_min3A_1889, %and3A_2083 : i32
          %shift_right_arithmetic3A_2085 = arith.constant 4 : i32
          %shift_right_arithmetic3A_2086 = arith.shrsi %reduce_min3A_1889, %shift_right_arithmetic3A_2085 : i32
          %mul3A_2087 = arith.constant 65 : i32
          %mul3A_2088 = arith.muli %and3A_2084, %mul3A_2087 : i32
          %add3A_2089 = arith.addi %mul3A_2088, %shift_right_arithmetic3A_2086 : i32
          %broadcast_in_dim3A_2090 = vector.broadcast %add3A_2089 : i32 to vector<16xi32>
          tpu.vector_store_idx %arg11[%broadcast_in_dim3A_2090], %broadcast_in_dim3A_4 masked %eq3A_10 : memref<1040xf32, #tpu.memory_space<vmem>>[vector<16xi32>], vector<16xf32>, vector<16xi1>
          %mul3A_2091 = arith.constant 65 : i32
          %mul3A_2092 = arith.muli %and3A_2084, %mul3A_2091 : i32
          %add3A_2093 = vector.broadcast %mul3A_2092 : i32 to vector<16xi32>
          %add3A_2094 = arith.addi %iota3A, %add3A_2093 : vector<16xi32>
          %gather3A_2095 = tpu.vector_load_idx %arg11[%add3A_2094] : memref<1040xf32, #tpu.memory_space<vmem>>[vector<16xi32>], vector<16xf32>,
          %add3A_2096 = arith.constant 16 : i32
          %add3A_2097 = arith.addi %mul3A_2092, %add3A_2096 : i32
          %add3A_2098 = vector.broadcast %add3A_2097 : i32 to vector<16xi32>
          %add3A_2099 = arith.addi %iota3A, %add3A_2098 : vector<16xi32>
          %gather3A_2100 = tpu.vector_load_idx %arg11[%add3A_2099] : memref<1040xf32, #tpu.memory_space<vmem>>[vector<16xi32>], vector<16xf32>,
          %add3A_2101 = arith.constant 32 : i32
          %add3A_2102 = arith.addi %mul3A_2092, %add3A_2101 : i32
          %add3A_2103 = vector.broadcast %add3A_2102 : i32 to vector<16xi32>
          %add3A_2104 = arith.addi %iota3A, %add3A_2103 : vector<16xi32>
          %gather3A_2105 = tpu.vector_load_idx %arg11[%add3A_2104] : memref<1040xf32, #tpu.memory_space<vmem>>[vector<16xi32>], vector<16xf32>,
          %add3A_2106 = arith.constant 48 : i32
          %add3A_2107 = arith.addi %mul3A_2092, %add3A_2106 : i32
          %add3A_2108 = vector.broadcast %add3A_2107 : i32 to vector<16xi32>
          %add3A_2109 = arith.addi %iota3A, %add3A_2108 : vector<16xi32>
          %gather3A_2110 = tpu.vector_load_idx %arg11[%add3A_2109] : memref<1040xf32, #tpu.memory_space<vmem>>[vector<16xi32>], vector<16xf32>,
          %max3A_2111 = arith.maximumf %gather3A_2095, %gather3A_2100 : vector<16xf32>
          %max3A_2112 = arith.maximumf %gather3A_2105, %gather3A_2110 : vector<16xf32>
          %max3A_2113 = arith.maximumf %max3A_2111, %max3A_2112 : vector<16xf32>
          %reduce_max3A_2114 = arith.constant true
          %reduce_max3A_2115 = vector.broadcast %reduce_max3A_2114 : i1 to vector<16xi1>
          %reduce_max3A_2116 = tpu.scan <max>, %max3A_2113 masked %reduce_max3A_2115 : vector<16xf32>, vector<16xi1> -> vector<16xf32>
          %reduce_max3A_2117 = vector.extract %reduce_max3A_2116[15] : f32 from vector<16xf32>
          %eq3A_2118 = vector.broadcast %reduce_max3A_2117 : f32 to vector<16xf32>
          %eq3A_2119 = arith.cmpf oeq, %gather3A_2095, %eq3A_2118 : vector<16xf32>
          %all_reduce_ffs3A_2120 = tpu.all_reduce %eq3A_2119 {dim = 0 : i64, kind = #tpu.reduction_kind<find_first_set>} : vector<16xi1> -> vector<16xi32>
          %eq3A_2121 = vector.broadcast %reduce_max3A_2117 : f32 to vector<16xf32>
          %eq3A_2122 = arith.cmpf oeq, %gather3A_2100, %eq3A_2121 : vector<16xf32>
          %all_reduce_ffs3A_2123 = tpu.all_reduce %eq3A_2122 {dim = 0 : i64, kind = #tpu.reduction_kind<find_first_set>} : vector<16xi1> -> vector<16xi32>
          %eq3A_2124 = vector.broadcast %reduce_max3A_2117 : f32 to vector<16xf32>
          %eq3A_2125 = arith.cmpf oeq, %gather3A_2105, %eq3A_2124 : vector<16xf32>
          %all_reduce_ffs3A_2126 = tpu.all_reduce %eq3A_2125 {dim = 0 : i64, kind = #tpu.reduction_kind<find_first_set>} : vector<16xi1> -> vector<16xi32>
          %eq3A_2127 = vector.broadcast %reduce_max3A_2117 : f32 to vector<16xf32>
          %eq3A_2128 = arith.cmpf oeq, %gather3A_2110, %eq3A_2127 : vector<16xf32>
          %all_reduce_ffs3A_2129 = tpu.all_reduce %eq3A_2128 {dim = 0 : i64, kind = #tpu.reduction_kind<find_first_set>} : vector<16xi1> -> vector<16xi32>
          %lt3A_2130 = arith.constant 16 : i32
          %lt3A_2131 = vector.broadcast %lt3A_2130 : i32 to vector<16xi32>
          %lt3A_2132 = arith.cmpi slt, %all_reduce_ffs3A_2120, %lt3A_2131 : vector<16xi32>
          %lt3A_2133 = arith.constant 16 : i32
          %lt3A_2134 = vector.broadcast %lt3A_2133 : i32 to vector<16xi32>
          %lt3A_2135 = arith.cmpi slt, %all_reduce_ffs3A_2123, %lt3A_2134 : vector<16xi32>
          %add3A_2136 = arith.constant 16 : i32
          %add3A_2137 = vector.broadcast %add3A_2136 : i32 to vector<16xi32>
          %add3A_2138 = arith.addi %all_reduce_ffs3A_2123, %add3A_2137 : vector<16xi32>
          %lt3A_2139 = arith.constant 16 : i32
          %lt3A_2140 = vector.broadcast %lt3A_2139 : i32 to vector<16xi32>
          %lt3A_2141 = arith.cmpi slt, %all_reduce_ffs3A_2126, %lt3A_2140 : vector<16xi32>
          %add3A_2142 = arith.constant 32 : i32
          %add3A_2143 = vector.broadcast %add3A_2142 : i32 to vector<16xi32>
          %add3A_2144 = arith.addi %all_reduce_ffs3A_2126, %add3A_2143 : vector<16xi32>
          %add3A_2145 = arith.constant 48 : i32
          %add3A_2146 = vector.broadcast %add3A_2145 : i32 to vector<16xi32>
          %add3A_2147 = arith.addi %all_reduce_ffs3A_2129, %add3A_2146 : vector<16xi32>
          %select_n3A_2148 = arith.select %lt3A_2141, %add3A_2144, %add3A_2147 : vector<16xi1>, vector<16xi32>
          %select_n3A_2149 = arith.select %lt3A_2135, %add3A_2138, %select_n3A_2148 : vector<16xi1>, vector<16xi32>
          %select_n3A_2150 = arith.select %lt3A_2132, %all_reduce_ffs3A_2120, %select_n3A_2149 : vector<16xi1>, vector<16xi32>
          %eq3A_2151 = vector.broadcast %and3A_2084 : i32 to vector<16xi32>
          %eq3A_2152 = arith.cmpi eq, %iota3A, %eq3A_2151 : vector<16xi32>
          %broadcast_in_dim3A_2153 = vector.broadcast %reduce_max3A_2117 : f32 to vector<16xf32>
          %select_n3A_2154 = arith.select %eq3A_2152, %broadcast_in_dim3A_2153, %scan3A_1843 : vector<16xi1>, vector<16xf32>
          %mul3A_2155 = arith.constant 16 : i32
          %mul3A_2156 = vector.broadcast %mul3A_2155 : i32 to vector<16xi32>
          %mul3A_2157 = arith.muli %select_n3A_2150, %mul3A_2156 : vector<16xi32>
          %add3A_2158 = vector.broadcast %and3A_2084 : i32 to vector<16xi32>
          %add3A_2159 = arith.addi %mul3A_2157, %add3A_2158 : vector<16xi32>
          %select_n3A_2160 = arith.select %eq3A_2152, %add3A_2159, %scan3A_1844 : vector<16xi1>, vector<16xi32>
          %and3A_2161 = arith.constant 15 : i32
          %and3A_2162 = arith.andi %reduce_min3A_1906, %and3A_2161 : i32
          %shift_right_arithmetic3A_2163 = arith.constant 4 : i32
          %shift_right_arithmetic3A_2164 = arith.shrsi %reduce_min3A_1906, %shift_right_arithmetic3A_2163 : i32
          %mul3A_2165 = arith.constant 65 : i32
          %mul3A_2166 = arith.muli %and3A_2162, %mul3A_2165 : i32
          %add3A_2167 = arith.addi %mul3A_2166, %shift_right_arithmetic3A_2164 : i32
          %broadcast_in_dim3A_2168 = vector.broadcast %add3A_2167 : i32 to vector<16xi32>
          tpu.vector_store_idx %arg12[%broadcast_in_dim3A_2168], %broadcast_in_dim3A_4 masked %eq3A_10 : memref<1040xf32, #tpu.memory_space<vmem>>[vector<16xi32>], vector<16xf32>, vector<16xi1>
          %mul3A_2169 = arith.constant 65 : i32
          %mul3A_2170 = arith.muli %and3A_2162, %mul3A_2169 : i32
          %add3A_2171 = vector.broadcast %mul3A_2170 : i32 to vector<16xi32>
          %add3A_2172 = arith.addi %iota3A, %add3A_2171 : vector<16xi32>
          %gather3A_2173 = tpu.vector_load_idx %arg12[%add3A_2172] : memref<1040xf32, #tpu.memory_space<vmem>>[vector<16xi32>], vector<16xf32>,
          %add3A_2174 = arith.constant 16 : i32
          %add3A_2175 = arith.addi %mul3A_2170, %add3A_2174 : i32
          %add3A_2176 = vector.broadcast %add3A_2175 : i32 to vector<16xi32>
          %add3A_2177 = arith.addi %iota3A, %add3A_2176 : vector<16xi32>
          %gather3A_2178 = tpu.vector_load_idx %arg12[%add3A_2177] : memref<1040xf32, #tpu.memory_space<vmem>>[vector<16xi32>], vector<16xf32>,
          %add3A_2179 = arith.constant 32 : i32
          %add3A_2180 = arith.addi %mul3A_2170, %add3A_2179 : i32
          %add3A_2181 = vector.broadcast %add3A_2180 : i32 to vector<16xi32>
          %add3A_2182 = arith.addi %iota3A, %add3A_2181 : vector<16xi32>
          %gather3A_2183 = tpu.vector_load_idx %arg12[%add3A_2182] : memref<1040xf32, #tpu.memory_space<vmem>>[vector<16xi32>], vector<16xf32>,
          %add3A_2184 = arith.constant 48 : i32
          %add3A_2185 = arith.addi %mul3A_2170, %add3A_2184 : i32
          %add3A_2186 = vector.broadcast %add3A_2185 : i32 to vector<16xi32>
          %add3A_2187 = arith.addi %iota3A, %add3A_2186 : vector<16xi32>
          %gather3A_2188 = tpu.vector_load_idx %arg12[%add3A_2187] : memref<1040xf32, #tpu.memory_space<vmem>>[vector<16xi32>], vector<16xf32>,
          %max3A_2189 = arith.maximumf %gather3A_2173, %gather3A_2178 : vector<16xf32>
          %max3A_2190 = arith.maximumf %gather3A_2183, %gather3A_2188 : vector<16xf32>
          %max3A_2191 = arith.maximumf %max3A_2189, %max3A_2190 : vector<16xf32>
          %reduce_max3A_2192 = arith.constant true
          %reduce_max3A_2193 = vector.broadcast %reduce_max3A_2192 : i1 to vector<16xi1>
          %reduce_max3A_2194 = tpu.scan <max>, %max3A_2191 masked %reduce_max3A_2193 : vector<16xf32>, vector<16xi1> -> vector<16xf32>
          %reduce_max3A_2195 = vector.extract %reduce_max3A_2194[15] : f32 from vector<16xf32>
          %eq3A_2196 = vector.broadcast %reduce_max3A_2195 : f32 to vector<16xf32>
          %eq3A_2197 = arith.cmpf oeq, %gather3A_2173, %eq3A_2196 : vector<16xf32>
          %all_reduce_ffs3A_2198 = tpu.all_reduce %eq3A_2197 {dim = 0 : i64, kind = #tpu.reduction_kind<find_first_set>} : vector<16xi1> -> vector<16xi32>
          %eq3A_2199 = vector.broadcast %reduce_max3A_2195 : f32 to vector<16xf32>
          %eq3A_2200 = arith.cmpf oeq, %gather3A_2178, %eq3A_2199 : vector<16xf32>
          %all_reduce_ffs3A_2201 = tpu.all_reduce %eq3A_2200 {dim = 0 : i64, kind = #tpu.reduction_kind<find_first_set>} : vector<16xi1> -> vector<16xi32>
          %eq3A_2202 = vector.broadcast %reduce_max3A_2195 : f32 to vector<16xf32>
          %eq3A_2203 = arith.cmpf oeq, %gather3A_2183, %eq3A_2202 : vector<16xf32>
          %all_reduce_ffs3A_2204 = tpu.all_reduce %eq3A_2203 {dim = 0 : i64, kind = #tpu.reduction_kind<find_first_set>} : vector<16xi1> -> vector<16xi32>
          %eq3A_2205 = vector.broadcast %reduce_max3A_2195 : f32 to vector<16xf32>
          %eq3A_2206 = arith.cmpf oeq, %gather3A_2188, %eq3A_2205 : vector<16xf32>
          %all_reduce_ffs3A_2207 = tpu.all_reduce %eq3A_2206 {dim = 0 : i64, kind = #tpu.reduction_kind<find_first_set>} : vector<16xi1> -> vector<16xi32>
          %lt3A_2208 = arith.constant 16 : i32
          %lt3A_2209 = vector.broadcast %lt3A_2208 : i32 to vector<16xi32>
          %lt3A_2210 = arith.cmpi slt, %all_reduce_ffs3A_2198, %lt3A_2209 : vector<16xi32>
          %lt3A_2211 = arith.constant 16 : i32
          %lt3A_2212 = vector.broadcast %lt3A_2211 : i32 to vector<16xi32>
          %lt3A_2213 = arith.cmpi slt, %all_reduce_ffs3A_2201, %lt3A_2212 : vector<16xi32>
          %add3A_2214 = arith.constant 16 : i32
          %add3A_2215 = vector.broadcast %add3A_2214 : i32 to vector<16xi32>
          %add3A_2216 = arith.addi %all_reduce_ffs3A_2201, %add3A_2215 : vector<16xi32>
          %lt3A_2217 = arith.constant 16 : i32
          %lt3A_2218 = vector.broadcast %lt3A_2217 : i32 to vector<16xi32>
          %lt3A_2219 = arith.cmpi slt, %all_reduce_ffs3A_2204, %lt3A_2218 : vector<16xi32>
          %add3A_2220 = arith.constant 32 : i32
          %add3A_2221 = vector.broadcast %add3A_2220 : i32 to vector<16xi32>
          %add3A_2222 = arith.addi %all_reduce_ffs3A_2204, %add3A_2221 : vector<16xi32>
          %add3A_2223 = arith.constant 48 : i32
          %add3A_2224 = vector.broadcast %add3A_2223 : i32 to vector<16xi32>
          %add3A_2225 = arith.addi %all_reduce_ffs3A_2207, %add3A_2224 : vector<16xi32>
          %select_n3A_2226 = arith.select %lt3A_2219, %add3A_2222, %add3A_2225 : vector<16xi1>, vector<16xi32>
          %select_n3A_2227 = arith.select %lt3A_2213, %add3A_2216, %select_n3A_2226 : vector<16xi1>, vector<16xi32>
          %select_n3A_2228 = arith.select %lt3A_2210, %all_reduce_ffs3A_2198, %select_n3A_2227 : vector<16xi1>, vector<16xi32>
          %eq3A_2229 = vector.broadcast %and3A_2162 : i32 to vector<16xi32>
          %eq3A_2230 = arith.cmpi eq, %iota3A, %eq3A_2229 : vector<16xi32>
          %broadcast_in_dim3A_2231 = vector.broadcast %reduce_max3A_2195 : f32 to vector<16xf32>
          %select_n3A_2232 = arith.select %eq3A_2230, %broadcast_in_dim3A_2231, %scan3A_1845 : vector<16xi1>, vector<16xf32>
          %mul3A_2233 = arith.constant 16 : i32
          %mul3A_2234 = vector.broadcast %mul3A_2233 : i32 to vector<16xi32>
          %mul3A_2235 = arith.muli %select_n3A_2228, %mul3A_2234 : vector<16xi32>
          %add3A_2236 = vector.broadcast %and3A_2162 : i32 to vector<16xi32>
          %add3A_2237 = arith.addi %mul3A_2235, %add3A_2236 : vector<16xi32>
          %select_n3A_2238 = arith.select %eq3A_2230, %add3A_2237, %scan3A_1846 : vector<16xi1>, vector<16xi32>
          %and3A_2239 = arith.constant 15 : i32
          %and3A_2240 = arith.andi %reduce_min3A_1923, %and3A_2239 : i32
          %shift_right_arithmetic3A_2241 = arith.constant 4 : i32
          %shift_right_arithmetic3A_2242 = arith.shrsi %reduce_min3A_1923, %shift_right_arithmetic3A_2241 : i32
          %mul3A_2243 = arith.constant 65 : i32
          %mul3A_2244 = arith.muli %and3A_2240, %mul3A_2243 : i32
          %add3A_2245 = arith.addi %mul3A_2244, %shift_right_arithmetic3A_2242 : i32
          %broadcast_in_dim3A_2246 = vector.broadcast %add3A_2245 : i32 to vector<16xi32>
          tpu.vector_store_idx %arg13[%broadcast_in_dim3A_2246], %broadcast_in_dim3A_4 masked %eq3A_10 : memref<1040xf32, #tpu.memory_space<vmem>>[vector<16xi32>], vector<16xf32>, vector<16xi1>
          %mul3A_2247 = arith.constant 65 : i32
          %mul3A_2248 = arith.muli %and3A_2240, %mul3A_2247 : i32
          %add3A_2249 = vector.broadcast %mul3A_2248 : i32 to vector<16xi32>
          %add3A_2250 = arith.addi %iota3A, %add3A_2249 : vector<16xi32>
          %gather3A_2251 = tpu.vector_load_idx %arg13[%add3A_2250] : memref<1040xf32, #tpu.memory_space<vmem>>[vector<16xi32>], vector<16xf32>,
          %add3A_2252 = arith.constant 16 : i32
          %add3A_2253 = arith.addi %mul3A_2248, %add3A_2252 : i32
          %add3A_2254 = vector.broadcast %add3A_2253 : i32 to vector<16xi32>
          %add3A_2255 = arith.addi %iota3A, %add3A_2254 : vector<16xi32>
          %gather3A_2256 = tpu.vector_load_idx %arg13[%add3A_2255] : memref<1040xf32, #tpu.memory_space<vmem>>[vector<16xi32>], vector<16xf32>,
          %add3A_2257 = arith.constant 32 : i32
          %add3A_2258 = arith.addi %mul3A_2248, %add3A_2257 : i32
          %add3A_2259 = vector.broadcast %add3A_2258 : i32 to vector<16xi32>
          %add3A_2260 = arith.addi %iota3A, %add3A_2259 : vector<16xi32>
          %gather3A_2261 = tpu.vector_load_idx %arg13[%add3A_2260] : memref<1040xf32, #tpu.memory_space<vmem>>[vector<16xi32>], vector<16xf32>,
          %add3A_2262 = arith.constant 48 : i32
          %add3A_2263 = arith.addi %mul3A_2248, %add3A_2262 : i32
          %add3A_2264 = vector.broadcast %add3A_2263 : i32 to vector<16xi32>
          %add3A_2265 = arith.addi %iota3A, %add3A_2264 : vector<16xi32>
          %gather3A_2266 = tpu.vector_load_idx %arg13[%add3A_2265] : memref<1040xf32, #tpu.memory_space<vmem>>[vector<16xi32>], vector<16xf32>,
          %max3A_2267 = arith.maximumf %gather3A_2251, %gather3A_2256 : vector<16xf32>
          %max3A_2268 = arith.maximumf %gather3A_2261, %gather3A_2266 : vector<16xf32>
          %max3A_2269 = arith.maximumf %max3A_2267, %max3A_2268 : vector<16xf32>
          %reduce_max3A_2270 = arith.constant true
          %reduce_max3A_2271 = vector.broadcast %reduce_max3A_2270 : i1 to vector<16xi1>
          %reduce_max3A_2272 = tpu.scan <max>, %max3A_2269 masked %reduce_max3A_2271 : vector<16xf32>, vector<16xi1> -> vector<16xf32>
          %reduce_max3A_2273 = vector.extract %reduce_max3A_2272[15] : f32 from vector<16xf32>
          %eq3A_2274 = vector.broadcast %reduce_max3A_2273 : f32 to vector<16xf32>
          %eq3A_2275 = arith.cmpf oeq, %gather3A_2251, %eq3A_2274 : vector<16xf32>
          %all_reduce_ffs3A_2276 = tpu.all_reduce %eq3A_2275 {dim = 0 : i64, kind = #tpu.reduction_kind<find_first_set>} : vector<16xi1> -> vector<16xi32>
          %eq3A_2277 = vector.broadcast %reduce_max3A_2273 : f32 to vector<16xf32>
          %eq3A_2278 = arith.cmpf oeq, %gather3A_2256, %eq3A_2277 : vector<16xf32>
          %all_reduce_ffs3A_2279 = tpu.all_reduce %eq3A_2278 {dim = 0 : i64, kind = #tpu.reduction_kind<find_first_set>} : vector<16xi1> -> vector<16xi32>
          %eq3A_2280 = vector.broadcast %reduce_max3A_2273 : f32 to vector<16xf32>
          %eq3A_2281 = arith.cmpf oeq, %gather3A_2261, %eq3A_2280 : vector<16xf32>
          %all_reduce_ffs3A_2282 = tpu.all_reduce %eq3A_2281 {dim = 0 : i64, kind = #tpu.reduction_kind<find_first_set>} : vector<16xi1> -> vector<16xi32>
          %eq3A_2283 = vector.broadcast %reduce_max3A_2273 : f32 to vector<16xf32>
          %eq3A_2284 = arith.cmpf oeq, %gather3A_2266, %eq3A_2283 : vector<16xf32>
          %all_reduce_ffs3A_2285 = tpu.all_reduce %eq3A_2284 {dim = 0 : i64, kind = #tpu.reduction_kind<find_first_set>} : vector<16xi1> -> vector<16xi32>
          %lt3A_2286 = arith.constant 16 : i32
          %lt3A_2287 = vector.broadcast %lt3A_2286 : i32 to vector<16xi32>
          %lt3A_2288 = arith.cmpi slt, %all_reduce_ffs3A_2276, %lt3A_2287 : vector<16xi32>
          %lt3A_2289 = arith.constant 16 : i32
          %lt3A_2290 = vector.broadcast %lt3A_2289 : i32 to vector<16xi32>
          %lt3A_2291 = arith.cmpi slt, %all_reduce_ffs3A_2279, %lt3A_2290 : vector<16xi32>
          %add3A_2292 = arith.constant 16 : i32
          %add3A_2293 = vector.broadcast %add3A_2292 : i32 to vector<16xi32>
          %add3A_2294 = arith.addi %all_reduce_ffs3A_2279, %add3A_2293 : vector<16xi32>
          %lt3A_2295 = arith.constant 16 : i32
          %lt3A_2296 = vector.broadcast %lt3A_2295 : i32 to vector<16xi32>
          %lt3A_2297 = arith.cmpi slt, %all_reduce_ffs3A_2282, %lt3A_2296 : vector<16xi32>
          %add3A_2298 = arith.constant 32 : i32
          %add3A_2299 = vector.broadcast %add3A_2298 : i32 to vector<16xi32>
          %add3A_2300 = arith.addi %all_reduce_ffs3A_2282, %add3A_2299 : vector<16xi32>
          %add3A_2301 = arith.constant 48 : i32
          %add3A_2302 = vector.broadcast %add3A_2301 : i32 to vector<16xi32>
          %add3A_2303 = arith.addi %all_reduce_ffs3A_2285, %add3A_2302 : vector<16xi32>
          %select_n3A_2304 = arith.select %lt3A_2297, %add3A_2300, %add3A_2303 : vector<16xi1>, vector<16xi32>
          %select_n3A_2305 = arith.select %lt3A_2291, %add3A_2294, %select_n3A_2304 : vector<16xi1>, vector<16xi32>
          %select_n3A_2306 = arith.select %lt3A_2288, %all_reduce_ffs3A_2276, %select_n3A_2305 : vector<16xi1>, vector<16xi32>
          %eq3A_2307 = vector.broadcast %and3A_2240 : i32 to vector<16xi32>
          %eq3A_2308 = arith.cmpi eq, %iota3A, %eq3A_2307 : vector<16xi32>
          %broadcast_in_dim3A_2309 = vector.broadcast %reduce_max3A_2273 : f32 to vector<16xf32>
          %select_n3A_2310 = arith.select %eq3A_2308, %broadcast_in_dim3A_2309, %scan3A_1847 : vector<16xi1>, vector<16xf32>
          %mul3A_2311 = arith.constant 16 : i32
          %mul3A_2312 = vector.broadcast %mul3A_2311 : i32 to vector<16xi32>
          %mul3A_2313 = arith.muli %select_n3A_2306, %mul3A_2312 : vector<16xi32>
          %add3A_2314 = vector.broadcast %and3A_2240 : i32 to vector<16xi32>
          %add3A_2315 = arith.addi %mul3A_2313, %add3A_2314 : vector<16xi32>
          %select_n3A_2316 = arith.select %eq3A_2308, %add3A_2315, %scan3A_1848 : vector<16xi1>, vector<16xi32>
          %and3A_2317 = arith.constant 15 : i32
          %and3A_2318 = arith.andi %reduce_min3A_1940, %and3A_2317 : i32
          %shift_right_arithmetic3A_2319 = arith.constant 4 : i32
          %shift_right_arithmetic3A_2320 = arith.shrsi %reduce_min3A_1940, %shift_right_arithmetic3A_2319 : i32
          %mul3A_2321 = arith.constant 65 : i32
          %mul3A_2322 = arith.muli %and3A_2318, %mul3A_2321 : i32
          %add3A_2323 = arith.addi %mul3A_2322, %shift_right_arithmetic3A_2320 : i32
          %broadcast_in_dim3A_2324 = vector.broadcast %add3A_2323 : i32 to vector<16xi32>
          tpu.vector_store_idx %arg14[%broadcast_in_dim3A_2324], %broadcast_in_dim3A_4 masked %eq3A_10 : memref<1040xf32, #tpu.memory_space<vmem>>[vector<16xi32>], vector<16xf32>, vector<16xi1>
          %mul3A_2325 = arith.constant 65 : i32
          %mul3A_2326 = arith.muli %and3A_2318, %mul3A_2325 : i32
          %add3A_2327 = vector.broadcast %mul3A_2326 : i32 to vector<16xi32>
          %add3A_2328 = arith.addi %iota3A, %add3A_2327 : vector<16xi32>
          %gather3A_2329 = tpu.vector_load_idx %arg14[%add3A_2328] : memref<1040xf32, #tpu.memory_space<vmem>>[vector<16xi32>], vector<16xf32>,
          %add3A_2330 = arith.constant 16 : i32
          %add3A_2331 = arith.addi %mul3A_2326, %add3A_2330 : i32
          %add3A_2332 = vector.broadcast %add3A_2331 : i32 to vector<16xi32>
          %add3A_2333 = arith.addi %iota3A, %add3A_2332 : vector<16xi32>
          %gather3A_2334 = tpu.vector_load_idx %arg14[%add3A_2333] : memref<1040xf32, #tpu.memory_space<vmem>>[vector<16xi32>], vector<16xf32>,
          %add3A_2335 = arith.constant 32 : i32
          %add3A_2336 = arith.addi %mul3A_2326, %add3A_2335 : i32
          %add3A_2337 = vector.broadcast %add3A_2336 : i32 to vector<16xi32>
          %add3A_2338 = arith.addi %iota3A, %add3A_2337 : vector<16xi32>
          %gather3A_2339 = tpu.vector_load_idx %arg14[%add3A_2338] : memref<1040xf32, #tpu.memory_space<vmem>>[vector<16xi32>], vector<16xf32>,
          %add3A_2340 = arith.constant 48 : i32
          %add3A_2341 = arith.addi %mul3A_2326, %add3A_2340 : i32
          %add3A_2342 = vector.broadcast %add3A_2341 : i32 to vector<16xi32>
          %add3A_2343 = arith.addi %iota3A, %add3A_2342 : vector<16xi32>
          %gather3A_2344 = tpu.vector_load_idx %arg14[%add3A_2343] : memref<1040xf32, #tpu.memory_space<vmem>>[vector<16xi32>], vector<16xf32>,
          %max3A_2345 = arith.maximumf %gather3A_2329, %gather3A_2334 : vector<16xf32>
          %max3A_2346 = arith.maximumf %gather3A_2339, %gather3A_2344 : vector<16xf32>
          %max3A_2347 = arith.maximumf %max3A_2345, %max3A_2346 : vector<16xf32>
          %reduce_max3A_2348 = arith.constant true
          %reduce_max3A_2349 = vector.broadcast %reduce_max3A_2348 : i1 to vector<16xi1>
          %reduce_max3A_2350 = tpu.scan <max>, %max3A_2347 masked %reduce_max3A_2349 : vector<16xf32>, vector<16xi1> -> vector<16xf32>
          %reduce_max3A_2351 = vector.extract %reduce_max3A_2350[15] : f32 from vector<16xf32>
          %eq3A_2352 = vector.broadcast %reduce_max3A_2351 : f32 to vector<16xf32>
          %eq3A_2353 = arith.cmpf oeq, %gather3A_2329, %eq3A_2352 : vector<16xf32>
          %all_reduce_ffs3A_2354 = tpu.all_reduce %eq3A_2353 {dim = 0 : i64, kind = #tpu.reduction_kind<find_first_set>} : vector<16xi1> -> vector<16xi32>
          %eq3A_2355 = vector.broadcast %reduce_max3A_2351 : f32 to vector<16xf32>
          %eq3A_2356 = arith.cmpf oeq, %gather3A_2334, %eq3A_2355 : vector<16xf32>
          %all_reduce_ffs3A_2357 = tpu.all_reduce %eq3A_2356 {dim = 0 : i64, kind = #tpu.reduction_kind<find_first_set>} : vector<16xi1> -> vector<16xi32>
          %eq3A_2358 = vector.broadcast %reduce_max3A_2351 : f32 to vector<16xf32>
          %eq3A_2359 = arith.cmpf oeq, %gather3A_2339, %eq3A_2358 : vector<16xf32>
          %all_reduce_ffs3A_2360 = tpu.all_reduce %eq3A_2359 {dim = 0 : i64, kind = #tpu.reduction_kind<find_first_set>} : vector<16xi1> -> vector<16xi32>
          %eq3A_2361 = vector.broadcast %reduce_max3A_2351 : f32 to vector<16xf32>
          %eq3A_2362 = arith.cmpf oeq, %gather3A_2344, %eq3A_2361 : vector<16xf32>
          %all_reduce_ffs3A_2363 = tpu.all_reduce %eq3A_2362 {dim = 0 : i64, kind = #tpu.reduction_kind<find_first_set>} : vector<16xi1> -> vector<16xi32>
          %lt3A_2364 = arith.constant 16 : i32
          %lt3A_2365 = vector.broadcast %lt3A_2364 : i32 to vector<16xi32>
          %lt3A_2366 = arith.cmpi slt, %all_reduce_ffs3A_2354, %lt3A_2365 : vector<16xi32>
          %lt3A_2367 = arith.constant 16 : i32
          %lt3A_2368 = vector.broadcast %lt3A_2367 : i32 to vector<16xi32>
          %lt3A_2369 = arith.cmpi slt, %all_reduce_ffs3A_2357, %lt3A_2368 : vector<16xi32>
          %add3A_2370 = arith.constant 16 : i32
          %add3A_2371 = vector.broadcast %add3A_2370 : i32 to vector<16xi32>
          %add3A_2372 = arith.addi %all_reduce_ffs3A_2357, %add3A_2371 : vector<16xi32>
          %lt3A_2373 = arith.constant 16 : i32
          %lt3A_2374 = vector.broadcast %lt3A_2373 : i32 to vector<16xi32>
          %lt3A_2375 = arith.cmpi slt, %all_reduce_ffs3A_2360, %lt3A_2374 : vector<16xi32>
          %add3A_2376 = arith.constant 32 : i32
          %add3A_2377 = vector.broadcast %add3A_2376 : i32 to vector<16xi32>
          %add3A_2378 = arith.addi %all_reduce_ffs3A_2360, %add3A_2377 : vector<16xi32>
          %add3A_2379 = arith.constant 48 : i32
          %add3A_2380 = vector.broadcast %add3A_2379 : i32 to vector<16xi32>
          %add3A_2381 = arith.addi %all_reduce_ffs3A_2363, %add3A_2380 : vector<16xi32>
          %select_n3A_2382 = arith.select %lt3A_2375, %add3A_2378, %add3A_2381 : vector<16xi1>, vector<16xi32>
          %select_n3A_2383 = arith.select %lt3A_2369, %add3A_2372, %select_n3A_2382 : vector<16xi1>, vector<16xi32>
          %select_n3A_2384 = arith.select %lt3A_2366, %all_reduce_ffs3A_2354, %select_n3A_2383 : vector<16xi1>, vector<16xi32>
          %eq3A_2385 = vector.broadcast %and3A_2318 : i32 to vector<16xi32>
          %eq3A_2386 = arith.cmpi eq, %iota3A, %eq3A_2385 : vector<16xi32>
          %broadcast_in_dim3A_2387 = vector.broadcast %reduce_max3A_2351 : f32 to vector<16xf32>
          %select_n3A_2388 = arith.select %eq3A_2386, %broadcast_in_dim3A_2387, %scan3A_1849 : vector<16xi1>, vector<16xf32>
          %mul3A_2389 = arith.constant 16 : i32
          %mul3A_2390 = vector.broadcast %mul3A_2389 : i32 to vector<16xi32>
          %mul3A_2391 = arith.muli %select_n3A_2384, %mul3A_2390 : vector<16xi32>
          %add3A_2392 = vector.broadcast %and3A_2318 : i32 to vector<16xi32>
          %add3A_2393 = arith.addi %mul3A_2391, %add3A_2392 : vector<16xi32>
          %select_n3A_2394 = arith.select %eq3A_2386, %add3A_2393, %scan3A_1850 : vector<16xi1>, vector<16xi32>
          %and3A_2395 = arith.constant 15 : i32
          %and3A_2396 = arith.andi %reduce_min3A_1957, %and3A_2395 : i32
          %shift_right_arithmetic3A_2397 = arith.constant 4 : i32
          %shift_right_arithmetic3A_2398 = arith.shrsi %reduce_min3A_1957, %shift_right_arithmetic3A_2397 : i32
          %mul3A_2399 = arith.constant 65 : i32
          %mul3A_2400 = arith.muli %and3A_2396, %mul3A_2399 : i32
          %add3A_2401 = arith.addi %mul3A_2400, %shift_right_arithmetic3A_2398 : i32
          %broadcast_in_dim3A_2402 = vector.broadcast %add3A_2401 : i32 to vector<16xi32>
          tpu.vector_store_idx %arg15[%broadcast_in_dim3A_2402], %broadcast_in_dim3A_4 masked %eq3A_10 : memref<1040xf32, #tpu.memory_space<vmem>>[vector<16xi32>], vector<16xf32>, vector<16xi1>
          %mul3A_2403 = arith.constant 65 : i32
          %mul3A_2404 = arith.muli %and3A_2396, %mul3A_2403 : i32
          %add3A_2405 = vector.broadcast %mul3A_2404 : i32 to vector<16xi32>
          %add3A_2406 = arith.addi %iota3A, %add3A_2405 : vector<16xi32>
          %gather3A_2407 = tpu.vector_load_idx %arg15[%add3A_2406] : memref<1040xf32, #tpu.memory_space<vmem>>[vector<16xi32>], vector<16xf32>,
          %add3A_2408 = arith.constant 16 : i32
          %add3A_2409 = arith.addi %mul3A_2404, %add3A_2408 : i32
          %add3A_2410 = vector.broadcast %add3A_2409 : i32 to vector<16xi32>
          %add3A_2411 = arith.addi %iota3A, %add3A_2410 : vector<16xi32>
          %gather3A_2412 = tpu.vector_load_idx %arg15[%add3A_2411] : memref<1040xf32, #tpu.memory_space<vmem>>[vector<16xi32>], vector<16xf32>,
          %add3A_2413 = arith.constant 32 : i32
          %add3A_2414 = arith.addi %mul3A_2404, %add3A_2413 : i32
          %add3A_2415 = vector.broadcast %add3A_2414 : i32 to vector<16xi32>
          %add3A_2416 = arith.addi %iota3A, %add3A_2415 : vector<16xi32>
          %gather3A_2417 = tpu.vector_load_idx %arg15[%add3A_2416] : memref<1040xf32, #tpu.memory_space<vmem>>[vector<16xi32>], vector<16xf32>,
          %add3A_2418 = arith.constant 48 : i32
          %add3A_2419 = arith.addi %mul3A_2404, %add3A_2418 : i32
          %add3A_2420 = vector.broadcast %add3A_2419 : i32 to vector<16xi32>
          %add3A_2421 = arith.addi %iota3A, %add3A_2420 : vector<16xi32>
          %gather3A_2422 = tpu.vector_load_idx %arg15[%add3A_2421] : memref<1040xf32, #tpu.memory_space<vmem>>[vector<16xi32>], vector<16xf32>,
          %max3A_2423 = arith.maximumf %gather3A_2407, %gather3A_2412 : vector<16xf32>
          %max3A_2424 = arith.maximumf %gather3A_2417, %gather3A_2422 : vector<16xf32>
          %max3A_2425 = arith.maximumf %max3A_2423, %max3A_2424 : vector<16xf32>
          %reduce_max3A_2426 = arith.constant true
          %reduce_max3A_2427 = vector.broadcast %reduce_max3A_2426 : i1 to vector<16xi1>
          %reduce_max3A_2428 = tpu.scan <max>, %max3A_2425 masked %reduce_max3A_2427 : vector<16xf32>, vector<16xi1> -> vector<16xf32>
          %reduce_max3A_2429 = vector.extract %reduce_max3A_2428[15] : f32 from vector<16xf32>
          %eq3A_2430 = vector.broadcast %reduce_max3A_2429 : f32 to vector<16xf32>
          %eq3A_2431 = arith.cmpf oeq, %gather3A_2407, %eq3A_2430 : vector<16xf32>
          %all_reduce_ffs3A_2432 = tpu.all_reduce %eq3A_2431 {dim = 0 : i64, kind = #tpu.reduction_kind<find_first_set>} : vector<16xi1> -> vector<16xi32>
          %eq3A_2433 = vector.broadcast %reduce_max3A_2429 : f32 to vector<16xf32>
          %eq3A_2434 = arith.cmpf oeq, %gather3A_2412, %eq3A_2433 : vector<16xf32>
          %all_reduce_ffs3A_2435 = tpu.all_reduce %eq3A_2434 {dim = 0 : i64, kind = #tpu.reduction_kind<find_first_set>} : vector<16xi1> -> vector<16xi32>
          %eq3A_2436 = vector.broadcast %reduce_max3A_2429 : f32 to vector<16xf32>
          %eq3A_2437 = arith.cmpf oeq, %gather3A_2417, %eq3A_2436 : vector<16xf32>
          %all_reduce_ffs3A_2438 = tpu.all_reduce %eq3A_2437 {dim = 0 : i64, kind = #tpu.reduction_kind<find_first_set>} : vector<16xi1> -> vector<16xi32>
          %eq3A_2439 = vector.broadcast %reduce_max3A_2429 : f32 to vector<16xf32>
          %eq3A_2440 = arith.cmpf oeq, %gather3A_2422, %eq3A_2439 : vector<16xf32>
          %all_reduce_ffs3A_2441 = tpu.all_reduce %eq3A_2440 {dim = 0 : i64, kind = #tpu.reduction_kind<find_first_set>} : vector<16xi1> -> vector<16xi32>
          %lt3A_2442 = arith.constant 16 : i32
          %lt3A_2443 = vector.broadcast %lt3A_2442 : i32 to vector<16xi32>
          %lt3A_2444 = arith.cmpi slt, %all_reduce_ffs3A_2432, %lt3A_2443 : vector<16xi32>
          %lt3A_2445 = arith.constant 16 : i32
          %lt3A_2446 = vector.broadcast %lt3A_2445 : i32 to vector<16xi32>
          %lt3A_2447 = arith.cmpi slt, %all_reduce_ffs3A_2435, %lt3A_2446 : vector<16xi32>
          %add3A_2448 = arith.constant 16 : i32
          %add3A_2449 = vector.broadcast %add3A_2448 : i32 to vector<16xi32>
          %add3A_2450 = arith.addi %all_reduce_ffs3A_2435, %add3A_2449 : vector<16xi32>
          %lt3A_2451 = arith.constant 16 : i32
          %lt3A_2452 = vector.broadcast %lt3A_2451 : i32 to vector<16xi32>
          %lt3A_2453 = arith.cmpi slt, %all_reduce_ffs3A_2438, %lt3A_2452 : vector<16xi32>
          %add3A_2454 = arith.constant 32 : i32
          %add3A_2455 = vector.broadcast %add3A_2454 : i32 to vector<16xi32>
          %add3A_2456 = arith.addi %all_reduce_ffs3A_2438, %add3A_2455 : vector<16xi32>
          %add3A_2457 = arith.constant 48 : i32
          %add3A_2458 = vector.broadcast %add3A_2457 : i32 to vector<16xi32>
          %add3A_2459 = arith.addi %all_reduce_ffs3A_2441, %add3A_2458 : vector<16xi32>
          %select_n3A_2460 = arith.select %lt3A_2453, %add3A_2456, %add3A_2459 : vector<16xi1>, vector<16xi32>
          %select_n3A_2461 = arith.select %lt3A_2447, %add3A_2450, %select_n3A_2460 : vector<16xi1>, vector<16xi32>
          %select_n3A_2462 = arith.select %lt3A_2444, %all_reduce_ffs3A_2432, %select_n3A_2461 : vector<16xi1>, vector<16xi32>
          %eq3A_2463 = vector.broadcast %and3A_2396 : i32 to vector<16xi32>
          %eq3A_2464 = arith.cmpi eq, %iota3A, %eq3A_2463 : vector<16xi32>
          %broadcast_in_dim3A_2465 = vector.broadcast %reduce_max3A_2429 : f32 to vector<16xf32>
          %select_n3A_2466 = arith.select %eq3A_2464, %broadcast_in_dim3A_2465, %scan3A_1851 : vector<16xi1>, vector<16xf32>
          %mul3A_2467 = arith.constant 16 : i32
          %mul3A_2468 = vector.broadcast %mul3A_2467 : i32 to vector<16xi32>
          %mul3A_2469 = arith.muli %select_n3A_2462, %mul3A_2468 : vector<16xi32>
          %add3A_2470 = vector.broadcast %and3A_2396 : i32 to vector<16xi32>
          %add3A_2471 = arith.addi %mul3A_2469, %add3A_2470 : vector<16xi32>
          %select_n3A_2472 = arith.select %eq3A_2464, %add3A_2471, %scan3A_1852 : vector<16xi1>, vector<16xi32>
          %and3A_2473 = arith.constant 15 : i32
          %and3A_2474 = arith.andi %reduce_min3A_1974, %and3A_2473 : i32
          %shift_right_arithmetic3A_2475 = arith.constant 4 : i32
          %shift_right_arithmetic3A_2476 = arith.shrsi %reduce_min3A_1974, %shift_right_arithmetic3A_2475 : i32
          %mul3A_2477 = arith.constant 65 : i32
          %mul3A_2478 = arith.muli %and3A_2474, %mul3A_2477 : i32
          %add3A_2479 = arith.addi %mul3A_2478, %shift_right_arithmetic3A_2476 : i32
          %broadcast_in_dim3A_2480 = vector.broadcast %add3A_2479 : i32 to vector<16xi32>
          tpu.vector_store_idx %arg16[%broadcast_in_dim3A_2480], %broadcast_in_dim3A_4 masked %eq3A_10 : memref<1040xf32, #tpu.memory_space<vmem>>[vector<16xi32>], vector<16xf32>, vector<16xi1>
          %mul3A_2481 = arith.constant 65 : i32
          %mul3A_2482 = arith.muli %and3A_2474, %mul3A_2481 : i32
          %add3A_2483 = vector.broadcast %mul3A_2482 : i32 to vector<16xi32>
          %add3A_2484 = arith.addi %iota3A, %add3A_2483 : vector<16xi32>
          %gather3A_2485 = tpu.vector_load_idx %arg16[%add3A_2484] : memref<1040xf32, #tpu.memory_space<vmem>>[vector<16xi32>], vector<16xf32>,
          %add3A_2486 = arith.constant 16 : i32
          %add3A_2487 = arith.addi %mul3A_2482, %add3A_2486 : i32
          %add3A_2488 = vector.broadcast %add3A_2487 : i32 to vector<16xi32>
          %add3A_2489 = arith.addi %iota3A, %add3A_2488 : vector<16xi32>
          %gather3A_2490 = tpu.vector_load_idx %arg16[%add3A_2489] : memref<1040xf32, #tpu.memory_space<vmem>>[vector<16xi32>], vector<16xf32>,
          %add3A_2491 = arith.constant 32 : i32
          %add3A_2492 = arith.addi %mul3A_2482, %add3A_2491 : i32
          %add3A_2493 = vector.broadcast %add3A_2492 : i32 to vector<16xi32>
          %add3A_2494 = arith.addi %iota3A, %add3A_2493 : vector<16xi32>
          %gather3A_2495 = tpu.vector_load_idx %arg16[%add3A_2494] : memref<1040xf32, #tpu.memory_space<vmem>>[vector<16xi32>], vector<16xf32>,
          %add3A_2496 = arith.constant 48 : i32
          %add3A_2497 = arith.addi %mul3A_2482, %add3A_2496 : i32
          %add3A_2498 = vector.broadcast %add3A_2497 : i32 to vector<16xi32>
          %add3A_2499 = arith.addi %iota3A, %add3A_2498 : vector<16xi32>
          %gather3A_2500 = tpu.vector_load_idx %arg16[%add3A_2499] : memref<1040xf32, #tpu.memory_space<vmem>>[vector<16xi32>], vector<16xf32>,
          %max3A_2501 = arith.maximumf %gather3A_2485, %gather3A_2490 : vector<16xf32>
          %max3A_2502 = arith.maximumf %gather3A_2495, %gather3A_2500 : vector<16xf32>
          %max3A_2503 = arith.maximumf %max3A_2501, %max3A_2502 : vector<16xf32>
          %reduce_max3A_2504 = arith.constant true
          %reduce_max3A_2505 = vector.broadcast %reduce_max3A_2504 : i1 to vector<16xi1>
          %reduce_max3A_2506 = tpu.scan <max>, %max3A_2503 masked %reduce_max3A_2505 : vector<16xf32>, vector<16xi1> -> vector<16xf32>
          %reduce_max3A_2507 = vector.extract %reduce_max3A_2506[15] : f32 from vector<16xf32>
          %eq3A_2508 = vector.broadcast %reduce_max3A_2507 : f32 to vector<16xf32>
          %eq3A_2509 = arith.cmpf oeq, %gather3A_2485, %eq3A_2508 : vector<16xf32>
          %all_reduce_ffs3A_2510 = tpu.all_reduce %eq3A_2509 {dim = 0 : i64, kind = #tpu.reduction_kind<find_first_set>} : vector<16xi1> -> vector<16xi32>
          %eq3A_2511 = vector.broadcast %reduce_max3A_2507 : f32 to vector<16xf32>
          %eq3A_2512 = arith.cmpf oeq, %gather3A_2490, %eq3A_2511 : vector<16xf32>
          %all_reduce_ffs3A_2513 = tpu.all_reduce %eq3A_2512 {dim = 0 : i64, kind = #tpu.reduction_kind<find_first_set>} : vector<16xi1> -> vector<16xi32>
          %eq3A_2514 = vector.broadcast %reduce_max3A_2507 : f32 to vector<16xf32>
          %eq3A_2515 = arith.cmpf oeq, %gather3A_2495, %eq3A_2514 : vector<16xf32>
          %all_reduce_ffs3A_2516 = tpu.all_reduce %eq3A_2515 {dim = 0 : i64, kind = #tpu.reduction_kind<find_first_set>} : vector<16xi1> -> vector<16xi32>
          %eq3A_2517 = vector.broadcast %reduce_max3A_2507 : f32 to vector<16xf32>
          %eq3A_2518 = arith.cmpf oeq, %gather3A_2500, %eq3A_2517 : vector<16xf32>
          %all_reduce_ffs3A_2519 = tpu.all_reduce %eq3A_2518 {dim = 0 : i64, kind = #tpu.reduction_kind<find_first_set>} : vector<16xi1> -> vector<16xi32>
          %lt3A_2520 = arith.constant 16 : i32
          %lt3A_2521 = vector.broadcast %lt3A_2520 : i32 to vector<16xi32>
          %lt3A_2522 = arith.cmpi slt, %all_reduce_ffs3A_2510, %lt3A_2521 : vector<16xi32>
          %lt3A_2523 = arith.constant 16 : i32
          %lt3A_2524 = vector.broadcast %lt3A_2523 : i32 to vector<16xi32>
          %lt3A_2525 = arith.cmpi slt, %all_reduce_ffs3A_2513, %lt3A_2524 : vector<16xi32>
          %add3A_2526 = arith.constant 16 : i32
          %add3A_2527 = vector.broadcast %add3A_2526 : i32 to vector<16xi32>
          %add3A_2528 = arith.addi %all_reduce_ffs3A_2513, %add3A_2527 : vector<16xi32>
          %lt3A_2529 = arith.constant 16 : i32
          %lt3A_2530 = vector.broadcast %lt3A_2529 : i32 to vector<16xi32>
          %lt3A_2531 = arith.cmpi slt, %all_reduce_ffs3A_2516, %lt3A_2530 : vector<16xi32>
          %add3A_2532 = arith.constant 32 : i32
          %add3A_2533 = vector.broadcast %add3A_2532 : i32 to vector<16xi32>
          %add3A_2534 = arith.addi %all_reduce_ffs3A_2516, %add3A_2533 : vector<16xi32>
          %add3A_2535 = arith.constant 48 : i32
          %add3A_2536 = vector.broadcast %add3A_2535 : i32 to vector<16xi32>
          %add3A_2537 = arith.addi %all_reduce_ffs3A_2519, %add3A_2536 : vector<16xi32>
          %select_n3A_2538 = arith.select %lt3A_2531, %add3A_2534, %add3A_2537 : vector<16xi1>, vector<16xi32>
          %select_n3A_2539 = arith.select %lt3A_2525, %add3A_2528, %select_n3A_2538 : vector<16xi1>, vector<16xi32>
          %select_n3A_2540 = arith.select %lt3A_2522, %all_reduce_ffs3A_2510, %select_n3A_2539 : vector<16xi1>, vector<16xi32>
          %eq3A_2541 = vector.broadcast %and3A_2474 : i32 to vector<16xi32>
          %eq3A_2542 = arith.cmpi eq, %iota3A, %eq3A_2541 : vector<16xi32>
          %broadcast_in_dim3A_2543 = vector.broadcast %reduce_max3A_2507 : f32 to vector<16xf32>
          %select_n3A_2544 = arith.select %eq3A_2542, %broadcast_in_dim3A_2543, %scan3A_1853 : vector<16xi1>, vector<16xf32>
          %mul3A_2545 = arith.constant 16 : i32
          %mul3A_2546 = vector.broadcast %mul3A_2545 : i32 to vector<16xi32>
          %mul3A_2547 = arith.muli %select_n3A_2540, %mul3A_2546 : vector<16xi32>
          %add3A_2548 = vector.broadcast %and3A_2474 : i32 to vector<16xi32>
          %add3A_2549 = arith.addi %mul3A_2547, %add3A_2548 : vector<16xi32>
          %select_n3A_2550 = arith.select %eq3A_2542, %add3A_2549, %scan3A_1854 : vector<16xi1>, vector<16xi32>
          %and3A_2551 = arith.constant 15 : i32
          %and3A_2552 = arith.andi %reduce_min3A_1991, %and3A_2551 : i32
          %shift_right_arithmetic3A_2553 = arith.constant 4 : i32
          %shift_right_arithmetic3A_2554 = arith.shrsi %reduce_min3A_1991, %shift_right_arithmetic3A_2553 : i32
          %mul3A_2555 = arith.constant 65 : i32
          %mul3A_2556 = arith.muli %and3A_2552, %mul3A_2555 : i32
          %add3A_2557 = arith.addi %mul3A_2556, %shift_right_arithmetic3A_2554 : i32
          %broadcast_in_dim3A_2558 = vector.broadcast %add3A_2557 : i32 to vector<16xi32>
          tpu.vector_store_idx %arg17[%broadcast_in_dim3A_2558], %broadcast_in_dim3A_4 masked %eq3A_10 : memref<1040xf32, #tpu.memory_space<vmem>>[vector<16xi32>], vector<16xf32>, vector<16xi1>
          %mul3A_2559 = arith.constant 65 : i32
          %mul3A_2560 = arith.muli %and3A_2552, %mul3A_2559 : i32
          %add3A_2561 = vector.broadcast %mul3A_2560 : i32 to vector<16xi32>
          %add3A_2562 = arith.addi %iota3A, %add3A_2561 : vector<16xi32>
          %gather3A_2563 = tpu.vector_load_idx %arg17[%add3A_2562] : memref<1040xf32, #tpu.memory_space<vmem>>[vector<16xi32>], vector<16xf32>,
          %add3A_2564 = arith.constant 16 : i32
          %add3A_2565 = arith.addi %mul3A_2560, %add3A_2564 : i32
          %add3A_2566 = vector.broadcast %add3A_2565 : i32 to vector<16xi32>
          %add3A_2567 = arith.addi %iota3A, %add3A_2566 : vector<16xi32>
          %gather3A_2568 = tpu.vector_load_idx %arg17[%add3A_2567] : memref<1040xf32, #tpu.memory_space<vmem>>[vector<16xi32>], vector<16xf32>,
          %add3A_2569 = arith.constant 32 : i32
          %add3A_2570 = arith.addi %mul3A_2560, %add3A_2569 : i32
          %add3A_2571 = vector.broadcast %add3A_2570 : i32 to vector<16xi32>
          %add3A_2572 = arith.addi %iota3A, %add3A_2571 : vector<16xi32>
          %gather3A_2573 = tpu.vector_load_idx %arg17[%add3A_2572] : memref<1040xf32, #tpu.memory_space<vmem>>[vector<16xi32>], vector<16xf32>,
          %add3A_2574 = arith.constant 48 : i32
          %add3A_2575 = arith.addi %mul3A_2560, %add3A_2574 : i32
          %add3A_2576 = vector.broadcast %add3A_2575 : i32 to vector<16xi32>
          %add3A_2577 = arith.addi %iota3A, %add3A_2576 : vector<16xi32>
          %gather3A_2578 = tpu.vector_load_idx %arg17[%add3A_2577] : memref<1040xf32, #tpu.memory_space<vmem>>[vector<16xi32>], vector<16xf32>,
          %max3A_2579 = arith.maximumf %gather3A_2563, %gather3A_2568 : vector<16xf32>
          %max3A_2580 = arith.maximumf %gather3A_2573, %gather3A_2578 : vector<16xf32>
          %max3A_2581 = arith.maximumf %max3A_2579, %max3A_2580 : vector<16xf32>
          %reduce_max3A_2582 = arith.constant true
          %reduce_max3A_2583 = vector.broadcast %reduce_max3A_2582 : i1 to vector<16xi1>
          %reduce_max3A_2584 = tpu.scan <max>, %max3A_2581 masked %reduce_max3A_2583 : vector<16xf32>, vector<16xi1> -> vector<16xf32>
          %reduce_max3A_2585 = vector.extract %reduce_max3A_2584[15] : f32 from vector<16xf32>
          %eq3A_2586 = vector.broadcast %reduce_max3A_2585 : f32 to vector<16xf32>
          %eq3A_2587 = arith.cmpf oeq, %gather3A_2563, %eq3A_2586 : vector<16xf32>
          %all_reduce_ffs3A_2588 = tpu.all_reduce %eq3A_2587 {dim = 0 : i64, kind = #tpu.reduction_kind<find_first_set>} : vector<16xi1> -> vector<16xi32>
          %eq3A_2589 = vector.broadcast %reduce_max3A_2585 : f32 to vector<16xf32>
          %eq3A_2590 = arith.cmpf oeq, %gather3A_2568, %eq3A_2589 : vector<16xf32>
          %all_reduce_ffs3A_2591 = tpu.all_reduce %eq3A_2590 {dim = 0 : i64, kind = #tpu.reduction_kind<find_first_set>} : vector<16xi1> -> vector<16xi32>
          %eq3A_2592 = vector.broadcast %reduce_max3A_2585 : f32 to vector<16xf32>
          %eq3A_2593 = arith.cmpf oeq, %gather3A_2573, %eq3A_2592 : vector<16xf32>
          %all_reduce_ffs3A_2594 = tpu.all_reduce %eq3A_2593 {dim = 0 : i64, kind = #tpu.reduction_kind<find_first_set>} : vector<16xi1> -> vector<16xi32>
          %eq3A_2595 = vector.broadcast %reduce_max3A_2585 : f32 to vector<16xf32>
          %eq3A_2596 = arith.cmpf oeq, %gather3A_2578, %eq3A_2595 : vector<16xf32>
          %all_reduce_ffs3A_2597 = tpu.all_reduce %eq3A_2596 {dim = 0 : i64, kind = #tpu.reduction_kind<find_first_set>} : vector<16xi1> -> vector<16xi32>
          %lt3A_2598 = arith.constant 16 : i32
          %lt3A_2599 = vector.broadcast %lt3A_2598 : i32 to vector<16xi32>
          %lt3A_2600 = arith.cmpi slt, %all_reduce_ffs3A_2588, %lt3A_2599 : vector<16xi32>
          %lt3A_2601 = arith.constant 16 : i32
          %lt3A_2602 = vector.broadcast %lt3A_2601 : i32 to vector<16xi32>
          %lt3A_2603 = arith.cmpi slt, %all_reduce_ffs3A_2591, %lt3A_2602 : vector<16xi32>
          %add3A_2604 = arith.constant 16 : i32
          %add3A_2605 = vector.broadcast %add3A_2604 : i32 to vector<16xi32>
          %add3A_2606 = arith.addi %all_reduce_ffs3A_2591, %add3A_2605 : vector<16xi32>
          %lt3A_2607 = arith.constant 16 : i32
          %lt3A_2608 = vector.broadcast %lt3A_2607 : i32 to vector<16xi32>
          %lt3A_2609 = arith.cmpi slt, %all_reduce_ffs3A_2594, %lt3A_2608 : vector<16xi32>
          %add3A_2610 = arith.constant 32 : i32
          %add3A_2611 = vector.broadcast %add3A_2610 : i32 to vector<16xi32>
          %add3A_2612 = arith.addi %all_reduce_ffs3A_2594, %add3A_2611 : vector<16xi32>
          %add3A_2613 = arith.constant 48 : i32
          %add3A_2614 = vector.broadcast %add3A_2613 : i32 to vector<16xi32>
          %add3A_2615 = arith.addi %all_reduce_ffs3A_2597, %add3A_2614 : vector<16xi32>
          %select_n3A_2616 = arith.select %lt3A_2609, %add3A_2612, %add3A_2615 : vector<16xi1>, vector<16xi32>
          %select_n3A_2617 = arith.select %lt3A_2603, %add3A_2606, %select_n3A_2616 : vector<16xi1>, vector<16xi32>
          %select_n3A_2618 = arith.select %lt3A_2600, %all_reduce_ffs3A_2588, %select_n3A_2617 : vector<16xi1>, vector<16xi32>
          %eq3A_2619 = vector.broadcast %and3A_2552 : i32 to vector<16xi32>
          %eq3A_2620 = arith.cmpi eq, %iota3A, %eq3A_2619 : vector<16xi32>
          %broadcast_in_dim3A_2621 = vector.broadcast %reduce_max3A_2585 : f32 to vector<16xf32>
          %select_n3A_2622 = arith.select %eq3A_2620, %broadcast_in_dim3A_2621, %scan3A_1855 : vector<16xi1>, vector<16xf32>
          %mul3A_2623 = arith.constant 16 : i32
          %mul3A_2624 = vector.broadcast %mul3A_2623 : i32 to vector<16xi32>
          %mul3A_2625 = arith.muli %select_n3A_2618, %mul3A_2624 : vector<16xi32>
          %add3A_2626 = vector.broadcast %and3A_2552 : i32 to vector<16xi32>
          %add3A_2627 = arith.addi %mul3A_2625, %add3A_2626 : vector<16xi32>
          %select_n3A_2628 = arith.select %eq3A_2620, %add3A_2627, %scan3A_1856 : vector<16xi1>, vector<16xi32>
          scf.yield %select_n3A_2076, %select_n3A_2082, %select_n3A_2154, %select_n3A_2160, %select_n3A_2232, %select_n3A_2238, %select_n3A_2310, %select_n3A_2316, %select_n3A_2388, %select_n3A_2394, %select_n3A_2466, %select_n3A_2472, %select_n3A_2544, %select_n3A_2550, %select_n3A_2622, %select_n3A_2628 : vector<16xf32>, vector<16xi32>, vector<16xf32>, vector<16xi32>, vector<16xf32>, vector<16xi32>, vector<16xf32>, vector<16xi32>, vector<16xf32>, vector<16xi32>, vector<16xf32>, vector<16xi32>, vector<16xf32>, vector<16xi32>, vector<16xf32>, vector<16xi32>
        }
        %scan3A_1352 = arith.constant 40 : i32
        %mul3A_1353 = arith.constant 8 : i32
        %mul3A_1354 = arith.muli %mul3A_1353, %scan3A_1171 : i32
        %add3A_1355 = arith.constant 0 : i32
        %add3A_1356 = arith.addi %mul3A_1354, %add3A_1355 : i32
        %mul3A_1357 = arith.constant 40 : i32
        %mul3A_1358 = arith.muli %add3A_1356, %mul3A_1357 : i32
        %add3A_1359 = arith.addi %mul3A_1155, %mul3A_1358 : i32
        %get3A = arith.constant 0 : index
        %get3A_1360 = tpu.vector_load %arg18[%get3A] {strides = array<i32>} : memref<48xf32, #tpu.memory_space<vmem>>, vector<16xf32>,
        %get3A_1361 = arith.constant 0 : index
        %get3A_1362 = tpu.vector_load %arg26[%get3A_1361] {strides = array<i32>} : memref<48xi32, #tpu.memory_space<vmem>>, vector<16xi32>,
        %add3A_1363 = arith.addi %mul3A_1177, %mul3A_1153 : i32
        %add3A_1364 = vector.broadcast %add3A_1363 : i32 to vector<16xi32>
        %add3A_1365 = arith.addi %get3A_1362, %add3A_1364 : vector<16xi32>
        %gather3A_1366 = tpu.vector_load_idx %arg6[%add3A_1365] : memref<32032xf32, #tpu.memory_space<vmem>>[vector<16xi32>], vector<16xf32>,
        %eq3A_1367 = arith.constant 0.000000e+00 : f32
        %eq3A_1368 = vector.broadcast %eq3A_1367 : f32 to vector<16xf32>
        %eq3A_1369 = arith.cmpf oeq, %get3A_1360, %eq3A_1368 : vector<16xf32>
        %jit3A_1370 = arith.constant 0.000000e+00 : f32
        %broadcast_in_dim3A_1371 = vector.broadcast %jit3A_1370 : f32 to vector<16xf32>
        %select_n3A_1372 = arith.select %eq3A_1369, %broadcast_in_dim3A_1371, %gather3A_1366 : vector<16xi1>, vector<16xf32>
        %add3A_1373 = arith.constant 0 : i32
        %add3A_1374 = arith.addi %add3A_1359, %add3A_1373 : i32
        %add3A_1375 = vector.broadcast %add3A_1374 : i32 to vector<16xi32>
        %add3A_1376 = arith.addi %iota3A, %add3A_1375 : vector<16xi32>
        tpu.vector_store_idx %arg7[%add3A_1376], %select_n3A_1372 : memref<1280xf32, #tpu.memory_space<vmem>>[vector<16xi32>], vector<16xf32>,
        %get3A_1377 = arith.constant 16 : index
        %get3A_1378 = tpu.vector_load %arg18[%get3A_1377] {strides = array<i32>} : memref<48xf32, #tpu.memory_space<vmem>>, vector<16xf32>,
        %get3A_1379 = arith.constant 16 : index
        %get3A_1380 = tpu.vector_load %arg26[%get3A_1379] {strides = array<i32>} : memref<48xi32, #tpu.memory_space<vmem>>, vector<16xi32>,
        %add3A_1381 = arith.addi %mul3A_1177, %mul3A_1153 : i32
        %add3A_1382 = vector.broadcast %add3A_1381 : i32 to vector<16xi32>
        %add3A_1383 = arith.addi %get3A_1380, %add3A_1382 : vector<16xi32>
        %gather3A_1384 = tpu.vector_load_idx %arg6[%add3A_1383] : memref<32032xf32, #tpu.memory_space<vmem>>[vector<16xi32>], vector<16xf32>,
        %eq3A_1385 = arith.constant 0.000000e+00 : f32
        %eq3A_1386 = vector.broadcast %eq3A_1385 : f32 to vector<16xf32>
        %eq3A_1387 = arith.cmpf oeq, %get3A_1378, %eq3A_1386 : vector<16xf32>
        %jit3A_1388 = arith.constant 0.000000e+00 : f32
        %broadcast_in_dim3A_1389 = vector.broadcast %jit3A_1388 : f32 to vector<16xf32>
        %select_n3A_1390 = arith.select %eq3A_1387, %broadcast_in_dim3A_1389, %gather3A_1384 : vector<16xi1>, vector<16xf32>
        %add3A_1391 = arith.constant 16 : i32
        %add3A_1392 = arith.addi %add3A_1359, %add3A_1391 : i32
        %add3A_1393 = vector.broadcast %add3A_1392 : i32 to vector<16xi32>
        %add3A_1394 = arith.addi %iota3A, %add3A_1393 : vector<16xi32>
        tpu.vector_store_idx %arg7[%add3A_1394], %select_n3A_1390 : memref<1280xf32, #tpu.memory_space<vmem>>[vector<16xi32>], vector<16xf32>,
        %get3A_1395 = arith.constant 32 : index
        %get3A_1396 = tpu.vector_load %arg18[%get3A_1395] {strides = array<i32>} : memref<48xf32, #tpu.memory_space<vmem>>, vector<16xf32>,
        %get3A_1397 = arith.constant 32 : index
        %get3A_1398 = tpu.vector_load %arg26[%get3A_1397] {strides = array<i32>} : memref<48xi32, #tpu.memory_space<vmem>>, vector<16xi32>,
        %add3A_1399 = arith.addi %mul3A_1177, %mul3A_1153 : i32
        %add3A_1400 = vector.broadcast %add3A_1399 : i32 to vector<16xi32>
        %add3A_1401 = arith.addi %get3A_1398, %add3A_1400 : vector<16xi32>
        %gather3A_1402 = tpu.vector_load_idx %arg6[%add3A_1401] : memref<32032xf32, #tpu.memory_space<vmem>>[vector<16xi32>], vector<16xf32>,
        %eq3A_1403 = arith.constant 0.000000e+00 : f32
        %eq3A_1404 = vector.broadcast %eq3A_1403 : f32 to vector<16xf32>
        %eq3A_1405 = arith.cmpf oeq, %get3A_1396, %eq3A_1404 : vector<16xf32>
        %jit3A_1406 = arith.constant 0.000000e+00 : f32
        %broadcast_in_dim3A_1407 = vector.broadcast %jit3A_1406 : f32 to vector<16xf32>
        %select_n3A_1408 = arith.select %eq3A_1405, %broadcast_in_dim3A_1407, %gather3A_1402 : vector<16xi1>, vector<16xf32>
        %add3A_1409 = arith.constant 32 : i32
        %add3A_1410 = arith.addi %add3A_1359, %add3A_1409 : i32
        %add3A_1411 = vector.broadcast %add3A_1410 : i32 to vector<16xi32>
        %add3A_1412 = arith.addi %iota3A, %add3A_1411 : vector<16xi32>
        tpu.vector_store_idx %arg7[%add3A_1412], %select_n3A_1408 masked %lt3A_12 : memref<1280xf32, #tpu.memory_space<vmem>>[vector<16xi32>], vector<16xf32>, vector<16xi1>
        %mul3A_1413 = arith.constant 8 : i32
        %mul3A_1414 = arith.muli %mul3A_1413, %scan3A_1171 : i32
        %add3A_1415 = arith.constant 1 : i32
        %add3A_1416 = arith.addi %mul3A_1414, %add3A_1415 : i32
        %mul3A_1417 = arith.constant 40 : i32
        %mul3A_1418 = arith.muli %add3A_1416, %mul3A_1417 : i32
        %add3A_1419 = arith.addi %mul3A_1155, %mul3A_1418 : i32
        %get3A_1420 = arith.constant 0 : index
        %get3A_1421 = tpu.vector_load %arg19[%get3A_1420] {strides = array<i32>} : memref<48xf32, #tpu.memory_space<vmem>>, vector<16xf32>,
        %get3A_1422 = arith.constant 0 : index
        %get3A_1423 = tpu.vector_load %arg27[%get3A_1422] {strides = array<i32>} : memref<48xi32, #tpu.memory_space<vmem>>, vector<16xi32>,
        %add3A_1424 = arith.addi %mul3A_1183, %mul3A_1153 : i32
        %add3A_1425 = vector.broadcast %add3A_1424 : i32 to vector<16xi32>
        %add3A_1426 = arith.addi %get3A_1423, %add3A_1425 : vector<16xi32>
        %gather3A_1427 = tpu.vector_load_idx %arg6[%add3A_1426] : memref<32032xf32, #tpu.memory_space<vmem>>[vector<16xi32>], vector<16xf32>,
        %eq3A_1428 = arith.constant 0.000000e+00 : f32
        %eq3A_1429 = vector.broadcast %eq3A_1428 : f32 to vector<16xf32>
        %eq3A_1430 = arith.cmpf oeq, %get3A_1421, %eq3A_1429 : vector<16xf32>
        %jit3A_1431 = arith.constant 0.000000e+00 : f32
        %broadcast_in_dim3A_1432 = vector.broadcast %jit3A_1431 : f32 to vector<16xf32>
        %select_n3A_1433 = arith.select %eq3A_1430, %broadcast_in_dim3A_1432, %gather3A_1427 : vector<16xi1>, vector<16xf32>
        %add3A_1434 = arith.constant 0 : i32
        %add3A_1435 = arith.addi %add3A_1419, %add3A_1434 : i32
        %add3A_1436 = vector.broadcast %add3A_1435 : i32 to vector<16xi32>
        %add3A_1437 = arith.addi %iota3A, %add3A_1436 : vector<16xi32>
        tpu.vector_store_idx %arg7[%add3A_1437], %select_n3A_1433 : memref<1280xf32, #tpu.memory_space<vmem>>[vector<16xi32>], vector<16xf32>,
        %get3A_1438 = arith.constant 16 : index
        %get3A_1439 = tpu.vector_load %arg19[%get3A_1438] {strides = array<i32>} : memref<48xf32, #tpu.memory_space<vmem>>, vector<16xf32>,
        %get3A_1440 = arith.constant 16 : index
        %get3A_1441 = tpu.vector_load %arg27[%get3A_1440] {strides = array<i32>} : memref<48xi32, #tpu.memory_space<vmem>>, vector<16xi32>,
        %add3A_1442 = arith.addi %mul3A_1183, %mul3A_1153 : i32
        %add3A_1443 = vector.broadcast %add3A_1442 : i32 to vector<16xi32>
        %add3A_1444 = arith.addi %get3A_1441, %add3A_1443 : vector<16xi32>
        %gather3A_1445 = tpu.vector_load_idx %arg6[%add3A_1444] : memref<32032xf32, #tpu.memory_space<vmem>>[vector<16xi32>], vector<16xf32>,
        %eq3A_1446 = arith.constant 0.000000e+00 : f32
        %eq3A_1447 = vector.broadcast %eq3A_1446 : f32 to vector<16xf32>
        %eq3A_1448 = arith.cmpf oeq, %get3A_1439, %eq3A_1447 : vector<16xf32>
        %jit3A_1449 = arith.constant 0.000000e+00 : f32
        %broadcast_in_dim3A_1450 = vector.broadcast %jit3A_1449 : f32 to vector<16xf32>
        %select_n3A_1451 = arith.select %eq3A_1448, %broadcast_in_dim3A_1450, %gather3A_1445 : vector<16xi1>, vector<16xf32>
        %add3A_1452 = arith.constant 16 : i32
        %add3A_1453 = arith.addi %add3A_1419, %add3A_1452 : i32
        %add3A_1454 = vector.broadcast %add3A_1453 : i32 to vector<16xi32>
        %add3A_1455 = arith.addi %iota3A, %add3A_1454 : vector<16xi32>
        tpu.vector_store_idx %arg7[%add3A_1455], %select_n3A_1451 : memref<1280xf32, #tpu.memory_space<vmem>>[vector<16xi32>], vector<16xf32>,
        %get3A_1456 = arith.constant 32 : index
        %get3A_1457 = tpu.vector_load %arg19[%get3A_1456] {strides = array<i32>} : memref<48xf32, #tpu.memory_space<vmem>>, vector<16xf32>,
        %get3A_1458 = arith.constant 32 : index
        %get3A_1459 = tpu.vector_load %arg27[%get3A_1458] {strides = array<i32>} : memref<48xi32, #tpu.memory_space<vmem>>, vector<16xi32>,
        %add3A_1460 = arith.addi %mul3A_1183, %mul3A_1153 : i32
        %add3A_1461 = vector.broadcast %add3A_1460 : i32 to vector<16xi32>
        %add3A_1462 = arith.addi %get3A_1459, %add3A_1461 : vector<16xi32>
        %gather3A_1463 = tpu.vector_load_idx %arg6[%add3A_1462] : memref<32032xf32, #tpu.memory_space<vmem>>[vector<16xi32>], vector<16xf32>,
        %eq3A_1464 = arith.constant 0.000000e+00 : f32
        %eq3A_1465 = vector.broadcast %eq3A_1464 : f32 to vector<16xf32>
        %eq3A_1466 = arith.cmpf oeq, %get3A_1457, %eq3A_1465 : vector<16xf32>
        %jit3A_1467 = arith.constant 0.000000e+00 : f32
        %broadcast_in_dim3A_1468 = vector.broadcast %jit3A_1467 : f32 to vector<16xf32>
        %select_n3A_1469 = arith.select %eq3A_1466, %broadcast_in_dim3A_1468, %gather3A_1463 : vector<16xi1>, vector<16xf32>
        %add3A_1470 = arith.constant 32 : i32
        %add3A_1471 = arith.addi %add3A_1419, %add3A_1470 : i32
        %add3A_1472 = vector.broadcast %add3A_1471 : i32 to vector<16xi32>
        %add3A_1473 = arith.addi %iota3A, %add3A_1472 : vector<16xi32>
        tpu.vector_store_idx %arg7[%add3A_1473], %select_n3A_1469 masked %lt3A_12 : memref<1280xf32, #tpu.memory_space<vmem>>[vector<16xi32>], vector<16xf32>, vector<16xi1>
        %mul3A_1474 = arith.constant 8 : i32
        %mul3A_1475 = arith.muli %mul3A_1474, %scan3A_1171 : i32
        %add3A_1476 = arith.constant 2 : i32
        %add3A_1477 = arith.addi %mul3A_1475, %add3A_1476 : i32
        %mul3A_1478 = arith.constant 40 : i32
        %mul3A_1479 = arith.muli %add3A_1477, %mul3A_1478 : i32
        %add3A_1480 = arith.addi %mul3A_1155, %mul3A_1479 : i32
        %get3A_1481 = arith.constant 0 : index
        %get3A_1482 = tpu.vector_load %arg20[%get3A_1481] {strides = array<i32>} : memref<48xf32, #tpu.memory_space<vmem>>, vector<16xf32>,
        %get3A_1483 = arith.constant 0 : index
        %get3A_1484 = tpu.vector_load %arg28[%get3A_1483] {strides = array<i32>} : memref<48xi32, #tpu.memory_space<vmem>>, vector<16xi32>,
        %add3A_1485 = arith.addi %mul3A_1189, %mul3A_1153 : i32
        %add3A_1486 = vector.broadcast %add3A_1485 : i32 to vector<16xi32>
        %add3A_1487 = arith.addi %get3A_1484, %add3A_1486 : vector<16xi32>
        %gather3A_1488 = tpu.vector_load_idx %arg6[%add3A_1487] : memref<32032xf32, #tpu.memory_space<vmem>>[vector<16xi32>], vector<16xf32>,
        %eq3A_1489 = arith.constant 0.000000e+00 : f32
        %eq3A_1490 = vector.broadcast %eq3A_1489 : f32 to vector<16xf32>
        %eq3A_1491 = arith.cmpf oeq, %get3A_1482, %eq3A_1490 : vector<16xf32>
        %jit3A_1492 = arith.constant 0.000000e+00 : f32
        %broadcast_in_dim3A_1493 = vector.broadcast %jit3A_1492 : f32 to vector<16xf32>
        %select_n3A_1494 = arith.select %eq3A_1491, %broadcast_in_dim3A_1493, %gather3A_1488 : vector<16xi1>, vector<16xf32>
        %add3A_1495 = arith.constant 0 : i32
        %add3A_1496 = arith.addi %add3A_1480, %add3A_1495 : i32
        %add3A_1497 = vector.broadcast %add3A_1496 : i32 to vector<16xi32>
        %add3A_1498 = arith.addi %iota3A, %add3A_1497 : vector<16xi32>
        tpu.vector_store_idx %arg7[%add3A_1498], %select_n3A_1494 : memref<1280xf32, #tpu.memory_space<vmem>>[vector<16xi32>], vector<16xf32>,
        %get3A_1499 = arith.constant 16 : index
        %get3A_1500 = tpu.vector_load %arg20[%get3A_1499] {strides = array<i32>} : memref<48xf32, #tpu.memory_space<vmem>>, vector<16xf32>,
        %get3A_1501 = arith.constant 16 : index
        %get3A_1502 = tpu.vector_load %arg28[%get3A_1501] {strides = array<i32>} : memref<48xi32, #tpu.memory_space<vmem>>, vector<16xi32>,
        %add3A_1503 = arith.addi %mul3A_1189, %mul3A_1153 : i32
        %add3A_1504 = vector.broadcast %add3A_1503 : i32 to vector<16xi32>
        %add3A_1505 = arith.addi %get3A_1502, %add3A_1504 : vector<16xi32>
        %gather3A_1506 = tpu.vector_load_idx %arg6[%add3A_1505] : memref<32032xf32, #tpu.memory_space<vmem>>[vector<16xi32>], vector<16xf32>,
        %eq3A_1507 = arith.constant 0.000000e+00 : f32
        %eq3A_1508 = vector.broadcast %eq3A_1507 : f32 to vector<16xf32>
        %eq3A_1509 = arith.cmpf oeq, %get3A_1500, %eq3A_1508 : vector<16xf32>
        %jit3A_1510 = arith.constant 0.000000e+00 : f32
        %broadcast_in_dim3A_1511 = vector.broadcast %jit3A_1510 : f32 to vector<16xf32>
        %select_n3A_1512 = arith.select %eq3A_1509, %broadcast_in_dim3A_1511, %gather3A_1506 : vector<16xi1>, vector<16xf32>
        %add3A_1513 = arith.constant 16 : i32
        %add3A_1514 = arith.addi %add3A_1480, %add3A_1513 : i32
        %add3A_1515 = vector.broadcast %add3A_1514 : i32 to vector<16xi32>
        %add3A_1516 = arith.addi %iota3A, %add3A_1515 : vector<16xi32>
        tpu.vector_store_idx %arg7[%add3A_1516], %select_n3A_1512 : memref<1280xf32, #tpu.memory_space<vmem>>[vector<16xi32>], vector<16xf32>,
        %get3A_1517 = arith.constant 32 : index
        %get3A_1518 = tpu.vector_load %arg20[%get3A_1517] {strides = array<i32>} : memref<48xf32, #tpu.memory_space<vmem>>, vector<16xf32>,
        %get3A_1519 = arith.constant 32 : index
        %get3A_1520 = tpu.vector_load %arg28[%get3A_1519] {strides = array<i32>} : memref<48xi32, #tpu.memory_space<vmem>>, vector<16xi32>,
        %add3A_1521 = arith.addi %mul3A_1189, %mul3A_1153 : i32
        %add3A_1522 = vector.broadcast %add3A_1521 : i32 to vector<16xi32>
        %add3A_1523 = arith.addi %get3A_1520, %add3A_1522 : vector<16xi32>
        %gather3A_1524 = tpu.vector_load_idx %arg6[%add3A_1523] : memref<32032xf32, #tpu.memory_space<vmem>>[vector<16xi32>], vector<16xf32>,
        %eq3A_1525 = arith.constant 0.000000e+00 : f32
        %eq3A_1526 = vector.broadcast %eq3A_1525 : f32 to vector<16xf32>
        %eq3A_1527 = arith.cmpf oeq, %get3A_1518, %eq3A_1526 : vector<16xf32>
        %jit3A_1528 = arith.constant 0.000000e+00 : f32
        %broadcast_in_dim3A_1529 = vector.broadcast %jit3A_1528 : f32 to vector<16xf32>
        %select_n3A_1530 = arith.select %eq3A_1527, %broadcast_in_dim3A_1529, %gather3A_1524 : vector<16xi1>, vector<16xf32>
        %add3A_1531 = arith.constant 32 : i32
        %add3A_1532 = arith.addi %add3A_1480, %add3A_1531 : i32
        %add3A_1533 = vector.broadcast %add3A_1532 : i32 to vector<16xi32>
        %add3A_1534 = arith.addi %iota3A, %add3A_1533 : vector<16xi32>
        tpu.vector_store_idx %arg7[%add3A_1534], %select_n3A_1530 masked %lt3A_12 : memref<1280xf32, #tpu.memory_space<vmem>>[vector<16xi32>], vector<16xf32>, vector<16xi1>
        %mul3A_1535 = arith.constant 8 : i32
        %mul3A_1536 = arith.muli %mul3A_1535, %scan3A_1171 : i32
        %add3A_1537 = arith.constant 3 : i32
        %add3A_1538 = arith.addi %mul3A_1536, %add3A_1537 : i32
        %mul3A_1539 = arith.constant 40 : i32
        %mul3A_1540 = arith.muli %add3A_1538, %mul3A_1539 : i32
        %add3A_1541 = arith.addi %mul3A_1155, %mul3A_1540 : i32
        %get3A_1542 = arith.constant 0 : index
        %get3A_1543 = tpu.vector_load %arg21[%get3A_1542] {strides = array<i32>} : memref<48xf32, #tpu.memory_space<vmem>>, vector<16xf32>,
        %get3A_1544 = arith.constant 0 : index
        %get3A_1545 = tpu.vector_load %arg29[%get3A_1544] {strides = array<i32>} : memref<48xi32, #tpu.memory_space<vmem>>, vector<16xi32>,
        %add3A_1546 = arith.addi %mul3A_1195, %mul3A_1153 : i32
        %add3A_1547 = vector.broadcast %add3A_1546 : i32 to vector<16xi32>
        %add3A_1548 = arith.addi %get3A_1545, %add3A_1547 : vector<16xi32>
        %gather3A_1549 = tpu.vector_load_idx %arg6[%add3A_1548] : memref<32032xf32, #tpu.memory_space<vmem>>[vector<16xi32>], vector<16xf32>,
        %eq3A_1550 = arith.constant 0.000000e+00 : f32
        %eq3A_1551 = vector.broadcast %eq3A_1550 : f32 to vector<16xf32>
        %eq3A_1552 = arith.cmpf oeq, %get3A_1543, %eq3A_1551 : vector<16xf32>
        %jit3A_1553 = arith.constant 0.000000e+00 : f32
        %broadcast_in_dim3A_1554 = vector.broadcast %jit3A_1553 : f32 to vector<16xf32>
        %select_n3A_1555 = arith.select %eq3A_1552, %broadcast_in_dim3A_1554, %gather3A_1549 : vector<16xi1>, vector<16xf32>
        %add3A_1556 = arith.constant 0 : i32
        %add3A_1557 = arith.addi %add3A_1541, %add3A_1556 : i32
        %add3A_1558 = vector.broadcast %add3A_1557 : i32 to vector<16xi32>
        %add3A_1559 = arith.addi %iota3A, %add3A_1558 : vector<16xi32>
        tpu.vector_store_idx %arg7[%add3A_1559], %select_n3A_1555 : memref<1280xf32, #tpu.memory_space<vmem>>[vector<16xi32>], vector<16xf32>,
        %get3A_1560 = arith.constant 16 : index
        %get3A_1561 = tpu.vector_load %arg21[%get3A_1560] {strides = array<i32>} : memref<48xf32, #tpu.memory_space<vmem>>, vector<16xf32>,
        %get3A_1562 = arith.constant 16 : index
        %get3A_1563 = tpu.vector_load %arg29[%get3A_1562] {strides = array<i32>} : memref<48xi32, #tpu.memory_space<vmem>>, vector<16xi32>,
        %add3A_1564 = arith.addi %mul3A_1195, %mul3A_1153 : i32
        %add3A_1565 = vector.broadcast %add3A_1564 : i32 to vector<16xi32>
        %add3A_1566 = arith.addi %get3A_1563, %add3A_1565 : vector<16xi32>
        %gather3A_1567 = tpu.vector_load_idx %arg6[%add3A_1566] : memref<32032xf32, #tpu.memory_space<vmem>>[vector<16xi32>], vector<16xf32>,
        %eq3A_1568 = arith.constant 0.000000e+00 : f32
        %eq3A_1569 = vector.broadcast %eq3A_1568 : f32 to vector<16xf32>
        %eq3A_1570 = arith.cmpf oeq, %get3A_1561, %eq3A_1569 : vector<16xf32>
        %jit3A_1571 = arith.constant 0.000000e+00 : f32
        %broadcast_in_dim3A_1572 = vector.broadcast %jit3A_1571 : f32 to vector<16xf32>
        %select_n3A_1573 = arith.select %eq3A_1570, %broadcast_in_dim3A_1572, %gather3A_1567 : vector<16xi1>, vector<16xf32>
        %add3A_1574 = arith.constant 16 : i32
        %add3A_1575 = arith.addi %add3A_1541, %add3A_1574 : i32
        %add3A_1576 = vector.broadcast %add3A_1575 : i32 to vector<16xi32>
        %add3A_1577 = arith.addi %iota3A, %add3A_1576 : vector<16xi32>
        tpu.vector_store_idx %arg7[%add3A_1577], %select_n3A_1573 : memref<1280xf32, #tpu.memory_space<vmem>>[vector<16xi32>], vector<16xf32>,
        %get3A_1578 = arith.constant 32 : index
        %get3A_1579 = tpu.vector_load %arg21[%get3A_1578] {strides = array<i32>} : memref<48xf32, #tpu.memory_space<vmem>>, vector<16xf32>,
        %get3A_1580 = arith.constant 32 : index
        %get3A_1581 = tpu.vector_load %arg29[%get3A_1580] {strides = array<i32>} : memref<48xi32, #tpu.memory_space<vmem>>, vector<16xi32>,
        %add3A_1582 = arith.addi %mul3A_1195, %mul3A_1153 : i32
        %add3A_1583 = vector.broadcast %add3A_1582 : i32 to vector<16xi32>
        %add3A_1584 = arith.addi %get3A_1581, %add3A_1583 : vector<16xi32>
        %gather3A_1585 = tpu.vector_load_idx %arg6[%add3A_1584] : memref<32032xf32, #tpu.memory_space<vmem>>[vector<16xi32>], vector<16xf32>,
        %eq3A_1586 = arith.constant 0.000000e+00 : f32
        %eq3A_1587 = vector.broadcast %eq3A_1586 : f32 to vector<16xf32>
        %eq3A_1588 = arith.cmpf oeq, %get3A_1579, %eq3A_1587 : vector<16xf32>
        %jit3A_1589 = arith.constant 0.000000e+00 : f32
        %broadcast_in_dim3A_1590 = vector.broadcast %jit3A_1589 : f32 to vector<16xf32>
        %select_n3A_1591 = arith.select %eq3A_1588, %broadcast_in_dim3A_1590, %gather3A_1585 : vector<16xi1>, vector<16xf32>
        %add3A_1592 = arith.constant 32 : i32
        %add3A_1593 = arith.addi %add3A_1541, %add3A_1592 : i32
        %add3A_1594 = vector.broadcast %add3A_1593 : i32 to vector<16xi32>
        %add3A_1595 = arith.addi %iota3A, %add3A_1594 : vector<16xi32>
        tpu.vector_store_idx %arg7[%add3A_1595], %select_n3A_1591 masked %lt3A_12 : memref<1280xf32, #tpu.memory_space<vmem>>[vector<16xi32>], vector<16xf32>, vector<16xi1>
        %mul3A_1596 = arith.constant 8 : i32
        %mul3A_1597 = arith.muli %mul3A_1596, %scan3A_1171 : i32
        %add3A_1598 = arith.constant 4 : i32
        %add3A_1599 = arith.addi %mul3A_1597, %add3A_1598 : i32
        %mul3A_1600 = arith.constant 40 : i32
        %mul3A_1601 = arith.muli %add3A_1599, %mul3A_1600 : i32
        %add3A_1602 = arith.addi %mul3A_1155, %mul3A_1601 : i32
        %get3A_1603 = arith.constant 0 : index
        %get3A_1604 = tpu.vector_load %arg22[%get3A_1603] {strides = array<i32>} : memref<48xf32, #tpu.memory_space<vmem>>, vector<16xf32>,
        %get3A_1605 = arith.constant 0 : index
        %get3A_1606 = tpu.vector_load %arg30[%get3A_1605] {strides = array<i32>} : memref<48xi32, #tpu.memory_space<vmem>>, vector<16xi32>,
        %add3A_1607 = arith.addi %mul3A_1201, %mul3A_1153 : i32
        %add3A_1608 = vector.broadcast %add3A_1607 : i32 to vector<16xi32>
        %add3A_1609 = arith.addi %get3A_1606, %add3A_1608 : vector<16xi32>
        %gather3A_1610 = tpu.vector_load_idx %arg6[%add3A_1609] : memref<32032xf32, #tpu.memory_space<vmem>>[vector<16xi32>], vector<16xf32>,
        %eq3A_1611 = arith.constant 0.000000e+00 : f32
        %eq3A_1612 = vector.broadcast %eq3A_1611 : f32 to vector<16xf32>
        %eq3A_1613 = arith.cmpf oeq, %get3A_1604, %eq3A_1612 : vector<16xf32>
        %jit3A_1614 = arith.constant 0.000000e+00 : f32
        %broadcast_in_dim3A_1615 = vector.broadcast %jit3A_1614 : f32 to vector<16xf32>
        %select_n3A_1616 = arith.select %eq3A_1613, %broadcast_in_dim3A_1615, %gather3A_1610 : vector<16xi1>, vector<16xf32>
        %add3A_1617 = arith.constant 0 : i32
        %add3A_1618 = arith.addi %add3A_1602, %add3A_1617 : i32
        %add3A_1619 = vector.broadcast %add3A_1618 : i32 to vector<16xi32>
        %add3A_1620 = arith.addi %iota3A, %add3A_1619 : vector<16xi32>
        tpu.vector_store_idx %arg7[%add3A_1620], %select_n3A_1616 : memref<1280xf32, #tpu.memory_space<vmem>>[vector<16xi32>], vector<16xf32>,
        %get3A_1621 = arith.constant 16 : index
        %get3A_1622 = tpu.vector_load %arg22[%get3A_1621] {strides = array<i32>} : memref<48xf32, #tpu.memory_space<vmem>>, vector<16xf32>,
        %get3A_1623 = arith.constant 16 : index
        %get3A_1624 = tpu.vector_load %arg30[%get3A_1623] {strides = array<i32>} : memref<48xi32, #tpu.memory_space<vmem>>, vector<16xi32>,
        %add3A_1625 = arith.addi %mul3A_1201, %mul3A_1153 : i32
        %add3A_1626 = vector.broadcast %add3A_1625 : i32 to vector<16xi32>
        %add3A_1627 = arith.addi %get3A_1624, %add3A_1626 : vector<16xi32>
        %gather3A_1628 = tpu.vector_load_idx %arg6[%add3A_1627] : memref<32032xf32, #tpu.memory_space<vmem>>[vector<16xi32>], vector<16xf32>,
        %eq3A_1629 = arith.constant 0.000000e+00 : f32
        %eq3A_1630 = vector.broadcast %eq3A_1629 : f32 to vector<16xf32>
        %eq3A_1631 = arith.cmpf oeq, %get3A_1622, %eq3A_1630 : vector<16xf32>
        %jit3A_1632 = arith.constant 0.000000e+00 : f32
        %broadcast_in_dim3A_1633 = vector.broadcast %jit3A_1632 : f32 to vector<16xf32>
        %select_n3A_1634 = arith.select %eq3A_1631, %broadcast_in_dim3A_1633, %gather3A_1628 : vector<16xi1>, vector<16xf32>
        %add3A_1635 = arith.constant 16 : i32
        %add3A_1636 = arith.addi %add3A_1602, %add3A_1635 : i32
        %add3A_1637 = vector.broadcast %add3A_1636 : i32 to vector<16xi32>
        %add3A_1638 = arith.addi %iota3A, %add3A_1637 : vector<16xi32>
        tpu.vector_store_idx %arg7[%add3A_1638], %select_n3A_1634 : memref<1280xf32, #tpu.memory_space<vmem>>[vector<16xi32>], vector<16xf32>,
        %get3A_1639 = arith.constant 32 : index
        %get3A_1640 = tpu.vector_load %arg22[%get3A_1639] {strides = array<i32>} : memref<48xf32, #tpu.memory_space<vmem>>, vector<16xf32>,
        %get3A_1641 = arith.constant 32 : index
        %get3A_1642 = tpu.vector_load %arg30[%get3A_1641] {strides = array<i32>} : memref<48xi32, #tpu.memory_space<vmem>>, vector<16xi32>,
        %add3A_1643 = arith.addi %mul3A_1201, %mul3A_1153 : i32
        %add3A_1644 = vector.broadcast %add3A_1643 : i32 to vector<16xi32>
        %add3A_1645 = arith.addi %get3A_1642, %add3A_1644 : vector<16xi32>
        %gather3A_1646 = tpu.vector_load_idx %arg6[%add3A_1645] : memref<32032xf32, #tpu.memory_space<vmem>>[vector<16xi32>], vector<16xf32>,
        %eq3A_1647 = arith.constant 0.000000e+00 : f32
        %eq3A_1648 = vector.broadcast %eq3A_1647 : f32 to vector<16xf32>
        %eq3A_1649 = arith.cmpf oeq, %get3A_1640, %eq3A_1648 : vector<16xf32>
        %jit3A_1650 = arith.constant 0.000000e+00 : f32
        %broadcast_in_dim3A_1651 = vector.broadcast %jit3A_1650 : f32 to vector<16xf32>
        %select_n3A_1652 = arith.select %eq3A_1649, %broadcast_in_dim3A_1651, %gather3A_1646 : vector<16xi1>, vector<16xf32>
        %add3A_1653 = arith.constant 32 : i32
        %add3A_1654 = arith.addi %add3A_1602, %add3A_1653 : i32
        %add3A_1655 = vector.broadcast %add3A_1654 : i32 to vector<16xi32>
        %add3A_1656 = arith.addi %iota3A, %add3A_1655 : vector<16xi32>
        tpu.vector_store_idx %arg7[%add3A_1656], %select_n3A_1652 masked %lt3A_12 : memref<1280xf32, #tpu.memory_space<vmem>>[vector<16xi32>], vector<16xf32>, vector<16xi1>
        %mul3A_1657 = arith.constant 8 : i32
        %mul3A_1658 = arith.muli %mul3A_1657, %scan3A_1171 : i32
        %add3A_1659 = arith.constant 5 : i32
        %add3A_1660 = arith.addi %mul3A_1658, %add3A_1659 : i32
        %mul3A_1661 = arith.constant 40 : i32
        %mul3A_1662 = arith.muli %add3A_1660, %mul3A_1661 : i32
        %add3A_1663 = arith.addi %mul3A_1155, %mul3A_1662 : i32
        %get3A_1664 = arith.constant 0 : index
        %get3A_1665 = tpu.vector_load %arg23[%get3A_1664] {strides = array<i32>} : memref<48xf32, #tpu.memory_space<vmem>>, vector<16xf32>,
        %get3A_1666 = arith.constant 0 : index
        %get3A_1667 = tpu.vector_load %arg31[%get3A_1666] {strides = array<i32>} : memref<48xi32, #tpu.memory_space<vmem>>, vector<16xi32>,
        %add3A_1668 = arith.addi %mul3A_1207, %mul3A_1153 : i32
        %add3A_1669 = vector.broadcast %add3A_1668 : i32 to vector<16xi32>
        %add3A_1670 = arith.addi %get3A_1667, %add3A_1669 : vector<16xi32>
        %gather3A_1671 = tpu.vector_load_idx %arg6[%add3A_1670] : memref<32032xf32, #tpu.memory_space<vmem>>[vector<16xi32>], vector<16xf32>,
        %eq3A_1672 = arith.constant 0.000000e+00 : f32
        %eq3A_1673 = vector.broadcast %eq3A_1672 : f32 to vector<16xf32>
        %eq3A_1674 = arith.cmpf oeq, %get3A_1665, %eq3A_1673 : vector<16xf32>
        %jit3A_1675 = arith.constant 0.000000e+00 : f32
        %broadcast_in_dim3A_1676 = vector.broadcast %jit3A_1675 : f32 to vector<16xf32>
        %select_n3A_1677 = arith.select %eq3A_1674, %broadcast_in_dim3A_1676, %gather3A_1671 : vector<16xi1>, vector<16xf32>
        %add3A_1678 = arith.constant 0 : i32
        %add3A_1679 = arith.addi %add3A_1663, %add3A_1678 : i32
        %add3A_1680 = vector.broadcast %add3A_1679 : i32 to vector<16xi32>
        %add3A_1681 = arith.addi %iota3A, %add3A_1680 : vector<16xi32>
        tpu.vector_store_idx %arg7[%add3A_1681], %select_n3A_1677 : memref<1280xf32, #tpu.memory_space<vmem>>[vector<16xi32>], vector<16xf32>,
        %get3A_1682 = arith.constant 16 : index
        %get3A_1683 = tpu.vector_load %arg23[%get3A_1682] {strides = array<i32>} : memref<48xf32, #tpu.memory_space<vmem>>, vector<16xf32>,
        %get3A_1684 = arith.constant 16 : index
        %get3A_1685 = tpu.vector_load %arg31[%get3A_1684] {strides = array<i32>} : memref<48xi32, #tpu.memory_space<vmem>>, vector<16xi32>,
        %add3A_1686 = arith.addi %mul3A_1207, %mul3A_1153 : i32
        %add3A_1687 = vector.broadcast %add3A_1686 : i32 to vector<16xi32>
        %add3A_1688 = arith.addi %get3A_1685, %add3A_1687 : vector<16xi32>
        %gather3A_1689 = tpu.vector_load_idx %arg6[%add3A_1688] : memref<32032xf32, #tpu.memory_space<vmem>>[vector<16xi32>], vector<16xf32>,
        %eq3A_1690 = arith.constant 0.000000e+00 : f32
        %eq3A_1691 = vector.broadcast %eq3A_1690 : f32 to vector<16xf32>
        %eq3A_1692 = arith.cmpf oeq, %get3A_1683, %eq3A_1691 : vector<16xf32>
        %jit3A_1693 = arith.constant 0.000000e+00 : f32
        %broadcast_in_dim3A_1694 = vector.broadcast %jit3A_1693 : f32 to vector<16xf32>
        %select_n3A_1695 = arith.select %eq3A_1692, %broadcast_in_dim3A_1694, %gather3A_1689 : vector<16xi1>, vector<16xf32>
        %add3A_1696 = arith.constant 16 : i32
        %add3A_1697 = arith.addi %add3A_1663, %add3A_1696 : i32
        %add3A_1698 = vector.broadcast %add3A_1697 : i32 to vector<16xi32>
        %add3A_1699 = arith.addi %iota3A, %add3A_1698 : vector<16xi32>
        tpu.vector_store_idx %arg7[%add3A_1699], %select_n3A_1695 : memref<1280xf32, #tpu.memory_space<vmem>>[vector<16xi32>], vector<16xf32>,
        %get3A_1700 = arith.constant 32 : index
        %get3A_1701 = tpu.vector_load %arg23[%get3A_1700] {strides = array<i32>} : memref<48xf32, #tpu.memory_space<vmem>>, vector<16xf32>,
        %get3A_1702 = arith.constant 32 : index
        %get3A_1703 = tpu.vector_load %arg31[%get3A_1702] {strides = array<i32>} : memref<48xi32, #tpu.memory_space<vmem>>, vector<16xi32>,
        %add3A_1704 = arith.addi %mul3A_1207, %mul3A_1153 : i32
        %add3A_1705 = vector.broadcast %add3A_1704 : i32 to vector<16xi32>
        %add3A_1706 = arith.addi %get3A_1703, %add3A_1705 : vector<16xi32>
        %gather3A_1707 = tpu.vector_load_idx %arg6[%add3A_1706] : memref<32032xf32, #tpu.memory_space<vmem>>[vector<16xi32>], vector<16xf32>,
        %eq3A_1708 = arith.constant 0.000000e+00 : f32
        %eq3A_1709 = vector.broadcast %eq3A_1708 : f32 to vector<16xf32>
        %eq3A_1710 = arith.cmpf oeq, %get3A_1701, %eq3A_1709 : vector<16xf32>
        %jit3A_1711 = arith.constant 0.000000e+00 : f32
        %broadcast_in_dim3A_1712 = vector.broadcast %jit3A_1711 : f32 to vector<16xf32>
        %select_n3A_1713 = arith.select %eq3A_1710, %broadcast_in_dim3A_1712, %gather3A_1707 : vector<16xi1>, vector<16xf32>
        %add3A_1714 = arith.constant 32 : i32
        %add3A_1715 = arith.addi %add3A_1663, %add3A_1714 : i32
        %add3A_1716 = vector.broadcast %add3A_1715 : i32 to vector<16xi32>
        %add3A_1717 = arith.addi %iota3A, %add3A_1716 : vector<16xi32>
        tpu.vector_store_idx %arg7[%add3A_1717], %select_n3A_1713 masked %lt3A_12 : memref<1280xf32, #tpu.memory_space<vmem>>[vector<16xi32>], vector<16xf32>, vector<16xi1>
        %mul3A_1718 = arith.constant 8 : i32
        %mul3A_1719 = arith.muli %mul3A_1718, %scan3A_1171 : i32
        %add3A_1720 = arith.constant 6 : i32
        %add3A_1721 = arith.addi %mul3A_1719, %add3A_1720 : i32
        %mul3A_1722 = arith.constant 40 : i32
        %mul3A_1723 = arith.muli %add3A_1721, %mul3A_1722 : i32
        %add3A_1724 = arith.addi %mul3A_1155, %mul3A_1723 : i32
        %get3A_1725 = arith.constant 0 : index
        %get3A_1726 = tpu.vector_load %arg24[%get3A_1725] {strides = array<i32>} : memref<48xf32, #tpu.memory_space<vmem>>, vector<16xf32>,
        %get3A_1727 = arith.constant 0 : index
        %get3A_1728 = tpu.vector_load %arg32[%get3A_1727] {strides = array<i32>} : memref<48xi32, #tpu.memory_space<vmem>>, vector<16xi32>,
        %add3A_1729 = arith.addi %mul3A_1213, %mul3A_1153 : i32
        %add3A_1730 = vector.broadcast %add3A_1729 : i32 to vector<16xi32>
        %add3A_1731 = arith.addi %get3A_1728, %add3A_1730 : vector<16xi32>
        %gather3A_1732 = tpu.vector_load_idx %arg6[%add3A_1731] : memref<32032xf32, #tpu.memory_space<vmem>>[vector<16xi32>], vector<16xf32>,
        %eq3A_1733 = arith.constant 0.000000e+00 : f32
        %eq3A_1734 = vector.broadcast %eq3A_1733 : f32 to vector<16xf32>
        %eq3A_1735 = arith.cmpf oeq, %get3A_1726, %eq3A_1734 : vector<16xf32>
        %jit3A_1736 = arith.constant 0.000000e+00 : f32
        %broadcast_in_dim3A_1737 = vector.broadcast %jit3A_1736 : f32 to vector<16xf32>
        %select_n3A_1738 = arith.select %eq3A_1735, %broadcast_in_dim3A_1737, %gather3A_1732 : vector<16xi1>, vector<16xf32>
        %add3A_1739 = arith.constant 0 : i32
        %add3A_1740 = arith.addi %add3A_1724, %add3A_1739 : i32
        %add3A_1741 = vector.broadcast %add3A_1740 : i32 to vector<16xi32>
        %add3A_1742 = arith.addi %iota3A, %add3A_1741 : vector<16xi32>
        tpu.vector_store_idx %arg7[%add3A_1742], %select_n3A_1738 : memref<1280xf32, #tpu.memory_space<vmem>>[vector<16xi32>], vector<16xf32>,
        %get3A_1743 = arith.constant 16 : index
        %get3A_1744 = tpu.vector_load %arg24[%get3A_1743] {strides = array<i32>} : memref<48xf32, #tpu.memory_space<vmem>>, vector<16xf32>,
        %get3A_1745 = arith.constant 16 : index
        %get3A_1746 = tpu.vector_load %arg32[%get3A_1745] {strides = array<i32>} : memref<48xi32, #tpu.memory_space<vmem>>, vector<16xi32>,
        %add3A_1747 = arith.addi %mul3A_1213, %mul3A_1153 : i32
        %add3A_1748 = vector.broadcast %add3A_1747 : i32 to vector<16xi32>
        %add3A_1749 = arith.addi %get3A_1746, %add3A_1748 : vector<16xi32>
        %gather3A_1750 = tpu.vector_load_idx %arg6[%add3A_1749] : memref<32032xf32, #tpu.memory_space<vmem>>[vector<16xi32>], vector<16xf32>,
        %eq3A_1751 = arith.constant 0.000000e+00 : f32
        %eq3A_1752 = vector.broadcast %eq3A_1751 : f32 to vector<16xf32>
        %eq3A_1753 = arith.cmpf oeq, %get3A_1744, %eq3A_1752 : vector<16xf32>
        %jit3A_1754 = arith.constant 0.000000e+00 : f32
        %broadcast_in_dim3A_1755 = vector.broadcast %jit3A_1754 : f32 to vector<16xf32>
        %select_n3A_1756 = arith.select %eq3A_1753, %broadcast_in_dim3A_1755, %gather3A_1750 : vector<16xi1>, vector<16xf32>
        %add3A_1757 = arith.constant 16 : i32
        %add3A_1758 = arith.addi %add3A_1724, %add3A_1757 : i32
        %add3A_1759 = vector.broadcast %add3A_1758 : i32 to vector<16xi32>
        %add3A_1760 = arith.addi %iota3A, %add3A_1759 : vector<16xi32>
        tpu.vector_store_idx %arg7[%add3A_1760], %select_n3A_1756 : memref<1280xf32, #tpu.memory_space<vmem>>[vector<16xi32>], vector<16xf32>,
        %get3A_1761 = arith.constant 32 : index
        %get3A_1762 = tpu.vector_load %arg24[%get3A_1761] {strides = array<i32>} : memref<48xf32, #tpu.memory_space<vmem>>, vector<16xf32>,
        %get3A_1763 = arith.constant 32 : index
        %get3A_1764 = tpu.vector_load %arg32[%get3A_1763] {strides = array<i32>} : memref<48xi32, #tpu.memory_space<vmem>>, vector<16xi32>,
        %add3A_1765 = arith.addi %mul3A_1213, %mul3A_1153 : i32
        %add3A_1766 = vector.broadcast %add3A_1765 : i32 to vector<16xi32>
        %add3A_1767 = arith.addi %get3A_1764, %add3A_1766 : vector<16xi32>
        %gather3A_1768 = tpu.vector_load_idx %arg6[%add3A_1767] : memref<32032xf32, #tpu.memory_space<vmem>>[vector<16xi32>], vector<16xf32>,
        %eq3A_1769 = arith.constant 0.000000e+00 : f32
        %eq3A_1770 = vector.broadcast %eq3A_1769 : f32 to vector<16xf32>
        %eq3A_1771 = arith.cmpf oeq, %get3A_1762, %eq3A_1770 : vector<16xf32>
        %jit3A_1772 = arith.constant 0.000000e+00 : f32
        %broadcast_in_dim3A_1773 = vector.broadcast %jit3A_1772 : f32 to vector<16xf32>
        %select_n3A_1774 = arith.select %eq3A_1771, %broadcast_in_dim3A_1773, %gather3A_1768 : vector<16xi1>, vector<16xf32>
        %add3A_1775 = arith.constant 32 : i32
        %add3A_1776 = arith.addi %add3A_1724, %add3A_1775 : i32
        %add3A_1777 = vector.broadcast %add3A_1776 : i32 to vector<16xi32>
        %add3A_1778 = arith.addi %iota3A, %add3A_1777 : vector<16xi32>
        tpu.vector_store_idx %arg7[%add3A_1778], %select_n3A_1774 masked %lt3A_12 : memref<1280xf32, #tpu.memory_space<vmem>>[vector<16xi32>], vector<16xf32>, vector<16xi1>
        %mul3A_1779 = arith.constant 8 : i32
        %mul3A_1780 = arith.muli %mul3A_1779, %scan3A_1171 : i32
        %add3A_1781 = arith.constant 7 : i32
        %add3A_1782 = arith.addi %mul3A_1780, %add3A_1781 : i32
        %mul3A_1783 = arith.constant 40 : i32
        %mul3A_1784 = arith.muli %add3A_1782, %mul3A_1783 : i32
        %add3A_1785 = arith.addi %mul3A_1155, %mul3A_1784 : i32
        %get3A_1786 = arith.constant 0 : index
        %get3A_1787 = tpu.vector_load %arg25[%get3A_1786] {strides = array<i32>} : memref<48xf32, #tpu.memory_space<vmem>>, vector<16xf32>,
        %get3A_1788 = arith.constant 0 : index
        %get3A_1789 = tpu.vector_load %arg33[%get3A_1788] {strides = array<i32>} : memref<48xi32, #tpu.memory_space<vmem>>, vector<16xi32>,
        %add3A_1790 = arith.addi %mul3A_1219, %mul3A_1153 : i32
        %add3A_1791 = vector.broadcast %add3A_1790 : i32 to vector<16xi32>
        %add3A_1792 = arith.addi %get3A_1789, %add3A_1791 : vector<16xi32>
        %gather3A_1793 = tpu.vector_load_idx %arg6[%add3A_1792] : memref<32032xf32, #tpu.memory_space<vmem>>[vector<16xi32>], vector<16xf32>,
        %eq3A_1794 = arith.constant 0.000000e+00 : f32
        %eq3A_1795 = vector.broadcast %eq3A_1794 : f32 to vector<16xf32>
        %eq3A_1796 = arith.cmpf oeq, %get3A_1787, %eq3A_1795 : vector<16xf32>
        %jit3A_1797 = arith.constant 0.000000e+00 : f32
        %broadcast_in_dim3A_1798 = vector.broadcast %jit3A_1797 : f32 to vector<16xf32>
        %select_n3A_1799 = arith.select %eq3A_1796, %broadcast_in_dim3A_1798, %gather3A_1793 : vector<16xi1>, vector<16xf32>
        %add3A_1800 = arith.constant 0 : i32
        %add3A_1801 = arith.addi %add3A_1785, %add3A_1800 : i32
        %add3A_1802 = vector.broadcast %add3A_1801 : i32 to vector<16xi32>
        %add3A_1803 = arith.addi %iota3A, %add3A_1802 : vector<16xi32>
        tpu.vector_store_idx %arg7[%add3A_1803], %select_n3A_1799 : memref<1280xf32, #tpu.memory_space<vmem>>[vector<16xi32>], vector<16xf32>,
        %get3A_1804 = arith.constant 16 : index
        %get3A_1805 = tpu.vector_load %arg25[%get3A_1804] {strides = array<i32>} : memref<48xf32, #tpu.memory_space<vmem>>, vector<16xf32>,
        %get3A_1806 = arith.constant 16 : index
        %get3A_1807 = tpu.vector_load %arg33[%get3A_1806] {strides = array<i32>} : memref<48xi32, #tpu.memory_space<vmem>>, vector<16xi32>,
        %add3A_1808 = arith.addi %mul3A_1219, %mul3A_1153 : i32
        %add3A_1809 = vector.broadcast %add3A_1808 : i32 to vector<16xi32>
        %add3A_1810 = arith.addi %get3A_1807, %add3A_1809 : vector<16xi32>
        %gather3A_1811 = tpu.vector_load_idx %arg6[%add3A_1810] : memref<32032xf32, #tpu.memory_space<vmem>>[vector<16xi32>], vector<16xf32>,
        %eq3A_1812 = arith.constant 0.000000e+00 : f32
        %eq3A_1813 = vector.broadcast %eq3A_1812 : f32 to vector<16xf32>
        %eq3A_1814 = arith.cmpf oeq, %get3A_1805, %eq3A_1813 : vector<16xf32>
        %jit3A_1815 = arith.constant 0.000000e+00 : f32
        %broadcast_in_dim3A_1816 = vector.broadcast %jit3A_1815 : f32 to vector<16xf32>
        %select_n3A_1817 = arith.select %eq3A_1814, %broadcast_in_dim3A_1816, %gather3A_1811 : vector<16xi1>, vector<16xf32>
        %add3A_1818 = arith.constant 16 : i32
        %add3A_1819 = arith.addi %add3A_1785, %add3A_1818 : i32
        %add3A_1820 = vector.broadcast %add3A_1819 : i32 to vector<16xi32>
        %add3A_1821 = arith.addi %iota3A, %add3A_1820 : vector<16xi32>
        tpu.vector_store_idx %arg7[%add3A_1821], %select_n3A_1817 : memref<1280xf32, #tpu.memory_space<vmem>>[vector<16xi32>], vector<16xf32>,
        %get3A_1822 = arith.constant 32 : index
        %get3A_1823 = tpu.vector_load %arg25[%get3A_1822] {strides = array<i32>} : memref<48xf32, #tpu.memory_space<vmem>>, vector<16xf32>,
        %get3A_1824 = arith.constant 32 : index
        %get3A_1825 = tpu.vector_load %arg33[%get3A_1824] {strides = array<i32>} : memref<48xi32, #tpu.memory_space<vmem>>, vector<16xi32>,
        %add3A_1826 = arith.addi %mul3A_1219, %mul3A_1153 : i32
        %add3A_1827 = vector.broadcast %add3A_1826 : i32 to vector<16xi32>
        %add3A_1828 = arith.addi %get3A_1825, %add3A_1827 : vector<16xi32>
        %gather3A_1829 = tpu.vector_load_idx %arg6[%add3A_1828] : memref<32032xf32, #tpu.memory_space<vmem>>[vector<16xi32>], vector<16xf32>,
        %eq3A_1830 = arith.constant 0.000000e+00 : f32
        %eq3A_1831 = vector.broadcast %eq3A_1830 : f32 to vector<16xf32>
        %eq3A_1832 = arith.cmpf oeq, %get3A_1823, %eq3A_1831 : vector<16xf32>
        %jit3A_1833 = arith.constant 0.000000e+00 : f32
        %broadcast_in_dim3A_1834 = vector.broadcast %jit3A_1833 : f32 to vector<16xf32>
        %select_n3A_1835 = arith.select %eq3A_1832, %broadcast_in_dim3A_1834, %gather3A_1829 : vector<16xi1>, vector<16xf32>
        %add3A_1836 = arith.constant 32 : i32
        %add3A_1837 = arith.addi %add3A_1785, %add3A_1836 : i32
        %add3A_1838 = vector.broadcast %add3A_1837 : i32 to vector<16xi32>
        %add3A_1839 = arith.addi %iota3A, %add3A_1838 : vector<16xi32>
        tpu.vector_store_idx %arg7[%add3A_1839], %select_n3A_1835 masked %lt3A_12 : memref<1280xf32, #tpu.memory_space<vmem>>[vector<16xi32>], vector<16xf32>, vector<16xi1>
      }
      %scan3A_1164 = arith.constant 2 : i32
      %mul3A_1165 = arith.constant 40 : i32
      %mul3A_1166 = arith.muli %add3A_1158, %mul3A_1165 : i32
      %dma_start3A_1167 = tpu.memref_slice %arg7[%mul3A_1155] : memref<1280xf32, #tpu.memory_space<vmem>> -> memref<640xf32, #tpu.memory_space<vmem>>
      %dma_start3A_1168 = tpu.memref_slice %arg4[%mul3A_1166] : memref<655360xf32, #tpu.memory_space<hbm>> -> memref<640xf32, #tpu.memory_space<hbm>>
      %dma_start3A_1169 = tpu.memref_slice %arg4[%mul3A_1166] : memref<655360xf32, #tpu.memory_space<hbm>> -> memref<640xf32, #tpu.memory_space<hbm>>
      %dma_start3A_1170 = tpu.memref_slice %arg7[%mul3A_1155] : memref<1280xf32, #tpu.memory_space<vmem>> -> memref<640xf32, #tpu.memory_space<vmem>>
      tpu.enqueue_dma source(%dma_start3A_1170 : memref<640xf32, #tpu.memory_space<vmem>>) target(%dma_start3A_1169 : memref<640xf32, #tpu.memory_space<hbm>>) target_semaphore(%arg9 : memref<!tpu.dma_semaphore, #tpu.memory_space<semaphore_mem>>)
    }
    %scan3A_1107 = arith.constant 32 : i32
    %dma_wait3A = arith.constant 0 : i32
    %dma_wait3A_1108 = tpu.memref_slice %arg7[%dma_wait3A] : memref<1280xf32, #tpu.memory_space<vmem>> -> memref<640xf32, #tpu.memory_space<vmem>>
    %dma_wait3A_1109 = arith.constant 0 : i32
    %dma_wait3A_1110 = tpu.memref_slice %arg4[%dma_wait3A_1109] : memref<655360xf32, #tpu.memory_space<hbm>> -> memref<640xf32, #tpu.memory_space<hbm>>
    %dma_wait3A_1111 = arith.constant 0 : i32
    %dma_wait3A_1112 = tpu.memref_slice %arg4[%dma_wait3A_1111] : memref<655360xf32, #tpu.memory_space<hbm>> -> memref<640xf32, #tpu.memory_space<hbm>>
    %dma_wait3A_1113 = arith.constant 0 : i32
    %dma_wait3A_1114 = tpu.memref_slice %arg7[%dma_wait3A_1113] : memref<1280xf32, #tpu.memory_space<vmem>> -> memref<640xf32, #tpu.memory_space<vmem>>
    tpu.wait_dma2 semaphore(%arg9 : memref<!tpu.dma_semaphore, #tpu.memory_space<semaphore_mem>>) src(%dma_wait3A_1114 : memref<640xf32, #tpu.memory_space<vmem>>) dst(%dma_wait3A_1112 : memref<640xf32, #tpu.memory_space<hbm>>)
    return
  }
}

</mosaic_0001>

<sc_bundles>
// kernel: kernel.3.cloned.1.call-start
scs
__scs_entry_jumppad:
0x0: {  	(pc) =	sbr.rel $0x88, $3  }
0x1: {  	(tag) =	ssettag $0x0;
	lr =	simm.s32 $0x1  }
0x2: {  	[smem:$0x3F9F] =	sst lr;
	_ =	strace $0xD0000000  }
0x3: {  	_ = 	snop  }
0x4: {  	_ = 	snop  }
0x5: {  	_ = 	snop  }
0x6: {  	_ = 	snop  }
0x7: {  	_ = 	snop  }
__scs_overlays_trampoline_lowered:
0x8: {  	[smem:$0x3FAE] =	sst s0  }
0x9: {  	[smem:$0x3FAF] =	sst s1  }
0xa: {  	[smem:$0x3FB0] =	sst s2  }
0xb: {  	[smem:$0x3FB1] =	sst s3  }
0xc: {  	[smem:$0x3FB2] =	sst s4  }
0xd: {  	[smem:$0x3FB3] =	sst s5  }
0xe: {  	[smem:$0x3FB4] =	sst s6  }
0xf: {  	[smem:$0x3FB5] =	sst s7  }
0x10: {  	[smem:$0x3FB6] =	sst s8  }
0x11: {  	[smem:$0x3FB7] =	sst s9;
	s0 =	simm.s32 @!p0 $0x0  }
0x12: {  	s1 =	sld [smem:$0x3F9D];
	s0 =	simm.s32 @p0 $0x1  }
0x13: {  	[smem:$0x3FB8] =	sst s0;
	s0 =	simm.s32 @!p1 $0x0  }
0x14: {  	s2 =	sld [smem:$0x3F9C];
	s0 =	simm.s32 @p1 $0x1  }
0x15: {  	[smem:$0x3FB9] =	sst s0;
	s0 =	simm.s32 @!p2 $0x0  }
0x16: {  	s3 =	sld [smem:$0x3FDB];
	s0 =	simm.s32 @p2 $0x1  }
0x17: {  	s4 =	simm.s32 $0x1BF5;
	[smem:$0x3FBB] =	sst s0  }
0x18: {  	s0 =	sld [smem:$0x3F9E];
	_ =	swait.ge [sflag:s4], $0x0  }
0x19: {  	s7 =	sld [smem:$0x3F9F]  }
0x1a: {  	s8 =	sadd.s32 $0xFFFFE003, lr  }
0x1b: {  	s9 =	sadd.s32 $0xFFFFFEF7, lr;
	s5 =	simm.s32 $0xFFFFFFFF;
	p2 =	slt.u32 s8, $0xFFFFF086  }
0x1c: {  	p1 =	slt.u32 s9, $0xF7A;
	s5 =	simm.s32 @!p2 $0x0  }
0x1d: {  	s5 =	simm.s32 @p1 $0x1;
	p0 =	seq.s32 s7, s2  }
0x1e: {  	s7 =	smul.u32 @!p0 $0xF7A, s2;
	p2 =	seq.s32 @!p0 s5, $0x0  }
0x1f: {  	s9 =	smul.u32 $0xF7A, s1;
	s8 =	simm.s32 @!p0 $0x1BF5;
	p2 =	por !p2, p0  }
0x20: {  	[sflag:s8] =	ssyncset.s32 @!p0 $0xFFFFF086;
	s6 =	sadd.s32 @!p0 s3, s7;
	s7 =	simm.s32 @!p0 $0x108  }
0x21: {  	s3 =	sadd.s32 s3, s9;
	s6 =	sadd.s32 @!p0 $0x88, s6;
	s7 =	simm.s32 @p2 $0x1082  }
0x22: {  	[simem:s7], [sflag:s8] =	dma.local @!p0 [hbm:s6], $0xF7A  }
0x23: {  	s9 =	sor.u32 $0xD0000000, s2;
	s6 =	simm.s32 $0x108;
	_ =	swait.ge @!p0 [sflag:s8], $0x0  }
0x24: {  	s3 =	sadd.s32 $0x88, s3;
	s6 =	simm.s32 @!p1 $0x1082;
	[sflag:s4] =	ssyncset.s32 $0xFFFFF086  }
0x25: {  	[simem:s6], [sflag:s4] =	dma.local [hbm:s3], $0xF7A  }
0x26: {  	[smem:$0x3F9F] =	sst s1;
	(tag) =	ssettag s2;
	_ =	strace s9  }
0x27: {  	s1 =	sld [smem:$0x3FAF]  }
0x28: {  	s2 =	sld [smem:$0x3FB0]  }
0x29: {  	s4 =	sld [smem:$0x3FB2]  }
0x2a: {  	p0 =	seq.s32 s5, $0x0;
	s5 =	sld [smem:$0x3FB3]  }
0x2b: {  	s6 =	sld [smem:$0x3FB4]  }
0x2c: {  	s7 =	sld [smem:$0x3FB5]  }
0x2d: {  	s3 =	simm.s32 $0x108;
	s8 =	sld [smem:$0x3FB6]  }
0x2e: {  	s3 =	simm.s32 @!p0 $0x1082;
	s9 =	sld [smem:$0x3FB7]  }
0x2f: {  	lr =	sadd.s32 s0, s3;
	s0 =	sld [smem:$0x3FAE]  }
0x30: {  	s3 =	sld [smem:$0x3FB1]  }
0x31: {  	[smem:$0x3FBA] =	sst s10  }
0x32: {  	s10 =	sld [smem:$0x3FB8];
	_ =	sdelay $0x3  }
0x33: {  	p0 =	seq.s32 s10, $0x1;
	s10 =	sld [smem:$0x3FBA];
	_ =	sdelay $0x3  }
0x34: {  	[smem:$0x3FBA] =	sst s10  }
0x35: {  	s10 =	sld [smem:$0x3FB9];
	_ =	sdelay $0x3  }
0x36: {  	p1 =	seq.s32 s10, $0x1;
	s10 =	sld [smem:$0x3FBA];
	_ =	sdelay $0x3  }
0x37: {  	[smem:$0x3FBA] =	sst s10  }
0x38: {  	s10 =	sld [smem:$0x3FBB]  }
0x39: {  	_ = 	snop;
	(pc) =	sbr.ind lr, $3  }
0x3a: {  	_ = 	snop  }
0x3b: {  	_ = 	snop  }
0x3c: {  	p2 =	seq.s32 s10, $0x1;
	s10 =	sld [smem:$0x3FBA]  }
0x3d: {  	_ =	shalt  }
0x3e: {  	_ =	shalt  }
0x3f: {  	_ =	shalt  }
0x40: {  	_ =	shalt  }
0x41: {  	_ =	shalt  }
0x42: {  	_ =	shalt  }
0x43: {  	_ =	shalt  }
0x44: {  	_ =	shalt  }
0x45: {  	_ =	shalt  }
0x46: {  	_ =	shalt  }
0x47: {  	_ =	shalt  }
0x48: {  	_ =	shalt  }
0x49: {  	_ =	shalt  }
0x4a: {  	_ =	shalt  }
0x4b: {  	_ =	shalt  }
0x4c: {  	_ =	shalt  }
0x4d: {  	_ =	shalt  }
0x4e: {  	_ =	shalt  }
0x4f: {  	_ =	shalt  }
0x50: {  	_ =	shalt  }
0x51: {  	_ =	shalt  }
0x52: {  	_ =	shalt  }
0x53: {  	_ =	shalt  }
0x54: {  	_ =	shalt  }
0x55: {  	_ =	shalt  }
0x56: {  	_ =	shalt  }
0x57: {  	_ =	shalt  }
0x58: {  	_ =	shalt  }
0x59: {  	_ =	shalt  }
0x5a: {  	_ =	shalt  }
0x5b: {  	_ =	shalt  }
0x5c: {  	_ =	shalt  }
0x5d: {  	_ =	shalt  }
0x5e: {  	_ =	shalt  }
0x5f: {  	_ =	shalt  }
0x60: {  	_ =	shalt  }
0x61: {  	_ =	shalt  }
0x62: {  	_ =	shalt  }
0x63: {  	_ =	shalt  }
0x64: {  	_ =	shalt  }
0x65: {  	_ =	shalt  }
0x66: {  	_ =	shalt  }
0x67: {  	_ =	shalt  }
0x68: {  	_ =	shalt  }
0x69: {  	_ =	shalt  }
0x6a: {  	_ =	shalt  }
0x6b: {  	_ =	shalt  }
0x6c: {  	_ =	shalt  }
0x6d: {  	_ =	shalt  }
0x6e: {  	_ =	shalt  }
0x6f: {  	_ =	shalt  }
0x70: {  	_ =	shalt  }
0x71: {  	_ =	shalt  }
0x72: {  	_ =	shalt  }
0x73: {  	_ =	shalt  }
0x74: {  	_ =	shalt  }
0x75: {  	_ =	shalt  }
0x76: {  	_ =	shalt  }
0x77: {  	_ =	shalt  }
0x78: {  	_ =	shalt  }
0x79: {  	_ =	shalt  }
0x7a: {  	_ =	shalt  }
0x7b: {  	_ =	shalt  }
0x7c: {  	_ =	shalt  }
0x7d: {  	_ =	shalt  }
0x7e: {  	_ =	shalt  }
0x7f: {  	_ =	shalt  }
0x80: {  	_ =	shalt  }
0x81: {  	_ =	shalt  }
0x82: {  	_ =	shalt  }
0x83: {  	_ =	shalt  }
0x84: {  	_ =	shalt  }
0x85: {  	_ =	shalt  }
0x86: {  	_ =	shalt  }
0x87: {  	_ =	shalt  }
.Lfunc_end0:
.L_simem_size_0:
called_computation_lowered:
.L_overlay_start_0:
0x88: {  	s2 =	sld [smem:$0x3FD9]  }
0x89: {  	s3 =	sld [smem:$0x3FFE];
	_ =	sdelay $0x1  }
0x8a: {  	s1 =	srdreg.scid  }
0x8b: {  	s0 =	sand.u32 $0x1, s1  }
0x8c: {  	s17 =	sshll.u32 s0, $0xA;
	s2 =	sadd.s32 s3, s2  }
0x8d: {  	s2 =	sadd.s32 s2, s17  }
0x8e: {  	[smem:$0x3FC6] =	sst s2  }
0x8f: {  	_ = 	snop  }
0x90: {  	s2 =	sld [smem:$0x3FD0];
	(tm) =	ssettm $0x1  }
0x91: {  	s18 =	sld [smem:$0x3FFB];
	_ =	sdelay $0x3  }
0x92: {  	_ =	strace s18  }
0x93: {  	s3 =	sld [smem:$0x3FFC];
	_ =	sdelay $0x3  }
0x94: {  	_ =	strace s3  }
0x95: {  	s3 =	sld [smem:$0x3FFD];
	_ =	sdelay $0x3  }
0x96: {  	_ =	strace s3  }
0x97: {  	_ =	strace $0x8FFFFFFF  }
0x98: {  	s19 =	sld [smem:$0x3FDB];
	_ =	sdelay $0x1  }
0x99: {  	s4 =	simm.s32 $_scs_section_size  }
0x9a: {  	s5 =	simm.s32 $_size__tile_overlayer_lowered;
	s6 =	simm.s32 $_tile_overlayer_lowered  }
0x9b: {  	s22 =	simm.s32 $0x1BFF;
	s21 =	sshll.u32 s6, $0x1;
	s3 =	sadd.s32 s4, s19  }
0x9c: {  	s7 =	simm.s32 $0x0;
	s20 =	sshll.u32 s5, $0x1;
	s5 =	sadd.s32 s21, s3  }
0x9d: {  	[timem:s7], [sflag:s22] =	dma.local [hbm:s5], s20  }
0x9e: {  	_ =	swait.ge [sflag:s22], s20  }
0x9f: {  	s4 =	ssub.s32 $0x0, s20;
	[sflag:s22] =	ssyncset.done $0x0  }
0xa0: {  	[sflag:s22] =	ssyncadd.s32 s4;
	_ =	sdelay $0x1  }
0xa1: {  	s23 =	simm.s32 $0x1B8B  }
0xa2: {  	_ =	swait.ge [sflag:s23], $0x1  }
0xa3: {  	[sflag:s23] =	ssyncset.done $0x0  }
0xa4: {  	s25 =	simm.s32 $0x1B8E;
	s24 =	sld [smem:$0x3FFE];
	[sflag:s23] =	ssyncadd.s32 $0xFFFFFFFF  }
0xa5: {  	s26 =	simm.s32 $execute0_lowered;
	[smem:$0x3FD2] =	sst s25  }
0xa6: {  	s5 =	sshll.u32 s26, $0x1;
	_ =	strace $0x80000046;
	[dreg:$0x1] =	wrdreg $0xFFFFFFFF  }
0xa7: {  	s28 =	simm.s32 $_size_execute0_lowered;
	s3 =	sadd.s32 s3, s5;
	[dreg:$0x0] =	wrdreg $0x0  }
0xa8: {  	s5 =	sshll.u32 s28, $0x1;
	[dreg:$0x2] =	wrdreg s3  }
0xa9: {  	[dreg:$0x3] =	wrdreg s5  }
0xaa: {  	[dreg:$0x4] =	wrdreg $0xC0  }
0xab: {  	_ =	task [dreg:s7], $0x5FFFF  }
0xac: {  	[dreg:$0x1] =	wrdreg $0xFFFFFFFF  }
0xad: {  	[dreg:$0x0] =	wrdreg $0x60  }
0xae: {  	[dreg:$0x2] =	wrdreg s24  }
0xaf: {  	[dreg:$0x3] =	wrdreg s2  }
0xb0: {  	[dreg:$0x4] =	wrdreg $0x9  }
0xb1: {  	_ =	task.clear_ibuf [dreg:s7], $0x5FFFF;
	_ =	strace $0x90000046  }
0xb2: {  	s29 =	simm.s32 $0x9;
	_ =	strace $0x80000048  }
0xb3: {  	_ =	swait.ge [sflag:s29], $0x1  }
0xb4: {  	[sflag:s29] =	ssyncadd.s32 $0xFFFFFFFF  }
0xb5: {  	_ =	strace $0x90000048  }
0xb6: {  	_ =	sfence  }
0xb7: {  	s30 =	sld [smem:$0x0];
	_ =	sdelay $0x2  }
0xb8: {  	s31 =	sshll.u32 s1, $0xD;
	s1 =	sshrl.u32 s1, $0x2  }
0xb9: {  	s3 =	sand.u32 $0x4000, s31;
	s1 =	sadd.s32 s1, s30  }
0xba: {  	s0 =	sor.u32 s3, s0;
	s1 =	sshll.u32 s1, $0x11  }
0xbb: {  	s0 =	sor.u32 s1, s0  }
0xbc: {  	s0 =	sadd.s32 $0x8F2B, s0  }
0xbd: {  	[sflag:s0] =	ssyncadd.remote.s32 $0x1  }
0xbe: {  	_ =	sfence.sel $0xFFFF  }
0xbf: {  	[dreg:$0x0] =	wrdreg $0xFFFFFFFF;
	(pc) =	sbr.abs _section_cstart, $3  }
0xc0: {  	[dreg:$0x1] =	wrdreg $0xFFFFFFFF  }
0xc1: {  	_ =	task.clear_ibuf [dreg:s7], $0x2FFFF;
	_ =	strace $0x9FFFFFFF  }
0xc2: {  	(tm) =	ssettm $0x7FFFFFFF  }
0xc3: {  	_ =	shalt  }
tec
execute0_lowered:
.L_overlay_start_1:
0x0: {  	(tag) =	ssettag $0x1  }
0x1: {  	s0 =	rddreg [dreg:$0x0];
	s2 =	simm.s32 $0x0  }
0x2: {  	s13 =	simm.s32 $0x12400;
	[smem:$0x7FF] =	sst s2  }
0x3: {  	s14 =	simm.s32 $0x12800;
	_ =	strace $0x80000047;
	[dreg:$0x3] =	wrdreg s13  }
0x4: {  	s15 =	simm.s32 $0x12480;
	[dreg:$0x4] =	wrdreg s14  }
0x5: {  	s16 =	simm.s32 $0x12880;
	[dreg:$0x5] =	wrdreg s15  }
0x6: {  	s5 =	sadd.s32 $0x200400, s0;
	[dreg:$0x6] =	wrdreg s16  }
0x7: {  	s17 =	simm.s32 $0x12500;
	[dreg:$0x13] =	wrdreg s5  }
0x8: {  	s6 =	sadd.s32 $0x3F4400, s0;
	[dreg:$0x7] =	wrdreg s17  }
0x9: {  	s1 =	srdreg.scid;
	s19 =	simm.s32 $0x12900;
	[dreg:$0x14] =	wrdreg s6  }
0xa: {  	s4 =	stileid.u32;
	s21 =	simm.s32 $0x12580;
	[dreg:$0x8] =	wrdreg s19  }
0xb: {  	s22 =	simm.s32 $0x12980;
	s23 =	simm.s32 $0x12600;
	[dreg:$0x9] =	wrdreg s21  }
0xc: {  	s24 =	simm.s32 $0x12A00;
	s25 =	simm.s32 $0x12680;
	[dreg:$0xa] =	wrdreg s22  }
0xd: {  	s26 =	simm.s32 $0x12A80;
	s28 =	simm.s32 $0x12700;
	[dreg:$0xb] =	wrdreg s23  }
0xe: {  	s29 =	simm.s32 $0x12B00;
	s30 =	simm.s32 $0x12780;
	[dreg:$0xc] =	wrdreg s24  }
0xf: {  	s31 =	simm.s32 $0x12B80;
	s1 =	sand.u32 $0x1, s1;
	[dreg:$0xd] =	wrdreg s25  }
0x10: {  	s4 =	sshll.u32 s4, $0x1;
	s3 =	ssub.s32 $0x2, s1;
	[dreg:$0xe] =	wrdreg s26  }
0x11: {  	s1 =	sor.u32 s1, s4;
	s13 =	simm.s32 $0x10480;
	[dreg:$0xf] =	wrdreg s28  }
0x12: {  	s14 =	simm.s32 $0x10900;
	s15 =	simm.s32 $0x10D80;
	[dreg:$0x10] =	wrdreg s29  }
0x13: {  	s16 =	simm.s32 $0x11200;
	s17 =	simm.s32 $0x11680;
	[dreg:$0x11] =	wrdreg s30  }
0x14: {  	s19 =	simm.s32 $0x11F80;
	s12 =	sshrl.u32 s3, $0x1;
	s4 =	smul.u32 $0xFA00, s1  }
0x15: {  	[dreg:$0x12] =	wrdreg s31;
	s7 =	sshll.u32 s1, $0x9;
	s0 =	ssub.s32 s3, s12  }
0x16: {  	s12 =	simm.s32 $0x10000;
	[dreg:$0x15] =	wrdreg s7;
	s18 =	sadd.s32 s5, s4  }
0x17: {  	s3 =	simm.s32 $0x0;
	s20 =	sadd.s32 s6, s4;
	[dreg:$0x16] =	wrdreg s18  }
0x18: {  	v0 =	vimm.f32 $-1.000000000e+00;
	v1 =	vimm.f32 $0.0e+00;
	v2 =	vlaneseq.u32;
	s0 =	smax.u32 s0, $0x1;
	s4 =	simm.s32 $0x7D80;
	[dreg:$0x17] =	wrdreg s20  }
0x19: {  	v3 =	vimm.s32 $0x0;
	vm0 =	vmmov $0xff;
	v4 =	vmul.u32 $0x41, v2;
	[dreg:$0x18] =	wrdreg s0;
	s18 =	simm.s32 $0x11B00;
	s20 =	simm.s32 $0xFB00  }
.LBB2_1:
0x1a: {  	[tilespmem:$0x10000] =	vst v0  }
0x1b: {  	[tilespmem:$0x10010] =	vst v0  }
0x1c: {  	[tilespmem:$0x10020] =	vst v0  }
0x1d: {  	[tilespmem:$0x10030] =	vst v0  }
0x1e: {  	[tilespmem:$0x10040] =	vst v0  }
0x1f: {  	[tilespmem:$0x10050] =	vst v0  }
0x20: {  	[tilespmem:$0x10060] =	vst v0  }
0x21: {  	[tilespmem:$0x10070] =	vst v0  }
0x22: {  	[tilespmem:$0x10080] =	vst v0  }
0x23: {  	[tilespmem:$0x10090] =	vst v0  }
0x24: {  	[tilespmem:$0x100A0] =	vst v0  }
0x25: {  	[tilespmem:$0x100B0] =	vst v0  }
0x26: {  	[tilespmem:$0x100C0] =	vst v0  }
0x27: {  	[tilespmem:$0x100D0] =	vst v0  }
0x28: {  	[tilespmem:$0x100E0] =	vst v0  }
0x29: {  	[tilespmem:$0x100F0] =	vst v0  }
0x2a: {  	[tilespmem:$0x10100] =	vst v0  }
0x2b: {  	[tilespmem:$0x10110] =	vst v0  }
0x2c: {  	[tilespmem:$0x10120] =	vst v0  }
0x2d: {  	[tilespmem:$0x10130] =	vst v0  }
0x2e: {  	[tilespmem:$0x10140] =	vst v0  }
0x2f: {  	[tilespmem:$0x10150] =	vst v0  }
0x30: {  	[tilespmem:$0x10160] =	vst v0  }
0x31: {  	[tilespmem:$0x10170] =	vst v0  }
0x32: {  	[tilespmem:$0x10180] =	vst v0  }
0x33: {  	[tilespmem:$0x10190] =	vst v0  }
0x34: {  	[tilespmem:$0x101A0] =	vst v0  }
0x35: {  	[tilespmem:$0x101B0] =	vst v0  }
0x36: {  	[tilespmem:$0x101C0] =	vst v0  }
0x37: {  	[tilespmem:$0x101D0] =	vst v0  }
0x38: {  	[tilespmem:$0x101E0] =	vst v0  }
0x39: {  	[tilespmem:$0x101F0] =	vst v0  }
0x3a: {  	[tilespmem:$0x10200] =	vst v0  }
0x3b: {  	[tilespmem:$0x10210] =	vst v0  }
0x3c: {  	[tilespmem:$0x10220] =	vst v0  }
0x3d: {  	[tilespmem:$0x10230] =	vst v0  }
0x3e: {  	[tilespmem:$0x10240] =	vst v0  }
0x3f: {  	[tilespmem:$0x10250] =	vst v0  }
0x40: {  	[tilespmem:$0x10260] =	vst v0  }
0x41: {  	[tilespmem:$0x10270] =	vst v0  }
0x42: {  	[dreg:$0x19] =	wrdreg s3;
	[tilespmem:$0x10280] =	vst v0  }
0x43: {  	[tilespmem:$0x10290] =	vst v0  }
0x44: {  	[tilespmem:$0x102A0] =	vst v0  }
0x45: {  	[tilespmem:$0x102B0] =	vst v0  }
0x46: {  	[tilespmem:$0x102C0] =	vst v0  }
0x47: {  	[tilespmem:$0x102D0] =	vst v0  }
0x48: {  	[tilespmem:$0x102E0] =	vst v0  }
0x49: {  	[tilespmem:$0x102F0] =	vst v0  }
0x4a: {  	[tilespmem:$0x10300] =	vst v0  }
0x4b: {  	[tilespmem:$0x10310] =	vst v0  }
0x4c: {  	[tilespmem:$0x10320] =	vst v0  }
0x4d: {  	[tilespmem:$0x10330] =	vst v0  }
0x4e: {  	[tilespmem:$0x10340] =	vst v0  }
0x4f: {  	[tilespmem:$0x10350] =	vst v0  }
0x50: {  	[tilespmem:$0x10360] =	vst v0  }
0x51: {  	[tilespmem:$0x10370] =	vst v0  }
0x52: {  	[tilespmem:$0x10380] =	vst v0  }
0x53: {  	[tilespmem:$0x10390] =	vst v0  }
0x54: {  	[tilespmem:$0x103A0] =	vst v0  }
0x55: {  	[tilespmem:$0x103B0] =	vst v0  }
0x56: {  	[tilespmem:$0x103C0] =	vst v0  }
0x57: {  	[tilespmem:$0x103D0] =	vst v0  }
0x58: {  	[tilespmem:$0x103E0] =	vst v0  }
0x59: {  	[tilespmem:$0x103F0] =	vst v0  }
0x5a: {  	[tilespmem:$0x10400] =	vst v0  }
0x5b: {  	[tilespmem:$0x10480] =	vst v0  }
0x5c: {  	[tilespmem:$0x10490] =	vst v0  }
0x5d: {  	[tilespmem:$0x104A0] =	vst v0  }
0x5e: {  	[tilespmem:$0x104B0] =	vst v0  }
0x5f: {  	[tilespmem:$0x104C0] =	vst v0  }
0x60: {  	[tilespmem:$0x104D0] =	vst v0  }
0x61: {  	[tilespmem:$0x104E0] =	vst v0  }
0x62: {  	[tilespmem:$0x104F0] =	vst v0  }
0x63: {  	[tilespmem:$0x10500] =	vst v0  }
0x64: {  	[tilespmem:$0x10510] =	vst v0  }
0x65: {  	[tilespmem:$0x10520] =	vst v0  }
0x66: {  	[tilespmem:$0x10530] =	vst v0  }
0x67: {  	[tilespmem:$0x10540] =	vst v0  }
0x68: {  	[tilespmem:$0x10550] =	vst v0  }
0x69: {  	[tilespmem:$0x10560] =	vst v0  }
0x6a: {  	[tilespmem:$0x10570] =	vst v0  }
0x6b: {  	[tilespmem:$0x10580] =	vst v0  }
0x6c: {  	[tilespmem:$0x10590] =	vst v0  }
0x6d: {  	[tilespmem:$0x105A0] =	vst v0  }
0x6e: {  	[tilespmem:$0x105B0] =	vst v0  }
0x6f: {  	[tilespmem:$0x105C0] =	vst v0  }
0x70: {  	[tilespmem:$0x105D0] =	vst v0  }
0x71: {  	[tilespmem:$0x105E0] =	vst v0  }
0x72: {  	[tilespmem:$0x105F0] =	vst v0  }
0x73: {  	[tilespmem:$0x10600] =	vst v0  }
0x74: {  	[tilespmem:$0x10610] =	vst v0  }
0x75: {  	[tilespmem:$0x10620] =	vst v0  }
0x76: {  	[tilespmem:$0x10630] =	vst v0  }
0x77: {  	[tilespmem:$0x10640] =	vst v0  }
0x78: {  	[tilespmem:$0x10650] =	vst v0  }
0x79: {  	[tilespmem:$0x10660] =	vst v0  }
0x7a: {  	[tilespmem:$0x10670] =	vst v0  }
0x7b: {  	[tilespmem:$0x10680] =	vst v0  }
0x7c: {  	[tilespmem:$0x10690] =	vst v0  }
0x7d: {  	[tilespmem:$0x106A0] =	vst v0  }
0x7e: {  	[tilespmem:$0x106B0] =	vst v0  }
0x7f: {  	[tilespmem:$0x106C0] =	vst v0  }
0x80: {  	[tilespmem:$0x106D0] =	vst v0  }
0x81: {  	[tilespmem:$0x106E0] =	vst v0  }
0x82: {  	[tilespmem:$0x106F0] =	vst v0  }
0x83: {  	[tilespmem:$0x10700] =	vst v0  }
0x84: {  	[tilespmem:$0x10710] =	vst v0  }
0x85: {  	[tilespmem:$0x10720] =	vst v0  }
0x86: {  	[tilespmem:$0x10730] =	vst v0  }
0x87: {  	[tilespmem:$0x10740] =	vst v0  }
0x88: {  	[tilespmem:$0x10750] =	vst v0  }
0x89: {  	[tilespmem:$0x10760] =	vst v0  }
0x8a: {  	[tilespmem:$0x10770] =	vst v0  }
0x8b: {  	[tilespmem:$0x10780] =	vst v0  }
0x8c: {  	[tilespmem:$0x10790] =	vst v0  }
0x8d: {  	[tilespmem:$0x107A0] =	vst v0  }
0x8e: {  	[tilespmem:$0x107B0] =	vst v0  }
0x8f: {  	[tilespmem:$0x107C0] =	vst v0  }
0x90: {  	[tilespmem:$0x107D0] =	vst v0  }
0x91: {  	[tilespmem:$0x107E0] =	vst v0  }
0x92: {  	[tilespmem:$0x107F0] =	vst v0  }
0x93: {  	[tilespmem:$0x10800] =	vst v0  }
0x94: {  	[tilespmem:$0x10810] =	vst v0  }
0x95: {  	[tilespmem:$0x10820] =	vst v0  }
0x96: {  	[tilespmem:$0x10830] =	vst v0  }
0x97: {  	[tilespmem:$0x10840] =	vst v0  }
0x98: {  	[tilespmem:$0x10850] =	vst v0  }
0x99: {  	[tilespmem:$0x10860] =	vst v0  }
0x9a: {  	[tilespmem:$0x10870] =	vst v0  }
0x9b: {  	[tilespmem:$0x10880] =	vst v0  }
0x9c: {  	[tilespmem:$0x10900] =	vst v0  }
0x9d: {  	[tilespmem:$0x10910] =	vst v0  }
0x9e: {  	[tilespmem:$0x10920] =	vst v0  }
0x9f: {  	[tilespmem:$0x10930] =	vst v0  }
0xa0: {  	[tilespmem:$0x10940] =	vst v0  }
0xa1: {  	[tilespmem:$0x10950] =	vst v0  }
0xa2: {  	[tilespmem:$0x10960] =	vst v0  }
0xa3: {  	[tilespmem:$0x10970] =	vst v0  }
0xa4: {  	[tilespmem:$0x10980] =	vst v0  }
0xa5: {  	[tilespmem:$0x10990] =	vst v0  }
0xa6: {  	[tilespmem:$0x109A0] =	vst v0  }
0xa7: {  	[tilespmem:$0x109B0] =	vst v0  }
0xa8: {  	[tilespmem:$0x109C0] =	vst v0  }
0xa9: {  	[tilespmem:$0x109D0] =	vst v0  }
0xaa: {  	[tilespmem:$0x109E0] =	vst v0  }
0xab: {  	[tilespmem:$0x109F0] =	vst v0  }
0xac: {  	[tilespmem:$0x10A00] =	vst v0  }
0xad: {  	[tilespmem:$0x10A10] =	vst v0  }
0xae: {  	[tilespmem:$0x10A20] =	vst v0  }
0xaf: {  	[tilespmem:$0x10A30] =	vst v0  }
0xb0: {  	[tilespmem:$0x10A40] =	vst v0  }
0xb1: {  	[tilespmem:$0x10A50] =	vst v0  }
0xb2: {  	[tilespmem:$0x10A60] =	vst v0  }
0xb3: {  	[tilespmem:$0x10A70] =	vst v0  }
0xb4: {  	[tilespmem:$0x10A80] =	vst v0  }
0xb5: {  	[tilespmem:$0x10A90] =	vst v0  }
0xb6: {  	[tilespmem:$0x10AA0] =	vst v0  }
0xb7: {  	[tilespmem:$0x10AB0] =	vst v0  }
0xb8: {  	[tilespmem:$0x10AC0] =	vst v0  }
0xb9: {  	[tilespmem:$0x10AD0] =	vst v0  }
0xba: {  	[tilespmem:$0x10AE0] =	vst v0  }
0xbb: {  	[tilespmem:$0x10AF0] =	vst v0  }
0xbc: {  	[tilespmem:$0x10B00] =	vst v0  }
0xbd: {  	[tilespmem:$0x10B10] =	vst v0  }
0xbe: {  	[tilespmem:$0x10B20] =	vst v0  }
0xbf: {  	[tilespmem:$0x10B30] =	vst v0  }
0xc0: {  	[tilespmem:$0x10B40] =	vst v0  }
0xc1: {  	[tilespmem:$0x10B50] =	vst v0  }
0xc2: {  	[tilespmem:$0x10B60] =	vst v0  }
0xc3: {  	[tilespmem:$0x10B70] =	vst v0  }
0xc4: {  	[tilespmem:$0x10B80] =	vst v0  }
0xc5: {  	[tilespmem:$0x10B90] =	vst v0  }
0xc6: {  	[tilespmem:$0x10BA0] =	vst v0  }
0xc7: {  	[tilespmem:$0x10BB0] =	vst v0  }
0xc8: {  	[tilespmem:$0x10BC0] =	vst v0  }
0xc9: {  	[tilespmem:$0x10BD0] =	vst v0  }
0xca: {  	[tilespmem:$0x10BE0] =	vst v0  }
0xcb: {  	[tilespmem:$0x10BF0] =	vst v0  }
0xcc: {  	[tilespmem:$0x10C00] =	vst v0  }
0xcd: {  	[tilespmem:$0x10C10] =	vst v0  }
0xce: {  	[tilespmem:$0x10C20] =	vst v0  }
0xcf: {  	[tilespmem:$0x10C30] =	vst v0  }
0xd0: {  	[tilespmem:$0x10C40] =	vst v0  }
0xd1: {  	[tilespmem:$0x10C50] =	vst v0  }
0xd2: {  	[tilespmem:$0x10C60] =	vst v0  }
0xd3: {  	[tilespmem:$0x10C70] =	vst v0  }
0xd4: {  	[tilespmem:$0x10C80] =	vst v0  }
0xd5: {  	[tilespmem:$0x10C90] =	vst v0  }
0xd6: {  	[tilespmem:$0x10CA0] =	vst v0  }
0xd7: {  	[tilespmem:$0x10CB0] =	vst v0  }
0xd8: {  	[tilespmem:$0x10CC0] =	vst v0  }
0xd9: {  	[tilespmem:$0x10CD0] =	vst v0  }
0xda: {  	[tilespmem:$0x10CE0] =	vst v0  }
0xdb: {  	[tilespmem:$0x10CF0] =	vst v0  }
0xdc: {  	[tilespmem:$0x10D00] =	vst v0  }
0xdd: {  	[tilespmem:$0x10D80] =	vst v0  }
0xde: {  	[tilespmem:$0x10D90] =	vst v0  }
0xdf: {  	[tilespmem:$0x10DA0] =	vst v0  }
0xe0: {  	[tilespmem:$0x10DB0] =	vst v0  }
0xe1: {  	[tilespmem:$0x10DC0] =	vst v0  }
0xe2: {  	[tilespmem:$0x10DD0] =	vst v0  }
0xe3: {  	[tilespmem:$0x10DE0] =	vst v0  }
0xe4: {  	[tilespmem:$0x10DF0] =	vst v0  }
0xe5: {  	[tilespmem:$0x10E00] =	vst v0  }
0xe6: {  	[tilespmem:$0x10E10] =	vst v0  }
0xe7: {  	[tilespmem:$0x10E20] =	vst v0  }
0xe8: {  	[tilespmem:$0x10E30] =	vst v0  }
0xe9: {  	[tilespmem:$0x10E40] =	vst v0  }
0xea: {  	[tilespmem:$0x10E50] =	vst v0  }
0xeb: {  	[tilespmem:$0x10E60] =	vst v0  }
0xec: {  	[tilespmem:$0x10E70] =	vst v0  }
0xed: {  	[tilespmem:$0x10E80] =	vst v0  }
0xee: {  	[tilespmem:$0x10E90] =	vst v0  }
0xef: {  	[tilespmem:$0x10EA0] =	vst v0  }
0xf0: {  	[tilespmem:$0x10EB0] =	vst v0  }
0xf1: {  	[tilespmem:$0x10EC0] =	vst v0  }
0xf2: {  	[tilespmem:$0x10ED0] =	vst v0  }
0xf3: {  	[tilespmem:$0x10EE0] =	vst v0  }
0xf4: {  	[tilespmem:$0x10EF0] =	vst v0  }
0xf5: {  	[tilespmem:$0x10F00] =	vst v0  }
0xf6: {  	[tilespmem:$0x10F10] =	vst v0  }
0xf7: {  	[tilespmem:$0x10F20] =	vst v0  }
0xf8: {  	[tilespmem:$0x10F30] =	vst v0  }
0xf9: {  	[tilespmem:$0x10F40] =	vst v0  }
0xfa: {  	[tilespmem:$0x10F50] =	vst v0  }
0xfb: {  	[tilespmem:$0x10F60] =	vst v0  }
0xfc: {  	[tilespmem:$0x10F70] =	vst v0  }
0xfd: {  	[tilespmem:$0x10F80] =	vst v0  }
0xfe: {  	[tilespmem:$0x10F90] =	vst v0  }
0xff: {  	[tilespmem:$0x10FA0] =	vst v0  }
0x100: {  	[tilespmem:$0x10FB0] =	vst v0  }
0x101: {  	[tilespmem:$0x10FC0] =	vst v0  }
0x102: {  	[tilespmem:$0x10FD0] =	vst v0  }
0x103: {  	[tilespmem:$0x10FE0] =	vst v0  }
0x104: {  	[tilespmem:$0x10FF0] =	vst v0  }
0x105: {  	[tilespmem:$0x11000] =	vst v0  }
0x106: {  	[tilespmem:$0x11010] =	vst v0  }
0x107: {  	[tilespmem:$0x11020] =	vst v0  }
0x108: {  	[tilespmem:$0x11030] =	vst v0  }
0x109: {  	[tilespmem:$0x11040] =	vst v0  }
0x10a: {  	[tilespmem:$0x11050] =	vst v0  }
0x10b: {  	[tilespmem:$0x11060] =	vst v0  }
0x10c: {  	[tilespmem:$0x11070] =	vst v0  }
0x10d: {  	[tilespmem:$0x11080] =	vst v0  }
0x10e: {  	[tilespmem:$0x11090] =	vst v0  }
0x10f: {  	[tilespmem:$0x110A0] =	vst v0  }
0x110: {  	[tilespmem:$0x110B0] =	vst v0  }
0x111: {  	[tilespmem:$0x110C0] =	vst v0  }
0x112: {  	[tilespmem:$0x110D0] =	vst v0  }
0x113: {  	[tilespmem:$0x110E0] =	vst v0  }
0x114: {  	[tilespmem:$0x110F0] =	vst v0  }
0x115: {  	[tilespmem:$0x11100] =	vst v0  }
0x116: {  	[tilespmem:$0x11110] =	vst v0  }
0x117: {  	[tilespmem:$0x11120] =	vst v0  }
0x118: {  	[tilespmem:$0x11130] =	vst v0  }
0x119: {  	[tilespmem:$0x11140] =	vst v0  }
0x11a: {  	[tilespmem:$0x11150] =	vst v0  }
0x11b: {  	[tilespmem:$0x11160] =	vst v0  }
0x11c: {  	[tilespmem:$0x11170] =	vst v0  }
0x11d: {  	[tilespmem:$0x11180] =	vst v0  }
0x11e: {  	[tilespmem:$0x11200] =	vst v0  }
0x11f: {  	[tilespmem:$0x11210] =	vst v0  }
0x120: {  	[tilespmem:$0x11220] =	vst v0  }
0x121: {  	[tilespmem:$0x11230] =	vst v0  }
0x122: {  	[tilespmem:$0x11240] =	vst v0  }
0x123: {  	[tilespmem:$0x11250] =	vst v0  }
0x124: {  	[tilespmem:$0x11260] =	vst v0  }
0x125: {  	[tilespmem:$0x11270] =	vst v0  }
0x126: {  	[tilespmem:$0x11280] =	vst v0  }
0x127: {  	[tilespmem:$0x11290] =	vst v0  }
0x128: {  	[tilespmem:$0x112A0] =	vst v0  }
0x129: {  	[tilespmem:$0x112B0] =	vst v0  }
0x12a: {  	[tilespmem:$0x112C0] =	vst v0  }
0x12b: {  	[tilespmem:$0x112D0] =	vst v0  }
0x12c: {  	[tilespmem:$0x112E0] =	vst v0  }
0x12d: {  	[tilespmem:$0x112F0] =	vst v0  }
0x12e: {  	[tilespmem:$0x11300] =	vst v0  }
0x12f: {  	[tilespmem:$0x11310] =	vst v0  }
0x130: {  	[tilespmem:$0x11320] =	vst v0  }
0x131: {  	[tilespmem:$0x11330] =	vst v0  }
0x132: {  	[tilespmem:$0x11340] =	vst v0  }
0x133: {  	[tilespmem:$0x11350] =	vst v0  }
0x134: {  	[tilespmem:$0x11360] =	vst v0  }
0x135: {  	[tilespmem:$0x11370] =	vst v0  }
0x136: {  	[tilespmem:$0x11380] =	vst v0  }
0x137: {  	[tilespmem:$0x11390] =	vst v0  }
0x138: {  	[tilespmem:$0x113A0] =	vst v0  }
0x139: {  	[tilespmem:$0x113B0] =	vst v0  }
0x13a: {  	[tilespmem:$0x113C0] =	vst v0  }
0x13b: {  	[tilespmem:$0x113D0] =	vst v0  }
0x13c: {  	[tilespmem:$0x113E0] =	vst v0  }
0x13d: {  	[tilespmem:$0x113F0] =	vst v0  }
0x13e: {  	[tilespmem:$0x11400] =	vst v0  }
0x13f: {  	[tilespmem:$0x11410] =	vst v0  }
0x140: {  	[tilespmem:$0x127A0] =	vst v1  }
0x141: {  	[tilespmem:$0x12B20] =	vst v3  }
0x142: {  	[tilespmem:$0x12BA0] =	vst v3  }
0x143: {  	[tilespmem:$0x11420] =	vst v0  }
0x144: {  	[tilespmem:$0x11430] =	vst v0  }
0x145: {  	[tilespmem:$0x11440] =	vst v0  }
0x146: {  	[tilespmem:$0x11450] =	vst v0  }
0x147: {  	[tilespmem:$0x11460] =	vst v0  }
0x148: {  	[tilespmem:$0x11470] =	vst v0  }
0x149: {  	[tilespmem:$0x11480] =	vst v0  }
0x14a: {  	[tilespmem:$0x11490] =	vst v0  }
0x14b: {  	[tilespmem:$0x114A0] =	vst v0  }
0x14c: {  	[tilespmem:$0x114B0] =	vst v0  }
0x14d: {  	[tilespmem:$0x114C0] =	vst v0  }
0x14e: {  	[tilespmem:$0x114D0] =	vst v0  }
0x14f: {  	[tilespmem:$0x114E0] =	vst v0  }
0x150: {  	[tilespmem:$0x114F0] =	vst v0  }
0x151: {  	[tilespmem:$0x11500] =	vst v0  }
0x152: {  	[tilespmem:$0x11510] =	vst v0  }
0x153: {  	[tilespmem:$0x11520] =	vst v0  }
0x154: {  	[tilespmem:$0x11530] =	vst v0  }
0x155: {  	[tilespmem:$0x11540] =	vst v0  }
0x156: {  	[tilespmem:$0x11550] =	vst v0  }
0x157: {  	[tilespmem:$0x11560] =	vst v0  }
0x158: {  	[tilespmem:$0x11570] =	vst v0  }
0x159: {  	[tilespmem:$0x11580] =	vst v0  }
0x15a: {  	[tilespmem:$0x11590] =	vst v0  }
0x15b: {  	[tilespmem:$0x115A0] =	vst v0  }
0x15c: {  	[tilespmem:$0x115B0] =	vst v0  }
0x15d: {  	[tilespmem:$0x115C0] =	vst v0  }
0x15e: {  	[tilespmem:$0x115D0] =	vst v0  }
0x15f: {  	[tilespmem:$0x115E0] =	vst v0  }
0x160: {  	[tilespmem:$0x115F0] =	vst v0  }
0x161: {  	[tilespmem:$0x11600] =	vst v0  }
0x162: {  	[tilespmem:$0x11680] =	vst v0  }
0x163: {  	[tilespmem:$0x11690] =	vst v0  }
0x164: {  	[tilespmem:$0x116A0] =	vst v0  }
0x165: {  	[tilespmem:$0x116B0] =	vst v0  }
0x166: {  	[tilespmem:$0x116C0] =	vst v0  }
0x167: {  	[tilespmem:$0x116D0] =	vst v0  }
0x168: {  	[tilespmem:$0x116E0] =	vst v0  }
0x169: {  	[tilespmem:$0x116F0] =	vst v0  }
0x16a: {  	[tilespmem:$0x11700] =	vst v0  }
0x16b: {  	[tilespmem:$0x11710] =	vst v0  }
0x16c: {  	[tilespmem:$0x11720] =	vst v0  }
0x16d: {  	[tilespmem:$0x11730] =	vst v0  }
0x16e: {  	[tilespmem:$0x11740] =	vst v0  }
0x16f: {  	[tilespmem:$0x11750] =	vst v0  }
0x170: {  	[tilespmem:$0x11760] =	vst v0  }
0x171: {  	[tilespmem:$0x11770] =	vst v0  }
0x172: {  	[tilespmem:$0x11780] =	vst v0  }
0x173: {  	[tilespmem:$0x11790] =	vst v0  }
0x174: {  	[tilespmem:$0x117A0] =	vst v0  }
0x175: {  	[tilespmem:$0x117B0] =	vst v0  }
0x176: {  	[tilespmem:$0x117C0] =	vst v0  }
0x177: {  	[tilespmem:$0x117D0] =	vst v0  }
0x178: {  	[tilespmem:$0x117E0] =	vst v0  }
0x179: {  	[tilespmem:$0x117F0] =	vst v0  }
0x17a: {  	[tilespmem:$0x11800] =	vst v0  }
0x17b: {  	[tilespmem:$0x11810] =	vst v0  }
0x17c: {  	[tilespmem:$0x11820] =	vst v0  }
0x17d: {  	[tilespmem:$0x11830] =	vst v0  }
0x17e: {  	[tilespmem:$0x11840] =	vst v0  }
0x17f: {  	[tilespmem:$0x11850] =	vst v0  }
0x180: {  	[tilespmem:$0x11860] =	vst v0  }
0x181: {  	[tilespmem:$0x11870] =	vst v0  }
0x182: {  	[tilespmem:$0x11880] =	vst v0  }
0x183: {  	[tilespmem:$0x11890] =	vst v0  }
0x184: {  	[tilespmem:$0x118A0] =	vst v0  }
0x185: {  	[tilespmem:$0x118B0] =	vst v0  }
0x186: {  	[tilespmem:$0x118C0] =	vst v0  }
0x187: {  	[tilespmem:$0x118D0] =	vst v0  }
0x188: {  	[tilespmem:$0x118E0] =	vst v0  }
0x189: {  	[tilespmem:$0x118F0] =	vst v0  }
0x18a: {  	[tilespmem:$0x11900] =	vst v0  }
0x18b: {  	[tilespmem:$0x11910] =	vst v0  }
0x18c: {  	[tilespmem:$0x11920] =	vst v0  }
0x18d: {  	[tilespmem:$0x11930] =	vst v0  }
0x18e: {  	[tilespmem:$0x11940] =	vst v0  }
0x18f: {  	[tilespmem:$0x11950] =	vst v0  }
0x190: {  	[tilespmem:$0x11960] =	vst v0  }
0x191: {  	[tilespmem:$0x11970] =	vst v0  }
0x192: {  	[tilespmem:$0x11980] =	vst v0  }
0x193: {  	[tilespmem:$0x11990] =	vst v0  }
0x194: {  	[tilespmem:$0x119A0] =	vst v0  }
0x195: {  	[tilespmem:$0x119B0] =	vst v0  }
0x196: {  	[tilespmem:$0x119C0] =	vst v0  }
0x197: {  	[tilespmem:$0x119D0] =	vst v0  }
0x198: {  	[tilespmem:$0x119E0] =	vst v0  }
0x199: {  	[tilespmem:$0x119F0] =	vst v0  }
0x19a: {  	[tilespmem:$0x11A00] =	vst v0  }
0x19b: {  	[tilespmem:$0x11A10] =	vst v0  }
0x19c: {  	[tilespmem:$0x11A20] =	vst v0  }
0x19d: {  	[tilespmem:$0x11A30] =	vst v0  }
0x19e: {  	[tilespmem:$0x11A40] =	vst v0  }
0x19f: {  	[tilespmem:$0x11A50] =	vst v0  }
0x1a0: {  	[tilespmem:$0x11A60] =	vst v0  }
0x1a1: {  	[tilespmem:$0x11A70] =	vst v0  }
0x1a2: {  	[tilespmem:$0x11A80] =	vst v0  }
0x1a3: {  	[tilespmem:$0x11B00] =	vst v0  }
0x1a4: {  	[tilespmem:$0x11B10] =	vst v0  }
0x1a5: {  	[tilespmem:$0x11B20] =	vst v0  }
0x1a6: {  	[tilespmem:$0x11B30] =	vst v0  }
0x1a7: {  	[tilespmem:$0x11B40] =	vst v0  }
0x1a8: {  	[tilespmem:$0x11B50] =	vst v0  }
0x1a9: {  	[tilespmem:$0x11B60] =	vst v0  }
0x1aa: {  	[tilespmem:$0x11B70] =	vst v0  }
0x1ab: {  	[tilespmem:$0x11B80] =	vst v0  }
0x1ac: {  	[tilespmem:$0x11B90] =	vst v0  }
0x1ad: {  	[tilespmem:$0x11BA0] =	vst v0  }
0x1ae: {  	[tilespmem:$0x11BB0] =	vst v0  }
0x1af: {  	[tilespmem:$0x11BC0] =	vst v0  }
0x1b0: {  	[tilespmem:$0x11BD0] =	vst v0  }
0x1b1: {  	[tilespmem:$0x11BE0] =	vst v0  }
0x1b2: {  	[tilespmem:$0x11BF0] =	vst v0  }
0x1b3: {  	[tilespmem:$0x11C00] =	vst v0  }
0x1b4: {  	[tilespmem:$0x11C10] =	vst v0  }
0x1b5: {  	[tilespmem:$0x11C20] =	vst v0  }
0x1b6: {  	[tilespmem:$0x11C30] =	vst v0  }
0x1b7: {  	[tilespmem:$0x11C40] =	vst v0  }
0x1b8: {  	[tilespmem:$0x11C50] =	vst v0  }
0x1b9: {  	[tilespmem:$0x11C60] =	vst v0  }
0x1ba: {  	[tilespmem:$0x11C70] =	vst v0  }
0x1bb: {  	[tilespmem:$0x11C80] =	vst v0  }
0x1bc: {  	[tilespmem:$0x11C90] =	vst v0  }
0x1bd: {  	[tilespmem:$0x11CA0] =	vst v0  }
0x1be: {  	[tilespmem:$0x11CB0] =	vst v0  }
0x1bf: {  	[tilespmem:$0x11CC0] =	vst v0  }
0x1c0: {  	[tilespmem:$0x11CD0] =	vst v0  }
0x1c1: {  	[tilespmem:$0x11CE0] =	vst v0  }
0x1c2: {  	[tilespmem:$0x11CF0] =	vst v0  }
0x1c3: {  	[tilespmem:$0x11D00] =	vst v0  }
0x1c4: {  	[tilespmem:$0x11D10] =	vst v0  }
0x1c5: {  	[tilespmem:$0x11D20] =	vst v0  }
0x1c6: {  	[tilespmem:$0x11D30] =	vst v0  }
0x1c7: {  	[tilespmem:$0x11D40] =	vst v0  }
0x1c8: {  	[tilespmem:$0x11D50] =	vst v0  }
0x1c9: {  	[tilespmem:$0x11D60] =	vst v0  }
0x1ca: {  	[tilespmem:$0x11D70] =	vst v0  }
0x1cb: {  	[tilespmem:$0x11D80] =	vst v0  }
0x1cc: {  	[tilespmem:$0x11D90] =	vst v0  }
0x1cd: {  	[tilespmem:$0x11DA0] =	vst v0  }
0x1ce: {  	[tilespmem:$0x11DB0] =	vst v0  }
0x1cf: {  	[tilespmem:$0x11DC0] =	vst v0  }
0x1d0: {  	[tilespmem:$0x11DD0] =	vst v0  }
0x1d1: {  	[tilespmem:$0x11DE0] =	vst v0  }
0x1d2: {  	[tilespmem:$0x11DF0] =	vst v0  }
0x1d3: {  	[tilespmem:$0x11E00] =	vst v0  }
0x1d4: {  	[tilespmem:$0x11E10] =	vst v0  }
0x1d5: {  	[tilespmem:$0x11E20] =	vst v0  }
0x1d6: {  	[tilespmem:$0x11E30] =	vst v0  }
0x1d7: {  	[tilespmem:$0x11E40] =	vst v0  }
0x1d8: {  	[tilespmem:$0x11E50] =	vst v0  }
0x1d9: {  	[tilespmem:$0x11E60] =	vst v0  }
0x1da: {  	[tilespmem:$0x11E70] =	vst v0  }
0x1db: {  	[tilespmem:$0x11E80] =	vst v0  }
0x1dc: {  	[tilespmem:$0x11E90] =	vst v0  }
0x1dd: {  	[tilespmem:$0x11EA0] =	vst v0  }
0x1de: {  	[tilespmem:$0x11EB0] =	vst v0  }
0x1df: {  	[tilespmem:$0x11EC0] =	vst v0  }
0x1e0: {  	[tilespmem:$0x11ED0] =	vst v0  }
0x1e1: {  	[tilespmem:$0x11EE0] =	vst v0  }
0x1e2: {  	[tilespmem:$0x11EF0] =	vst v0  }
0x1e3: {  	[tilespmem:$0x11F00] =	vst v0  }
0x1e4: {  	[tilespmem:$0x11F80] =	vst v0  }
0x1e5: {  	[tilespmem:$0x11F90] =	vst v0  }
0x1e6: {  	[tilespmem:$0x11FA0] =	vst v0  }
0x1e7: {  	[tilespmem:$0x11FB0] =	vst v0  }
0x1e8: {  	[tilespmem:$0x11FC0] =	vst v0  }
0x1e9: {  	[tilespmem:$0x11FD0] =	vst v0  }
0x1ea: {  	[tilespmem:$0x11FE0] =	vst v0  }
0x1eb: {  	[tilespmem:$0x11FF0] =	vst v0  }
0x1ec: {  	[tilespmem:$0x12000] =	vst v0  }
0x1ed: {  	[tilespmem:$0x12010] =	vst v0  }
0x1ee: {  	[tilespmem:$0x12020] =	vst v0  }
0x1ef: {  	[tilespmem:$0x12030] =	vst v0  }
0x1f0: {  	[tilespmem:$0x12040] =	vst v0  }
0x1f1: {  	[tilespmem:$0x12050] =	vst v0  }
0x1f2: {  	[tilespmem:$0x12060] =	vst v0  }
0x1f3: {  	[tilespmem:$0x12070] =	vst v0  }
0x1f4: {  	[tilespmem:$0x12080] =	vst v0  }
0x1f5: {  	[tilespmem:$0x12090] =	vst v0  }
0x1f6: {  	[tilespmem:$0x120A0] =	vst v0  }
0x1f7: {  	[tilespmem:$0x120B0] =	vst v0  }
0x1f8: {  	[tilespmem:$0x120C0] =	vst v0  }
0x1f9: {  	[tilespmem:$0x120D0] =	vst v0  }
0x1fa: {  	[tilespmem:$0x120E0] =	vst v0  }
0x1fb: {  	[tilespmem:$0x120F0] =	vst v0  }
0x1fc: {  	[tilespmem:$0x12100] =	vst v0  }
0x1fd: {  	[tilespmem:$0x12110] =	vst v0  }
0x1fe: {  	[tilespmem:$0x12120] =	vst v0  }
0x1ff: {  	[tilespmem:$0x12130] =	vst v0  }
0x200: {  	[tilespmem:$0x12140] =	vst v0  }
0x201: {  	[tilespmem:$0x12150] =	vst v0  }
0x202: {  	[tilespmem:$0x12160] =	vst v0  }
0x203: {  	[tilespmem:$0x12170] =	vst v0  }
0x204: {  	[tilespmem:$0x12180] =	vst v0  }
0x205: {  	[tilespmem:$0x12190] =	vst v0  }
0x206: {  	[tilespmem:$0x121A0] =	vst v0  }
0x207: {  	[tilespmem:$0x121B0] =	vst v0  }
0x208: {  	[tilespmem:$0x121C0] =	vst v0  }
0x209: {  	[tilespmem:$0x121D0] =	vst v0  }
0x20a: {  	[tilespmem:$0x121E0] =	vst v0  }
0x20b: {  	[tilespmem:$0x121F0] =	vst v0  }
0x20c: {  	[tilespmem:$0x12200] =	vst v0  }
0x20d: {  	[tilespmem:$0x12210] =	vst v0  }
0x20e: {  	[tilespmem:$0x12220] =	vst v0  }
0x20f: {  	[tilespmem:$0x12230] =	vst v0  }
0x210: {  	[tilespmem:$0x12240] =	vst v0  }
0x211: {  	[tilespmem:$0x12250] =	vst v0  }
0x212: {  	[tilespmem:$0x12260] =	vst v0  }
0x213: {  	[tilespmem:$0x12270] =	vst v0  }
0x214: {  	[tilespmem:$0x12280] =	vst v0  }
0x215: {  	[tilespmem:$0x12290] =	vst v0  }
0x216: {  	[tilespmem:$0x122A0] =	vst v0  }
0x217: {  	[tilespmem:$0x122B0] =	vst v0  }
0x218: {  	[tilespmem:$0x122C0] =	vst v0  }
0x219: {  	[tilespmem:$0x122D0] =	vst v0  }
0x21a: {  	[tilespmem:$0x122E0] =	vst v0  }
0x21b: {  	[tilespmem:$0x122F0] =	vst v0  }
0x21c: {  	[tilespmem:$0x12300] =	vst v0  }
0x21d: {  	[tilespmem:$0x12310] =	vst v0  }
0x21e: {  	[tilespmem:$0x12320] =	vst v0  }
0x21f: {  	[tilespmem:$0x12330] =	vst v0  }
0x220: {  	[tilespmem:$0x12340] =	vst v0  }
0x221: {  	[tilespmem:$0x12350] =	vst v0  }
0x222: {  	[tilespmem:$0x12360] =	vst v0  }
0x223: {  	[tilespmem:$0x12370] =	vst v0  }
0x224: {  	[tilespmem:$0x12380] =	vst v0  }
0x225: {  	[tilespmem:$0x12420] =	vst v1  }
0x226: {  	[tilespmem:$0x12820] =	vst v3  }
0x227: {  	[tilespmem:$0x124A0] =	vst v1  }
0x228: {  	[tilespmem:$0x128A0] =	vst v3  }
0x229: {  	[tilespmem:$0x12520] =	vst v1  }
0x22a: {  	[tilespmem:$0x12920] =	vst v3  }
0x22b: {  	[tilespmem:$0x125A0] =	vst v1  }
0x22c: {  	[tilespmem:$0x129A0] =	vst v3  }
0x22d: {  	[tilespmem:$0x12620] =	vst v1  }
0x22e: {  	[tilespmem:$0x12A20] =	vst v3  }
0x22f: {  	[tilespmem:$0x126A0] =	vst v1  }
0x230: {  	[tilespmem:$0x12AA0] =	vst v3  }
0x231: {  	[tilespmem:$0x12720] =	vst v1;
	s0 =	rddreg [dreg:$0x16]  }
0x232: {  	[tilespmem:s2], [sflag:$0x1] =	stream.linear.gather [hbm4b:s0+s2], $0x3E80, $0x38;
	[tilespmem:$0x12C00] =	vst v63  }
0x233: {  	s5 =	simm.s32 $0x0;
	s31 =	rddreg [dreg:$0x17]  }
0x234: {  	[tilespmem:s4], [sflag:$0x1] =	stream.linear.gather [hbm4b:s31+s2], $0x3E80, $0x38;
	[tilespmem:$0x12C00] =	vst v63  }
.LBB2_2:
0x235: {  	s3 =	simm.s32 $0x1;
	s1 =	sadd.s32 $0x1, s5;
	p0 =	seq.s32 s5, $0x1F  }
0x236: {  	_ =	swait.ge [sflag:s3], $0x3E80;
	s0 =	sshll.u32 @!p0 s1, $0x4  }
0x237: {  	[sflag:s3] =	ssyncset.done $0x0;
	s0 =	sadd.s32 @!p0 s7, s0  }
0x238: {  	[sflag:s3] =	ssyncadd.s32 $0xFFFFC180;
	s0 =	smul.u32 @!p0 $0x7D, s0  }
0x239: {  	_ =	swait.ge [sflag:s3], $0x3E80;
	[dreg:$0x1a] =	wrdreg s1;
	s1 =	sand.u32 @!p0 $0x1, s1  }
0x23a: {  	[sflag:s3] =	ssyncset.done $0x0;
	p1 =	seq.s32 @!p0 s1, $0x1;
	s1 =	simm.s32 @!p0 $0x3E90  }
0x23b: {  	[sflag:s3] =	ssyncadd.s32 $0xFFFFC180;
	p1 =	por !p1, p0;
	s3 =	rddreg [dreg:$0x13]  }
0x23c: {  	s4 =	simm.s32 @!p0 $0x0;
	s1 =	simm.s32 @p1 $0x0;
	s3 =	sadd.s32 @!p0 s3, s0  }
0x23d: {  	[tilespmem:s1], [sflag:$0x1] =	stream.linear.gather @!p0 [hbm4b:s3+s4], $0x3E80, $0x38;
	[tilespmem:$0x12C00] =	vst v63  }
0x23e: {  	s3 =	rddreg [dreg:$0x14]  }
0x23f: {  	p1 =	seq.s32 @!p0 s5, $0x0;
	s1 =	sadd.s32 @!p0 $0x7D80, s1;
	s0 =	sadd.s32 @!p0 s3, s0  }
0x240: {  	[tilespmem:s1], [sflag:$0x1] =	stream.linear.gather @!p0 [hbm4b:s0+s4], $0x3E80, $0x38;
	[tilespmem:$0x12C00] =	vst v63  }
0x241: {  	p0 =	por p0, !p1  }
0x242: {  	s30 =	sand.u32 $0x1, s5;
	s0 =	simm.s32 @p0 $0x2  }
0x243: {  	s31 =	smul.u32 $0x3E90, s30;
	_ =	swait.ge @p0 [sflag:s0], $0x280  }
0x244: {  	[dreg:$0x1b] =	wrdreg s5;
	[sflag:s0] =	ssyncset.done @p0 $0x0  }
0x245: {  	[dreg:$0x1d] =	wrdreg s31;
	[sflag:s0] =	ssyncadd.s32 @p0 $0xFFFFFD80;
	s0 =	smul.u32 $0x280, s30  }
0x246: {  	[dreg:$0x1c] =	wrdreg s30  }
0x247: {  	s22 =	simm.s32 $0x0;
	p1 =	por $0x1, $0x1;
	[dreg:$0x1e] =	wrdreg s0  }
.LBB2_3:
0x248: {  	s0 =	smul.u32 $0x1F40, s22  }
0x249: {  	s4 =	rddreg [dreg:$0x1d]  }
0x24a: {  	s21 =	simm.s32 $0x0;
	s0 =	sadd.s32 s4, s0  }
0x24b: {  	v15 =	vor.u32 s21, v2;
	v12 =	vmov s0  }
0x24c: {  	s23 =	sshll.u32 s22, $0x3;
	v5 =	vadd.s32 v12, v15  }
0x24d: {  	s1 =	sor.u32 $0x1, s23  }
0x24e: {  	[smem:$0x7F8] =	sst s1;
	s1 =	smul.u32 $0x3E8, s1  }
0x24f: {  	_ = 	snop  }
0x250: {  	s3 =	simm.s32 $0x0;
	s1 =	sadd.s32 s4, s1  }
0x251: {  	v16 =	vadd.s32 s3, v4;
	v11 =	vmov s1;
	v14 =	vld.idx.msk [tilespmem:v5+s2+$0x0], $0xffff  }
0x252: {  	v5 =	vadd.s32 v11, v15  }
0x253: {  	s24 =	sor.u32 $0x2, s23  }
0x254: {  	s1 =	smul.u32 $0x3E8, s24;
	_ =	sdelay $0x1  }
0x255: {  	s1 =	sadd.s32 s4, s1;
	[tilespmem:v16+s12+$0x0] =	vst.idx.msk $0xffff, v14  }
0x256: {  	v10 =	vmov s1;
	v17 =	vld.idx.msk [tilespmem:v5+s2+$0x0], $0xffff  }
0x257: {  	v5 =	vadd.s32 v10, v15  }
0x258: {  	s25 =	sor.u32 $0x3, s23  }
0x259: {  	s1 =	smul.u32 $0x3E8, s25;
	_ =	sdelay $0x1  }
0x25a: {  	s1 =	sadd.s32 s4, s1;
	[tilespmem:v16+s13+$0x0] =	vst.idx.msk $0xffff, v17  }
0x25b: {  	v9 =	vmov s1;
	v18 =	vld.idx.msk [tilespmem:v5+s2+$0x0], $0xffff  }
0x25c: {  	v5 =	vadd.s32 v9, v15  }
0x25d: {  	s26 =	sor.u32 $0x4, s23  }
0x25e: {  	s1 =	smul.u32 $0x3E8, s26;
	_ =	sdelay $0x1  }
0x25f: {  	s1 =	sadd.s32 s4, s1;
	[tilespmem:v16+s14+$0x0] =	vst.idx.msk $0xffff, v18  }
0x260: {  	v8 =	vmov s1;
	v19 =	vld.idx.msk [tilespmem:v5+s2+$0x0], $0xffff  }
0x261: {  	v5 =	vadd.s32 v8, v15  }
0x262: {  	s28 =	sor.u32 $0x5, s23  }
0x263: {  	s1 =	smul.u32 $0x3E8, s28;
	_ =	sdelay $0x1  }
0x264: {  	s1 =	sadd.s32 s4, s1;
	[tilespmem:v16+s15+$0x0] =	vst.idx.msk $0xffff, v19  }
0x265: {  	v7 =	vmov s1;
	v20 =	vld.idx.msk [tilespmem:v5+s2+$0x0], $0xffff  }
0x266: {  	v5 =	vadd.s32 v7, v15  }
0x267: {  	s0 =	sor.u32 $0x6, s23  }
0x268: {  	[smem:$0x7FD] =	sst s0;
	s0 =	smul.u32 $0x3E8, s0  }
0x269: {  	_ = 	snop  }
0x26a: {  	s0 =	sadd.s32 s4, s0;
	[tilespmem:v16+s16+$0x0] =	vst.idx.msk $0xffff, v20  }
0x26b: {  	v6 =	vmov s0;
	v21 =	vld.idx.msk [tilespmem:v5+s2+$0x0], $0xffff  }
0x26c: {  	v13 =	vadd.s32 v6, v15  }
0x26d: {  	s29 =	sshllo.u32 s22, $0x3  }
0x26e: {  	s0 =	smul.u32 $0x3E8, s29;
	_ =	sdelay $0x1  }
0x26f: {  	s0 =	sadd.s32 s4, s0;
	[tilespmem:v16+s17+$0x0] =	vst.idx.msk $0xffff, v21  }
0x270: {  	v5 =	vmov s0;
	v22 =	vld.idx.msk [tilespmem:v13+s2+$0x0], $0xffff  }
0x271: {  	v13 =	vadd.s32 v5, v15;
	_ =	sdelay $0x3  }
0x272: {  	s30 =	simm.s32 $0x10;
	[tilespmem:v16+s18+$0x0] =	vst.idx.msk $0xffff, v22  }
0x273: {  	v23 =	vld.idx.msk [tilespmem:v13+s2+$0x0], $0xffff;
	v13 =	vor.u32 s30, v2  }
0x274: {  	v24 =	vadd.s32 v12, v13;
	_ =	sdelay $0x3  }
0x275: {  	s31 =	simm.s32 $0x1;
	[tilespmem:v16+s19+$0x0] =	vst.idx.msk $0xffff, v23  }
0x276: {  	v30 =	vadd.s32 s31, v4;
	v24 =	vld.idx.msk [tilespmem:v24+s2+$0x0], $0xffff  }
0x277: {  	v16 =	vadd.s32 v11, v13;
	_ =	sdelay $0x3  }
0x278: {  	[tilespmem:v30+s12+$0x0] =	vst.idx.msk $0xffff, v24  }
0x279: {  	v25 =	vld.idx.msk [tilespmem:v16+s2+$0x0], $0xffff  }
0x27a: {  	v16 =	vadd.s32 v10, v13;
	_ =	sdelay $0x3  }
0x27b: {  	[tilespmem:v30+s13+$0x0] =	vst.idx.msk $0xffff, v25  }
0x27c: {  	v26 =	vld.idx.msk [tilespmem:v16+s2+$0x0], $0xffff  }
0x27d: {  	v16 =	vadd.s32 v9, v13;
	_ =	sdelay $0x3  }
0x27e: {  	[tilespmem:v30+s14+$0x0] =	vst.idx.msk $0xffff, v26  }
0x27f: {  	v27 =	vld.idx.msk [tilespmem:v16+s2+$0x0], $0xffff  }
0x280: {  	v16 =	vadd.s32 v8, v13;
	_ =	sdelay $0x3  }
0x281: {  	[tilespmem:v30+s15+$0x0] =	vst.idx.msk $0xffff, v27  }
0x282: {  	v28 =	vimm.f32 $-1.000000000e+00;
	v29 =	vld.idx.msk [tilespmem:v16+s2+$0x0], $0xffff  }
0x283: {  	v31 =	vimm.s32 $0x0;
	vm1 =	vgt.f32 v14, v28;
	v16 =	vadd.s32 v7, v13  }
0x284: {  	v32 =	vsel vm1, v14, v28;
	v33 =	vsel vm1, v15, v31;
	vm1 =	vgt.f32 v17, v28  }
0x285: {  	v17 =	vsel vm1, v17, v28;
	v34 =	vsel vm1, v15, v31;
	vm1 =	vgt.f32 v19, v28  }
0x286: {  	vm2 =	vgt.f32 v18, v28;
	v36 =	vsel vm1, v19, v28  }
0x287: {  	v37 =	vsel vm1, v15, v31;
	vm1 =	vgt.f32 v20, v28;
	[tilespmem:v30+s16+$0x0] =	vst.idx.msk $0xffff, v29  }
0x288: {  	v18 =	vsel vm2, v18, v28;
	v39 =	vsel vm1, v20, v28;
	v38 =	vld.idx.msk [tilespmem:v16+s2+$0x0], $0xffff  }
0x289: {  	v40 =	vsel vm1, v15, v31;
	vm1 =	vgt.f32 v21, v28;
	v20 =	vadd.s32 v6, v13  }
0x28a: {  	v35 =	vsel vm2, v15, v31;
	v41 =	vsel vm1, v21, v28;
	vm2 =	vgt.f32 v22, v28  }
0x28b: {  	v42 =	vsel vm1, v15, v31;
	v22 =	vsel vm2, v22, v28;
	v43 =	vsel vm2, v15, v31  }
0x28c: {  	v63 =	vadd.s32 v5, v13;
	vm3 =	vgt.f32 v23, v28;
	vm1 =	vgt.f32 v24, v32  }
0x28d: {  	v14 =	vsel vm3, v23, v28;
	v23 =	vsel vm1, v24, v32;
	[tilespmem:v30+s17+$0x0] =	vst.idx.msk $0xffff, v38  }
0x28e: {  	v21 =	vsel vm1, v13, v33;
	vm2 =	vgt.f32 v25, v17;
	v16 =	vsel vm3, v15, v31;
	v31 =	vld.idx.msk [tilespmem:v20+s2+$0x0], $0xffff  }
0x28f: {  	v19 =	vsel vm2, v25, v17;
	v24 =	vsel vm2, v13, v34;
	vm1 =	vgt.f32 v27, v36  }
0x290: {  	[dreg:$0x1f] =	wrdreg s29;
	v27 =	vsel vm1, v27, v36;
	v17 =	vsel vm1, v13, v37;
	vm2 =	vgt.f32 v29, v39  }
0x291: {  	[smem:$0x7F9] =	sst s24;
	vm3 =	vgt.f32 v26, v18;
	v28 =	vsel vm2, v29, v39;
	v15 =	vsel vm2, v13, v40  }
0x292: {  	[smem:$0x7FA] =	sst s25;
	v25 =	vsel vm3, v26, v18;
	vm1 =	vgt.f32 v38, v41;
	v20 =	vsel vm3, v13, v35  }
0x293: {  	p0 =	por p1, p1;
	s5 =	simm.s32 $0x5;
	[smem:$0x7FB] =	sst s26;
	v26 =	vsel vm1, v38, v41;
	vm2 =	vgt.f32 v31, v22;
	[tilespmem:v30+s18+$0x0] =	vst.idx.msk $0xffff, v31  }
0x294: {  	[smem:$0x7FC] =	sst s28;
	s4 =	simm.s32 $0x20;
	s1 =	simm.s32 $0x3;
	v18 =	vsel vm1, v13, v42;
	v29 =	vsel vm2, v31, v22;
	v22 =	vsel vm2, v13, v43;
	v31 =	vld.idx.msk [tilespmem:v63+s2+$0x0], $0xffff  }
.LBB2_4:
0x295: {  	p1 =	sne.s32 s5, $0x3D;
	v32 =	vor.u32 s4, v2  }
0x296: {  	v33 =	vadd.s32 v12, v32;
	_ =	sdelay $0x3  }
0x297: {  	vm1 =	vgt.f32 v31, v14;
	[tilespmem:v30+s19+$0x0] =	vst.idx.msk $0xffff, v31  }
0x298: {  	s0 =	sadd.s32 $0xFFFFFFFF, s1;
	v14 =	vsel vm1, v31, v14;
	v16 =	vsel vm1, v13, v16;
	v30 =	vld.idx.msk [tilespmem:v33+s2+$0x0], $0xffff  }
0x299: {  	v31 =	vadd.s32 s0, v4  }
0x29a: {  	v13 =	vadd.s32 v11, v32;
	_ =	sdelay $0x3  }
0x29b: {  	vm1 =	vgt.f32 v30, v23;
	[tilespmem:v31+s12+$0x0] =	vst.idx.msk $0xffff, v30  }
0x29c: {  	v23 =	vsel vm1, v30, v23;
	v21 =	vsel vm1, v32, v21;
	v13 =	vld.idx.msk [tilespmem:v13+s2+$0x0], $0xffff;
	_ =	sdelay $0x1  }
0x29d: {  	v30 =	vadd.s32 v10, v32;
	_ =	sdelay $0x3  }
0x29e: {  	vm1 =	vgt.f32 v13, v19;
	[tilespmem:v31+s13+$0x0] =	vst.idx.msk $0xffff, v13  }
0x29f: {  	v19 =	vsel vm1, v13, v19;
	v24 =	vsel vm1, v32, v24;
	v13 =	vld.idx.msk [tilespmem:v30+s2+$0x0], $0xffff;
	_ =	sdelay $0x1  }
0x2a0: {  	v30 =	vadd.s32 v9, v32;
	_ =	sdelay $0x3  }
0x2a1: {  	vm1 =	vgt.f32 v13, v25;
	[tilespmem:v31+s14+$0x0] =	vst.idx.msk $0xffff, v13  }
0x2a2: {  	v25 =	vsel vm1, v13, v25;
	v20 =	vsel vm1, v32, v20;
	v13 =	vld.idx.msk [tilespmem:v30+s2+$0x0], $0xffff;
	_ =	sdelay $0x1  }
0x2a3: {  	v30 =	vadd.s32 v8, v32;
	_ =	sdelay $0x3  }
0x2a4: {  	vm1 =	vgt.f32 v13, v27;
	[tilespmem:v31+s15+$0x0] =	vst.idx.msk $0xffff, v13  }
0x2a5: {  	v27 =	vsel vm1, v13, v27;
	v17 =	vsel vm1, v32, v17;
	v13 =	vld.idx.msk [tilespmem:v30+s2+$0x0], $0xffff;
	_ =	sdelay $0x1  }
0x2a6: {  	v30 =	vadd.s32 v7, v32;
	_ =	sdelay $0x3  }
0x2a7: {  	vm1 =	vgt.f32 v13, v28;
	[tilespmem:v31+s16+$0x0] =	vst.idx.msk $0xffff, v13  }
0x2a8: {  	v28 =	vsel vm1, v13, v28;
	v15 =	vsel vm1, v32, v15;
	v13 =	vld.idx.msk [tilespmem:v30+s2+$0x0], $0xffff;
	_ =	sdelay $0x1  }
0x2a9: {  	v30 =	vadd.s32 v6, v32;
	_ =	sdelay $0x3  }
0x2aa: {  	vm1 =	vgt.f32 v13, v26;
	[tilespmem:v31+s17+$0x0] =	vst.idx.msk $0xffff, v13  }
0x2ab: {  	v26 =	vsel vm1, v13, v26;
	v18 =	vsel vm1, v32, v18;
	v13 =	vld.idx.msk [tilespmem:v30+s2+$0x0], $0xffff;
	_ =	sdelay $0x1  }
0x2ac: {  	v30 =	vadd.s32 v5, v32;
	_ =	sdelay $0x3  }
0x2ad: {  	vm1 =	vgt.f32 v13, v29;
	[tilespmem:v31+s18+$0x0] =	vst.idx.msk $0xffff, v13  }
0x2ae: {  	s0 =	sadd.s32 $0x10, s4;
	v29 =	vsel vm1, v13, v29;
	v22 =	vsel vm1, v32, v22;
	v30 =	vld.idx.msk [tilespmem:v30+s2+$0x0], $0xffff  }
0x2af: {  	v13 =	vor.u32 s0, v2  }
0x2b0: {  	v33 =	vadd.s32 v12, v13;
	_ =	sdelay $0x3  }
0x2b1: {  	vm1 =	vgt.f32 v30, v14;
	[tilespmem:v31+s19+$0x0] =	vst.idx.msk $0xffff, v30  }
0x2b2: {  	v14 =	vsel vm1, v30, v14;
	v16 =	vsel vm1, v32, v16;
	v31 =	vld.idx.msk [tilespmem:v33+s2+$0x0], $0xffff  }
0x2b3: {  	v30 =	vadd.s32 s1, v4;
	s1 =	smov.u32 s5  }
0x2b4: {  	v32 =	vadd.s32 v11, v13;
	_ =	sdelay $0x3  }
0x2b5: {  	vm1 =	vgt.f32 v31, v23;
	[tilespmem:v30+s12+$0x0] =	vst.idx.msk $0xffff, v31  }
0x2b6: {  	v23 =	vsel vm1, v31, v23;
	v21 =	vsel vm1, v13, v21;
	v31 =	vld.idx.msk [tilespmem:v32+s2+$0x0], $0xffff;
	_ =	sdelay $0x1  }
0x2b7: {  	v32 =	vadd.s32 v10, v13;
	_ =	sdelay $0x3  }
0x2b8: {  	vm1 =	vgt.f32 v31, v19;
	[tilespmem:v30+s13+$0x0] =	vst.idx.msk $0xffff, v31  }
0x2b9: {  	v19 =	vsel vm1, v31, v19;
	v24 =	vsel vm1, v13, v24;
	v31 =	vld.idx.msk [tilespmem:v32+s2+$0x0], $0xffff;
	_ =	sdelay $0x1  }
0x2ba: {  	v32 =	vadd.s32 v9, v13;
	_ =	sdelay $0x3  }
0x2bb: {  	vm1 =	vgt.f32 v31, v25;
	[tilespmem:v30+s14+$0x0] =	vst.idx.msk $0xffff, v31  }
0x2bc: {  	v25 =	vsel vm1, v31, v25;
	v20 =	vsel vm1, v13, v20;
	v31 =	vld.idx.msk [tilespmem:v32+s2+$0x0], $0xffff;
	_ =	sdelay $0x1  }
0x2bd: {  	v32 =	vadd.s32 v8, v13;
	_ =	sdelay $0x3  }
0x2be: {  	vm1 =	vgt.f32 v31, v27;
	[tilespmem:v30+s15+$0x0] =	vst.idx.msk $0xffff, v31  }
0x2bf: {  	v27 =	vsel vm1, v31, v27;
	v17 =	vsel vm1, v13, v17;
	v31 =	vld.idx.msk [tilespmem:v32+s2+$0x0], $0xffff;
	_ =	sdelay $0x1  }
0x2c0: {  	v32 =	vadd.s32 v7, v13;
	_ =	sdelay $0x3  }
0x2c1: {  	vm1 =	vgt.f32 v31, v28;
	[tilespmem:v30+s16+$0x0] =	vst.idx.msk $0xffff, v31  }
0x2c2: {  	v28 =	vsel vm1, v31, v28;
	v15 =	vsel vm1, v13, v15;
	v31 =	vld.idx.msk [tilespmem:v32+s2+$0x0], $0xffff;
	_ =	sdelay $0x1  }
0x2c3: {  	v32 =	vadd.s32 v6, v13;
	_ =	sdelay $0x3  }
0x2c4: {  	vm1 =	vgt.f32 v31, v26;
	[tilespmem:v30+s17+$0x0] =	vst.idx.msk $0xffff, v31  }
0x2c5: {  	v26 =	vsel vm1, v31, v26;
	v18 =	vsel vm1, v13, v18;
	v31 =	vld.idx.msk [tilespmem:v32+s2+$0x0], $0xffff;
	_ =	sdelay $0x1  }
0x2c6: {  	v32 =	vadd.s32 v5, v13  }
.Ltmp0:
0x2c7: {  	(pc) =	sbr.rel @p1 .LBB2_4-.Ltmp0, $3  }
0x2c8: {  	_ =	sdelay $0x1  }
0x2c9: {  	vm1 =	vgt.f32 v31, v29;
	[tilespmem:v30+s18+$0x0] =	vst.idx.msk $0xffff, v31  }
0x2ca: {  	s4 =	sadd.s32 $0x20, s4;
	s5 =	sadd.s32 $0x2, s5;
	v29 =	vsel vm1, v31, v29;
	v22 =	vsel vm1, v13, v22;
	v31 =	vld.idx.msk [tilespmem:v32+s2+$0x0], $0xffff  }
0x2cb: {  	v32 =	vor.u32 s4, v2  }
0x2cc: {  	v33 =	vadd.s32 v12, v32;
	_ =	sdelay $0x3  }
0x2cd: {  	s0 =	sadd.s32 $0xFFFFFFFF, s1;
	[tilespmem:v30+s19+$0x0] =	vst.idx.msk $0xffff, v31  }
0x2ce: {  	v55 =	vadd.s32 s0, v4;
	v30 =	vld.idx.msk [tilespmem:v33+s2+$0x0], $0xffff  }
0x2cf: {  	v34 =	vadd.s32 v11, v32;
	_ =	sdelay $0x3  }
0x2d0: {  	[tilespmem:v55+s12+$0x0] =	vst.idx.msk $0xffff, v30  }
0x2d1: {  	v34 =	vld.idx.msk [tilespmem:v34+s2+$0x0], $0xffff  }
0x2d2: {  	v35 =	vadd.s32 v10, v32;
	_ =	sdelay $0x3  }
0x2d3: {  	[tilespmem:v55+s13+$0x0] =	vst.idx.msk $0xffff, v34  }
0x2d4: {  	v35 =	vld.idx.msk [tilespmem:v35+s2+$0x0], $0xffff  }
0x2d5: {  	v36 =	vadd.s32 v9, v32;
	_ =	sdelay $0x3  }
0x2d6: {  	[tilespmem:v55+s14+$0x0] =	vst.idx.msk $0xffff, v35  }
0x2d7: {  	v36 =	vld.idx.msk [tilespmem:v36+s2+$0x0], $0xffff  }
0x2d8: {  	v37 =	vadd.s32 v8, v32;
	_ =	sdelay $0x3  }
0x2d9: {  	[tilespmem:v55+s15+$0x0] =	vst.idx.msk $0xffff, v36  }
0x2da: {  	v37 =	vld.idx.msk [tilespmem:v37+s2+$0x0], $0xffff  }
0x2db: {  	v38 =	vadd.s32 v7, v32;
	_ =	sdelay $0x3  }
0x2dc: {  	[tilespmem:v55+s16+$0x0] =	vst.idx.msk $0xffff, v37  }
0x2dd: {  	v38 =	vld.idx.msk [tilespmem:v38+s2+$0x0], $0xffff  }
0x2de: {  	v39 =	vadd.s32 v6, v32;
	_ =	sdelay $0x3  }
0x2df: {  	[tilespmem:v55+s17+$0x0] =	vst.idx.msk $0xffff, v38  }
0x2e0: {  	v39 =	vld.idx.msk [tilespmem:v39+s2+$0x0], $0xffff  }
0x2e1: {  	v40 =	vadd.s32 v5, v32;
	_ =	sdelay $0x3  }
0x2e2: {  	s31 =	sadd.s32 $0x10, s4;
	[tilespmem:v55+s18+$0x0] =	vst.idx.msk $0xffff, v39  }
0x2e3: {  	v41 =	vor.u32 s31, v2;
	v40 =	vld.idx.msk [tilespmem:v40+s2+$0x0], $0xffff  }
0x2e4: {  	v42 =	vadd.s32 v12, v41;
	_ =	sdelay $0x3  }
0x2e5: {  	[tilespmem:v55+s19+$0x0] =	vst.idx.msk $0xffff, v40  }
0x2e6: {  	v56 =	vadd.s32 s1, v4;
	v33 =	vld.idx.msk [tilespmem:v42+s2+$0x0], $0xffff  }
0x2e7: {  	v43 =	vadd.s32 v11, v41;
	_ =	sdelay $0x3  }
0x2e8: {  	[tilespmem:v56+s12+$0x0] =	vst.idx.msk $0xffff, v33  }
0x2e9: {  	v43 =	vld.idx.msk [tilespmem:v43+s2+$0x0], $0xffff  }
0x2ea: {  	v44 =	vadd.s32 v10, v41;
	_ =	sdelay $0x3  }
0x2eb: {  	[tilespmem:v56+s13+$0x0] =	vst.idx.msk $0xffff, v43  }
0x2ec: {  	v44 =	vld.idx.msk [tilespmem:v44+s2+$0x0], $0xffff  }
0x2ed: {  	v45 =	vadd.s32 v9, v41;
	_ =	sdelay $0x3  }
0x2ee: {  	[tilespmem:v56+s14+$0x0] =	vst.idx.msk $0xffff, v44  }
0x2ef: {  	v45 =	vld.idx.msk [tilespmem:v45+s2+$0x0], $0xffff  }
0x2f0: {  	v46 =	vadd.s32 v8, v41;
	_ =	sdelay $0x3  }
0x2f1: {  	[tilespmem:v56+s15+$0x0] =	vst.idx.msk $0xffff, v45  }
0x2f2: {  	v46 =	vld.idx.msk [tilespmem:v46+s2+$0x0], $0xffff  }
0x2f3: {  	v47 =	vadd.s32 v7, v41;
	_ =	sdelay $0x3  }
0x2f4: {  	[tilespmem:v56+s16+$0x0] =	vst.idx.msk $0xffff, v46  }
0x2f5: {  	v47 =	vld.idx.msk [tilespmem:v47+s2+$0x0], $0xffff  }
0x2f6: {  	v48 =	vadd.s32 v6, v41;
	_ =	sdelay $0x3  }
0x2f7: {  	[tilespmem:v56+s17+$0x0] =	vst.idx.msk $0xffff, v47  }
0x2f8: {  	v48 =	vld.idx.msk [tilespmem:v48+s2+$0x0], $0xffff  }
0x2f9: {  	v49 =	vadd.s32 v5, v41;
	_ =	sdelay $0x3  }
0x2fa: {  	[tilespmem:v56+s18+$0x0] =	vst.idx.msk $0xffff, v48  }
0x2fb: {  	v50 =	vor.u32 $0x3E0, v2;
	v49 =	vld.idx.msk [tilespmem:v49+s2+$0x0], $0xffff  }
0x2fc: {  	v51 =	vadd.s32 v50, v12;
	_ =	sdelay $0x3  }
0x2fd: {  	s1 =	simm.s32 $0x0;
	[tilespmem:v56+s19+$0x0] =	vst.idx.msk $0xffff, v49  }
0x2fe: {  	v42 =	vld.idx.msk [tilespmem:v51+s1+$0x0], $0xffff  }
0x2ff: {  	v51 =	vadd.s32 $0x3E, v4  }
0x300: {  	v52 =	vadd.s32 v50, v11;
	_ =	sdelay $0x2  }
0x301: {  	v42 =	vnsel vm0, $0xBF800000, v42  }
0x302: {  	[tilespmem:v51+s12+$0x0] =	vst.idx.msk $0xffff, v42  }
0x303: {  	v52 =	vld.idx.msk [tilespmem:v52+s1+$0x0], $0xffff;
	_ =	sdelay $0x1  }
0x304: {  	v53 =	vadd.s32 v50, v10;
	_ =	sdelay $0x2  }
0x305: {  	v52 =	vnsel vm0, $0xBF800000, v52  }
0x306: {  	[tilespmem:v51+s13+$0x0] =	vst.idx.msk $0xffff, v52  }
0x307: {  	v53 =	vld.idx.msk [tilespmem:v53+s1+$0x0], $0xffff;
	_ =	sdelay $0x1  }
0x308: {  	v54 =	vadd.s32 v50, v9;
	_ =	sdelay $0x2  }
0x309: {  	v53 =	vnsel vm0, $0xBF800000, v53  }
0x30a: {  	[tilespmem:v51+s14+$0x0] =	vst.idx.msk $0xffff, v53  }
0x30b: {  	v54 =	vld.idx.msk [tilespmem:v54+s1+$0x0], $0xffff;
	_ =	sdelay $0x1  }
0x30c: {  	v55 =	vadd.s32 v50, v8;
	_ =	sdelay $0x2  }
0x30d: {  	v54 =	vnsel vm0, $0xBF800000, v54  }
0x30e: {  	vm1 =	vgt.f32 v31, v14;
	[tilespmem:v51+s15+$0x0] =	vst.idx.msk $0xffff, v54  }
0x30f: {  	v14 =	vsel vm1, v31, v14;
	v55 =	vld.idx.msk [tilespmem:v55+s1+$0x0], $0xffff  }
0x310: {  	v13 =	vsel vm1, v13, v16;
	v31 =	vadd.s32 v50, v6;
	vm2 =	vgt.f32 v30, v23  }
0x311: {  	v16 =	vsel vm2, v30, v23;
	v23 =	vadd.s32 v50, v7;
	vm1 =	vgt.f32 v34, v19  }
0x312: {  	v21 =	vsel vm2, v32, v21;
	v19 =	vsel vm1, v34, v19;
	vm3 =	vgt.f32 v35, v25  }
0x313: {  	v24 =	vsel vm1, v32, v24;
	v25 =	vsel vm3, v35, v25;
	vm1 =	vgt.f32 v36, v27  }
0x314: {  	v20 =	vsel vm3, v32, v20;
	v27 =	vsel vm1, v36, v27;
	v30 =	vnsel vm0, $0xBF800000, v55  }
0x315: {  	v17 =	vsel vm1, v32, v17;
	vm2 =	vgt.f32 v37, v28;
	[tilespmem:v51+s16+$0x0] =	vst.idx.msk $0xffff, v30  }
0x316: {  	v28 =	vsel vm2, v37, v28;
	v15 =	vsel vm2, v32, v15;
	vm3 =	vgt.f32 v38, v26;
	v23 =	vld.idx.msk [tilespmem:v23+s1+$0x0], $0xffff  }
0x317: {  	v26 =	vsel vm3, v38, v26;
	v18 =	vsel vm3, v32, v18;
	vm1 =	vgt.f32 v39, v29  }
0x318: {  	v29 =	vsel vm1, v39, v29;
	v22 =	vsel vm1, v32, v22;
	vm2 =	vgt.f32 v40, v14  }
0x319: {  	v14 =	vsel vm2, v40, v14;
	v13 =	vsel vm2, v32, v13;
	vm1 =	vgt.f32 v33, v16  }
0x31a: {  	v16 =	vsel vm1, v33, v16;
	v21 =	vsel vm1, v41, v21;
	vm2 =	vgt.f32 v43, v19  }
0x31b: {  	v19 =	vsel vm2, v43, v19;
	v24 =	vsel vm2, v41, v24;
	v23 =	vnsel vm0, $0xBF800000, v23  }
0x31c: {  	vm3 =	vgt.f32 v44, v25;
	vm1 =	vgt.f32 v45, v27;
	[tilespmem:v51+s17+$0x0] =	vst.idx.msk $0xffff, v23  }
0x31d: {  	v25 =	vsel vm3, v44, v25;
	v20 =	vsel vm3, v41, v20;
	v27 =	vsel vm1, v45, v27;
	v31 =	vld.idx.msk [tilespmem:v31+s1+$0x0], $0xffff  }
0x31e: {  	v57 =	vsel vm1, v41, v17;
	v17 =	vadd.s32 v50, v5;
	vm2 =	vgt.f32 v46, v28  }
0x31f: {  	v28 =	vsel vm2, v46, v28;
	v58 =	vsel vm2, v41, v15;
	vm3 =	vgt.f32 v47, v26  }
0x320: {  	v26 =	vsel vm3, v47, v26;
	v59 =	vsel vm3, v41, v18;
	vm1 =	vgt.f32 v48, v29  }
0x321: {  	v29 =	vsel vm1, v48, v29;
	v61 =	vsel vm1, v41, v22;
	vm2 =	vgt.f32 v49, v14  }
0x322: {  	v60 =	vsel vm2, v49, v14;
	v62 =	vsel vm2, v41, v13;
	v31 =	vnsel vm0, $0xBF800000, v31  }
0x323: {  	vm1 =	vgt.f32 v42, v16;
	vm2 =	vgt.f32 v52, v19;
	[tilespmem:v51+s18+$0x0] =	vst.idx.msk $0xffff, v31  }
0x324: {  	v13 =	vsel vm1, v42, v16;
	v15 =	vsel vm1, v50, v21;
	v14 =	vsel vm2, v52, v19;
	v63 =	vld.idx.msk [tilespmem:v17+s1+$0x0], $0xffff  }
0x325: {  	v16 =	vsel vm2, v50, v24;
	vm1 =	vgt.f32 v53, v25;
	vm2 =	vgt.f32 v54, v27  }
0x326: {  	v19 =	vsel vm1, v50, v20;
	v18 =	vsel vm2, v54, v27;
	v20 =	vsel vm2, v50, v57  }
0x327: {  	vm2 =	vgt.f32 v23, v26;
	v17 =	vsel vm1, v53, v25;
	vm1 =	vgt.f32 v30, v28  }
0x328: {  	v23 =	vsel vm2, v23, v26;
	v24 =	vsel vm2, v50, v59;
	v21 =	vsel vm1, v30, v28  }
0x329: {  	v22 =	vsel vm1, v50, v58;
	vm1 =	vgt.f32 v31, v29;
	v30 =	vnsel vm0, $0xBF800000, v63  }
0x32a: {  	v25 =	vsel vm1, v31, v29;
	v26 =	vsel vm1, v50, v61;
	vm1 =	vgt.f32 v30, v60  }
0x32b: {  	[tilespmem:v51+s19+$0x0] =	vst.idx.msk $0xffff, v30;
	v27 =	vsel vm1, v30, v60;
	v28 =	vsel vm1, v50, v62  }
.LBB2_6:
0x32c: {  	(xrf0) =	vmax.scan.msk.f32 $0xffff, v13;
	_ =	sdelay $0x5  }
0x32d: {  	v29, _, _ =	vpop (xrf0)  }
0x32e: {  	v29 =	vbroadcast v29, $0xF;
	_ =	sdelay $0x1  }
0x32f: {  	v30 =	vxor.u32 $0x80000000, v15;
	vm1 =	veq.f32 v13, v29  }
0x330: {  	v30 =	vnsel vm1, $0x80001000, v30  }
0x331: {  	(xrf0) =	vmin.scan.msk.u32 $0xffff, v30  }
0x332: {  	(xrf0) =	vmax.scan.msk.f32 $0xffff, v14;
	_ =	sdelay $0x4  }
0x333: {  	v30, _, _ =	vpop (xrf0)  }
0x334: {  	v31, _, _ =	vpop (xrf0)  }
0x335: {  	v31 =	vbroadcast v31, $0xF;
	_ =	sdelay $0x1  }
0x336: {  	v32 =	vxor.u32 $0x80000000, v16;
	vm1 =	veq.f32 v14, v31  }
0x337: {  	v32 =	vnsel vm1, $0x80001000, v32  }
0x338: {  	(xrf0) =	vmin.scan.msk.u32 $0xffff, v32  }
0x339: {  	(xrf0) =	vmax.scan.msk.f32 $0xffff, v17;
	_ =	sdelay $0x4  }
0x33a: {  	v32, _, _ =	vpop (xrf0)  }
0x33b: {  	v33, _, _ =	vpop (xrf0)  }
0x33c: {  	v33 =	vbroadcast v33, $0xF;
	_ =	sdelay $0x1  }
0x33d: {  	v34 =	vxor.u32 $0x80000000, v19;
	vm1 =	veq.f32 v17, v33  }
0x33e: {  	v34 =	vnsel vm1, $0x80001000, v34  }
0x33f: {  	(xrf0) =	vmin.scan.msk.u32 $0xffff, v34  }
0x340: {  	(xrf0) =	vmax.scan.msk.f32 $0xffff, v18;
	_ =	sdelay $0x4  }
0x341: {  	v34, _, _ =	vpop (xrf0)  }
0x342: {  	v35, _, _ =	vpop (xrf0)  }
0x343: {  	v35 =	vbroadcast v35, $0xF;
	_ =	sdelay $0x1  }
0x344: {  	v36 =	vxor.u32 $0x80000000, v20;
	vm1 =	veq.f32 v18, v35  }
0x345: {  	v36 =	vnsel vm1, $0x80001000, v36  }
0x346: {  	(xrf0) =	vmin.scan.msk.u32 $0xffff, v36  }
0x347: {  	(xrf0) =	vmax.scan.msk.f32 $0xffff, v21;
	_ =	sdelay $0x4  }
0x348: {  	v36, _, _ =	vpop (xrf0)  }
0x349: {  	v37, _, _ =	vpop (xrf0)  }
0x34a: {  	v37 =	vbroadcast v37, $0xF;
	_ =	sdelay $0x1  }
0x34b: {  	v38 =	vxor.u32 $0x80000000, v22;
	vm1 =	veq.f32 v21, v37  }
0x34c: {  	v38 =	vnsel vm1, $0x80001000, v38  }
0x34d: {  	(xrf0) =	vmin.scan.msk.u32 $0xffff, v38  }
0x34e: {  	(xrf0) =	vmax.scan.msk.f32 $0xffff, v23;
	_ =	sdelay $0x4  }
0x34f: {  	v38, _, _ =	vpop (xrf0)  }
0x350: {  	v39, _, _ =	vpop (xrf0)  }
0x351: {  	v39 =	vbroadcast v39, $0xF;
	_ =	sdelay $0x1  }
0x352: {  	v40 =	vxor.u32 $0x80000000, v24;
	vm1 =	veq.f32 v23, v39  }
0x353: {  	v40 =	vnsel vm1, $0x80001000, v40  }
0x354: {  	(xrf0) =	vmin.scan.msk.u32 $0xffff, v40  }
0x355: {  	(xrf0) =	vmax.scan.msk.f32 $0xffff, v25;
	_ =	sdelay $0x4  }
0x356: {  	v40, _, _ =	vpop (xrf0)  }
0x357: {  	v41, _, _ =	vpop (xrf0)  }
0x358: {  	v41 =	vbroadcast v41, $0xF;
	_ =	sdelay $0x1  }
0x359: {  	v42 =	vxor.u32 $0x80000000, v26;
	vm1 =	veq.f32 v25, v41  }
0x35a: {  	v42 =	vnsel vm1, $0x80001000, v42  }
0x35b: {  	(xrf0) =	vmin.scan.msk.u32 $0xffff, v42  }
0x35c: {  	(xrf0) =	vmax.scan.msk.f32 $0xffff, v27;
	_ =	sdelay $0x3  }
0x35d: {  	(v2sf) =	vpush v30, $0xF  }
0x35e: {  	v30, _, _ =	vpop (xrf0)  }
0x35f: {  	(v2sf) =	vpush v32, $0xF;
	v57, _, _ =	vpop (xrf0)  }
0x360: {  	v32 =	vbroadcast v57, $0xF  }
0x361: {  	(v2sf) =	vpush v34, $0xF  }
0x362: {  	v58 =	vxor.u32 $0x80000000, v28;
	vm1 =	veq.f32 v27, v32  }
0x363: {  	(v2sf) =	vpush v36, $0xF;
	v34 =	vnsel vm1, $0x80001000, v58  }
0x364: {  	(xrf0) =	vmin.scan.msk.u32 $0xffff, v34  }
0x365: {  	(v2sf) =	vpush v38, $0xF;
	_ =	sdelay $0x1  }
0x366: {  	(v2sf) =	vpush v40, $0xF;
	_ =	sdelay $0x1  }
0x367: {  	v59 =	vmov s1;
	(v2sf) =	vpush v30, $0xF  }
0x368: {  	v30, _, _ =	vpop (xrf0)  }
0x369: {  	(v2sf) =	vpush v30, $0xF  }
0x36a: {  	s0 =	rddreg [dreg:$0x3];
	s3 =	spop (v2sf)  }
0x36b: {  	s4 =	rddreg [dreg:$0x4];
	s5 =	sxor.u32 $0x80000000, s3  }
0x36c: {  	s6 =	rddreg [dreg:$0x5];
	[tilespmem:v59+s0+$0x0] =	vst.idx.msk $0x1, v29;
	v29 =	vmov s5;
	s31 =	spop (v2sf)  }
0x36d: {  	s9 =	rddreg [dreg:$0x6];
	[tilespmem:v59+s4+$0x0] =	vst.idx.msk $0x1, v29;
	s8 =	sxor.u32 $0x80000000, s31  }
0x36e: {  	s10 =	rddreg [dreg:$0x7];
	[tilespmem:v59+s6+$0x0] =	vst.idx.msk $0x1, v31;
	v29 =	vmov s8;
	s30 =	spop (v2sf)  }
0x36f: {  	s11 =	rddreg [dreg:$0x8];
	[tilespmem:v59+s9+$0x0] =	vst.idx.msk $0x1, v29;
	s7 =	sxor.u32 $0x80000000, s30  }
0x370: {  	s21 =	rddreg [dreg:$0x9];
	[tilespmem:v59+s10+$0x0] =	vst.idx.msk $0x1, v33;
	v29 =	vmov s7;
	s24 =	spop (v2sf)  }
0x371: {  	s25 =	rddreg [dreg:$0xa];
	[tilespmem:v59+s11+$0x0] =	vst.idx.msk $0x1, v29;
	s0 =	sxor.u32 $0x80000000, s24  }
0x372: {  	s26 =	rddreg [dreg:$0xb];
	[tilespmem:v59+s21+$0x0] =	vst.idx.msk $0x1, v35;
	v29 =	vmov s0;
	s23 =	spop (v2sf)  }
0x373: {  	s28 =	rddreg [dreg:$0xc];
	s3 =	sand.u32 $0xF, s3;
	[tilespmem:v59+s25+$0x0] =	vst.idx.msk $0x1, v29;
	s29 =	sxor.u32 $0x80000000, s23  }
0x374: {  	[tilespmem:v59+s26+$0x0] =	vst.idx.msk $0x1, v37;
	s26 =	smul.u32 $0x41, s3;
	v29 =	vmov s29;
	s11 =	spop (v2sf)  }
0x375: {  	s5 =	sshra.s32 s5, $0x4;
	s10 =	rddreg [dreg:$0xd];
	[tilespmem:v59+s28+$0x0] =	vst.idx.msk $0x1, v29;
	s25 =	sxor.u32 $0x80000000, s11  }
0x376: {  	s9 =	rddreg [dreg:$0xe];
	s5 =	sadd.s32 s5, s26;
	[tilespmem:v59+s10+$0x0] =	vst.idx.msk $0x1, v39;
	v29 =	vmov s25;
	s6 =	spop (v2sf)  }
0x377: {  	s28 =	rddreg [dreg:$0xf];
	[tilespmem:v59+s9+$0x0] =	vst.idx.msk $0x1, v29;
	v29 =	vmov s5;
	s21 =	sxor.u32 $0x80000000, s6  }
0x378: {  	s4 =	rddreg [dreg:$0x10];
	v31 =	vadd.s32 s26, v2;
	s10 =	sadd.s32 $0x10, s26;
	[tilespmem:v59+s28+$0x0] =	vst.idx.msk $0x1, v41;
	v30 =	vmov s21;
	s5 =	spop (v2sf)  }
0x379: {  	s9 =	rddreg [dreg:$0x11];
	[tilespmem:v59+s4+$0x0] =	vst.idx.msk $0x1, v30;
	v30 =	vadd.s32 s10, v2;
	s10 =	sadd.s32 $0x20, s26;
	s4 =	sxor.u32 $0x80000000, s5  }
0x37a: {  	s28 =	rddreg [dreg:$0x12];
	s26 =	sadd.s32 $0x30, s26;
	[tilespmem:v59+s9+$0x0] =	vst.idx.msk $0x1, v32;
	v60 =	vadd.s32 s10, v2;
	v61 =	vmov s4  }
0x37b: {  	v62 =	vadd.s32 s26, v2;
	[tilespmem:v59+s28+$0x0] =	vst.idx.msk $0x1, v61  }
0x37c: {  	s31 =	sand.u32 $0xF, s31;
	[tilespmem:v29+s12+$0x0] =	vst.idx.msk $0x1, v0  }
0x37d: {  	s10 =	smul.u32 $0x41, s31;
	v29 =	vld.idx.msk [tilespmem:v31+s12+$0x0], $0xffff  }
0x37e: {  	s8 =	sshra.s32 s8, $0x4;
	v30 =	vld.idx.msk [tilespmem:v30+s12+$0x0], $0xffff  }
0x37f: {  	s8 =	sadd.s32 s8, s10;
	v31 =	vld.idx.msk [tilespmem:v60+s12+$0x0], $0xffff  }
0x380: {  	s30 =	sand.u32 $0xF, s30;
	s26 =	sadd.s32 $0x10, s10;
	v42 =	vmov s8;
	v63 =	vld.idx.msk [tilespmem:v62+s12+$0x0], $0xffff  }
0x381: {  	v43 =	vadd.s32 s10, v2;
	v44 =	vadd.s32 s26, v2;
	s26 =	smul.u32 $0x41, s30  }
0x382: {  	s7 =	sshra.s32 s7, $0x4;
	s28 =	sadd.s32 $0x20, s10  }
0x383: {  	s7 =	sadd.s32 s7, s26;
	s10 =	sadd.s32 $0x30, s10;
	v45 =	vadd.s32 s28, v2  }
0x384: {  	v50 =	vmov s7;
	v48 =	vadd.s32 s10, v2  }
0x385: {  	v52 =	vadd.s32 s26, v2;
	s28 =	sadd.s32 $0x10, s26;
	[tilespmem:v42+s13+$0x0] =	vst.idx.msk $0x1, v0;
	v46 =	vmax.f32 v29, v30;
	v47 =	vmax.f32 v31, v63  }
0x386: {  	v53 =	vadd.s32 s28, v2;
	v33 =	vld.idx.msk [tilespmem:v43+s13+$0x0], $0xffff;
	v37 =	vmax.f32 v46, v47  }
0x387: {  	v34 =	vld.idx.msk [tilespmem:v44+s13+$0x0], $0xffff;
	(xrf0) =	vmax.scan.msk.f32 $0xffff, v37  }
0x388: {  	v49 =	vld.idx.msk [tilespmem:v45+s13+$0x0], $0xffff  }
0x389: {  	s24 =	sand.u32 $0xF, s24;
	v51 =	vld.idx.msk [tilespmem:v48+s13+$0x0], $0xffff;
	[tilespmem:v50+s14+$0x0] =	vst.idx.msk $0x1, v0  }
0x38a: {  	s9 =	sadd.s32 $0x20, s26;
	s10 =	sadd.s32 $0x30, s26;
	s26 =	smul.u32 $0x41, s24;
	v38 =	vld.idx.msk [tilespmem:v52+s14+$0x0], $0xffff  }
0x38b: {  	s0 =	sshra.s32 s0, $0x4;
	v56 =	vadd.s32 s10, v2;
	v36 =	vld.idx.msk [tilespmem:v53+s14+$0x0], $0xffff  }
0x38c: {  	v54 =	vadd.s32 s9, v2;
	s0 =	sadd.s32 s0, s26  }
0x38d: {  	v60 =	vmov s0;
	v55, _, _ =	vpop (xrf0)  }
0x38e: {  	s8 =	sadd.s32 $0x30, s26;
	v45 =	vadd.s32 s26, v2;
	v53 =	vmov s31;
	v41 =	vbroadcast v55, $0xF  }
0x38f: {  	v57 =	vmax.f32 v33, v34;
	v47 =	vadd.s32 s8, v2;
	v43 =	vmax.f32 v49, v51  }
0x390: {  	s23 =	sand.u32 $0xF, s23;
	v32 =	vld.idx.msk [tilespmem:v56+s14+$0x0], $0xffff;
	v62 =	vmax.f32 v38, v36;
	vm1 =	veq.f32 v29, v41;
	v29 =	vmax.f32 v57, v43  }
0x391: {  	s9 =	smul.u32 $0x41, s23;
	vm2 =	veq.f32 v63, v41;
	vm3 =	veq.f32 v30, v41;
	v58 =	vmctz.xlane vm1;
	(xrf0) =	vmax.scan.msk.f32 $0xffff, v29;
	v29 =	vld.idx.msk [tilespmem:v54+s14+$0x0], $0xffff  }
0x392: {  	s28 =	sadd.s32 $0x10, s26;
	vm1 =	veq.f32 v31, v41;
	v31 =	vmctz.xlane vm2;
	v59 =	vmctz.xlane vm3  }
0x393: {  	v63 =	vadd.s32 s28, v2;
	v57 =	vadd.s32 s9, v2;
	v30 =	vmctz.xlane vm1  }
0x394: {  	vm1 =	vlt.s32 v58, $0x10;
	v31 =	vadd.s32 $0x30, v31;
	vm3 =	vlt.s32 v59, $0x10  }
0x395: {  	v40 =	vadd.s32 $0x10, v59;
	vm2 =	vlt.s32 v30, $0x10;
	v30 =	vadd.s32 $0x20, v30  }
0x396: {  	v30 =	vsel vm2, v30, v31;
	v31 =	vmov s3;
	s3 =	sadd.s32 $0x20, s26;
	s26 =	sadd.s32 $0x10, s9;
	v44 =	vmax.f32 v29, v32  }
0x397: {  	v30 =	vsel vm3, v40, v30;
	v59 =	vadd.s32 s26, v2;
	v61, _, _ =	vpop (xrf0);
	v43 =	vmax.f32 v62, v44  }
0x398: {  	s11 =	sand.u32 $0xF, s11;
	s10 =	sshra.s32 s29, $0x4;
	s0 =	sadd.s32 $0x30, s9;
	v30 =	vsel vm1, v58, v30;
	vm1 =	veq.s32 v31, v2;
	v42 =	vbroadcast v61, $0xF  }
0x399: {  	s29 =	smul.u32 $0x41, s11;
	v31 =	vadd.s32 s3, v2;
	s3 =	sadd.s32 s10, s9;
	v62 =	vadd.s32 s0, v2;
	(xrf0) =	vmax.scan.msk.f32 $0xffff, v43;
	v13 =	vsel vm1, v41, v13  }
0x39a: {  	s31 =	sshra.s32 s25, $0x4;
	[tilespmem:v60+s15+$0x0] =	vst.idx.msk $0x1, v0;
	v30 =	vshll.u32 v30, $0x4;
	v54 =	vmov s3;
	vm2 =	veq.f32 v49, v42  }
0x39b: {  	v35 =	vld.idx.msk [tilespmem:v47+s15+$0x0], $0xffff;
	s3 =	sadd.s32 s31, s29;
	v30 =	vor.u32 v2, v30;
	v48 =	vmctz.xlane vm2;
	vm2 =	veq.f32 v51, v42  }
0x39c: {  	v41 =	vld.idx.msk [tilespmem:v63+s15+$0x0], $0xffff;
	v63 =	vmov s3;
	v49 =	vmctz.xlane vm2;
	vm2 =	veq.f32 v34, v42  }
0x39d: {  	vm3 =	veq.f32 v33, v42;
	v15 =	vsel vm1, v30, v15;
	v34 =	vld.idx.msk [tilespmem:v45+s15+$0x0], $0xffff;
	v51 =	vmctz.xlane vm2  }
0x39e: {  	vm1 =	veq.s32 v53, v2;
	v50 =	vmctz.xlane vm3;
	v31 =	vld.idx.msk [tilespmem:v31+s15+$0x0], $0xffff;
	vm2 =	vlt.s32 v48, $0x10  }
0x39f: {  	v39 =	vadd.s32 $0x20, v48;
	v33 =	vadd.s32 $0x30, v49;
	v52, _, _ =	vpop (xrf0);
	vm3 =	vlt.s32 v51, $0x10  }
0x3a0: {  	s8 =	sadd.s32 $0x20, s29;
	v40 =	vadd.s32 $0x10, v51;
	v33 =	vsel vm2, v39, v33;
	v39 =	vbroadcast v52, $0xF  }
0x3a1: {  	v53 =	vadd.s32 s8, v2;
	vm2 =	vlt.s32 v50, $0x10;
	v33 =	vsel vm3, v40, v33  }
0x3a2: {  	v14 =	vsel vm1, v42, v14;
	v30 =	vsel vm2, v50, v33;
	vm2 =	veq.f32 v38, v39  }
0x3a3: {  	v55 =	vmax.f32 v34, v41;
	v56 =	vmax.f32 v31, v35;
	v30 =	vshll.u32 v30, $0x4  }
0x3a4: {  	v33 =	vmctz.xlane vm2;
	vm2 =	veq.f32 v36, v39;
	v58 =	vmax.f32 v55, v56  }
0x3a5: {  	s28 =	sadd.s32 $0x20, s9;
	v30 =	vor.u32 v2, v30;
	v60 =	vmctz.xlane vm2;
	vm2 =	veq.f32 v29, v39;
	(xrf0) =	vmax.scan.msk.f32 $0xffff, v58  }
0x3a6: {  	[tilespmem:v54+s16+$0x0] =	vst.idx.msk $0x1, v0;
	v29 =	vadd.s32 s28, v2;
	v61 =	vmctz.xlane vm2;
	vm2 =	veq.f32 v32, v39  }
0x3a7: {  	s6 =	sand.u32 $0xF, s6;
	s7 =	sadd.s32 $0x10, s29;
	s0 =	sadd.s32 $0x30, s29;
	v48 =	vadd.s32 s29, v2;
	v37 =	vld.idx.msk [tilespmem:v57+s16+$0x0], $0xffff;
	v16 =	vsel vm1, v30, v16;
	v30 =	vmctz.xlane vm2  }
0x3a8: {  	s9 =	smul.u32 $0x41, s6;
	v54 =	vadd.s32 s0, v2;
	v49 =	vmov s30;
	v51 =	vadd.s32 s7, v2;
	v38 =	vld.idx.msk [tilespmem:v59+s16+$0x0], $0xffff  }
0x3a9: {  	s10 =	sshra.s32 s21, $0x4;
	vm3 =	vlt.s32 v61, $0x10;
	v36 =	vadd.s32 $0x20, v61;
	v30 =	vadd.s32 $0x30, v30  }
0x3aa: {  	s3 =	sadd.s32 s10, s9;
	v32 =	vld.idx.msk [tilespmem:v62+s16+$0x0], $0xffff;
	vm2 =	vlt.s32 v60, $0x10;
	v40 =	vadd.s32 $0x10, v60;
	v30 =	vsel vm3, v36, v30  }
0x3ab: {  	vm1 =	vlt.s32 v33, $0x10;
	v60 =	vmov s3;
	v29 =	vld.idx.msk [tilespmem:v29+s16+$0x0], $0xffff;
	v30 =	vsel vm2, v40, v30;
	v50, _, _ =	vpop (xrf0)  }
0x3ac: {  	vm2 =	veq.s32 v49, v2;
	v52 =	vbroadcast v50, $0xF;
	v30 =	vsel vm1, v33, v30  }
0x3ad: {  	v56 =	vmax.f32 v37, v38;
	[tilespmem:v63+s17+$0x0] =	vst.idx.msk $0x1, v0;
	v17 =	vsel vm2, v39, v17;
	v30 =	vshll.u32 v30, $0x4  }
0x3ae: {  	vm1 =	veq.f32 v41, v52;
	vm3 =	veq.f32 v31, v52;
	v30 =	vor.u32 v2, v30  }
0x3af: {  	v36 =	vld.idx.msk [tilespmem:v48+s17+$0x0], $0xffff;
	v31 =	vmctz.xlane vm1;
	v55 =	vmctz.xlane vm3;
	vm1 =	veq.f32 v35, v52  }
0x3b0: {  	v42 =	vld.idx.msk [tilespmem:v51+s17+$0x0], $0xffff;
	v57 =	vmax.f32 v29, v32;
	vm3 =	veq.f32 v34, v52;
	v58 =	vmctz.xlane vm1  }
0x3b1: {  	v33 =	vld.idx.msk [tilespmem:v54+s17+$0x0], $0xffff;
	v19 =	vsel vm2, v30, v19;
	v35 =	vmax.f32 v56, v57;
	v30 =	vmctz.xlane vm3  }
0x3b2: {  	s5 =	sand.u32 $0xF, s5;
	v41 =	vld.idx.msk [tilespmem:v53+s17+$0x0], $0xffff;
	(xrf0) =	vmax.scan.msk.f32 $0xffff, v35;
	vm2 =	vlt.s32 v55, $0x10;
	v59 =	vadd.s32 $0x20, v55;
	v34 =	vadd.s32 $0x30, v58  }
0x3b3: {  	s25 =	smul.u32 $0x41, s5;
	s0 =	sadd.s32 $0x30, s9;
	vm1 =	vlt.s32 v31, $0x10;
	v31 =	vadd.s32 $0x10, v31;
	v34 =	vsel vm2, v59, v34  }
0x3b4: {  	s26 =	sshra.s32 s4, $0x4;
	v50 =	vadd.s32 s0, v2;
	vm2 =	vlt.s32 v30, $0x10;
	v31 =	vsel vm1, v31, v34  }
0x3b5: {  	s21 =	sadd.s32 $0x10, s9;
	s28 =	sadd.s32 s26, s25;
	v61 =	vadd.s32 s9, v2;
	v30 =	vsel vm2, v30, v31;
	v31 =	vmov s24  }
0x3b6: {  	v62 =	vadd.s32 s21, v2;
	v51 =	vmov s28;
	v63 =	vmax.f32 v36, v42;
	s24 =	sadd.s32 $0x20, s9  }
0x3b7: {  	v48 =	vmax.f32 v41, v33;
	v49 =	vadd.s32 s24, v2;
	vm1 =	veq.s32 v31, v2  }
0x3b8: {  	s29 =	sadd.s32 $0x10, s25;
	[tilespmem:v60+s18+$0x0] =	vst.idx.msk $0x1, v0;
	v43 =	vmax.f32 v63, v48;
	v18 =	vsel vm1, v52, v18;
	v52 =	vadd.s32 s25, v2;
	v31, _, _ =	vpop (xrf0)  }
0x3b9: {  	s30 =	sadd.s32 $0x20, s25;
	v53 =	vadd.s32 s29, v2;
	v57 =	vld.idx.msk [tilespmem:v50+s18+$0x0], $0xffff;
	(xrf0) =	vmax.scan.msk.f32 $0xffff, v43;
	v31 =	vbroadcast v31, $0xF  }
0x3ba: {  	s31 =	sadd.s32 $0x30, s25;
	v55 =	vadd.s32 s30, v2;
	v34 =	vld.idx.msk [tilespmem:v61+s18+$0x0], $0xffff  }
0x3bb: {  	v47 =	vmov s23;
	v58 =	vadd.s32 s31, v2;
	vm3 =	veq.f32 v29, v31;
	v29 =	vld.idx.msk [tilespmem:v62+s18+$0x0], $0xffff  }
0x3bc: {  	v30 =	vshll.u32 v30, $0x4;
	v54 =	vmctz.xlane vm3;
	vm3 =	veq.f32 v32, v31;
	v32 =	vld.idx.msk [tilespmem:v49+s18+$0x0], $0xffff;
	[tilespmem:v51+s19+$0x0] =	vst.idx.msk $0x1, v0  }
0x3bd: {  	v30 =	vor.u32 v2, v30;
	v56 =	vmctz.xlane vm3;
	vm3 =	veq.f32 v38, v31;
	v40 =	vld.idx.msk [tilespmem:v52+s19+$0x0], $0xffff  }
0x3be: {  	v20 =	vsel vm1, v30, v20;
	vm2 =	veq.f32 v37, v31;
	v37 =	vld.idx.msk [tilespmem:v53+s19+$0x0], $0xffff;
	v59 =	vmctz.xlane vm3  }
0x3bf: {  	v30 =	vmctz.xlane vm2;
	v43 =	vld.idx.msk [tilespmem:v55+s19+$0x0], $0xffff;
	vm1 =	vlt.s32 v54, $0x10;
	v39 =	vadd.s32 $0x20, v54;
	v60, _, _ =	vpop (xrf0)  }
0x3c0: {  	v44 =	vld.idx.msk [tilespmem:v58+s19+$0x0], $0xffff;
	v45 =	vadd.s32 $0x30, v56;
	v61 =	vbroadcast v60, $0xF;
	vm2 =	vlt.s32 v59, $0x10  }
0x3c1: {  	v35 =	vadd.s32 $0x10, v59;
	v39 =	vsel vm1, v39, v45;
	vm1 =	vlt.s32 v30, $0x10  }
0x3c2: {  	v62 =	vmax.f32 v34, v29;
	v35 =	vsel vm2, v35, v39;
	v63 =	vmax.f32 v32, v57  }
0x3c3: {  	v56 =	vmov s11;
	v30 =	vsel vm1, v30, v35;
	v35 =	vmax.f32 v62, v63  }
0x3c4: {  	vm2 =	veq.s32 v47, v2;
	vm3 =	veq.f32 v36, v61;
	vm1 =	veq.f32 v41, v61;
	(xrf0) =	vmax.scan.msk.f32 $0xffff, v35  }
0x3c5: {  	v51 =	vmax.f32 v40, v37;
	v52 =	vmax.f32 v43, v44;
	v54 =	vmctz.xlane vm3  }
0x3c6: {  	v21 =	vsel vm2, v31, v21;
	v48 =	vmctz.xlane vm1;
	vm1 =	veq.f32 v33, v61  }
0x3c7: {  	v30 =	vshll.u32 v30, $0x4;
	v33 =	vmctz.xlane vm1;
	vm1 =	veq.f32 v42, v61  }
0x3c8: {  	v53 =	vmax.f32 v51, v52;
	v30 =	vor.u32 v2, v30;
	v49 =	vmctz.xlane vm1  }
0x3c9: {  	vm1 =	vlt.s32 v48, $0x10;
	v50 =	vadd.s32 $0x20, v48;
	v33 =	vadd.s32 $0x30, v33  }
0x3ca: {  	v33 =	vsel vm1, v50, v33;
	vm1 =	vlt.s32 v49, $0x10;
	v35 =	vadd.s32 $0x10, v49;
	v55, _, _ =	vpop (xrf0);
	(xrf0) =	vmax.scan.msk.f32 $0xffff, v53  }
0x3cb: {  	v31 =	vsel vm1, v35, v33;
	vm1 =	vlt.s32 v54, $0x10;
	v33 =	vbroadcast v55, $0xF  }
0x3cc: {  	v22 =	vsel vm2, v30, v22;
	v30 =	vsel vm1, v54, v31;
	vm1 =	veq.s32 v56, v2  }
0x3cd: {  	v23 =	vsel vm1, v61, v23;
	v30 =	vshll.u32 v30, $0x4;
	vm2 =	veq.f32 v32, v33  }
0x3ce: {  	v61 =	vmov s6;
	v31 =	vmctz.xlane vm2;
	vm2 =	veq.f32 v57, v33  }
0x3cf: {  	v30 =	vor.u32 v2, v30;
	v57 =	vmctz.xlane vm2;
	vm2 =	veq.f32 v29, v33  }
0x3d0: {  	vm3 =	veq.f32 v34, v33;
	v58 =	vmctz.xlane vm2;
	vm2 =	vlt.s32 v31, $0x10;
	v59, _, _ =	vpop (xrf0)  }
0x3d1: {  	v31 =	vadd.s32 $0x20, v31;
	v32 =	vadd.s32 $0x30, v57;
	v35 =	vbroadcast v59, $0xF  }
0x3d2: {  	v24 =	vsel vm1, v30, v24;
	v29 =	vmctz.xlane vm3;
	v30 =	vsel vm2, v31, v32  }
0x3d3: {  	vm2 =	vlt.s32 v58, $0x10;
	v31 =	vadd.s32 $0x10, v58;
	vm3 =	veq.f32 v43, v35  }
0x3d4: {  	v30 =	vsel vm2, v31, v30;
	vm2 =	veq.f32 v44, v35;
	v31 =	vmctz.xlane vm3  }
0x3d5: {  	vm3 =	veq.f32 v40, v35;
	v60 =	vmctz.xlane vm2;
	vm2 =	veq.f32 v37, v35  }
0x3d6: {  	vm1 =	vlt.s32 v29, $0x10;
	v62 =	vmctz.xlane vm3;
	v37 =	vmctz.xlane vm2  }
0x3d7: {  	vm2 =	vlt.s32 v31, $0x10;
	v31 =	vadd.s32 $0x20, v31;
	v32 =	vadd.s32 $0x30, v60  }
0x3d8: {  	p1 =	sne.s32 s1, $0x27;
	v31 =	vsel vm2, v31, v32;
	vm2 =	vlt.s32 v37, $0x10;
	v63 =	vadd.s32 $0x10, v37  }
.Ltmp1:
0x3d9: {  	v29 =	vsel vm1, v29, v30;
	v31 =	vsel vm2, v63, v31;
	vm2 =	vlt.s32 v62, $0x10;
	(pc) =	sbr.rel @p1 .LBB2_6-.Ltmp1, $4  }
0x3da: {  	vm3 =	veq.s32 v61, v2;
	v29 =	vshll.u32 v29, $0x4;
	v30 =	vsel vm2, v62, v31  }
0x3db: {  	v25 =	vsel vm3, v33, v25;
	v31 =	vmov s5;
	v30 =	vshll.u32 v30, $0x4  }
0x3dc: {  	v29 =	vor.u32 v2, v29;
	vm1 =	veq.s32 v31, v2;
	v30 =	vor.u32 v2, v30  }
0x3dd: {  	s1 =	sadd.s32 $0x1, s1;
	v26 =	vsel vm3, v29, v26;
	v27 =	vsel vm1, v35, v27;
	v28 =	vsel vm1, v30, v28  }
0x3de: {  	v13 =	vld [tilespmem:$0x12800];
	_ =	sdelay $0x4  }
0x3df: {  	v13 =	vadd.s32 v12, v13;
	_ =	sdelay $0x2  }
0x3e0: {  	s0 =	smul.u32 $0x140, s22  }
0x3e1: {  	v14 =	vld [tilespmem:$0x12400];
	s4 =	rddreg [dreg:$0x1e];
	s3 =	simm.s32 $0x7D80  }
0x3e2: {  	s0 =	sadd.s32 s4, s0;
	v13 =	vld.idx.msk [tilespmem:v13+s3+$0x0], $0xffff  }
0x3e3: {  	v15 =	vor.u32 s0, v2;
	_ =	sdelay $0x2  }
0x3e4: {  	vm1 =	veq.f32 v14, $0.0e+00  }
0x3e5: {  	v13 =	vsel vm1, $0x0, v13  }
0x3e6: {  	[tilespmem:v15+s20+$0x0] =	vst.idx.msk $0xffff, v13  }
0x3e7: {  	v13 =	vld [tilespmem:$0x12810];
	_ =	sdelay $0x4  }
0x3e8: {  	v13 =	vadd.s32 v12, v13;
	_ =	sdelay $0x3  }
0x3e9: {  	v18 =	vld [tilespmem:$0x12410]  }
0x3ea: {  	s1 =	sor.u32 $0x10, s0;
	v13 =	vld.idx.msk [tilespmem:v13+s3+$0x0], $0xffff  }
0x3eb: {  	v19 =	vor.u32 s1, v2;
	_ =	sdelay $0x2  }
0x3ec: {  	vm1 =	veq.f32 v18, $0.0e+00  }
0x3ed: {  	v13 =	vsel vm1, $0x0, v13  }
0x3ee: {  	[tilespmem:v19+s20+$0x0] =	vst.idx.msk $0xffff, v13  }
0x3ef: {  	v13 =	vld [tilespmem:$0x12820];
	_ =	sdelay $0x4  }
0x3f0: {  	v20 =	vadd.s32 v12, v13;
	_ =	sdelay $0x3  }
0x3f1: {  	v21 =	vld [tilespmem:$0x12420]  }
0x3f2: {  	s0 =	sor.u32 $0x20, s0;
	v12 =	vld.idx.msk [tilespmem:v20+s3+$0x0], $0xffff  }
0x3f3: {  	v22 =	vor.u32 s0, v2;
	_ =	sdelay $0x2  }
0x3f4: {  	vm1 =	veq.f32 v21, $0.0e+00  }
0x3f5: {  	v12 =	vsel vm1, $0x0, v12  }
0x3f6: {  	[tilespmem:v22+s20+$0x0] =	vst.idx.msk $0xff, v12  }
0x3f7: {  	v12 =	vld [tilespmem:$0x12880];
	_ =	sdelay $0x4  }
0x3f8: {  	s8 =	sld [smem:$0x7F8];
	v12 =	vadd.s32 v11, v12;
	_ =	sdelay $0x2  }
0x3f9: {  	s0 =	smul.u32 $0x28, s8  }
0x3fa: {  	v23 =	vld [tilespmem:$0x12480]  }
0x3fb: {  	s0 =	sadd.s32 s4, s0;
	v12 =	vld.idx.msk [tilespmem:v12+s3+$0x0], $0xffff  }
0x3fc: {  	v24 =	vadd.s32 s0, v2;
	_ =	sdelay $0x2  }
0x3fd: {  	vm1 =	veq.f32 v23, $0.0e+00  }
0x3fe: {  	v12 =	vsel vm1, $0x0, v12  }
0x3ff: {  	[tilespmem:v24+s20+$0x0] =	vst.idx.msk $0xffff, v12  }
0x400: {  	v12 =	vld [tilespmem:$0x12890];
	_ =	sdelay $0x4  }
0x401: {  	v12 =	vadd.s32 v11, v12;
	_ =	sdelay $0x3  }
0x402: {  	v25 =	vld [tilespmem:$0x12490]  }
0x403: {  	s9 =	sor.u32 $0x10, s0;
	v12 =	vld.idx.msk [tilespmem:v12+s3+$0x0], $0xffff  }
0x404: {  	v26 =	vadd.s32 s9, v2;
	_ =	sdelay $0x2  }
0x405: {  	vm1 =	veq.f32 v25, $0.0e+00  }
0x406: {  	v12 =	vsel vm1, $0x0, v12  }
0x407: {  	[tilespmem:v26+s20+$0x0] =	vst.idx.msk $0xffff, v12  }
0x408: {  	v12 =	vld [tilespmem:$0x128A0];
	_ =	sdelay $0x4  }
0x409: {  	v27 =	vadd.s32 v11, v12;
	_ =	sdelay $0x3  }
0x40a: {  	v28 =	vld [tilespmem:$0x124A0]  }
0x40b: {  	s0 =	sadd.s32 $0x20, s0;
	v11 =	vld.idx.msk [tilespmem:v27+s3+$0x0], $0xffff  }
0x40c: {  	v29 =	vadd.s32 s0, v2;
	_ =	sdelay $0x2  }
0x40d: {  	vm1 =	veq.f32 v28, $0.0e+00  }
0x40e: {  	v11 =	vsel vm1, $0x0, v11  }
0x40f: {  	[tilespmem:v29+s20+$0x0] =	vst.idx.msk $0xff, v11  }
0x410: {  	v11 =	vld [tilespmem:$0x12900];
	_ =	sdelay $0x4  }
0x411: {  	s10 =	sld [smem:$0x7F9];
	v11 =	vadd.s32 v10, v11;
	_ =	sdelay $0x2  }
0x412: {  	s0 =	smul.u32 $0x28, s10  }
0x413: {  	v30 =	vld [tilespmem:$0x12500]  }
0x414: {  	s0 =	sadd.s32 s4, s0;
	v11 =	vld.idx.msk [tilespmem:v11+s3+$0x0], $0xffff  }
0x415: {  	v31 =	vor.u32 s0, v2;
	_ =	sdelay $0x2  }
0x416: {  	vm1 =	veq.f32 v30, $0.0e+00  }
0x417: {  	v11 =	vsel vm1, $0x0, v11  }
0x418: {  	[tilespmem:v31+s20+$0x0] =	vst.idx.msk $0xffff, v11  }
0x419: {  	v11 =	vld [tilespmem:$0x12910];
	_ =	sdelay $0x4  }
0x41a: {  	v11 =	vadd.s32 v10, v11;
	_ =	sdelay $0x3  }
0x41b: {  	v32 =	vld [tilespmem:$0x12510]  }
0x41c: {  	s11 =	sadd.s32 $0x10, s0;
	v11 =	vld.idx.msk [tilespmem:v11+s3+$0x0], $0xffff  }
0x41d: {  	v33 =	vor.u32 s11, v2;
	_ =	sdelay $0x2  }
0x41e: {  	vm1 =	veq.f32 v32, $0.0e+00  }
0x41f: {  	v11 =	vsel vm1, $0x0, v11  }
0x420: {  	[tilespmem:v33+s20+$0x0] =	vst.idx.msk $0xffff, v11  }
0x421: {  	v11 =	vld [tilespmem:$0x12920];
	_ =	sdelay $0x4  }
0x422: {  	v34 =	vadd.s32 v10, v11;
	_ =	sdelay $0x3  }
0x423: {  	v35 =	vld [tilespmem:$0x12520]  }
0x424: {  	s0 =	sor.u32 $0x20, s0;
	v10 =	vld.idx.msk [tilespmem:v34+s3+$0x0], $0xffff  }
0x425: {  	v36 =	vor.u32 s0, v2;
	_ =	sdelay $0x2  }
0x426: {  	vm1 =	veq.f32 v35, $0.0e+00  }
0x427: {  	v10 =	vsel vm1, $0x0, v10  }
0x428: {  	[tilespmem:v36+s20+$0x0] =	vst.idx.msk $0xff, v10  }
0x429: {  	v10 =	vld [tilespmem:$0x12980];
	_ =	sdelay $0x4  }
0x42a: {  	s21 =	sld [smem:$0x7FA];
	v10 =	vadd.s32 v9, v10;
	_ =	sdelay $0x2  }
0x42b: {  	s0 =	smul.u32 $0x28, s21  }
0x42c: {  	v37 =	vld [tilespmem:$0x12580]  }
0x42d: {  	s0 =	sadd.s32 s4, s0;
	v10 =	vld.idx.msk [tilespmem:v10+s3+$0x0], $0xffff  }
0x42e: {  	v38 =	vadd.s32 s0, v2;
	_ =	sdelay $0x2  }
0x42f: {  	vm1 =	veq.f32 v37, $0.0e+00  }
0x430: {  	v10 =	vsel vm1, $0x0, v10  }
0x431: {  	[tilespmem:v38+s20+$0x0] =	vst.idx.msk $0xffff, v10  }
0x432: {  	v10 =	vld [tilespmem:$0x12990];
	_ =	sdelay $0x4  }
0x433: {  	v10 =	vadd.s32 v9, v10;
	_ =	sdelay $0x3  }
0x434: {  	v39 =	vld [tilespmem:$0x12590]  }
0x435: {  	s22 =	sadd.s32 $0x10, s0;
	v10 =	vld.idx.msk [tilespmem:v10+s3+$0x0], $0xffff  }
0x436: {  	v40 =	vadd.s32 s22, v2;
	_ =	sdelay $0x2  }
0x437: {  	vm1 =	veq.f32 v39, $0.0e+00  }
0x438: {  	v10 =	vsel vm1, $0x0, v10  }
0x439: {  	[tilespmem:v40+s20+$0x0] =	vst.idx.msk $0xffff, v10  }
0x43a: {  	v10 =	vld [tilespmem:$0x129A0];
	_ =	sdelay $0x4  }
0x43b: {  	v41 =	vadd.s32 v9, v10;
	_ =	sdelay $0x3  }
0x43c: {  	v42 =	vld [tilespmem:$0x125A0]  }
0x43d: {  	s0 =	sadd.s32 $0x20, s0;
	v9 =	vld.idx.msk [tilespmem:v41+s3+$0x0], $0xffff  }
0x43e: {  	v43 =	vadd.s32 s0, v2;
	_ =	sdelay $0x2  }
0x43f: {  	vm1 =	veq.f32 v42, $0.0e+00  }
0x440: {  	v9 =	vsel vm1, $0x0, v9  }
0x441: {  	[tilespmem:v43+s20+$0x0] =	vst.idx.msk $0xff, v9  }
0x442: {  	v9 =	vld [tilespmem:$0x12A00];
	_ =	sdelay $0x4  }
0x443: {  	s23 =	sld [smem:$0x7FB];
	v9 =	vadd.s32 v8, v9;
	_ =	sdelay $0x2  }
0x444: {  	s0 =	smul.u32 $0x28, s23  }
0x445: {  	v44 =	vld [tilespmem:$0x12600]  }
0x446: {  	s0 =	sadd.s32 s4, s0;
	v9 =	vld.idx.msk [tilespmem:v9+s3+$0x0], $0xffff  }
0x447: {  	v45 =	vor.u32 s0, v2;
	_ =	sdelay $0x2  }
0x448: {  	vm1 =	veq.f32 v44, $0.0e+00  }
0x449: {  	v9 =	vsel vm1, $0x0, v9  }
0x44a: {  	[tilespmem:v45+s20+$0x0] =	vst.idx.msk $0xffff, v9  }
0x44b: {  	v9 =	vld [tilespmem:$0x12A10];
	_ =	sdelay $0x4  }
0x44c: {  	v9 =	vadd.s32 v8, v9;
	_ =	sdelay $0x3  }
0x44d: {  	v46 =	vld [tilespmem:$0x12610]  }
0x44e: {  	s24 =	sor.u32 $0x10, s0;
	v9 =	vld.idx.msk [tilespmem:v9+s3+$0x0], $0xffff  }
0x44f: {  	v47 =	vor.u32 s24, v2;
	_ =	sdelay $0x2  }
0x450: {  	vm1 =	veq.f32 v46, $0.0e+00  }
0x451: {  	v9 =	vsel vm1, $0x0, v9  }
0x452: {  	[tilespmem:v47+s20+$0x0] =	vst.idx.msk $0xffff, v9  }
0x453: {  	v9 =	vld [tilespmem:$0x12A20];
	_ =	sdelay $0x4  }
0x454: {  	v48 =	vadd.s32 v8, v9;
	_ =	sdelay $0x3  }
0x455: {  	v49 =	vld [tilespmem:$0x12620]  }
0x456: {  	s0 =	sadd.s32 $0x20, s0;
	v8 =	vld.idx.msk [tilespmem:v48+s3+$0x0], $0xffff  }
0x457: {  	v50 =	vor.u32 s0, v2;
	_ =	sdelay $0x2  }
0x458: {  	vm1 =	veq.f32 v49, $0.0e+00  }
0x459: {  	v8 =	vsel vm1, $0x0, v8  }
0x45a: {  	[tilespmem:v50+s20+$0x0] =	vst.idx.msk $0xff, v8  }
0x45b: {  	v8 =	vld [tilespmem:$0x12A80];
	_ =	sdelay $0x4  }
0x45c: {  	s25 =	sld [smem:$0x7FC];
	v8 =	vadd.s32 v7, v8;
	_ =	sdelay $0x2  }
0x45d: {  	s0 =	smul.u32 $0x28, s25  }
0x45e: {  	v51 =	vld [tilespmem:$0x12680]  }
0x45f: {  	s0 =	sadd.s32 s4, s0;
	v8 =	vld.idx.msk [tilespmem:v8+s3+$0x0], $0xffff  }
0x460: {  	v52 =	vadd.s32 s0, v2;
	_ =	sdelay $0x2  }
0x461: {  	vm1 =	veq.f32 v51, $0.0e+00  }
0x462: {  	v8 =	vsel vm1, $0x0, v8  }
0x463: {  	[tilespmem:v52+s20+$0x0] =	vst.idx.msk $0xffff, v8  }
0x464: {  	v8 =	vld [tilespmem:$0x12A90];
	_ =	sdelay $0x4  }
0x465: {  	v8 =	vadd.s32 v7, v8;
	_ =	sdelay $0x3  }
0x466: {  	v53 =	vld [tilespmem:$0x12690]  }
0x467: {  	s26 =	sor.u32 $0x10, s0;
	v8 =	vld.idx.msk [tilespmem:v8+s3+$0x0], $0xffff  }
0x468: {  	v54 =	vadd.s32 s26, v2;
	_ =	sdelay $0x2  }
0x469: {  	vm1 =	veq.f32 v53, $0.0e+00  }
0x46a: {  	v8 =	vsel vm1, $0x0, v8  }
0x46b: {  	[tilespmem:v54+s20+$0x0] =	vst.idx.msk $0xffff, v8  }
0x46c: {  	v8 =	vld [tilespmem:$0x12AA0];
	_ =	sdelay $0x4  }
0x46d: {  	v7 =	vadd.s32 v7, v8;
	_ =	sdelay $0x3  }
0x46e: {  	v55 =	vld [tilespmem:$0x126A0]  }
0x46f: {  	s0 =	sor.u32 $0x20, s0;
	v7 =	vld.idx.msk [tilespmem:v7+s3+$0x0], $0xffff  }
0x470: {  	v56 =	vadd.s32 s0, v2;
	_ =	sdelay $0x2  }
0x471: {  	vm1 =	veq.f32 v55, $0.0e+00  }
0x472: {  	v7 =	vsel vm1, $0x0, v7  }
0x473: {  	[tilespmem:v56+s20+$0x0] =	vst.idx.msk $0xff, v7  }
0x474: {  	v7 =	vld [tilespmem:$0x12B00];
	_ =	sdelay $0x4  }
0x475: {  	s28 =	sld [smem:$0x7FD];
	v7 =	vadd.s32 v6, v7;
	_ =	sdelay $0x2  }
0x476: {  	s0 =	smul.u32 $0x28, s28  }
0x477: {  	v57 =	vld [tilespmem:$0x12700]  }
0x478: {  	s0 =	sadd.s32 s4, s0;
	v7 =	vld.idx.msk [tilespmem:v7+s3+$0x0], $0xffff  }
0x479: {  	v58 =	vor.u32 s0, v2;
	_ =	sdelay $0x2  }
0x47a: {  	vm1 =	veq.f32 v57, $0.0e+00  }
0x47b: {  	v7 =	vsel vm1, $0x0, v7  }
0x47c: {  	[tilespmem:v58+s20+$0x0] =	vst.idx.msk $0xffff, v7  }
0x47d: {  	v7 =	vld [tilespmem:$0x12B10];
	_ =	sdelay $0x4  }
0x47e: {  	v7 =	vadd.s32 v6, v7;
	_ =	sdelay $0x3  }
0x47f: {  	v59 =	vld [tilespmem:$0x12710]  }
0x480: {  	s29 =	sadd.s32 $0x10, s0;
	v7 =	vld.idx.msk [tilespmem:v7+s3+$0x0], $0xffff  }
0x481: {  	v60 =	vor.u32 s29, v2;
	_ =	sdelay $0x2  }
0x482: {  	vm1 =	veq.f32 v59, $0.0e+00  }
0x483: {  	v7 =	vsel vm1, $0x0, v7  }
0x484: {  	[tilespmem:v60+s20+$0x0] =	vst.idx.msk $0xffff, v7  }
0x485: {  	v7 =	vld [tilespmem:$0x12B20];
	_ =	sdelay $0x4  }
0x486: {  	v6 =	vadd.s32 v6, v7;
	_ =	sdelay $0x3  }
0x487: {  	v7 =	vld [tilespmem:$0x12720]  }
0x488: {  	s0 =	sadd.s32 $0x20, s0;
	v6 =	vld.idx.msk [tilespmem:v6+s3+$0x0], $0xffff  }
0x489: {  	v61 =	vor.u32 s0, v2;
	_ =	sdelay $0x2  }
0x48a: {  	vm1 =	veq.f32 v7, $0.0e+00  }
0x48b: {  	v6 =	vsel vm1, $0x0, v6  }
0x48c: {  	[tilespmem:v61+s20+$0x0] =	vst.idx.msk $0xff, v6  }
0x48d: {  	v6 =	vld [tilespmem:$0x12B80];
	_ =	sdelay $0x4  }
0x48e: {  	v6 =	vadd.s32 v5, v6;
	_ =	sdelay $0x1  }
0x48f: {  	s30 =	rddreg [dreg:$0x1f]  }
0x490: {  	s0 =	smul.u32 $0x28, s30  }
0x491: {  	v7 =	vld [tilespmem:$0x12780]  }
0x492: {  	s0 =	sadd.s32 s4, s0;
	v6 =	vld.idx.msk [tilespmem:v6+s3+$0x0], $0xffff  }
0x493: {  	v62 =	vadd.s32 s0, v2;
	_ =	sdelay $0x2  }
0x494: {  	vm1 =	veq.f32 v7, $0.0e+00  }
0x495: {  	v6 =	vsel vm1, $0x0, v6  }
0x496: {  	[tilespmem:v62+s20+$0x0] =	vst.idx.msk $0xffff, v6  }
0x497: {  	v6 =	vld [tilespmem:$0x12B90];
	_ =	sdelay $0x4  }
0x498: {  	v6 =	vadd.s32 v5, v6;
	_ =	sdelay $0x3  }
0x499: {  	v7 =	vld [tilespmem:$0x12790]  }
0x49a: {  	s31 =	sadd.s32 $0x10, s0;
	v6 =	vld.idx.msk [tilespmem:v6+s3+$0x0], $0xffff  }
0x49b: {  	v63 =	vadd.s32 s31, v2;
	_ =	sdelay $0x2  }
0x49c: {  	vm1 =	veq.f32 v7, $0.0e+00  }
0x49d: {  	v6 =	vsel vm1, $0x0, v6  }
0x49e: {  	[tilespmem:v63+s20+$0x0] =	vst.idx.msk $0xffff, v6  }
0x49f: {  	v6 =	vld [tilespmem:$0x12BA0];
	_ =	sdelay $0x4  }
0x4a0: {  	v5 =	vadd.s32 v5, v6;
	_ =	sdelay $0x3  }
0x4a1: {  	v6 =	vld [tilespmem:$0x127A0]  }
0x4a2: {  	s0 =	sor.u32 $0x20, s0;
	v5 =	vld.idx.msk [tilespmem:v5+s3+$0x0], $0xffff  }
0x4a3: {  	v7 =	vadd.s32 s0, v2  }
.Ltmp2:
0x4a4: {  	_ = 	snop;
	(pc) =	sbr.rel @p0 .LBB2_3-.Ltmp2, $4  }
0x4a5: {  	_ = 	snop  }
0x4a6: {  	vm1 =	veq.f32 v6, $0.0e+00  }
0x4a7: {  	v5 =	vsel vm1, $0x0, v5  }
0x4a8: {  	p1 =	por $0x0, $0x0;
	s22 =	simm.s32 $0x1;
	s4 =	simm.s32 $0x7D80;
	[tilespmem:v7+s20+$0x0] =	vst.idx.msk $0xff, v5  }
0x4a9: {  	s0 =	rddreg [dreg:$0x1b]  }
0x4aa: {  	s7 =	rddreg [dreg:$0x15]  }
0x4ab: {  	s1 =	rddreg [dreg:$0x1c]  }
0x4ac: {  	s31 =	rddreg [dreg:$0x1a]  }
0x4ad: {  	s0 =	sshll.u32 s0, $0x4;
	s1 =	smul.u32 $0xA00, s1;
	p0 =	sne.s32 s31, $0x20  }
.Ltmp3:
0x4ae: {  	s0 =	sadd.s32 s7, s0;
	(pc) =	sbr.rel @p0 .LBB2_2-.Ltmp3, $4  }
0x4af: {  	s0 =	smul.u32 $0x5, s0  }
0x4b0: {  	s3 =	rddreg [dreg:$0x1];
	s1 =	sshrl.u32 s1, $0x2  }
0x4b1: {  	s5 =	smov.u32 s31;
	s1 =	sadd.s32 $0xFB00, s1;
	s0 =	sadd.s32 s3, s0  }
0x4b2: {  	[hbm4b:s0+s2] =	stream.linear.scatter [tilespmem:s1], [sflag:$0x2], $0x280, $0x38;
	[tilespmem:$0x12C00] =	vst v63  }
0x4b3: {  	s1 =	simm.s32 $0x2  }
0x4b4: {  	_ =	swait.ge [sflag:s1], $0x280  }
0x4b5: {  	s3 =	rddreg [dreg:$0x19]  }
0x4b6: {  	s0 =	rddreg [dreg:$0x18];
	s3 =	sadd.s32 $0x1, s3  }
0x4b7: {  	p0 =	sne.s32 s3, s0  }
.Ltmp4:
0x4b8: {  	_ = 	snop;
	(pc) =	sbr.rel @p0 .LBB2_1-.Ltmp4, $3  }
0x4b9: {  	_ =	sdelay $0x1  }
0x4ba: {  	[sflag:s1] =	ssyncset.done $0x0  }
0x4bb: {  	[sflag:s1] =	ssyncadd.s32 $0xFFFFFD80  }
0x4bc: {  	_ =	sfence.sel $0x180000  }
0x4bd: {  	[bflag:$0x0] =	sbarrier.arrive $0xFFFF  }
0x4be: {  	_ =	strace $0x90000047  }
0x4bf: {  	s0 =	stileid.u32;
	[bflag:$0x2] =	sbarrier.arrive $0xFFFF  }
0x4c0: {  	p0 =	sne.s32 s0, $0x0;
	s0 =	rddreg [dreg:$0x2]  }
0x4c1: {  	s0 =	sadd.s32 @!p0 $0x100000, s0  }
0x4c2: {  	[sflag:s0] =	ssyncadd.tile.s32 @!p0 $0x1;
	_ =	shalt  }
.Lfunc_end2:
_tile_overlayer_lowered:
.L_overlay_start_2:
0x4c3: {  	(tag) =	ssettag $0x2  }
0x4c4: {  	s0 =	rddreg [dreg:$0x0];
	s2 =	stileid.u32  }
0x4c5: {  	s1 =	rddreg [dreg:$0x1];
	p0 =	sne.s32 s2, $0x0  }
0x4c6: {  	s3 =	rddreg [dreg:$0x2];
	[bflag:$0x3] =	sbarrier.arrive $0xFFFF;
	s2 =	simm.s32 @!p0 $0x1C03  }
0x4c7: {  	[timem:s3], [sflag:s2] =	dma.local @!p0 [hbm:s0], s1  }
0x4c8: {  	s0 =	simm.s32 @!p0 $0x3  }
0x4c9: {  	_ =	swait.ge @!p0 [sflag:s0], s1  }
0x4ca: {  	s1 =	ssub.s32 @!p0 $0x0, s1;
	[sflag:s0] =	ssyncset.done @!p0 $0x0  }
0x4cb: {  	[sflag:s0] =	ssyncadd.s32 @!p0 s1  }
0x4cc: {  	[bflag:$0x3] =	sbarrier.arrive $0xFFFF  }
0x4cd: {  	_ =	shalt  }

</sc_bundles>
